<compile_context>
chip_gen: v7x
topology: tpu7x:2x2x1
jax: 0.10.2.dev20260603
libtpu: 0.0.44.dev20260713+nightly
codegen_flags: <defaults>
</compile_context>

<pallas_src>
import functools

import jax
import jax.numpy as jnp
from jax import lax
from jax.experimental import pallas as pl
from jax.experimental.pallas import tpu as pltpu
from jax.experimental.pallas import tpu_sc as plsc

N_NODES = 50000

NC, NS, L = 2, 16, 16
WIN = 128
ROWS_PER_CORE = 25088
OUT_ROWS = NC * ROWS_PER_CORE
PAD_ROWS = 128
ACC_ROWS = ROWS_PER_CORE + PAD_ROWS
WA, WB = 64, 16
EDGE_ALIGN = NS * WIN * 2


def _payload_mlp(x, typ, common, W1, b1, W2, b2, W3, b3, emb, blk):
    n, d_in = x.shape
    has_common = common is not None
    w3e = jnp.zeros((64, 80), jnp.float32).at[:, 5:69].set(W3)
    b3e = jnp.zeros((1, 80), jnp.float32).at[0, 5:69].set(b3)
    embe = jnp.zeros((5, 80), jnp.float32).at[:, 0:5].set(emb)
    cme = (jnp.zeros((10, 80), jnp.float32)
           .at[:, 69:79].set(jnp.eye(10, dtype=jnp.float32)))

    def body(*refs):
        if has_common:
            x_r, t_r, c_r, w1, bb1, w2, bb2, w3x, bb3, emx, cmx, oa_r, ob_r = refs
        else:
            x_r, t_r, w1, bb1, w2, bb2, w3x, bb3, emx, oa_r, ob_r = refs
        xv = x_r[...]
        h = jnp.maximum(
            jnp.dot(xv, w1[...], preferred_element_type=jnp.float32) + bb1[...], 0.0)
        h = jnp.maximum(
            jnp.dot(h, w2[...], preferred_element_type=jnp.float32) + bb2[...], 0.0)
        pay = jnp.dot(h, w3x[...], preferred_element_type=jnp.float32) + bb3[...]
        tcol = t_r[...]
        oh = (tcol == lax.broadcasted_iota(jnp.int32, (blk, 5), 1)
              ).astype(jnp.float32)
        pay = pay + jnp.dot(oh, emx[...], preferred_element_type=jnp.float32)
        if has_common:
            pay = pay + jnp.dot(c_r[...], cmx[...],
                                preferred_element_type=jnp.float32)
        oa_r[...] = pay[:, :WA]
        ob_r[...] = pay[:, WA:]

    args = [x, typ.astype(jnp.int32).reshape(n, 1)]
    in_specs = [pl.BlockSpec((blk, d_in), lambda i: (i, 0)),
                pl.BlockSpec((blk, 1), lambda i: (i, 0))]
    if has_common:
        args.append(common)
        in_specs.append(pl.BlockSpec((blk, common.shape[1]), lambda i: (i, 0)))
    consts = [W1, b1.reshape(1, -1), W2, b2.reshape(1, -1), w3e, b3e, embe]
    if has_common:
        consts.append(cme)
    for wmat in consts:
        args.append(wmat)
        in_specs.append(pl.BlockSpec(wmat.shape, lambda i: (0, 0)))
    return pl.pallas_call(
        body,
        grid=(n // blk,),
        in_specs=in_specs,
        out_specs=[pl.BlockSpec((blk, WA), lambda i: (i, 0)),
                   pl.BlockSpec((blk, WB), lambda i: (i, 0))],
        out_shape=[jax.ShapeDtypeStruct((n, WA), jnp.float32),
                   jax.ShapeDtypeStruct((n, WB), jnp.float32)],
    )(*args)


def _prep_edges(src, dst, segw):
    e = src.shape[0]
    ep = -(-e // EDGE_ALIGN) * EDGE_ALIGN
    pad = ep - e
    src = jnp.concatenate([src.astype(jnp.int32), jnp.zeros((pad,), jnp.int32)])
    dst = jnp.concatenate([dst.astype(jnp.int32),
                           jnp.full((pad,), OUT_ROWS, jnp.int32)])
    spread = ROWS_PER_CORE + (dst & (PAD_ROWS - 1))
    locs = []
    for c in range(NC):
        lo = c * ROWS_PER_CORE
        inr = (dst >= lo) & (dst < lo + ROWS_PER_CORE)
        locs.append(jnp.where(inr, dst - lo, spread))
    nwin = ep // NS // WIN
    nseg = nwin // segw
    assert nseg * segw == nwin and segw % 2 == 0
    return (src.reshape(NS, nseg, segw, WIN),
            jnp.stack(locs).reshape(NC, NS, nseg, segw, WIN))


def _prep_edges_split(src, dst, nseg, segw):
    assert segw % 2 == 0
    e = src.shape[0]
    ep = NC * NS * nseg * segw * WIN
    pad = ep - e
    assert pad >= 0
    src = jnp.concatenate([src.astype(jnp.int32), jnp.zeros((pad,), jnp.int32)])
    dst = jnp.concatenate([dst.astype(jnp.int32),
                           OUT_ROWS + (jnp.arange(pad, dtype=jnp.int32)
                                       % PAD_ROWS)])
    return (src.reshape(NC, NS, nseg, segw, WIN),
            dst.reshape(NC, NS, nseg, segw, WIN))


def _edge_pass_split(pay_t, pay_l, pay_c, ts, td, ls, ld, cs, cd, width):
    rows2 = OUT_ROWS + PAD_ROWS
    seg_max = max(ts.shape[3], ls.shape[3], cs.shape[3])
    mesh = plsc.VectorSubcoreMesh(core_axis_name="c", subcore_axis_name="s")

    @functools.partial(
        pl.kernel,
        out_type=jax.ShapeDtypeStruct((NC, rows2, width), jnp.float32),
        mesh=mesh,
        compiler_params=pltpu.CompilerParams(use_tc_tiling_on_sc=False),
        scratch_types=[
            pltpu.VMEM_SHARED((rows2, width), jnp.float32),
            pltpu.VMEM((seg_max, WIN), jnp.int32),
            pltpu.VMEM((seg_max, WIN), jnp.int32),
            pltpu.VMEM((WIN, width), jnp.float32),
            pltpu.VMEM((WIN, width), jnp.float32),
            pltpu.SemaphoreType.DMA,
            pltpu.SemaphoreType.DMA,
        ],
    )
    def edge_kernel(pt, plh, pc, tsr, tdr, lsr, ldr, csr, cdr, out,
                    acc, srcb, dstb, rows0, rows1, sg0, sg1):
        cid = lax.axis_index("c")
        sid = lax.axis_index("s")
        zero16 = jnp.zeros((L,), jnp.float32)

        @pl.loop(0, WIN)
        def _(r):
            for c in range(width // L):
                rows0[r, pl.ds(c * L, L)] = zero16

        stripe = sid * (rows2 // NS)
        nfull = (rows2 // NS) // WIN
        tail = (rows2 // NS) % WIN

        @pl.loop(0, nfull)
        def _(k):
            pltpu.sync_copy(rows0, acc.at[pl.ds(stripe + k * WIN, WIN)])

        pltpu.sync_copy(rows0.at[pl.ds(0, tail)],
                        acc.at[pl.ds(stripe + nfull * WIN, tail)])

        plsc.subcore_barrier()

        def run_type(pay, s_hbm, d_hbm):
            nseg, segw = s_hbm.shape[2], s_hbm.shape[3]

            def g_start(wi, buf, sem):
                pltpu.make_async_copy(pay.at[srcb.at[wi]], buf, sem).start()

            def g_wait(wi, buf, sem):
                pltpu.make_async_copy(pay.at[srcb.at[wi]], buf, sem).wait()

            def scat(wi, buf):
                pltpu.sync_copy(buf, acc.at[dstb.at[wi]], add=True)

            @pl.loop(0, nseg)
            def _(g):
                pltpu.sync_copy(s_hbm.at[cid, sid, g], srcb.at[pl.ds(0, segw)])
                pltpu.sync_copy(d_hbm.at[cid, sid, g], dstb.at[pl.ds(0, segw)])
                g_start(0, rows0, sg0)
                g_start(1, rows1, sg1)
                m = segw // 2

                @pl.loop(0, m)
                def _(k):
                    w0 = 2 * k
                    w1 = w0 + 1
                    g_wait(w0, rows0, sg0)
                    scat(w0, rows0)

                    @pl.when(k < m - 1)
                    def _():
                        g_start(w0 + 2, rows0, sg0)

                    g_wait(w1, rows1, sg1)
                    scat(w1, rows1)

                    @pl.when(k < m - 1)
                    def _():
                        g_start(w1 + 2, rows1, sg1)

        run_type(pt, tsr, tdr)
        run_type(plh, lsr, ldr)
        run_type(pc, csr, cdr)

        plsc.subcore_barrier()

        opc = rows2 // NS
        pltpu.sync_copy(acc.at[pl.ds(sid * opc, opc)],
                        out.at[cid, pl.ds(sid * opc, opc)])

    return edge_kernel(pay_t, pay_l, pay_c, ts, td, ls, ld, cs, cd)


def _edge_pass(pay_t, pay_l, pay_c, ts, td, ls, ld, cs, cd, width):
    seg_max = max(ts.shape[2], ls.shape[2], cs.shape[2])
    mesh = plsc.VectorSubcoreMesh(core_axis_name="c", subcore_axis_name="s")

    @functools.partial(
        pl.kernel,
        out_type=jax.ShapeDtypeStruct((OUT_ROWS, width), jnp.float32),
        mesh=mesh,
        compiler_params=pltpu.CompilerParams(use_tc_tiling_on_sc=False),
        scratch_types=[
            pltpu.VMEM_SHARED((ACC_ROWS, width), jnp.float32),
            pltpu.VMEM((seg_max, WIN), jnp.int32),
            pltpu.VMEM((seg_max, WIN), jnp.int32),
            pltpu.VMEM((WIN, width), jnp.float32),
            pltpu.VMEM((WIN, width), jnp.float32),
            pltpu.SemaphoreType.DMA,
            pltpu.SemaphoreType.DMA,
        ],
    )
    def edge_kernel(pt, plh, pc, tsr, tdr, lsr, ldr, csr, cdr, out,
                    acc, srcb, dstb, rows0, rows1, sg0, sg1):
        cid = lax.axis_index("c")
        sid = lax.axis_index("s")
        core_base = cid * ROWS_PER_CORE
        zero16 = jnp.zeros((L,), jnp.float32)

        @pl.loop(0, WIN)
        def _(r):
            for c in range(width // L):
                rows0[r, pl.ds(c * L, L)] = zero16

        stripe = sid * (ACC_ROWS // NS)
        nfull = (ACC_ROWS // NS) // WIN
        tail = (ACC_ROWS // NS) % WIN

        @pl.loop(0, nfull)
        def _(k):
            pltpu.sync_copy(rows0, acc.at[pl.ds(stripe + k * WIN, WIN)])

        pltpu.sync_copy(rows0.at[pl.ds(0, tail)],
                        acc.at[pl.ds(stripe + nfull * WIN, tail)])

        plsc.subcore_barrier()

        def run_type(pay, s_hbm, d_hbm):
            nseg, segw = s_hbm.shape[1], s_hbm.shape[2]

            def g_start(wi, buf, sem):
                pltpu.make_async_copy(pay.at[srcb.at[wi]], buf, sem).start()

            def g_wait(wi, buf, sem):
                pltpu.make_async_copy(pay.at[srcb.at[wi]], buf, sem).wait()

            def scat(wi, buf):
                pltpu.sync_copy(buf, acc.at[dstb.at[wi]], add=True)

            @pl.loop(0, nseg)
            def _(g):
                pltpu.sync_copy(s_hbm.at[sid, g], srcb.at[pl.ds(0, segw)])
                pltpu.sync_copy(d_hbm.at[cid, sid, g], dstb.at[pl.ds(0, segw)])
                g_start(0, rows0, sg0)
                g_start(1, rows1, sg1)
                m = segw // 2

                @pl.loop(0, m)
                def _(k):
                    w0 = 2 * k
                    w1 = w0 + 1
                    g_wait(w0, rows0, sg0)
                    scat(w0, rows0)

                    @pl.when(k < m - 1)
                    def _():
                        g_start(w0 + 2, rows0, sg0)

                    g_wait(w1, rows1, sg1)
                    scat(w1, rows1)

                    @pl.when(k < m - 1)
                    def _():
                        g_start(w1 + 2, rows1, sg1)

        run_type(pt, tsr, tdr)
        run_type(plh, lsr, ldr)
        run_type(pc, csr, cdr)

        plsc.subcore_barrier()

        opc = ROWS_PER_CORE // NS
        pltpu.sync_copy(acc.at[pl.ds(sid * opc, opc)],
                        out.at[pl.ds(core_base + sid * opc, opc)])

    return edge_kernel(pay_t, pay_l, pay_c, ts, td, ls, ld, cs, cd)


def kernel(track_vars, lep_vars, cell_vars, common_tracks, common_leps,
           track_type, lep_type, cell_type,
           t2n_src, t2n_dst, l2n_src, l2n_dst, c2n_src, c2n_dst,
           emb_table,
           tW1, tb1, tW2, tb2, tW3, tb3,
           lW1, lb1, lW2, lb2, lW3, lb3,
           cW1, cb1, cW2, cb2, cW3, cb3):
    pa_t, pb_t = _payload_mlp(track_vars, track_type, common_tracks,
                              tW1, tb1, tW2, tb2, tW3, tb3, emb_table, 4000)
    pa_l, pb_l = _payload_mlp(lep_vars, lep_type, common_leps,
                              lW1, lb1, lW2, lb2, lW3, lb3, emb_table, 10000)
    pa_c, pb_c = _payload_mlp(cell_vars, cell_type, None,
                              cW1, cb1, cW2, cb2, cW3, cb3, emb_table, 4000)
    ts, td = _prep_edges(t2n_src, t2n_dst, 14)
    ls, ld = _prep_edges(l2n_src, l2n_dst, 10)
    cs, cd = _prep_edges(c2n_src, c2n_dst, 14)
    out_a = _edge_pass(pa_t, pa_l, pa_c, ts, td, ls, ld, cs, cd, WA)
    ts2, td2 = _prep_edges_split(t2n_src, t2n_dst, 5, 10)
    ls2, ld2 = _prep_edges_split(l2n_src, l2n_dst, 1, 6)
    cs2, cd2 = _prep_edges_split(c2n_src, c2n_dst, 14, 14)
    out_b = _edge_pass_split(pb_t, pb_l, pb_c,
                             ts2, td2, ls2, ld2, cs2, cd2, WB)
    ob = out_b[0, :N_NODES] + out_b[1, :N_NODES]
    return jnp.concatenate([out_a[:N_NODES], ob[:, :15]], axis=1)

# --- scband reference (transcript-rebuilt; emitter-appended) ---
"""Pipeline reference for scband-jet-tagger-network-57234734186738 (READ-ONLY COPY).

The authoritative reference and input builder live on the scoring server;
editing this copy changes nothing except your own understanding.
"""

import jax, jax.numpy as jnp
import numpy as np

N_NODES = 50000
N_T, N_L, N_C = 100000, 10000, 400000
E_T, E_L, E_C = 200000, 20000, 800000


def _mlp(x, Ws, bs):
    n = len(Ws)
    for i in range(n):
        x = x @ Ws[i] + bs[i]
        if i < n - 1:
            x = jax.nn.relu(x)
    return x


def setup_inputs(seed: int = 0):
    key = jax.random.key(seed)
    k = lambda i: jax.random.fold_in(key, i)
    inp = {}
    inp['track_vars'] = jax.random.normal(k(0), (N_T, 21), dtype=jnp.float32)
    inp['lep_vars'] = jax.random.normal(k(1), (N_L, 14), dtype=jnp.float32)
    inp['cell_vars'] = jax.random.normal(k(2), (N_C, 8), dtype=jnp.float32)
    inp['common_tracks'] = jax.random.normal(k(3), (N_T, 10), dtype=jnp.float32)
    inp['common_leps'] = jax.random.normal(k(4), (N_L, 10), dtype=jnp.float32)
    inp['track_type'] = jax.random.randint(k(5), (N_T,), 0, 5)
    inp['lep_type'] = jax.random.randint(k(6), (N_L,), 0, 5)
    inp['cell_type'] = jax.random.randint(k(7), (N_C,), 0, 5)
    inp['t2n_src'] = jax.random.randint(k(8), (E_T,), 0, N_T)
    inp['t2n_dst'] = jax.random.randint(k(9), (E_T,), 0, N_NODES)
    inp['l2n_src'] = jax.random.randint(k(10), (E_L,), 0, N_L)
    inp['l2n_dst'] = jax.random.randint(k(11), (E_L,), 0, N_NODES)
    inp['c2n_src'] = jax.random.randint(k(12), (E_C,), 0, N_C)
    inp['c2n_dst'] = jax.random.randint(k(13), (E_C,), 0, N_NODES)
    inp['emb_table'] = jax.random.normal(k(14), (5, 5), dtype=jnp.float32)
    dims = {'t': (21, 64, 64, 64), 'l': (14, 64, 64, 64), 'c': (8, 64, 64, 64)}
    i = 15
    for p in ('t', 'l', 'c'):
        d = dims[p]
        for j in range(3):
            inp[p + 'W' + str(j + 1)] = jax.random.normal(k(i), (d[j], d[j + 1]), dtype=jnp.float32) * (1.0 / np.sqrt(d[j]))
            i += 1
            inp[p + 'b' + str(j + 1)] = jnp.zeros((d[j + 1],), dtype=jnp.float32)
            i += 1
    return inp


def reference(track_vars, lep_vars, cell_vars, common_tracks, common_leps,
              track_type, lep_type, cell_type,
              t2n_src, t2n_dst, l2n_src, l2n_dst, c2n_src, c2n_dst,
              emb_table,
              tW1, tb1, tW2, tb2, tW3, tb3,
              lW1, lb1, lW2, lb2, lW3, lb3,
              cW1, cb1, cW2, cb2, cW3, cb3):
    seg = lambda msg, dst: jax.ops.segment_sum(msg, dst, num_segments=N_NODES)
    # node-type embedding lookup per source node type, copy_src + sum onto 'nodes'
    emb_t = jnp.take(emb_table, track_type, axis=0)
    emb_l = jnp.take(emb_table, lep_type, axis=0)
    emb_c = jnp.take(emb_table, cell_type, axis=0)
    node_type_emb = seg(emb_t[t2n_src], t2n_dst) + seg(emb_l[l2n_src], l2n_dst) + seg(emb_c[c2n_src], c2n_dst)
    # per-type initializer MLPs (Linear+ReLU stacks)
    track_rep = _mlp(track_vars, (tW1, tW2, tW3), (tb1, tb2, tb3))
    lep_rep = _mlp(lep_vars, (lW1, lW2, lW3), (lb1, lb2, lb3))
    cell_rep = _mlp(cell_vars, (cW1, cW2, cW3), (cb1, cb2, cb3))
    node_features = seg(track_rep[t2n_src], t2n_dst) + seg(lep_rep[l2n_src], l2n_dst) + seg(cell_rep[c2n_src], c2n_dst)
    # common variables from tracks + leptons only
    node_common = seg(common_tracks[t2n_src], t2n_dst) + seg(common_leps[l2n_src], l2n_dst)
    return jnp.concatenate([node_type_emb, node_features, node_common], axis=1)

if __name__ == "__main__":
    import jax
    _d = setup_inputs()
    print(jax.jit(kernel)(*tuple(_d.values())))

</pallas_src>

<mosaic_0001>
#map = affine_map<(d0, d1) -> (0, 0)>
#map1 = affine_map<(d0, d1) -> (0, 0, 0, 0, 0)>
#map2 = affine_map<(d0, d1) -> (0, 0, 0)>
module attributes {stable_mosaic.version = 14 : i64} {
  func.func @edge_kernel(%arg0: i32, %arg1: i32, %arg2: memref<100000x16xf32, #tpu.memory_space<hbm>>, %arg3: memref<10000x16xf32, #tpu.memory_space<hbm>>, %arg4: memref<400000x16xf32, #tpu.memory_space<hbm>>, %arg5: memref<2x16x5x10x128xi32, #tpu.memory_space<hbm>>, %arg6: memref<2x16x5x10x128xi32, #tpu.memory_space<hbm>>, %arg7: memref<2x16x1x6x128xi32, #tpu.memory_space<hbm>>, %arg8: memref<2x16x1x6x128xi32, #tpu.memory_space<hbm>>, %arg9: memref<2x16x14x14x128xi32, #tpu.memory_space<hbm>>, %arg10: memref<2x16x14x14x128xi32, #tpu.memory_space<hbm>>, %arg11: memref<2x50304x16xf32, #tpu.memory_space<hbm>>, %arg12: memref<50304x16xf32, #tpu.memory_space<vmem_shared>>, %arg13: memref<14x128xi32, #tpu.memory_space<vmem>>, %arg14: memref<14x128xi32, #tpu.memory_space<vmem>>, %arg15: memref<128x16xf32, #tpu.memory_space<vmem>>, %arg16: memref<128x16xf32, #tpu.memory_space<vmem>>, %arg17: memref<!tpu.dma_semaphore, #tpu.memory_space<semaphore_mem>>, %arg18: memref<!tpu.dma_semaphore, #tpu.memory_space<semaphore_mem>>) attributes {dimension_semantics = [#tpu.dimension_semantics<core_parallel>, #tpu.dimension_semantics<subcore_parallel>], iteration_bounds = array<i64: 2, 16>, scalar_prefetch = 0 : i64, scratch_operands = 7 : i64, tpu.core_type = #tpu.core_type<sc_vector_subcore>, window_params = [{transform_indices = #map}, {transform_indices = #map}, {transform_indices = #map}, {transform_indices = #map1}, {transform_indices = #map1}, {transform_indices = #map1}, {transform_indices = #map1}, {transform_indices = #map1}, {transform_indices = #map1}, {transform_indices = #map2}]} {
    %broadcast_in_dim3A = arith.constant 0.000000e+00 : f32
    %broadcast_in_dim3A_0 = vector.broadcast %broadcast_in_dim3A : f32 to vector<16xf32>
    %scan3A = arith.constant 0 : i32
    %scan3A_1 = arith.constant 128 : i32
    %scan3A_2 = arith.addi %scan3A, %scan3A_1 : i32
    %scan3A_3 = arith.constant 1 : i32
    scf.for %scan3A_51 = %scan3A to %scan3A_2 step %scan3A_3  : i32 {
      %mul3A_52 = arith.constant 1 : i32
      %mul3A_53 = arith.muli %scan3A_51, %mul3A_52 : i32
      %add3A_54 = arith.constant 0 : i32
      %add3A_55 = arith.addi %add3A_54, %mul3A_53 : i32
      %swap3A = arith.index_cast %add3A_55 : i32 to index
      %swap3A_56 = arith.constant 0 : index
      %swap3A_57 = tpu.vector_load %arg15[%swap3A, %swap3A_56] {strides = array<i32>} : memref<128x16xf32, #tpu.memory_space<vmem>>, vector<1x16xf32>,
      %swap3A_58 = vector.shape_cast %swap3A_57 : vector<1x16xf32> to vector<16xf32>
      %swap3A_59 = vector.shape_cast %broadcast_in_dim3A_0 : vector<16xf32> to vector<1x16xf32>
      tpu.vector_store %arg15[%swap3A, %swap3A_56], %swap3A_59 {strides = array<i32>} : memref<128x16xf32, #tpu.memory_space<vmem>>, vector<1x16xf32>,
    }
    %scan3A_4 = arith.constant 128 : i32
    %mul3A = arith.constant 3144 : i32
    %mul3A_5 = arith.muli %arg1, %mul3A : i32
    %scan3A_6 = arith.constant 0 : i32
    %scan3A_7 = arith.constant 24 : i32
    %scan3A_8 = arith.addi %scan3A_6, %scan3A_7 : i32
    %scan3A_9 = arith.constant 1 : i32
    scf.for %scan3A_51 = %scan3A_6 to %scan3A_8 step %scan3A_9  : i32 {
      %mul3A_52 = arith.constant 1 : i32
      %mul3A_53 = arith.muli %scan3A_51, %mul3A_52 : i32
      %add3A_54 = arith.constant 0 : i32
      %add3A_55 = arith.addi %add3A_54, %mul3A_53 : i32
      %mul3A_56 = arith.constant 128 : i32
      %mul3A_57 = arith.muli %add3A_55, %mul3A_56 : i32
      %add3A_58 = arith.addi %mul3A_5, %mul3A_57 : i32
      "tpu.region"() ({
        %run_scoped3A = tpu.sem_alloc : memref<!tpu.dma_semaphore, #tpu.memory_space<semaphore_mem>>
        %dma_start3A_59 = arith.constant 0 : i32
        %dma_start3A_60 = tpu.memref_slice %arg12[%add3A_58, %dma_start3A_59] : memref<50304x16xf32, #tpu.memory_space<vmem_shared>> -> memref<128x16xf32, #tpu.memory_space<vmem_shared>>
        %dma_start3A_61 = arith.constant 0 : i32
        %dma_start3A_62 = tpu.memref_slice %arg12[%add3A_58, %dma_start3A_61] : memref<50304x16xf32, #tpu.memory_space<vmem_shared>> -> memref<128x16xf32, #tpu.memory_space<vmem_shared>>
        tpu.enqueue_dma source(%arg15 : memref<128x16xf32, #tpu.memory_space<vmem>>) target(%dma_start3A_62 : memref<128x16xf32, #tpu.memory_space<vmem_shared>>) target_semaphore(%run_scoped3A : memref<!tpu.dma_semaphore, #tpu.memory_space<semaphore_mem>>)
        %dma_wait3A = arith.constant 0 : i32
        %dma_wait3A_63 = tpu.memref_slice %arg12[%add3A_58, %dma_wait3A] : memref<50304x16xf32, #tpu.memory_space<vmem_shared>> -> memref<128x16xf32, #tpu.memory_space<vmem_shared>>
        %dma_wait3A_64 = arith.constant 0 : i32
        %dma_wait3A_65 = tpu.memref_slice %arg12[%add3A_58, %dma_wait3A_64] : memref<50304x16xf32, #tpu.memory_space<vmem_shared>> -> memref<128x16xf32, #tpu.memory_space<vmem_shared>>
        tpu.wait_dma2 semaphore(%run_scoped3A : memref<!tpu.dma_semaphore, #tpu.memory_space<semaphore_mem>>) src(%arg15 : memref<128x16xf32, #tpu.memory_space<vmem>>) dst(%dma_wait3A_65 : memref<128x16xf32, #tpu.memory_space<vmem_shared>>)
        tpu.yield
      }) : () -> ()
    }
    %scan3A_10 = arith.constant 24 : i32
    %add3A = arith.constant 3072 : i32
    %add3A_11 = arith.addi %mul3A_5, %add3A : i32
    "tpu.region"() ({
      %run_scoped3A = tpu.sem_alloc : memref<!tpu.dma_semaphore, #tpu.memory_space<semaphore_mem>>
      %dma_start3A_51 = arith.constant 0 : i32
      %dma_start3A_52 = arith.constant 0 : i32
      %dma_start3A_53 = tpu.memref_slice %arg15[%dma_start3A_51, %dma_start3A_52] : memref<128x16xf32, #tpu.memory_space<vmem>> -> memref<72x16xf32, #tpu.memory_space<vmem>>
      %dma_start3A_54 = arith.constant 0 : i32
      %dma_start3A_55 = tpu.memref_slice %arg12[%add3A_11, %dma_start3A_54] : memref<50304x16xf32, #tpu.memory_space<vmem_shared>> -> memref<72x16xf32, #tpu.memory_space<vmem_shared>>
      %dma_start3A_56 = arith.constant 0 : i32
      %dma_start3A_57 = tpu.memref_slice %arg12[%add3A_11, %dma_start3A_56] : memref<50304x16xf32, #tpu.memory_space<vmem_shared>> -> memref<72x16xf32, #tpu.memory_space<vmem_shared>>
      %dma_start3A_58 = arith.constant 0 : i32
      %dma_start3A_59 = arith.constant 0 : i32
      %dma_start3A_60 = tpu.memref_slice %arg15[%dma_start3A_58, %dma_start3A_59] : memref<128x16xf32, #tpu.memory_space<vmem>> -> memref<72x16xf32, #tpu.memory_space<vmem>>
      tpu.enqueue_dma source(%dma_start3A_60 : memref<72x16xf32, #tpu.memory_space<vmem>>) target(%dma_start3A_57 : memref<72x16xf32, #tpu.memory_space<vmem_shared>>) target_semaphore(%run_scoped3A : memref<!tpu.dma_semaphore, #tpu.memory_space<semaphore_mem>>)
      %dma_wait3A = arith.constant 0 : i32
      %dma_wait3A_61 = arith.constant 0 : i32
      %dma_wait3A_62 = tpu.memref_slice %arg15[%dma_wait3A, %dma_wait3A_61] : memref<128x16xf32, #tpu.memory_space<vmem>> -> memref<72x16xf32, #tpu.memory_space<vmem>>
      %dma_wait3A_63 = arith.constant 0 : i32
      %dma_wait3A_64 = tpu.memref_slice %arg12[%add3A_11, %dma_wait3A_63] : memref<50304x16xf32, #tpu.memory_space<vmem_shared>> -> memref<72x16xf32, #tpu.memory_space<vmem_shared>>
      %dma_wait3A_65 = arith.constant 0 : i32
      %dma_wait3A_66 = tpu.memref_slice %arg12[%add3A_11, %dma_wait3A_65] : memref<50304x16xf32, #tpu.memory_space<vmem_shared>> -> memref<72x16xf32, #tpu.memory_space<vmem_shared>>
      %dma_wait3A_67 = arith.constant 0 : i32
      %dma_wait3A_68 = arith.constant 0 : i32
      %dma_wait3A_69 = tpu.memref_slice %arg15[%dma_wait3A_67, %dma_wait3A_68] : memref<128x16xf32, #tpu.memory_space<vmem>> -> memref<72x16xf32, #tpu.memory_space<vmem>>
      tpu.wait_dma2 semaphore(%run_scoped3A : memref<!tpu.dma_semaphore, #tpu.memory_space<semaphore_mem>>) src(%dma_wait3A_69 : memref<72x16xf32, #tpu.memory_space<vmem>>) dst(%dma_wait3A_66 : memref<72x16xf32, #tpu.memory_space<vmem_shared>>)
      tpu.yield
    }) : () -> ()
    %barrier3A = arith.constant 0 : index
    tpu.barrier barrier_id(%barrier3A)
    %scan3A_12 = arith.constant 0 : i32
    %scan3A_13 = arith.constant 5 : i32
    %scan3A_14 = arith.addi %scan3A_12, %scan3A_13 : i32
    %scan3A_15 = arith.constant 1 : i32
    scf.for %scan3A_51 = %scan3A_12 to %scan3A_14 step %scan3A_15  : i32 {
      %mul3A_52 = arith.constant 1 : i32
      %mul3A_53 = arith.muli %scan3A_51, %mul3A_52 : i32
      %add3A_54 = arith.constant 0 : i32
      %add3A_55 = arith.addi %add3A_54, %mul3A_53 : i32
      "tpu.region"() ({
        %run_scoped3A = tpu.sem_alloc : memref<!tpu.dma_semaphore, #tpu.memory_space<semaphore_mem>>
        %dma_start3A_75 = arith.constant 0 : i32
        %dma_start3A_76 = arith.constant 0 : i32
        %dma_start3A_77 = tpu.memref_slice %arg13[%dma_start3A_75, %dma_start3A_76] : memref<14x128xi32, #tpu.memory_space<vmem>> -> memref<10x128xi32, #tpu.memory_space<vmem>>
        %dma_start3A_78 = arith.constant 0 : i32
        %dma_start3A_79 = arith.constant 0 : i32
        %dma_start3A_80 = tpu.memref_slice %arg5[%arg0, %arg1, %add3A_55, %dma_start3A_78, %dma_start3A_79] : memref<2x16x5x10x128xi32, #tpu.memory_space<hbm>> -> memref<1x1x1x10x128xi32, #tpu.memory_space<hbm>>
        %dma_start3A_81 = tpu.memref_squeeze %dma_start3A_80 : memref<1x1x1x10x128xi32, #tpu.memory_space<hbm>> -> memref<10x128xi32, #tpu.memory_space<hbm>>
        %dma_start3A_82 = arith.constant 0 : i32
        %dma_start3A_83 = arith.constant 0 : i32
        %dma_start3A_84 = tpu.memref_slice %arg13[%dma_start3A_82, %dma_start3A_83] : memref<14x128xi32, #tpu.memory_space<vmem>> -> memref<10x128xi32, #tpu.memory_space<vmem>>
        %dma_start3A_85 = arith.constant 0 : i32
        %dma_start3A_86 = arith.constant 0 : i32
        %dma_start3A_87 = tpu.memref_slice %arg5[%arg0, %arg1, %add3A_55, %dma_start3A_85, %dma_start3A_86] : memref<2x16x5x10x128xi32, #tpu.memory_space<hbm>> -> memref<1x1x1x10x128xi32, #tpu.memory_space<hbm>>
        %dma_start3A_88 = tpu.memref_squeeze %dma_start3A_87 : memref<1x1x1x10x128xi32, #tpu.memory_space<hbm>> -> memref<10x128xi32, #tpu.memory_space<hbm>>
        tpu.enqueue_dma source(%dma_start3A_88 : memref<10x128xi32, #tpu.memory_space<hbm>>) target(%dma_start3A_84 : memref<10x128xi32, #tpu.memory_space<vmem>>) target_semaphore(%run_scoped3A : memref<!tpu.dma_semaphore, #tpu.memory_space<semaphore_mem>>)
        %dma_wait3A = arith.constant 0 : i32
        %dma_wait3A_89 = arith.constant 0 : i32
        %dma_wait3A_90 = tpu.memref_slice %arg13[%dma_wait3A, %dma_wait3A_89] : memref<14x128xi32, #tpu.memory_space<vmem>> -> memref<10x128xi32, #tpu.memory_space<vmem>>
        %dma_wait3A_91 = arith.constant 0 : i32
        %dma_wait3A_92 = arith.constant 0 : i32
        %dma_wait3A_93 = tpu.memref_slice %arg5[%arg0, %arg1, %add3A_55, %dma_wait3A_91, %dma_wait3A_92] : memref<2x16x5x10x128xi32, #tpu.memory_space<hbm>> -> memref<1x1x1x10x128xi32, #tpu.memory_space<hbm>>
        %dma_wait3A_94 = tpu.memref_squeeze %dma_wait3A_93 : memref<1x1x1x10x128xi32, #tpu.memory_space<hbm>> -> memref<10x128xi32, #tpu.memory_space<hbm>>
        %dma_wait3A_95 = arith.constant 0 : i32
        %dma_wait3A_96 = arith.constant 0 : i32
        %dma_wait3A_97 = tpu.memref_slice %arg13[%dma_wait3A_95, %dma_wait3A_96] : memref<14x128xi32, #tpu.memory_space<vmem>> -> memref<10x128xi32, #tpu.memory_space<vmem>>
        %dma_wait3A_98 = arith.constant 0 : i32
        %dma_wait3A_99 = arith.constant 0 : i32
        %dma_wait3A_100 = tpu.memref_slice %arg5[%arg0, %arg1, %add3A_55, %dma_wait3A_98, %dma_wait3A_99] : memref<2x16x5x10x128xi32, #tpu.memory_space<hbm>> -> memref<1x1x1x10x128xi32, #tpu.memory_space<hbm>>
        %dma_wait3A_101 = tpu.memref_squeeze %dma_wait3A_100 : memref<1x1x1x10x128xi32, #tpu.memory_space<hbm>> -> memref<10x128xi32, #tpu.memory_space<hbm>>
        tpu.wait_dma2 semaphore(%run_scoped3A : memref<!tpu.dma_semaphore, #tpu.memory_space<semaphore_mem>>) src(%dma_wait3A_101 : memref<10x128xi32, #tpu.memory_space<hbm>>) dst(%dma_wait3A_97 : memref<10x128xi32, #tpu.memory_space<vmem>>)
        tpu.yield
      }) : () -> ()
      "tpu.region"() ({
        %run_scoped3A = tpu.sem_alloc : memref<!tpu.dma_semaphore, #tpu.memory_space<semaphore_mem>>
        %dma_start3A_75 = arith.constant 0 : i32
        %dma_start3A_76 = arith.constant 0 : i32
        %dma_start3A_77 = tpu.memref_slice %arg14[%dma_start3A_75, %dma_start3A_76] : memref<14x128xi32, #tpu.memory_space<vmem>> -> memref<10x128xi32, #tpu.memory_space<vmem>>
        %dma_start3A_78 = arith.constant 0 : i32
        %dma_start3A_79 = arith.constant 0 : i32
        %dma_start3A_80 = tpu.memref_slice %arg6[%arg0, %arg1, %add3A_55, %dma_start3A_78, %dma_start3A_79] : memref<2x16x5x10x128xi32, #tpu.memory_space<hbm>> -> memref<1x1x1x10x128xi32, #tpu.memory_space<hbm>>
        %dma_start3A_81 = tpu.memref_squeeze %dma_start3A_80 : memref<1x1x1x10x128xi32, #tpu.memory_space<hbm>> -> memref<10x128xi32, #tpu.memory_space<hbm>>
        %dma_start3A_82 = arith.constant 0 : i32
        %dma_start3A_83 = arith.constant 0 : i32
        %dma_start3A_84 = tpu.memref_slice %arg14[%dma_start3A_82, %dma_start3A_83] : memref<14x128xi32, #tpu.memory_space<vmem>> -> memref<10x128xi32, #tpu.memory_space<vmem>>
        %dma_start3A_85 = arith.constant 0 : i32
        %dma_start3A_86 = arith.constant 0 : i32
        %dma_start3A_87 = tpu.memref_slice %arg6[%arg0, %arg1, %add3A_55, %dma_start3A_85, %dma_start3A_86] : memref<2x16x5x10x128xi32, #tpu.memory_space<hbm>> -> memref<1x1x1x10x128xi32, #tpu.memory_space<hbm>>
        %dma_start3A_88 = tpu.memref_squeeze %dma_start3A_87 : memref<1x1x1x10x128xi32, #tpu.memory_space<hbm>> -> memref<10x128xi32, #tpu.memory_space<hbm>>
        tpu.enqueue_dma source(%dma_start3A_88 : memref<10x128xi32, #tpu.memory_space<hbm>>) target(%dma_start3A_84 : memref<10x128xi32, #tpu.memory_space<vmem>>) target_semaphore(%run_scoped3A : memref<!tpu.dma_semaphore, #tpu.memory_space<semaphore_mem>>)
        %dma_wait3A = arith.constant 0 : i32
        %dma_wait3A_89 = arith.constant 0 : i32
        %dma_wait3A_90 = tpu.memref_slice %arg14[%dma_wait3A, %dma_wait3A_89] : memref<14x128xi32, #tpu.memory_space<vmem>> -> memref<10x128xi32, #tpu.memory_space<vmem>>
        %dma_wait3A_91 = arith.constant 0 : i32
        %dma_wait3A_92 = arith.constant 0 : i32
        %dma_wait3A_93 = tpu.memref_slice %arg6[%arg0, %arg1, %add3A_55, %dma_wait3A_91, %dma_wait3A_92] : memref<2x16x5x10x128xi32, #tpu.memory_space<hbm>> -> memref<1x1x1x10x128xi32, #tpu.memory_space<hbm>>
        %dma_wait3A_94 = tpu.memref_squeeze %dma_wait3A_93 : memref<1x1x1x10x128xi32, #tpu.memory_space<hbm>> -> memref<10x128xi32, #tpu.memory_space<hbm>>
        %dma_wait3A_95 = arith.constant 0 : i32
        %dma_wait3A_96 = arith.constant 0 : i32
        %dma_wait3A_97 = tpu.memref_slice %arg14[%dma_wait3A_95, %dma_wait3A_96] : memref<14x128xi32, #tpu.memory_space<vmem>> -> memref<10x128xi32, #tpu.memory_space<vmem>>
        %dma_wait3A_98 = arith.constant 0 : i32
        %dma_wait3A_99 = arith.constant 0 : i32
        %dma_wait3A_100 = tpu.memref_slice %arg6[%arg0, %arg1, %add3A_55, %dma_wait3A_98, %dma_wait3A_99] : memref<2x16x5x10x128xi32, #tpu.memory_space<hbm>> -> memref<1x1x1x10x128xi32, #tpu.memory_space<hbm>>
        %dma_wait3A_101 = tpu.memref_squeeze %dma_wait3A_100 : memref<1x1x1x10x128xi32, #tpu.memory_space<hbm>> -> memref<10x128xi32, #tpu.memory_space<hbm>>
        tpu.wait_dma2 semaphore(%run_scoped3A : memref<!tpu.dma_semaphore, #tpu.memory_space<semaphore_mem>>) src(%dma_wait3A_101 : memref<10x128xi32, #tpu.memory_space<hbm>>) dst(%dma_wait3A_97 : memref<10x128xi32, #tpu.memory_space<vmem>>)
        tpu.yield
      }) : () -> ()
      %dma_start3A_56 = arith.constant 0 : i32
      %dma_start3A_57 = arith.constant 0 : i32
      %dma_start3A_58 = tpu.memref_slice %arg13[%dma_start3A_56, %dma_start3A_57] : memref<14x128xi32, #tpu.memory_space<vmem>> -> memref<1x128xi32, #tpu.memory_space<vmem>>
      %dma_start3A_59 = tpu.memref_squeeze %dma_start3A_58 : memref<1x128xi32, #tpu.memory_space<vmem>> -> memref<128xi32, #tpu.memory_space<vmem>>
      %dma_start3A_60 = arith.constant 0 : i32
      %dma_start3A_61 = arith.constant 0 : i32
      %dma_start3A_62 = tpu.memref_slice %arg2[%dma_start3A_60, %dma_start3A_61] : memref<100000x16xf32, #tpu.memory_space<hbm>> -> memref<100000x16xf32, #tpu.memory_space<hbm>>
      tpu.enqueue_indirect_dma source(%dma_start3A_62 : memref<100000x16xf32, #tpu.memory_space<hbm>>) target(%arg15 : memref<128x16xf32, #tpu.memory_space<vmem>>) offsets(%dma_start3A_59 : memref<128xi32, #tpu.memory_space<vmem>>) semaphore(%arg17 : memref<!tpu.dma_semaphore, #tpu.memory_space<semaphore_mem>>)
      %dma_start3A_63 = arith.constant 1 : i32
      %dma_start3A_64 = arith.constant 0 : i32
      %dma_start3A_65 = tpu.memref_slice %arg13[%dma_start3A_63, %dma_start3A_64] : memref<14x128xi32, #tpu.memory_space<vmem>> -> memref<1x128xi32, #tpu.memory_space<vmem>>
      %dma_start3A_66 = tpu.memref_squeeze %dma_start3A_65 : memref<1x128xi32, #tpu.memory_space<vmem>> -> memref<128xi32, #tpu.memory_space<vmem>>
      %dma_start3A_67 = arith.constant 0 : i32
      %dma_start3A_68 = arith.constant 0 : i32
      %dma_start3A_69 = tpu.memref_slice %arg2[%dma_start3A_67, %dma_start3A_68] : memref<100000x16xf32, #tpu.memory_space<hbm>> -> memref<100000x16xf32, #tpu.memory_space<hbm>>
      tpu.enqueue_indirect_dma source(%dma_start3A_69 : memref<100000x16xf32, #tpu.memory_space<hbm>>) target(%arg16 : memref<128x16xf32, #tpu.memory_space<vmem>>) offsets(%dma_start3A_66 : memref<128xi32, #tpu.memory_space<vmem>>) semaphore(%arg18 : memref<!tpu.dma_semaphore, #tpu.memory_space<semaphore_mem>>)
      %scan3A_70 = arith.constant 0 : i32
      %scan3A_71 = arith.constant 5 : i32
      %scan3A_72 = arith.addi %scan3A_70, %scan3A_71 : i32
      %scan3A_73 = arith.constant 1 : i32
      scf.for %scan3A_75 = %scan3A_70 to %scan3A_72 step %scan3A_73  : i32 {
        %mul3A_76 = arith.constant 1 : i32
        %mul3A_77 = arith.muli %scan3A_75, %mul3A_76 : i32
        %add3A_78 = arith.constant 0 : i32
        %add3A_79 = arith.addi %add3A_78, %mul3A_77 : i32
        %mul3A_80 = arith.constant 2 : i32
        %mul3A_81 = arith.muli %mul3A_80, %add3A_79 : i32
        %add3A_82 = arith.constant 1 : i32
        %add3A_83 = arith.addi %mul3A_81, %add3A_82 : i32
        %dma_wait3A = arith.constant 0 : i32
        %dma_wait3A_84 = tpu.memref_slice %arg13[%mul3A_81, %dma_wait3A] : memref<14x128xi32, #tpu.memory_space<vmem>> -> memref<1x128xi32, #tpu.memory_space<vmem>>
        %dma_wait3A_85 = tpu.memref_squeeze %dma_wait3A_84 : memref<1x128xi32, #tpu.memory_space<vmem>> -> memref<128xi32, #tpu.memory_space<vmem>>
        %dma_wait3A_86 = arith.constant 0 : i32
        %dma_wait3A_87 = arith.constant 0 : i32
        %dma_wait3A_88 = tpu.memref_slice %arg2[%dma_wait3A_86, %dma_wait3A_87] : memref<100000x16xf32, #tpu.memory_space<hbm>> -> memref<100000x16xf32, #tpu.memory_space<hbm>>
        tpu.wait_indirect_dma semaphore(%arg17 : memref<!tpu.dma_semaphore, #tpu.memory_space<semaphore_mem>>) src(%dma_wait3A_88 : memref<100000x16xf32, #tpu.memory_space<hbm>>) dst(%arg15 : memref<128x16xf32, #tpu.memory_space<vmem>>)
        "tpu.region"() ({
          %run_scoped3A = tpu.sem_alloc : memref<!tpu.dma_semaphore, #tpu.memory_space<semaphore_mem>>
          %dma_start3A_102 = arith.constant 0 : i32
          %dma_start3A_103 = tpu.memref_slice %arg14[%mul3A_81, %dma_start3A_102] : memref<14x128xi32, #tpu.memory_space<vmem>> -> memref<1x128xi32, #tpu.memory_space<vmem>>
          %dma_start3A_104 = tpu.memref_squeeze %dma_start3A_103 : memref<1x128xi32, #tpu.memory_space<vmem>> -> memref<128xi32, #tpu.memory_space<vmem>>
          %dma_start3A_105 = arith.constant 0 : i32
          %dma_start3A_106 = arith.constant 0 : i32
          %dma_start3A_107 = tpu.memref_slice %arg12[%dma_start3A_105, %dma_start3A_106] : memref<50304x16xf32, #tpu.memory_space<vmem_shared>> -> memref<50304x16xf32, #tpu.memory_space<vmem_shared>>
          tpu.enqueue_indirect_dma source(%arg15 : memref<128x16xf32, #tpu.memory_space<vmem>>) target(%dma_start3A_107 : memref<50304x16xf32, #tpu.memory_space<vmem_shared>>) offsets(%dma_start3A_104 : memref<128xi32, #tpu.memory_space<vmem>>) semaphore(%run_scoped3A : memref<!tpu.dma_semaphore, #tpu.memory_space<semaphore_mem>>) {add = true}
          %dma_wait3A_108 = arith.constant 0 : i32
          %dma_wait3A_109 = tpu.memref_slice %arg14[%mul3A_81, %dma_wait3A_108] : memref<14x128xi32, #tpu.memory_space<vmem>> -> memref<1x128xi32, #tpu.memory_space<vmem>>
          %dma_wait3A_110 = tpu.memref_squeeze %dma_wait3A_109 : memref<1x128xi32, #tpu.memory_space<vmem>> -> memref<128xi32, #tpu.memory_space<vmem>>
          %dma_wait3A_111 = arith.constant 0 : i32
          %dma_wait3A_112 = arith.constant 0 : i32
          %dma_wait3A_113 = tpu.memref_slice %arg12[%dma_wait3A_111, %dma_wait3A_112] : memref<50304x16xf32, #tpu.memory_space<vmem_shared>> -> memref<50304x16xf32, #tpu.memory_space<vmem_shared>>
          tpu.wait_indirect_dma semaphore(%run_scoped3A : memref<!tpu.dma_semaphore, #tpu.memory_space<semaphore_mem>>) src(%arg15 : memref<128x16xf32, #tpu.memory_space<vmem>>) dst(%dma_wait3A_113 : memref<50304x16xf32, #tpu.memory_space<vmem_shared>>)
          tpu.yield
        }) : () -> ()
        %lt3A = arith.constant 4 : i32
        %lt3A_89 = arith.cmpi slt, %add3A_79, %lt3A : i32
        %convert_element_type3A = arith.extui %lt3A_89 : i1 to i32
        %cond3A = arith.constant 0 : i32
        %cond3A_90 = arith.cmpi ne, %convert_element_type3A, %cond3A : i32
        scf.if %cond3A_90 {
          %add3A_102 = arith.constant 2 : i32
          %add3A_103 = arith.addi %mul3A_81, %add3A_102 : i32
          %dma_start3A_104 = arith.constant 0 : i32
          %dma_start3A_105 = tpu.memref_slice %arg13[%add3A_103, %dma_start3A_104] : memref<14x128xi32, #tpu.memory_space<vmem>> -> memref<1x128xi32, #tpu.memory_space<vmem>>
          %dma_start3A_106 = tpu.memref_squeeze %dma_start3A_105 : memref<1x128xi32, #tpu.memory_space<vmem>> -> memref<128xi32, #tpu.memory_space<vmem>>
          %dma_start3A_107 = arith.constant 0 : i32
          %dma_start3A_108 = arith.constant 0 : i32
          %dma_start3A_109 = tpu.memref_slice %arg2[%dma_start3A_107, %dma_start3A_108] : memref<100000x16xf32, #tpu.memory_space<hbm>> -> memref<100000x16xf32, #tpu.memory_space<hbm>>
          tpu.enqueue_indirect_dma source(%dma_start3A_109 : memref<100000x16xf32, #tpu.memory_space<hbm>>) target(%arg15 : memref<128x16xf32, #tpu.memory_space<vmem>>) offsets(%dma_start3A_106 : memref<128xi32, #tpu.memory_space<vmem>>) semaphore(%arg17 : memref<!tpu.dma_semaphore, #tpu.memory_space<semaphore_mem>>)
        } else {
        }
        %dma_wait3A_91 = arith.constant 0 : i32
        %dma_wait3A_92 = tpu.memref_slice %arg13[%add3A_83, %dma_wait3A_91] : memref<14x128xi32, #tpu.memory_space<vmem>> -> memref<1x128xi32, #tpu.memory_space<vmem>>
        %dma_wait3A_93 = tpu.memref_squeeze %dma_wait3A_92 : memref<1x128xi32, #tpu.memory_space<vmem>> -> memref<128xi32, #tpu.memory_space<vmem>>
        %dma_wait3A_94 = arith.constant 0 : i32
        %dma_wait3A_95 = arith.constant 0 : i32
        %dma_wait3A_96 = tpu.memref_slice %arg2[%dma_wait3A_94, %dma_wait3A_95] : memref<100000x16xf32, #tpu.memory_space<hbm>> -> memref<100000x16xf32, #tpu.memory_space<hbm>>
        tpu.wait_indirect_dma semaphore(%arg18 : memref<!tpu.dma_semaphore, #tpu.memory_space<semaphore_mem>>) src(%dma_wait3A_96 : memref<100000x16xf32, #tpu.memory_space<hbm>>) dst(%arg16 : memref<128x16xf32, #tpu.memory_space<vmem>>)
        "tpu.region"() ({
          %run_scoped3A = tpu.sem_alloc : memref<!tpu.dma_semaphore, #tpu.memory_space<semaphore_mem>>
          %dma_start3A_102 = arith.constant 0 : i32
          %dma_start3A_103 = tpu.memref_slice %arg14[%add3A_83, %dma_start3A_102] : memref<14x128xi32, #tpu.memory_space<vmem>> -> memref<1x128xi32, #tpu.memory_space<vmem>>
          %dma_start3A_104 = tpu.memref_squeeze %dma_start3A_103 : memref<1x128xi32, #tpu.memory_space<vmem>> -> memref<128xi32, #tpu.memory_space<vmem>>
          %dma_start3A_105 = arith.constant 0 : i32
          %dma_start3A_106 = arith.constant 0 : i32
          %dma_start3A_107 = tpu.memref_slice %arg12[%dma_start3A_105, %dma_start3A_106] : memref<50304x16xf32, #tpu.memory_space<vmem_shared>> -> memref<50304x16xf32, #tpu.memory_space<vmem_shared>>
          tpu.enqueue_indirect_dma source(%arg16 : memref<128x16xf32, #tpu.memory_space<vmem>>) target(%dma_start3A_107 : memref<50304x16xf32, #tpu.memory_space<vmem_shared>>) offsets(%dma_start3A_104 : memref<128xi32, #tpu.memory_space<vmem>>) semaphore(%run_scoped3A : memref<!tpu.dma_semaphore, #tpu.memory_space<semaphore_mem>>) {add = true}
          %dma_wait3A_108 = arith.constant 0 : i32
          %dma_wait3A_109 = tpu.memref_slice %arg14[%add3A_83, %dma_wait3A_108] : memref<14x128xi32, #tpu.memory_space<vmem>> -> memref<1x128xi32, #tpu.memory_space<vmem>>
          %dma_wait3A_110 = tpu.memref_squeeze %dma_wait3A_109 : memref<1x128xi32, #tpu.memory_space<vmem>> -> memref<128xi32, #tpu.memory_space<vmem>>
          %dma_wait3A_111 = arith.constant 0 : i32
          %dma_wait3A_112 = arith.constant 0 : i32
          %dma_wait3A_113 = tpu.memref_slice %arg12[%dma_wait3A_111, %dma_wait3A_112] : memref<50304x16xf32, #tpu.memory_space<vmem_shared>> -> memref<50304x16xf32, #tpu.memory_space<vmem_shared>>
          tpu.wait_indirect_dma semaphore(%run_scoped3A : memref<!tpu.dma_semaphore, #tpu.memory_space<semaphore_mem>>) src(%arg16 : memref<128x16xf32, #tpu.memory_space<vmem>>) dst(%dma_wait3A_113 : memref<50304x16xf32, #tpu.memory_space<vmem_shared>>)
          tpu.yield
        }) : () -> ()
        %lt3A_97 = arith.constant 4 : i32
        %lt3A_98 = arith.cmpi slt, %add3A_79, %lt3A_97 : i32
        %convert_element_type3A_99 = arith.extui %lt3A_98 : i1 to i32
        %cond3A_100 = arith.constant 0 : i32
        %cond3A_101 = arith.cmpi ne, %convert_element_type3A_99, %cond3A_100 : i32
        scf.if %cond3A_101 {
          %add3A_102 = arith.constant 2 : i32
          %add3A_103 = arith.addi %add3A_83, %add3A_102 : i32
          %dma_start3A_104 = arith.constant 0 : i32
          %dma_start3A_105 = tpu.memref_slice %arg13[%add3A_103, %dma_start3A_104] : memref<14x128xi32, #tpu.memory_space<vmem>> -> memref<1x128xi32, #tpu.memory_space<vmem>>
          %dma_start3A_106 = tpu.memref_squeeze %dma_start3A_105 : memref<1x128xi32, #tpu.memory_space<vmem>> -> memref<128xi32, #tpu.memory_space<vmem>>
          %dma_start3A_107 = arith.constant 0 : i32
          %dma_start3A_108 = arith.constant 0 : i32
          %dma_start3A_109 = tpu.memref_slice %arg2[%dma_start3A_107, %dma_start3A_108] : memref<100000x16xf32, #tpu.memory_space<hbm>> -> memref<100000x16xf32, #tpu.memory_space<hbm>>
          tpu.enqueue_indirect_dma source(%dma_start3A_109 : memref<100000x16xf32, #tpu.memory_space<hbm>>) target(%arg16 : memref<128x16xf32, #tpu.memory_space<vmem>>) offsets(%dma_start3A_106 : memref<128xi32, #tpu.memory_space<vmem>>) semaphore(%arg18 : memref<!tpu.dma_semaphore, #tpu.memory_space<semaphore_mem>>)
        } else {
        }
      }
      %scan3A_74 = arith.constant 5 : i32
    }
    %scan3A_16 = arith.constant 5 : i32
    %scan3A_17 = arith.constant 0 : i32
    %mul3A_18 = arith.constant 1 : i32
    %mul3A_19 = arith.muli %scan3A_17, %mul3A_18 : i32
    %add3A_20 = arith.constant 0 : i32
    %add3A_21 = arith.addi %add3A_20, %mul3A_19 : i32
    "tpu.region"() ({
      %run_scoped3A = tpu.sem_alloc : memref<!tpu.dma_semaphore, #tpu.memory_space<semaphore_mem>>
      %dma_start3A_51 = arith.constant 0 : i32
      %dma_start3A_52 = arith.constant 0 : i32
      %dma_start3A_53 = tpu.memref_slice %arg13[%dma_start3A_51, %dma_start3A_52] : memref<14x128xi32, #tpu.memory_space<vmem>> -> memref<6x128xi32, #tpu.memory_space<vmem>>
      %dma_start3A_54 = arith.constant 0 : i32
      %dma_start3A_55 = arith.constant 0 : i32
      %dma_start3A_56 = tpu.memref_slice %arg7[%arg0, %arg1, %add3A_21, %dma_start3A_54, %dma_start3A_55] : memref<2x16x1x6x128xi32, #tpu.memory_space<hbm>> -> memref<1x1x1x6x128xi32, #tpu.memory_space<hbm>>
      %dma_start3A_57 = tpu.memref_squeeze %dma_start3A_56 : memref<1x1x1x6x128xi32, #tpu.memory_space<hbm>> -> memref<6x128xi32, #tpu.memory_space<hbm>>
      %dma_start3A_58 = arith.constant 0 : i32
      %dma_start3A_59 = arith.constant 0 : i32
      %dma_start3A_60 = tpu.memref_slice %arg13[%dma_start3A_58, %dma_start3A_59] : memref<14x128xi32, #tpu.memory_space<vmem>> -> memref<6x128xi32, #tpu.memory_space<vmem>>
      %dma_start3A_61 = arith.constant 0 : i32
      %dma_start3A_62 = arith.constant 0 : i32
      %dma_start3A_63 = tpu.memref_slice %arg7[%arg0, %arg1, %add3A_21, %dma_start3A_61, %dma_start3A_62] : memref<2x16x1x6x128xi32, #tpu.memory_space<hbm>> -> memref<1x1x1x6x128xi32, #tpu.memory_space<hbm>>
      %dma_start3A_64 = tpu.memref_squeeze %dma_start3A_63 : memref<1x1x1x6x128xi32, #tpu.memory_space<hbm>> -> memref<6x128xi32, #tpu.memory_space<hbm>>
      tpu.enqueue_dma source(%dma_start3A_64 : memref<6x128xi32, #tpu.memory_space<hbm>>) target(%dma_start3A_60 : memref<6x128xi32, #tpu.memory_space<vmem>>) target_semaphore(%run_scoped3A : memref<!tpu.dma_semaphore, #tpu.memory_space<semaphore_mem>>)
      %dma_wait3A = arith.constant 0 : i32
      %dma_wait3A_65 = arith.constant 0 : i32
      %dma_wait3A_66 = tpu.memref_slice %arg13[%dma_wait3A, %dma_wait3A_65] : memref<14x128xi32, #tpu.memory_space<vmem>> -> memref<6x128xi32, #tpu.memory_space<vmem>>
      %dma_wait3A_67 = arith.constant 0 : i32
      %dma_wait3A_68 = arith.constant 0 : i32
      %dma_wait3A_69 = tpu.memref_slice %arg7[%arg0, %arg1, %add3A_21, %dma_wait3A_67, %dma_wait3A_68] : memref<2x16x1x6x128xi32, #tpu.memory_space<hbm>> -> memref<1x1x1x6x128xi32, #tpu.memory_space<hbm>>
      %dma_wait3A_70 = tpu.memref_squeeze %dma_wait3A_69 : memref<1x1x1x6x128xi32, #tpu.memory_space<hbm>> -> memref<6x128xi32, #tpu.memory_space<hbm>>
      %dma_wait3A_71 = arith.constant 0 : i32
      %dma_wait3A_72 = arith.constant 0 : i32
      %dma_wait3A_73 = tpu.memref_slice %arg13[%dma_wait3A_71, %dma_wait3A_72] : memref<14x128xi32, #tpu.memory_space<vmem>> -> memref<6x128xi32, #tpu.memory_space<vmem>>
      %dma_wait3A_74 = arith.constant 0 : i32
      %dma_wait3A_75 = arith.constant 0 : i32
      %dma_wait3A_76 = tpu.memref_slice %arg7[%arg0, %arg1, %add3A_21, %dma_wait3A_74, %dma_wait3A_75] : memref<2x16x1x6x128xi32, #tpu.memory_space<hbm>> -> memref<1x1x1x6x128xi32, #tpu.memory_space<hbm>>
      %dma_wait3A_77 = tpu.memref_squeeze %dma_wait3A_76 : memref<1x1x1x6x128xi32, #tpu.memory_space<hbm>> -> memref<6x128xi32, #tpu.memory_space<hbm>>
      tpu.wait_dma2 semaphore(%run_scoped3A : memref<!tpu.dma_semaphore, #tpu.memory_space<semaphore_mem>>) src(%dma_wait3A_77 : memref<6x128xi32, #tpu.memory_space<hbm>>) dst(%dma_wait3A_73 : memref<6x128xi32, #tpu.memory_space<vmem>>)
      tpu.yield
    }) : () -> ()
    "tpu.region"() ({
      %run_scoped3A = tpu.sem_alloc : memref<!tpu.dma_semaphore, #tpu.memory_space<semaphore_mem>>
      %dma_start3A_51 = arith.constant 0 : i32
      %dma_start3A_52 = arith.constant 0 : i32
      %dma_start3A_53 = tpu.memref_slice %arg14[%dma_start3A_51, %dma_start3A_52] : memref<14x128xi32, #tpu.memory_space<vmem>> -> memref<6x128xi32, #tpu.memory_space<vmem>>
      %dma_start3A_54 = arith.constant 0 : i32
      %dma_start3A_55 = arith.constant 0 : i32
      %dma_start3A_56 = tpu.memref_slice %arg8[%arg0, %arg1, %add3A_21, %dma_start3A_54, %dma_start3A_55] : memref<2x16x1x6x128xi32, #tpu.memory_space<hbm>> -> memref<1x1x1x6x128xi32, #tpu.memory_space<hbm>>
      %dma_start3A_57 = tpu.memref_squeeze %dma_start3A_56 : memref<1x1x1x6x128xi32, #tpu.memory_space<hbm>> -> memref<6x128xi32, #tpu.memory_space<hbm>>
      %dma_start3A_58 = arith.constant 0 : i32
      %dma_start3A_59 = arith.constant 0 : i32
      %dma_start3A_60 = tpu.memref_slice %arg14[%dma_start3A_58, %dma_start3A_59] : memref<14x128xi32, #tpu.memory_space<vmem>> -> memref<6x128xi32, #tpu.memory_space<vmem>>
      %dma_start3A_61 = arith.constant 0 : i32
      %dma_start3A_62 = arith.constant 0 : i32
      %dma_start3A_63 = tpu.memref_slice %arg8[%arg0, %arg1, %add3A_21, %dma_start3A_61, %dma_start3A_62] : memref<2x16x1x6x128xi32, #tpu.memory_space<hbm>> -> memref<1x1x1x6x128xi32, #tpu.memory_space<hbm>>
      %dma_start3A_64 = tpu.memref_squeeze %dma_start3A_63 : memref<1x1x1x6x128xi32, #tpu.memory_space<hbm>> -> memref<6x128xi32, #tpu.memory_space<hbm>>
      tpu.enqueue_dma source(%dma_start3A_64 : memref<6x128xi32, #tpu.memory_space<hbm>>) target(%dma_start3A_60 : memref<6x128xi32, #tpu.memory_space<vmem>>) target_semaphore(%run_scoped3A : memref<!tpu.dma_semaphore, #tpu.memory_space<semaphore_mem>>)
      %dma_wait3A = arith.constant 0 : i32
      %dma_wait3A_65 = arith.constant 0 : i32
      %dma_wait3A_66 = tpu.memref_slice %arg14[%dma_wait3A, %dma_wait3A_65] : memref<14x128xi32, #tpu.memory_space<vmem>> -> memref<6x128xi32, #tpu.memory_space<vmem>>
      %dma_wait3A_67 = arith.constant 0 : i32
      %dma_wait3A_68 = arith.constant 0 : i32
      %dma_wait3A_69 = tpu.memref_slice %arg8[%arg0, %arg1, %add3A_21, %dma_wait3A_67, %dma_wait3A_68] : memref<2x16x1x6x128xi32, #tpu.memory_space<hbm>> -> memref<1x1x1x6x128xi32, #tpu.memory_space<hbm>>
      %dma_wait3A_70 = tpu.memref_squeeze %dma_wait3A_69 : memref<1x1x1x6x128xi32, #tpu.memory_space<hbm>> -> memref<6x128xi32, #tpu.memory_space<hbm>>
      %dma_wait3A_71 = arith.constant 0 : i32
      %dma_wait3A_72 = arith.constant 0 : i32
      %dma_wait3A_73 = tpu.memref_slice %arg14[%dma_wait3A_71, %dma_wait3A_72] : memref<14x128xi32, #tpu.memory_space<vmem>> -> memref<6x128xi32, #tpu.memory_space<vmem>>
      %dma_wait3A_74 = arith.constant 0 : i32
      %dma_wait3A_75 = arith.constant 0 : i32
      %dma_wait3A_76 = tpu.memref_slice %arg8[%arg0, %arg1, %add3A_21, %dma_wait3A_74, %dma_wait3A_75] : memref<2x16x1x6x128xi32, #tpu.memory_space<hbm>> -> memref<1x1x1x6x128xi32, #tpu.memory_space<hbm>>
      %dma_wait3A_77 = tpu.memref_squeeze %dma_wait3A_76 : memref<1x1x1x6x128xi32, #tpu.memory_space<hbm>> -> memref<6x128xi32, #tpu.memory_space<hbm>>
      tpu.wait_dma2 semaphore(%run_scoped3A : memref<!tpu.dma_semaphore, #tpu.memory_space<semaphore_mem>>) src(%dma_wait3A_77 : memref<6x128xi32, #tpu.memory_space<hbm>>) dst(%dma_wait3A_73 : memref<6x128xi32, #tpu.memory_space<vmem>>)
      tpu.yield
    }) : () -> ()
    %dma_start3A = arith.constant 0 : i32
    %dma_start3A_22 = arith.constant 0 : i32
    %dma_start3A_23 = tpu.memref_slice %arg13[%dma_start3A, %dma_start3A_22] : memref<14x128xi32, #tpu.memory_space<vmem>> -> memref<1x128xi32, #tpu.memory_space<vmem>>
    %dma_start3A_24 = tpu.memref_squeeze %dma_start3A_23 : memref<1x128xi32, #tpu.memory_space<vmem>> -> memref<128xi32, #tpu.memory_space<vmem>>
    %dma_start3A_25 = arith.constant 0 : i32
    %dma_start3A_26 = arith.constant 0 : i32
    %dma_start3A_27 = tpu.memref_slice %arg3[%dma_start3A_25, %dma_start3A_26] : memref<10000x16xf32, #tpu.memory_space<hbm>> -> memref<10000x16xf32, #tpu.memory_space<hbm>>
    tpu.enqueue_indirect_dma source(%dma_start3A_27 : memref<10000x16xf32, #tpu.memory_space<hbm>>) target(%arg15 : memref<128x16xf32, #tpu.memory_space<vmem>>) offsets(%dma_start3A_24 : memref<128xi32, #tpu.memory_space<vmem>>) semaphore(%arg17 : memref<!tpu.dma_semaphore, #tpu.memory_space<semaphore_mem>>)
    %dma_start3A_28 = arith.constant 1 : i32
    %dma_start3A_29 = arith.constant 0 : i32
    %dma_start3A_30 = tpu.memref_slice %arg13[%dma_start3A_28, %dma_start3A_29] : memref<14x128xi32, #tpu.memory_space<vmem>> -> memref<1x128xi32, #tpu.memory_space<vmem>>
    %dma_start3A_31 = tpu.memref_squeeze %dma_start3A_30 : memref<1x128xi32, #tpu.memory_space<vmem>> -> memref<128xi32, #tpu.memory_space<vmem>>
    %dma_start3A_32 = arith.constant 0 : i32
    %dma_start3A_33 = arith.constant 0 : i32
    %dma_start3A_34 = tpu.memref_slice %arg3[%dma_start3A_32, %dma_start3A_33] : memref<10000x16xf32, #tpu.memory_space<hbm>> -> memref<10000x16xf32, #tpu.memory_space<hbm>>
    tpu.enqueue_indirect_dma source(%dma_start3A_34 : memref<10000x16xf32, #tpu.memory_space<hbm>>) target(%arg16 : memref<128x16xf32, #tpu.memory_space<vmem>>) offsets(%dma_start3A_31 : memref<128xi32, #tpu.memory_space<vmem>>) semaphore(%arg18 : memref<!tpu.dma_semaphore, #tpu.memory_space<semaphore_mem>>)
    %scan3A_35 = arith.constant 0 : i32
    %scan3A_36 = arith.constant 3 : i32
    %scan3A_37 = arith.addi %scan3A_35, %scan3A_36 : i32
    %scan3A_38 = arith.constant 1 : i32
    scf.for %scan3A_51 = %scan3A_35 to %scan3A_37 step %scan3A_38  : i32 {
      %mul3A_52 = arith.constant 1 : i32
      %mul3A_53 = arith.muli %scan3A_51, %mul3A_52 : i32
      %add3A_54 = arith.constant 0 : i32
      %add3A_55 = arith.addi %add3A_54, %mul3A_53 : i32
      %mul3A_56 = arith.constant 2 : i32
      %mul3A_57 = arith.muli %mul3A_56, %add3A_55 : i32
      %add3A_58 = arith.constant 1 : i32
      %add3A_59 = arith.addi %mul3A_57, %add3A_58 : i32
      %dma_wait3A = arith.constant 0 : i32
      %dma_wait3A_60 = tpu.memref_slice %arg13[%mul3A_57, %dma_wait3A] : memref<14x128xi32, #tpu.memory_space<vmem>> -> memref<1x128xi32, #tpu.memory_space<vmem>>
      %dma_wait3A_61 = tpu.memref_squeeze %dma_wait3A_60 : memref<1x128xi32, #tpu.memory_space<vmem>> -> memref<128xi32, #tpu.memory_space<vmem>>
      %dma_wait3A_62 = arith.constant 0 : i32
      %dma_wait3A_63 = arith.constant 0 : i32
      %dma_wait3A_64 = tpu.memref_slice %arg3[%dma_wait3A_62, %dma_wait3A_63] : memref<10000x16xf32, #tpu.memory_space<hbm>> -> memref<10000x16xf32, #tpu.memory_space<hbm>>
      tpu.wait_indirect_dma semaphore(%arg17 : memref<!tpu.dma_semaphore, #tpu.memory_space<semaphore_mem>>) src(%dma_wait3A_64 : memref<10000x16xf32, #tpu.memory_space<hbm>>) dst(%arg15 : memref<128x16xf32, #tpu.memory_space<vmem>>)
      "tpu.region"() ({
        %run_scoped3A = tpu.sem_alloc : memref<!tpu.dma_semaphore, #tpu.memory_space<semaphore_mem>>
        %dma_start3A_78 = arith.constant 0 : i32
        %dma_start3A_79 = tpu.memref_slice %arg14[%mul3A_57, %dma_start3A_78] : memref<14x128xi32, #tpu.memory_space<vmem>> -> memref<1x128xi32, #tpu.memory_space<vmem>>
        %dma_start3A_80 = tpu.memref_squeeze %dma_start3A_79 : memref<1x128xi32, #tpu.memory_space<vmem>> -> memref<128xi32, #tpu.memory_space<vmem>>
        %dma_start3A_81 = arith.constant 0 : i32
        %dma_start3A_82 = arith.constant 0 : i32
        %dma_start3A_83 = tpu.memref_slice %arg12[%dma_start3A_81, %dma_start3A_82] : memref<50304x16xf32, #tpu.memory_space<vmem_shared>> -> memref<50304x16xf32, #tpu.memory_space<vmem_shared>>
        tpu.enqueue_indirect_dma source(%arg15 : memref<128x16xf32, #tpu.memory_space<vmem>>) target(%dma_start3A_83 : memref<50304x16xf32, #tpu.memory_space<vmem_shared>>) offsets(%dma_start3A_80 : memref<128xi32, #tpu.memory_space<vmem>>) semaphore(%run_scoped3A : memref<!tpu.dma_semaphore, #tpu.memory_space<semaphore_mem>>) {add = true}
        %dma_wait3A_84 = arith.constant 0 : i32
        %dma_wait3A_85 = tpu.memref_slice %arg14[%mul3A_57, %dma_wait3A_84] : memref<14x128xi32, #tpu.memory_space<vmem>> -> memref<1x128xi32, #tpu.memory_space<vmem>>
        %dma_wait3A_86 = tpu.memref_squeeze %dma_wait3A_85 : memref<1x128xi32, #tpu.memory_space<vmem>> -> memref<128xi32, #tpu.memory_space<vmem>>
        %dma_wait3A_87 = arith.constant 0 : i32
        %dma_wait3A_88 = arith.constant 0 : i32
        %dma_wait3A_89 = tpu.memref_slice %arg12[%dma_wait3A_87, %dma_wait3A_88] : memref<50304x16xf32, #tpu.memory_space<vmem_shared>> -> memref<50304x16xf32, #tpu.memory_space<vmem_shared>>
        tpu.wait_indirect_dma semaphore(%run_scoped3A : memref<!tpu.dma_semaphore, #tpu.memory_space<semaphore_mem>>) src(%arg15 : memref<128x16xf32, #tpu.memory_space<vmem>>) dst(%dma_wait3A_89 : memref<50304x16xf32, #tpu.memory_space<vmem_shared>>)
        tpu.yield
      }) : () -> ()
      %lt3A = arith.constant 2 : i32
      %lt3A_65 = arith.cmpi slt, %add3A_55, %lt3A : i32
      %convert_element_type3A = arith.extui %lt3A_65 : i1 to i32
      %cond3A = arith.constant 0 : i32
      %cond3A_66 = arith.cmpi ne, %convert_element_type3A, %cond3A : i32
      scf.if %cond3A_66 {
        %add3A_78 = arith.constant 2 : i32
        %add3A_79 = arith.addi %mul3A_57, %add3A_78 : i32
        %dma_start3A_80 = arith.constant 0 : i32
        %dma_start3A_81 = tpu.memref_slice %arg13[%add3A_79, %dma_start3A_80] : memref<14x128xi32, #tpu.memory_space<vmem>> -> memref<1x128xi32, #tpu.memory_space<vmem>>
        %dma_start3A_82 = tpu.memref_squeeze %dma_start3A_81 : memref<1x128xi32, #tpu.memory_space<vmem>> -> memref<128xi32, #tpu.memory_space<vmem>>
        %dma_start3A_83 = arith.constant 0 : i32
        %dma_start3A_84 = arith.constant 0 : i32
        %dma_start3A_85 = tpu.memref_slice %arg3[%dma_start3A_83, %dma_start3A_84] : memref<10000x16xf32, #tpu.memory_space<hbm>> -> memref<10000x16xf32, #tpu.memory_space<hbm>>
        tpu.enqueue_indirect_dma source(%dma_start3A_85 : memref<10000x16xf32, #tpu.memory_space<hbm>>) target(%arg15 : memref<128x16xf32, #tpu.memory_space<vmem>>) offsets(%dma_start3A_82 : memref<128xi32, #tpu.memory_space<vmem>>) semaphore(%arg17 : memref<!tpu.dma_semaphore, #tpu.memory_space<semaphore_mem>>)
      } else {
      }
      %dma_wait3A_67 = arith.constant 0 : i32
      %dma_wait3A_68 = tpu.memref_slice %arg13[%add3A_59, %dma_wait3A_67] : memref<14x128xi32, #tpu.memory_space<vmem>> -> memref<1x128xi32, #tpu.memory_space<vmem>>
      %dma_wait3A_69 = tpu.memref_squeeze %dma_wait3A_68 : memref<1x128xi32, #tpu.memory_space<vmem>> -> memref<128xi32, #tpu.memory_space<vmem>>
      %dma_wait3A_70 = arith.constant 0 : i32
      %dma_wait3A_71 = arith.constant 0 : i32
      %dma_wait3A_72 = tpu.memref_slice %arg3[%dma_wait3A_70, %dma_wait3A_71] : memref<10000x16xf32, #tpu.memory_space<hbm>> -> memref<10000x16xf32, #tpu.memory_space<hbm>>
      tpu.wait_indirect_dma semaphore(%arg18 : memref<!tpu.dma_semaphore, #tpu.memory_space<semaphore_mem>>) src(%dma_wait3A_72 : memref<10000x16xf32, #tpu.memory_space<hbm>>) dst(%arg16 : memref<128x16xf32, #tpu.memory_space<vmem>>)
      "tpu.region"() ({
        %run_scoped3A = tpu.sem_alloc : memref<!tpu.dma_semaphore, #tpu.memory_space<semaphore_mem>>
        %dma_start3A_78 = arith.constant 0 : i32
        %dma_start3A_79 = tpu.memref_slice %arg14[%add3A_59, %dma_start3A_78] : memref<14x128xi32, #tpu.memory_space<vmem>> -> memref<1x128xi32, #tpu.memory_space<vmem>>
        %dma_start3A_80 = tpu.memref_squeeze %dma_start3A_79 : memref<1x128xi32, #tpu.memory_space<vmem>> -> memref<128xi32, #tpu.memory_space<vmem>>
        %dma_start3A_81 = arith.constant 0 : i32
        %dma_start3A_82 = arith.constant 0 : i32
        %dma_start3A_83 = tpu.memref_slice %arg12[%dma_start3A_81, %dma_start3A_82] : memref<50304x16xf32, #tpu.memory_space<vmem_shared>> -> memref<50304x16xf32, #tpu.memory_space<vmem_shared>>
        tpu.enqueue_indirect_dma source(%arg16 : memref<128x16xf32, #tpu.memory_space<vmem>>) target(%dma_start3A_83 : memref<50304x16xf32, #tpu.memory_space<vmem_shared>>) offsets(%dma_start3A_80 : memref<128xi32, #tpu.memory_space<vmem>>) semaphore(%run_scoped3A : memref<!tpu.dma_semaphore, #tpu.memory_space<semaphore_mem>>) {add = true}
        %dma_wait3A_84 = arith.constant 0 : i32
        %dma_wait3A_85 = tpu.memref_slice %arg14[%add3A_59, %dma_wait3A_84] : memref<14x128xi32, #tpu.memory_space<vmem>> -> memref<1x128xi32, #tpu.memory_space<vmem>>
        %dma_wait3A_86 = tpu.memref_squeeze %dma_wait3A_85 : memref<1x128xi32, #tpu.memory_space<vmem>> -> memref<128xi32, #tpu.memory_space<vmem>>
        %dma_wait3A_87 = arith.constant 0 : i32
        %dma_wait3A_88 = arith.constant 0 : i32
        %dma_wait3A_89 = tpu.memref_slice %arg12[%dma_wait3A_87, %dma_wait3A_88] : memref<50304x16xf32, #tpu.memory_space<vmem_shared>> -> memref<50304x16xf32, #tpu.memory_space<vmem_shared>>
        tpu.wait_indirect_dma semaphore(%run_scoped3A : memref<!tpu.dma_semaphore, #tpu.memory_space<semaphore_mem>>) src(%arg16 : memref<128x16xf32, #tpu.memory_space<vmem>>) dst(%dma_wait3A_89 : memref<50304x16xf32, #tpu.memory_space<vmem_shared>>)
        tpu.yield
      }) : () -> ()
      %lt3A_73 = arith.constant 2 : i32
      %lt3A_74 = arith.cmpi slt, %add3A_55, %lt3A_73 : i32
      %convert_element_type3A_75 = arith.extui %lt3A_74 : i1 to i32
      %cond3A_76 = arith.constant 0 : i32
      %cond3A_77 = arith.cmpi ne, %convert_element_type3A_75, %cond3A_76 : i32
      scf.if %cond3A_77 {
        %add3A_78 = arith.constant 2 : i32
        %add3A_79 = arith.addi %add3A_59, %add3A_78 : i32
        %dma_start3A_80 = arith.constant 0 : i32
        %dma_start3A_81 = tpu.memref_slice %arg13[%add3A_79, %dma_start3A_80] : memref<14x128xi32, #tpu.memory_space<vmem>> -> memref<1x128xi32, #tpu.memory_space<vmem>>
        %dma_start3A_82 = tpu.memref_squeeze %dma_start3A_81 : memref<1x128xi32, #tpu.memory_space<vmem>> -> memref<128xi32, #tpu.memory_space<vmem>>
        %dma_start3A_83 = arith.constant 0 : i32
        %dma_start3A_84 = arith.constant 0 : i32
        %dma_start3A_85 = tpu.memref_slice %arg3[%dma_start3A_83, %dma_start3A_84] : memref<10000x16xf32, #tpu.memory_space<hbm>> -> memref<10000x16xf32, #tpu.memory_space<hbm>>
        tpu.enqueue_indirect_dma source(%dma_start3A_85 : memref<10000x16xf32, #tpu.memory_space<hbm>>) target(%arg16 : memref<128x16xf32, #tpu.memory_space<vmem>>) offsets(%dma_start3A_82 : memref<128xi32, #tpu.memory_space<vmem>>) semaphore(%arg18 : memref<!tpu.dma_semaphore, #tpu.memory_space<semaphore_mem>>)
      } else {
      }
    }
    %scan3A_39 = arith.constant 3 : i32
    %scan3A_40 = arith.constant 1 : i32
    %scan3A_41 = arith.constant 0 : i32
    %scan3A_42 = arith.constant 14 : i32
    %scan3A_43 = arith.addi %scan3A_41, %scan3A_42 : i32
    %scan3A_44 = arith.constant 1 : i32
    scf.for %scan3A_51 = %scan3A_41 to %scan3A_43 step %scan3A_44  : i32 {
      %mul3A_52 = arith.constant 1 : i32
      %mul3A_53 = arith.muli %scan3A_51, %mul3A_52 : i32
      %add3A_54 = arith.constant 0 : i32
      %add3A_55 = arith.addi %add3A_54, %mul3A_53 : i32
      "tpu.region"() ({
        %run_scoped3A = tpu.sem_alloc : memref<!tpu.dma_semaphore, #tpu.memory_space<semaphore_mem>>
        %dma_start3A_75 = arith.constant 0 : i32
        %dma_start3A_76 = arith.constant 0 : i32
        %dma_start3A_77 = tpu.memref_slice %arg13[%dma_start3A_75, %dma_start3A_76] : memref<14x128xi32, #tpu.memory_space<vmem>> -> memref<14x128xi32, #tpu.memory_space<vmem>>
        %dma_start3A_78 = arith.constant 0 : i32
        %dma_start3A_79 = arith.constant 0 : i32
        %dma_start3A_80 = tpu.memref_slice %arg9[%arg0, %arg1, %add3A_55, %dma_start3A_78, %dma_start3A_79] : memref<2x16x14x14x128xi32, #tpu.memory_space<hbm>> -> memref<1x1x1x14x128xi32, #tpu.memory_space<hbm>>
        %dma_start3A_81 = tpu.memref_squeeze %dma_start3A_80 : memref<1x1x1x14x128xi32, #tpu.memory_space<hbm>> -> memref<14x128xi32, #tpu.memory_space<hbm>>
        %dma_start3A_82 = arith.constant 0 : i32
        %dma_start3A_83 = arith.constant 0 : i32
        %dma_start3A_84 = tpu.memref_slice %arg13[%dma_start3A_82, %dma_start3A_83] : memref<14x128xi32, #tpu.memory_space<vmem>> -> memref<14x128xi32, #tpu.memory_space<vmem>>
        %dma_start3A_85 = arith.constant 0 : i32
        %dma_start3A_86 = arith.constant 0 : i32
        %dma_start3A_87 = tpu.memref_slice %arg9[%arg0, %arg1, %add3A_55, %dma_start3A_85, %dma_start3A_86] : memref<2x16x14x14x128xi32, #tpu.memory_space<hbm>> -> memref<1x1x1x14x128xi32, #tpu.memory_space<hbm>>
        %dma_start3A_88 = tpu.memref_squeeze %dma_start3A_87 : memref<1x1x1x14x128xi32, #tpu.memory_space<hbm>> -> memref<14x128xi32, #tpu.memory_space<hbm>>
        tpu.enqueue_dma source(%dma_start3A_88 : memref<14x128xi32, #tpu.memory_space<hbm>>) target(%dma_start3A_84 : memref<14x128xi32, #tpu.memory_space<vmem>>) target_semaphore(%run_scoped3A : memref<!tpu.dma_semaphore, #tpu.memory_space<semaphore_mem>>)
        %dma_wait3A = arith.constant 0 : i32
        %dma_wait3A_89 = arith.constant 0 : i32
        %dma_wait3A_90 = tpu.memref_slice %arg13[%dma_wait3A, %dma_wait3A_89] : memref<14x128xi32, #tpu.memory_space<vmem>> -> memref<14x128xi32, #tpu.memory_space<vmem>>
        %dma_wait3A_91 = arith.constant 0 : i32
        %dma_wait3A_92 = arith.constant 0 : i32
        %dma_wait3A_93 = tpu.memref_slice %arg9[%arg0, %arg1, %add3A_55, %dma_wait3A_91, %dma_wait3A_92] : memref<2x16x14x14x128xi32, #tpu.memory_space<hbm>> -> memref<1x1x1x14x128xi32, #tpu.memory_space<hbm>>
        %dma_wait3A_94 = tpu.memref_squeeze %dma_wait3A_93 : memref<1x1x1x14x128xi32, #tpu.memory_space<hbm>> -> memref<14x128xi32, #tpu.memory_space<hbm>>
        %dma_wait3A_95 = arith.constant 0 : i32
        %dma_wait3A_96 = arith.constant 0 : i32
        %dma_wait3A_97 = tpu.memref_slice %arg13[%dma_wait3A_95, %dma_wait3A_96] : memref<14x128xi32, #tpu.memory_space<vmem>> -> memref<14x128xi32, #tpu.memory_space<vmem>>
        %dma_wait3A_98 = arith.constant 0 : i32
        %dma_wait3A_99 = arith.constant 0 : i32
        %dma_wait3A_100 = tpu.memref_slice %arg9[%arg0, %arg1, %add3A_55, %dma_wait3A_98, %dma_wait3A_99] : memref<2x16x14x14x128xi32, #tpu.memory_space<hbm>> -> memref<1x1x1x14x128xi32, #tpu.memory_space<hbm>>
        %dma_wait3A_101 = tpu.memref_squeeze %dma_wait3A_100 : memref<1x1x1x14x128xi32, #tpu.memory_space<hbm>> -> memref<14x128xi32, #tpu.memory_space<hbm>>
        tpu.wait_dma2 semaphore(%run_scoped3A : memref<!tpu.dma_semaphore, #tpu.memory_space<semaphore_mem>>) src(%dma_wait3A_101 : memref<14x128xi32, #tpu.memory_space<hbm>>) dst(%dma_wait3A_97 : memref<14x128xi32, #tpu.memory_space<vmem>>)
        tpu.yield
      }) : () -> ()
      "tpu.region"() ({
        %run_scoped3A = tpu.sem_alloc : memref<!tpu.dma_semaphore, #tpu.memory_space<semaphore_mem>>
        %dma_start3A_75 = arith.constant 0 : i32
        %dma_start3A_76 = arith.constant 0 : i32
        %dma_start3A_77 = tpu.memref_slice %arg14[%dma_start3A_75, %dma_start3A_76] : memref<14x128xi32, #tpu.memory_space<vmem>> -> memref<14x128xi32, #tpu.memory_space<vmem>>
        %dma_start3A_78 = arith.constant 0 : i32
        %dma_start3A_79 = arith.constant 0 : i32
        %dma_start3A_80 = tpu.memref_slice %arg10[%arg0, %arg1, %add3A_55, %dma_start3A_78, %dma_start3A_79] : memref<2x16x14x14x128xi32, #tpu.memory_space<hbm>> -> memref<1x1x1x14x128xi32, #tpu.memory_space<hbm>>
        %dma_start3A_81 = tpu.memref_squeeze %dma_start3A_80 : memref<1x1x1x14x128xi32, #tpu.memory_space<hbm>> -> memref<14x128xi32, #tpu.memory_space<hbm>>
        %dma_start3A_82 = arith.constant 0 : i32
        %dma_start3A_83 = arith.constant 0 : i32
        %dma_start3A_84 = tpu.memref_slice %arg14[%dma_start3A_82, %dma_start3A_83] : memref<14x128xi32, #tpu.memory_space<vmem>> -> memref<14x128xi32, #tpu.memory_space<vmem>>
        %dma_start3A_85 = arith.constant 0 : i32
        %dma_start3A_86 = arith.constant 0 : i32
        %dma_start3A_87 = tpu.memref_slice %arg10[%arg0, %arg1, %add3A_55, %dma_start3A_85, %dma_start3A_86] : memref<2x16x14x14x128xi32, #tpu.memory_space<hbm>> -> memref<1x1x1x14x128xi32, #tpu.memory_space<hbm>>
        %dma_start3A_88 = tpu.memref_squeeze %dma_start3A_87 : memref<1x1x1x14x128xi32, #tpu.memory_space<hbm>> -> memref<14x128xi32, #tpu.memory_space<hbm>>
        tpu.enqueue_dma source(%dma_start3A_88 : memref<14x128xi32, #tpu.memory_space<hbm>>) target(%dma_start3A_84 : memref<14x128xi32, #tpu.memory_space<vmem>>) target_semaphore(%run_scoped3A : memref<!tpu.dma_semaphore, #tpu.memory_space<semaphore_mem>>)
        %dma_wait3A = arith.constant 0 : i32
        %dma_wait3A_89 = arith.constant 0 : i32
        %dma_wait3A_90 = tpu.memref_slice %arg14[%dma_wait3A, %dma_wait3A_89] : memref<14x128xi32, #tpu.memory_space<vmem>> -> memref<14x128xi32, #tpu.memory_space<vmem>>
        %dma_wait3A_91 = arith.constant 0 : i32
        %dma_wait3A_92 = arith.constant 0 : i32
        %dma_wait3A_93 = tpu.memref_slice %arg10[%arg0, %arg1, %add3A_55, %dma_wait3A_91, %dma_wait3A_92] : memref<2x16x14x14x128xi32, #tpu.memory_space<hbm>> -> memref<1x1x1x14x128xi32, #tpu.memory_space<hbm>>
        %dma_wait3A_94 = tpu.memref_squeeze %dma_wait3A_93 : memref<1x1x1x14x128xi32, #tpu.memory_space<hbm>> -> memref<14x128xi32, #tpu.memory_space<hbm>>
        %dma_wait3A_95 = arith.constant 0 : i32
        %dma_wait3A_96 = arith.constant 0 : i32
        %dma_wait3A_97 = tpu.memref_slice %arg14[%dma_wait3A_95, %dma_wait3A_96] : memref<14x128xi32, #tpu.memory_space<vmem>> -> memref<14x128xi32, #tpu.memory_space<vmem>>
        %dma_wait3A_98 = arith.constant 0 : i32
        %dma_wait3A_99 = arith.constant 0 : i32
        %dma_wait3A_100 = tpu.memref_slice %arg10[%arg0, %arg1, %add3A_55, %dma_wait3A_98, %dma_wait3A_99] : memref<2x16x14x14x128xi32, #tpu.memory_space<hbm>> -> memref<1x1x1x14x128xi32, #tpu.memory_space<hbm>>
        %dma_wait3A_101 = tpu.memref_squeeze %dma_wait3A_100 : memref<1x1x1x14x128xi32, #tpu.memory_space<hbm>> -> memref<14x128xi32, #tpu.memory_space<hbm>>
        tpu.wait_dma2 semaphore(%run_scoped3A : memref<!tpu.dma_semaphore, #tpu.memory_space<semaphore_mem>>) src(%dma_wait3A_101 : memref<14x128xi32, #tpu.memory_space<hbm>>) dst(%dma_wait3A_97 : memref<14x128xi32, #tpu.memory_space<vmem>>)
        tpu.yield
      }) : () -> ()
      %dma_start3A_56 = arith.constant 0 : i32
      %dma_start3A_57 = arith.constant 0 : i32
      %dma_start3A_58 = tpu.memref_slice %arg13[%dma_start3A_56, %dma_start3A_57] : memref<14x128xi32, #tpu.memory_space<vmem>> -> memref<1x128xi32, #tpu.memory_space<vmem>>
      %dma_start3A_59 = tpu.memref_squeeze %dma_start3A_58 : memref<1x128xi32, #tpu.memory_space<vmem>> -> memref<128xi32, #tpu.memory_space<vmem>>
      %dma_start3A_60 = arith.constant 0 : i32
      %dma_start3A_61 = arith.constant 0 : i32
      %dma_start3A_62 = tpu.memref_slice %arg4[%dma_start3A_60, %dma_start3A_61] : memref<400000x16xf32, #tpu.memory_space<hbm>> -> memref<400000x16xf32, #tpu.memory_space<hbm>>
      tpu.enqueue_indirect_dma source(%dma_start3A_62 : memref<400000x16xf32, #tpu.memory_space<hbm>>) target(%arg15 : memref<128x16xf32, #tpu.memory_space<vmem>>) offsets(%dma_start3A_59 : memref<128xi32, #tpu.memory_space<vmem>>) semaphore(%arg17 : memref<!tpu.dma_semaphore, #tpu.memory_space<semaphore_mem>>)
      %dma_start3A_63 = arith.constant 1 : i32
      %dma_start3A_64 = arith.constant 0 : i32
      %dma_start3A_65 = tpu.memref_slice %arg13[%dma_start3A_63, %dma_start3A_64] : memref<14x128xi32, #tpu.memory_space<vmem>> -> memref<1x128xi32, #tpu.memory_space<vmem>>
      %dma_start3A_66 = tpu.memref_squeeze %dma_start3A_65 : memref<1x128xi32, #tpu.memory_space<vmem>> -> memref<128xi32, #tpu.memory_space<vmem>>
      %dma_start3A_67 = arith.constant 0 : i32
      %dma_start3A_68 = arith.constant 0 : i32
      %dma_start3A_69 = tpu.memref_slice %arg4[%dma_start3A_67, %dma_start3A_68] : memref<400000x16xf32, #tpu.memory_space<hbm>> -> memref<400000x16xf32, #tpu.memory_space<hbm>>
      tpu.enqueue_indirect_dma source(%dma_start3A_69 : memref<400000x16xf32, #tpu.memory_space<hbm>>) target(%arg16 : memref<128x16xf32, #tpu.memory_space<vmem>>) offsets(%dma_start3A_66 : memref<128xi32, #tpu.memory_space<vmem>>) semaphore(%arg18 : memref<!tpu.dma_semaphore, #tpu.memory_space<semaphore_mem>>)
      %scan3A_70 = arith.constant 0 : i32
      %scan3A_71 = arith.constant 7 : i32
      %scan3A_72 = arith.addi %scan3A_70, %scan3A_71 : i32
      %scan3A_73 = arith.constant 1 : i32
      scf.for %scan3A_75 = %scan3A_70 to %scan3A_72 step %scan3A_73  : i32 {
        %mul3A_76 = arith.constant 1 : i32
        %mul3A_77 = arith.muli %scan3A_75, %mul3A_76 : i32
        %add3A_78 = arith.constant 0 : i32
        %add3A_79 = arith.addi %add3A_78, %mul3A_77 : i32
        %mul3A_80 = arith.constant 2 : i32
        %mul3A_81 = arith.muli %mul3A_80, %add3A_79 : i32
        %add3A_82 = arith.constant 1 : i32
        %add3A_83 = arith.addi %mul3A_81, %add3A_82 : i32
        %dma_wait3A = arith.constant 0 : i32
        %dma_wait3A_84 = tpu.memref_slice %arg13[%mul3A_81, %dma_wait3A] : memref<14x128xi32, #tpu.memory_space<vmem>> -> memref<1x128xi32, #tpu.memory_space<vmem>>
        %dma_wait3A_85 = tpu.memref_squeeze %dma_wait3A_84 : memref<1x128xi32, #tpu.memory_space<vmem>> -> memref<128xi32, #tpu.memory_space<vmem>>
        %dma_wait3A_86 = arith.constant 0 : i32
        %dma_wait3A_87 = arith.constant 0 : i32
        %dma_wait3A_88 = tpu.memref_slice %arg4[%dma_wait3A_86, %dma_wait3A_87] : memref<400000x16xf32, #tpu.memory_space<hbm>> -> memref<400000x16xf32, #tpu.memory_space<hbm>>
        tpu.wait_indirect_dma semaphore(%arg17 : memref<!tpu.dma_semaphore, #tpu.memory_space<semaphore_mem>>) src(%dma_wait3A_88 : memref<400000x16xf32, #tpu.memory_space<hbm>>) dst(%arg15 : memref<128x16xf32, #tpu.memory_space<vmem>>)
        "tpu.region"() ({
          %run_scoped3A = tpu.sem_alloc : memref<!tpu.dma_semaphore, #tpu.memory_space<semaphore_mem>>
          %dma_start3A_102 = arith.constant 0 : i32
          %dma_start3A_103 = tpu.memref_slice %arg14[%mul3A_81, %dma_start3A_102] : memref<14x128xi32, #tpu.memory_space<vmem>> -> memref<1x128xi32, #tpu.memory_space<vmem>>
          %dma_start3A_104 = tpu.memref_squeeze %dma_start3A_103 : memref<1x128xi32, #tpu.memory_space<vmem>> -> memref<128xi32, #tpu.memory_space<vmem>>
          %dma_start3A_105 = arith.constant 0 : i32
          %dma_start3A_106 = arith.constant 0 : i32
          %dma_start3A_107 = tpu.memref_slice %arg12[%dma_start3A_105, %dma_start3A_106] : memref<50304x16xf32, #tpu.memory_space<vmem_shared>> -> memref<50304x16xf32, #tpu.memory_space<vmem_shared>>
          tpu.enqueue_indirect_dma source(%arg15 : memref<128x16xf32, #tpu.memory_space<vmem>>) target(%dma_start3A_107 : memref<50304x16xf32, #tpu.memory_space<vmem_shared>>) offsets(%dma_start3A_104 : memref<128xi32, #tpu.memory_space<vmem>>) semaphore(%run_scoped3A : memref<!tpu.dma_semaphore, #tpu.memory_space<semaphore_mem>>) {add = true}
          %dma_wait3A_108 = arith.constant 0 : i32
          %dma_wait3A_109 = tpu.memref_slice %arg14[%mul3A_81, %dma_wait3A_108] : memref<14x128xi32, #tpu.memory_space<vmem>> -> memref<1x128xi32, #tpu.memory_space<vmem>>
          %dma_wait3A_110 = tpu.memref_squeeze %dma_wait3A_109 : memref<1x128xi32, #tpu.memory_space<vmem>> -> memref<128xi32, #tpu.memory_space<vmem>>
          %dma_wait3A_111 = arith.constant 0 : i32
          %dma_wait3A_112 = arith.constant 0 : i32
          %dma_wait3A_113 = tpu.memref_slice %arg12[%dma_wait3A_111, %dma_wait3A_112] : memref<50304x16xf32, #tpu.memory_space<vmem_shared>> -> memref<50304x16xf32, #tpu.memory_space<vmem_shared>>
          tpu.wait_indirect_dma semaphore(%run_scoped3A : memref<!tpu.dma_semaphore, #tpu.memory_space<semaphore_mem>>) src(%arg15 : memref<128x16xf32, #tpu.memory_space<vmem>>) dst(%dma_wait3A_113 : memref<50304x16xf32, #tpu.memory_space<vmem_shared>>)
          tpu.yield
        }) : () -> ()
        %lt3A = arith.constant 6 : i32
        %lt3A_89 = arith.cmpi slt, %add3A_79, %lt3A : i32
        %convert_element_type3A = arith.extui %lt3A_89 : i1 to i32
        %cond3A = arith.constant 0 : i32
        %cond3A_90 = arith.cmpi ne, %convert_element_type3A, %cond3A : i32
        scf.if %cond3A_90 {
          %add3A_102 = arith.constant 2 : i32
          %add3A_103 = arith.addi %mul3A_81, %add3A_102 : i32
          %dma_start3A_104 = arith.constant 0 : i32
          %dma_start3A_105 = tpu.memref_slice %arg13[%add3A_103, %dma_start3A_104] : memref<14x128xi32, #tpu.memory_space<vmem>> -> memref<1x128xi32, #tpu.memory_space<vmem>>
          %dma_start3A_106 = tpu.memref_squeeze %dma_start3A_105 : memref<1x128xi32, #tpu.memory_space<vmem>> -> memref<128xi32, #tpu.memory_space<vmem>>
          %dma_start3A_107 = arith.constant 0 : i32
          %dma_start3A_108 = arith.constant 0 : i32
          %dma_start3A_109 = tpu.memref_slice %arg4[%dma_start3A_107, %dma_start3A_108] : memref<400000x16xf32, #tpu.memory_space<hbm>> -> memref<400000x16xf32, #tpu.memory_space<hbm>>
          tpu.enqueue_indirect_dma source(%dma_start3A_109 : memref<400000x16xf32, #tpu.memory_space<hbm>>) target(%arg15 : memref<128x16xf32, #tpu.memory_space<vmem>>) offsets(%dma_start3A_106 : memref<128xi32, #tpu.memory_space<vmem>>) semaphore(%arg17 : memref<!tpu.dma_semaphore, #tpu.memory_space<semaphore_mem>>)
        } else {
        }
        %dma_wait3A_91 = arith.constant 0 : i32
        %dma_wait3A_92 = tpu.memref_slice %arg13[%add3A_83, %dma_wait3A_91] : memref<14x128xi32, #tpu.memory_space<vmem>> -> memref<1x128xi32, #tpu.memory_space<vmem>>
        %dma_wait3A_93 = tpu.memref_squeeze %dma_wait3A_92 : memref<1x128xi32, #tpu.memory_space<vmem>> -> memref<128xi32, #tpu.memory_space<vmem>>
        %dma_wait3A_94 = arith.constant 0 : i32
        %dma_wait3A_95 = arith.constant 0 : i32
        %dma_wait3A_96 = tpu.memref_slice %arg4[%dma_wait3A_94, %dma_wait3A_95] : memref<400000x16xf32, #tpu.memory_space<hbm>> -> memref<400000x16xf32, #tpu.memory_space<hbm>>
        tpu.wait_indirect_dma semaphore(%arg18 : memref<!tpu.dma_semaphore, #tpu.memory_space<semaphore_mem>>) src(%dma_wait3A_96 : memref<400000x16xf32, #tpu.memory_space<hbm>>) dst(%arg16 : memref<128x16xf32, #tpu.memory_space<vmem>>)
        "tpu.region"() ({
          %run_scoped3A = tpu.sem_alloc : memref<!tpu.dma_semaphore, #tpu.memory_space<semaphore_mem>>
          %dma_start3A_102 = arith.constant 0 : i32
          %dma_start3A_103 = tpu.memref_slice %arg14[%add3A_83, %dma_start3A_102] : memref<14x128xi32, #tpu.memory_space<vmem>> -> memref<1x128xi32, #tpu.memory_space<vmem>>
          %dma_start3A_104 = tpu.memref_squeeze %dma_start3A_103 : memref<1x128xi32, #tpu.memory_space<vmem>> -> memref<128xi32, #tpu.memory_space<vmem>>
          %dma_start3A_105 = arith.constant 0 : i32
          %dma_start3A_106 = arith.constant 0 : i32
          %dma_start3A_107 = tpu.memref_slice %arg12[%dma_start3A_105, %dma_start3A_106] : memref<50304x16xf32, #tpu.memory_space<vmem_shared>> -> memref<50304x16xf32, #tpu.memory_space<vmem_shared>>
          tpu.enqueue_indirect_dma source(%arg16 : memref<128x16xf32, #tpu.memory_space<vmem>>) target(%dma_start3A_107 : memref<50304x16xf32, #tpu.memory_space<vmem_shared>>) offsets(%dma_start3A_104 : memref<128xi32, #tpu.memory_space<vmem>>) semaphore(%run_scoped3A : memref<!tpu.dma_semaphore, #tpu.memory_space<semaphore_mem>>) {add = true}
          %dma_wait3A_108 = arith.constant 0 : i32
          %dma_wait3A_109 = tpu.memref_slice %arg14[%add3A_83, %dma_wait3A_108] : memref<14x128xi32, #tpu.memory_space<vmem>> -> memref<1x128xi32, #tpu.memory_space<vmem>>
          %dma_wait3A_110 = tpu.memref_squeeze %dma_wait3A_109 : memref<1x128xi32, #tpu.memory_space<vmem>> -> memref<128xi32, #tpu.memory_space<vmem>>
          %dma_wait3A_111 = arith.constant 0 : i32
          %dma_wait3A_112 = arith.constant 0 : i32
          %dma_wait3A_113 = tpu.memref_slice %arg12[%dma_wait3A_111, %dma_wait3A_112] : memref<50304x16xf32, #tpu.memory_space<vmem_shared>> -> memref<50304x16xf32, #tpu.memory_space<vmem_shared>>
          tpu.wait_indirect_dma semaphore(%run_scoped3A : memref<!tpu.dma_semaphore, #tpu.memory_space<semaphore_mem>>) src(%arg16 : memref<128x16xf32, #tpu.memory_space<vmem>>) dst(%dma_wait3A_113 : memref<50304x16xf32, #tpu.memory_space<vmem_shared>>)
          tpu.yield
        }) : () -> ()
        %lt3A_97 = arith.constant 6 : i32
        %lt3A_98 = arith.cmpi slt, %add3A_79, %lt3A_97 : i32
        %convert_element_type3A_99 = arith.extui %lt3A_98 : i1 to i32
        %cond3A_100 = arith.constant 0 : i32
        %cond3A_101 = arith.cmpi ne, %convert_element_type3A_99, %cond3A_100 : i32
        scf.if %cond3A_101 {
          %add3A_102 = arith.constant 2 : i32
          %add3A_103 = arith.addi %add3A_83, %add3A_102 : i32
          %dma_start3A_104 = arith.constant 0 : i32
          %dma_start3A_105 = tpu.memref_slice %arg13[%add3A_103, %dma_start3A_104] : memref<14x128xi32, #tpu.memory_space<vmem>> -> memref<1x128xi32, #tpu.memory_space<vmem>>
          %dma_start3A_106 = tpu.memref_squeeze %dma_start3A_105 : memref<1x128xi32, #tpu.memory_space<vmem>> -> memref<128xi32, #tpu.memory_space<vmem>>
          %dma_start3A_107 = arith.constant 0 : i32
          %dma_start3A_108 = arith.constant 0 : i32
          %dma_start3A_109 = tpu.memref_slice %arg4[%dma_start3A_107, %dma_start3A_108] : memref<400000x16xf32, #tpu.memory_space<hbm>> -> memref<400000x16xf32, #tpu.memory_space<hbm>>
          tpu.enqueue_indirect_dma source(%dma_start3A_109 : memref<400000x16xf32, #tpu.memory_space<hbm>>) target(%arg16 : memref<128x16xf32, #tpu.memory_space<vmem>>) offsets(%dma_start3A_106 : memref<128xi32, #tpu.memory_space<vmem>>) semaphore(%arg18 : memref<!tpu.dma_semaphore, #tpu.memory_space<semaphore_mem>>)
        } else {
        }
      }
      %scan3A_74 = arith.constant 7 : i32
    }
    %scan3A_45 = arith.constant 14 : i32
    %barrier3A_46 = arith.constant 0 : index
    tpu.barrier barrier_id(%barrier3A_46)
    %mul3A_47 = arith.constant 3144 : i32
    %mul3A_48 = arith.muli %arg1, %mul3A_47 : i32
    %mul3A_49 = arith.constant 3144 : i32
    %mul3A_50 = arith.muli %arg1, %mul3A_49 : i32
    "tpu.region"() ({
      %run_scoped3A = tpu.sem_alloc : memref<!tpu.dma_semaphore, #tpu.memory_space<semaphore_mem>>
      %dma_start3A_51 = arith.constant 0 : i32
      %dma_start3A_52 = tpu.memref_slice %arg11[%arg0, %mul3A_50, %dma_start3A_51] : memref<2x50304x16xf32, #tpu.memory_space<hbm>> -> memref<1x3144x16xf32, #tpu.memory_space<hbm>>
      %dma_start3A_53 = tpu.memref_squeeze %dma_start3A_52 : memref<1x3144x16xf32, #tpu.memory_space<hbm>> -> memref<3144x16xf32, #tpu.memory_space<hbm>>
      %dma_start3A_54 = arith.constant 0 : i32
      %dma_start3A_55 = tpu.memref_slice %arg12[%mul3A_48, %dma_start3A_54] : memref<50304x16xf32, #tpu.memory_space<vmem_shared>> -> memref<3144x16xf32, #tpu.memory_space<vmem_shared>>
      tpu.enqueue_dma source(%dma_start3A_55 : memref<3144x16xf32, #tpu.memory_space<vmem_shared>>) target(%dma_start3A_53 : memref<3144x16xf32, #tpu.memory_space<hbm>>) target_semaphore(%run_scoped3A : memref<!tpu.dma_semaphore, #tpu.memory_space<semaphore_mem>>)
      %dma_wait3A = arith.constant 0 : i32
      %dma_wait3A_56 = tpu.memref_slice %arg11[%arg0, %mul3A_50, %dma_wait3A] : memref<2x50304x16xf32, #tpu.memory_space<hbm>> -> memref<1x3144x16xf32, #tpu.memory_space<hbm>>
      %dma_wait3A_57 = tpu.memref_squeeze %dma_wait3A_56 : memref<1x3144x16xf32, #tpu.memory_space<hbm>> -> memref<3144x16xf32, #tpu.memory_space<hbm>>
      %dma_wait3A_58 = arith.constant 0 : i32
      %dma_wait3A_59 = tpu.memref_slice %arg12[%mul3A_48, %dma_wait3A_58] : memref<50304x16xf32, #tpu.memory_space<vmem_shared>> -> memref<3144x16xf32, #tpu.memory_space<vmem_shared>>
      tpu.wait_dma2 semaphore(%run_scoped3A : memref<!tpu.dma_semaphore, #tpu.memory_space<semaphore_mem>>) src(%dma_wait3A_59 : memref<3144x16xf32, #tpu.memory_space<vmem_shared>>) dst(%dma_wait3A_57 : memref<3144x16xf32, #tpu.memory_space<hbm>>)
      tpu.yield
    }) : () -> ()
    return
  }
}

#map = affine_map<(d0, d1) -> (0, 0)>
#map1 = affine_map<(d0, d1) -> (0, 0, 0, 0)>
#map2 = affine_map<(d0, d1) -> (0, 0, 0, 0, 0)>
module attributes {stable_mosaic.version = 14 : i64} {
  func.func @edge_kernel(%arg0: i32, %arg1: i32, %arg2: memref<100000x64xf32, #tpu.memory_space<hbm>>, %arg3: memref<10000x64xf32, #tpu.memory_space<hbm>>, %arg4: memref<400000x64xf32, #tpu.memory_space<hbm>>, %arg5: memref<16x7x14x128xi32, #tpu.memory_space<hbm>>, %arg6: memref<2x16x7x14x128xi32, #tpu.memory_space<hbm>>, %arg7: memref<16x1x10x128xi32, #tpu.memory_space<hbm>>, %arg8: memref<2x16x1x10x128xi32, #tpu.memory_space<hbm>>, %arg9: memref<16x28x14x128xi32, #tpu.memory_space<hbm>>, %arg10: memref<2x16x28x14x128xi32, #tpu.memory_space<hbm>>, %arg11: memref<50176x64xf32, #tpu.memory_space<hbm>>, %arg12: memref<25216x64xf32, #tpu.memory_space<vmem_shared>>, %arg13: memref<14x128xi32, #tpu.memory_space<vmem>>, %arg14: memref<14x128xi32, #tpu.memory_space<vmem>>, %arg15: memref<128x64xf32, #tpu.memory_space<vmem>>, %arg16: memref<128x64xf32, #tpu.memory_space<vmem>>, %arg17: memref<!tpu.dma_semaphore, #tpu.memory_space<semaphore_mem>>, %arg18: memref<!tpu.dma_semaphore, #tpu.memory_space<semaphore_mem>>) attributes {dimension_semantics = [#tpu.dimension_semantics<core_parallel>, #tpu.dimension_semantics<subcore_parallel>], iteration_bounds = array<i64: 2, 16>, scalar_prefetch = 0 : i64, scratch_operands = 7 : i64, tpu.core_type = #tpu.core_type<sc_vector_subcore>, window_params = [{transform_indices = #map}, {transform_indices = #map}, {transform_indices = #map}, {transform_indices = #map1}, {transform_indices = #map2}, {transform_indices = #map1}, {transform_indices = #map2}, {transform_indices = #map1}, {transform_indices = #map2}, {transform_indices = #map}]} {
    %mul3A = arith.constant 25088 : i32
    %mul3A_0 = arith.muli %arg0, %mul3A : i32
    %broadcast_in_dim3A = arith.constant 0.000000e+00 : f32
    %broadcast_in_dim3A_1 = vector.broadcast %broadcast_in_dim3A : f32 to vector<16xf32>
    %scan3A = arith.constant 0 : i32
    %scan3A_2 = arith.constant 128 : i32
    %scan3A_3 = arith.addi %scan3A, %scan3A_2 : i32
    %scan3A_4 = arith.constant 1 : i32
    scf.for %scan3A_54 = %scan3A to %scan3A_3 step %scan3A_4  : i32 {
      %mul3A_55 = arith.constant 1 : i32
      %mul3A_56 = arith.muli %scan3A_54, %mul3A_55 : i32
      %add3A_57 = arith.constant 0 : i32
      %add3A_58 = arith.addi %add3A_57, %mul3A_56 : i32
      %swap3A = arith.index_cast %add3A_58 : i32 to index
      %swap3A_59 = arith.constant 0 : index
      %swap3A_60 = tpu.vector_load %arg15[%swap3A, %swap3A_59] {strides = array<i32>} : memref<128x64xf32, #tpu.memory_space<vmem>>, vector<1x16xf32>,
      %swap3A_61 = vector.shape_cast %swap3A_60 : vector<1x16xf32> to vector<16xf32>
      %swap3A_62 = vector.shape_cast %broadcast_in_dim3A_1 : vector<16xf32> to vector<1x16xf32>
      tpu.vector_store %arg15[%swap3A, %swap3A_59], %swap3A_62 {strides = array<i32>} : memref<128x64xf32, #tpu.memory_space<vmem>>, vector<1x16xf32>,
      %swap3A_63 = arith.index_cast %add3A_58 : i32 to index
      %swap3A_64 = arith.constant 16 : index
      %swap3A_65 = tpu.vector_load %arg15[%swap3A_63, %swap3A_64] {strides = array<i32>} : memref<128x64xf32, #tpu.memory_space<vmem>>, vector<1x16xf32>,
      %swap3A_66 = vector.shape_cast %swap3A_65 : vector<1x16xf32> to vector<16xf32>
      %swap3A_67 = vector.shape_cast %broadcast_in_dim3A_1 : vector<16xf32> to vector<1x16xf32>
      tpu.vector_store %arg15[%swap3A_63, %swap3A_64], %swap3A_67 {strides = array<i32>} : memref<128x64xf32, #tpu.memory_space<vmem>>, vector<1x16xf32>,
      %swap3A_68 = arith.index_cast %add3A_58 : i32 to index
      %swap3A_69 = arith.constant 32 : index
      %swap3A_70 = tpu.vector_load %arg15[%swap3A_68, %swap3A_69] {strides = array<i32>} : memref<128x64xf32, #tpu.memory_space<vmem>>, vector<1x16xf32>,
      %swap3A_71 = vector.shape_cast %swap3A_70 : vector<1x16xf32> to vector<16xf32>
      %swap3A_72 = vector.shape_cast %broadcast_in_dim3A_1 : vector<16xf32> to vector<1x16xf32>
      tpu.vector_store %arg15[%swap3A_68, %swap3A_69], %swap3A_72 {strides = array<i32>} : memref<128x64xf32, #tpu.memory_space<vmem>>, vector<1x16xf32>,
      %swap3A_73 = arith.index_cast %add3A_58 : i32 to index
      %swap3A_74 = arith.constant 48 : index
      %swap3A_75 = tpu.vector_load %arg15[%swap3A_73, %swap3A_74] {strides = array<i32>} : memref<128x64xf32, #tpu.memory_space<vmem>>, vector<1x16xf32>,
      %swap3A_76 = vector.shape_cast %swap3A_75 : vector<1x16xf32> to vector<16xf32>
      %swap3A_77 = vector.shape_cast %broadcast_in_dim3A_1 : vector<16xf32> to vector<1x16xf32>
      tpu.vector_store %arg15[%swap3A_73, %swap3A_74], %swap3A_77 {strides = array<i32>} : memref<128x64xf32, #tpu.memory_space<vmem>>, vector<1x16xf32>,
    }
    %scan3A_5 = arith.constant 128 : i32
    %mul3A_6 = arith.constant 1576 : i32
    %mul3A_7 = arith.muli %arg1, %mul3A_6 : i32
    %scan3A_8 = arith.constant 0 : i32
    %scan3A_9 = arith.constant 12 : i32
    %scan3A_10 = arith.addi %scan3A_8, %scan3A_9 : i32
    %scan3A_11 = arith.constant 1 : i32
    scf.for %scan3A_54 = %scan3A_8 to %scan3A_10 step %scan3A_11  : i32 {
      %mul3A_55 = arith.constant 1 : i32
      %mul3A_56 = arith.muli %scan3A_54, %mul3A_55 : i32
      %add3A_57 = arith.constant 0 : i32
      %add3A_58 = arith.addi %add3A_57, %mul3A_56 : i32
      %mul3A_59 = arith.constant 128 : i32
      %mul3A_60 = arith.muli %add3A_58, %mul3A_59 : i32
      %add3A_61 = arith.addi %mul3A_7, %mul3A_60 : i32
      "tpu.region"() ({
        %run_scoped3A = tpu.sem_alloc : memref<!tpu.dma_semaphore, #tpu.memory_space<semaphore_mem>>
        %dma_start3A_62 = arith.constant 0 : i32
        %dma_start3A_63 = tpu.memref_slice %arg12[%add3A_61, %dma_start3A_62] : memref<25216x64xf32, #tpu.memory_space<vmem_shared>> -> memref<128x64xf32, #tpu.memory_space<vmem_shared>>
        %dma_start3A_64 = arith.constant 0 : i32
        %dma_start3A_65 = tpu.memref_slice %arg12[%add3A_61, %dma_start3A_64] : memref<25216x64xf32, #tpu.memory_space<vmem_shared>> -> memref<128x64xf32, #tpu.memory_space<vmem_shared>>
        tpu.enqueue_dma source(%arg15 : memref<128x64xf32, #tpu.memory_space<vmem>>) target(%dma_start3A_65 : memref<128x64xf32, #tpu.memory_space<vmem_shared>>) target_semaphore(%run_scoped3A : memref<!tpu.dma_semaphore, #tpu.memory_space<semaphore_mem>>)
        %dma_wait3A = arith.constant 0 : i32
        %dma_wait3A_66 = tpu.memref_slice %arg12[%add3A_61, %dma_wait3A] : memref<25216x64xf32, #tpu.memory_space<vmem_shared>> -> memref<128x64xf32, #tpu.memory_space<vmem_shared>>
        %dma_wait3A_67 = arith.constant 0 : i32
        %dma_wait3A_68 = tpu.memref_slice %arg12[%add3A_61, %dma_wait3A_67] : memref<25216x64xf32, #tpu.memory_space<vmem_shared>> -> memref<128x64xf32, #tpu.memory_space<vmem_shared>>
        tpu.wait_dma2 semaphore(%run_scoped3A : memref<!tpu.dma_semaphore, #tpu.memory_space<semaphore_mem>>) src(%arg15 : memref<128x64xf32, #tpu.memory_space<vmem>>) dst(%dma_wait3A_68 : memref<128x64xf32, #tpu.memory_space<vmem_shared>>)
        tpu.yield
      }) : () -> ()
    }
    %scan3A_12 = arith.constant 12 : i32
    %add3A = arith.constant 1536 : i32
    %add3A_13 = arith.addi %mul3A_7, %add3A : i32
    "tpu.region"() ({
      %run_scoped3A = tpu.sem_alloc : memref<!tpu.dma_semaphore, #tpu.memory_space<semaphore_mem>>
      %dma_start3A_54 = arith.constant 0 : i32
      %dma_start3A_55 = arith.constant 0 : i32
      %dma_start3A_56 = tpu.memref_slice %arg15[%dma_start3A_54, %dma_start3A_55] : memref<128x64xf32, #tpu.memory_space<vmem>> -> memref<40x64xf32, #tpu.memory_space<vmem>>
      %dma_start3A_57 = arith.constant 0 : i32
      %dma_start3A_58 = tpu.memref_slice %arg12[%add3A_13, %dma_start3A_57] : memref<25216x64xf32, #tpu.memory_space<vmem_shared>> -> memref<40x64xf32, #tpu.memory_space<vmem_shared>>
      %dma_start3A_59 = arith.constant 0 : i32
      %dma_start3A_60 = tpu.memref_slice %arg12[%add3A_13, %dma_start3A_59] : memref<25216x64xf32, #tpu.memory_space<vmem_shared>> -> memref<40x64xf32, #tpu.memory_space<vmem_shared>>
      %dma_start3A_61 = arith.constant 0 : i32
      %dma_start3A_62 = arith.constant 0 : i32
      %dma_start3A_63 = tpu.memref_slice %arg15[%dma_start3A_61, %dma_start3A_62] : memref<128x64xf32, #tpu.memory_space<vmem>> -> memref<40x64xf32, #tpu.memory_space<vmem>>
      tpu.enqueue_dma source(%dma_start3A_63 : memref<40x64xf32, #tpu.memory_space<vmem>>) target(%dma_start3A_60 : memref<40x64xf32, #tpu.memory_space<vmem_shared>>) target_semaphore(%run_scoped3A : memref<!tpu.dma_semaphore, #tpu.memory_space<semaphore_mem>>)
      %dma_wait3A = arith.constant 0 : i32
      %dma_wait3A_64 = arith.constant 0 : i32
      %dma_wait3A_65 = tpu.memref_slice %arg15[%dma_wait3A, %dma_wait3A_64] : memref<128x64xf32, #tpu.memory_space<vmem>> -> memref<40x64xf32, #tpu.memory_space<vmem>>
      %dma_wait3A_66 = arith.constant 0 : i32
      %dma_wait3A_67 = tpu.memref_slice %arg12[%add3A_13, %dma_wait3A_66] : memref<25216x64xf32, #tpu.memory_space<vmem_shared>> -> memref<40x64xf32, #tpu.memory_space<vmem_shared>>
      %dma_wait3A_68 = arith.constant 0 : i32
      %dma_wait3A_69 = tpu.memref_slice %arg12[%add3A_13, %dma_wait3A_68] : memref<25216x64xf32, #tpu.memory_space<vmem_shared>> -> memref<40x64xf32, #tpu.memory_space<vmem_shared>>
      %dma_wait3A_70 = arith.constant 0 : i32
      %dma_wait3A_71 = arith.constant 0 : i32
      %dma_wait3A_72 = tpu.memref_slice %arg15[%dma_wait3A_70, %dma_wait3A_71] : memref<128x64xf32, #tpu.memory_space<vmem>> -> memref<40x64xf32, #tpu.memory_space<vmem>>
      tpu.wait_dma2 semaphore(%run_scoped3A : memref<!tpu.dma_semaphore, #tpu.memory_space<semaphore_mem>>) src(%dma_wait3A_72 : memref<40x64xf32, #tpu.memory_space<vmem>>) dst(%dma_wait3A_69 : memref<40x64xf32, #tpu.memory_space<vmem_shared>>)
      tpu.yield
    }) : () -> ()
    %barrier3A = arith.constant 0 : index
    tpu.barrier barrier_id(%barrier3A)
    %scan3A_14 = arith.constant 0 : i32
    %scan3A_15 = arith.constant 7 : i32
    %scan3A_16 = arith.addi %scan3A_14, %scan3A_15 : i32
    %scan3A_17 = arith.constant 1 : i32
    scf.for %scan3A_54 = %scan3A_14 to %scan3A_16 step %scan3A_17  : i32 {
      %mul3A_55 = arith.constant 1 : i32
      %mul3A_56 = arith.muli %scan3A_54, %mul3A_55 : i32
      %add3A_57 = arith.constant 0 : i32
      %add3A_58 = arith.addi %add3A_57, %mul3A_56 : i32
      "tpu.region"() ({
        %run_scoped3A = tpu.sem_alloc : memref<!tpu.dma_semaphore, #tpu.memory_space<semaphore_mem>>
        %dma_start3A_78 = arith.constant 0 : i32
        %dma_start3A_79 = arith.constant 0 : i32
        %dma_start3A_80 = tpu.memref_slice %arg13[%dma_start3A_78, %dma_start3A_79] : memref<14x128xi32, #tpu.memory_space<vmem>> -> memref<14x128xi32, #tpu.memory_space<vmem>>
        %dma_start3A_81 = arith.constant 0 : i32
        %dma_start3A_82 = arith.constant 0 : i32
        %dma_start3A_83 = tpu.memref_slice %arg5[%arg1, %add3A_58, %dma_start3A_81, %dma_start3A_82] : memref<16x7x14x128xi32, #tpu.memory_space<hbm>> -> memref<1x1x14x128xi32, #tpu.memory_space<hbm>>
        %dma_start3A_84 = tpu.memref_squeeze %dma_start3A_83 : memref<1x1x14x128xi32, #tpu.memory_space<hbm>> -> memref<14x128xi32, #tpu.memory_space<hbm>>
        %dma_start3A_85 = arith.constant 0 : i32
        %dma_start3A_86 = arith.constant 0 : i32
        %dma_start3A_87 = tpu.memref_slice %arg13[%dma_start3A_85, %dma_start3A_86] : memref<14x128xi32, #tpu.memory_space<vmem>> -> memref<14x128xi32, #tpu.memory_space<vmem>>
        %dma_start3A_88 = arith.constant 0 : i32
        %dma_start3A_89 = arith.constant 0 : i32
        %dma_start3A_90 = tpu.memref_slice %arg5[%arg1, %add3A_58, %dma_start3A_88, %dma_start3A_89] : memref<16x7x14x128xi32, #tpu.memory_space<hbm>> -> memref<1x1x14x128xi32, #tpu.memory_space<hbm>>
        %dma_start3A_91 = tpu.memref_squeeze %dma_start3A_90 : memref<1x1x14x128xi32, #tpu.memory_space<hbm>> -> memref<14x128xi32, #tpu.memory_space<hbm>>
        tpu.enqueue_dma source(%dma_start3A_91 : memref<14x128xi32, #tpu.memory_space<hbm>>) target(%dma_start3A_87 : memref<14x128xi32, #tpu.memory_space<vmem>>) target_semaphore(%run_scoped3A : memref<!tpu.dma_semaphore, #tpu.memory_space<semaphore_mem>>)
        %dma_wait3A = arith.constant 0 : i32
        %dma_wait3A_92 = arith.constant 0 : i32
        %dma_wait3A_93 = tpu.memref_slice %arg13[%dma_wait3A, %dma_wait3A_92] : memref<14x128xi32, #tpu.memory_space<vmem>> -> memref<14x128xi32, #tpu.memory_space<vmem>>
        %dma_wait3A_94 = arith.constant 0 : i32
        %dma_wait3A_95 = arith.constant 0 : i32
        %dma_wait3A_96 = tpu.memref_slice %arg5[%arg1, %add3A_58, %dma_wait3A_94, %dma_wait3A_95] : memref<16x7x14x128xi32, #tpu.memory_space<hbm>> -> memref<1x1x14x128xi32, #tpu.memory_space<hbm>>
        %dma_wait3A_97 = tpu.memref_squeeze %dma_wait3A_96 : memref<1x1x14x128xi32, #tpu.memory_space<hbm>> -> memref<14x128xi32, #tpu.memory_space<hbm>>
        %dma_wait3A_98 = arith.constant 0 : i32
        %dma_wait3A_99 = arith.constant 0 : i32
        %dma_wait3A_100 = tpu.memref_slice %arg13[%dma_wait3A_98, %dma_wait3A_99] : memref<14x128xi32, #tpu.memory_space<vmem>> -> memref<14x128xi32, #tpu.memory_space<vmem>>
        %dma_wait3A_101 = arith.constant 0 : i32
        %dma_wait3A_102 = arith.constant 0 : i32
        %dma_wait3A_103 = tpu.memref_slice %arg5[%arg1, %add3A_58, %dma_wait3A_101, %dma_wait3A_102] : memref<16x7x14x128xi32, #tpu.memory_space<hbm>> -> memref<1x1x14x128xi32, #tpu.memory_space<hbm>>
        %dma_wait3A_104 = tpu.memref_squeeze %dma_wait3A_103 : memref<1x1x14x128xi32, #tpu.memory_space<hbm>> -> memref<14x128xi32, #tpu.memory_space<hbm>>
        tpu.wait_dma2 semaphore(%run_scoped3A : memref<!tpu.dma_semaphore, #tpu.memory_space<semaphore_mem>>) src(%dma_wait3A_104 : memref<14x128xi32, #tpu.memory_space<hbm>>) dst(%dma_wait3A_100 : memref<14x128xi32, #tpu.memory_space<vmem>>)
        tpu.yield
      }) : () -> ()
      "tpu.region"() ({
        %run_scoped3A = tpu.sem_alloc : memref<!tpu.dma_semaphore, #tpu.memory_space<semaphore_mem>>
        %dma_start3A_78 = arith.constant 0 : i32
        %dma_start3A_79 = arith.constant 0 : i32
        %dma_start3A_80 = tpu.memref_slice %arg14[%dma_start3A_78, %dma_start3A_79] : memref<14x128xi32, #tpu.memory_space<vmem>> -> memref<14x128xi32, #tpu.memory_space<vmem>>
        %dma_start3A_81 = arith.constant 0 : i32
        %dma_start3A_82 = arith.constant 0 : i32
        %dma_start3A_83 = tpu.memref_slice %arg6[%arg0, %arg1, %add3A_58, %dma_start3A_81, %dma_start3A_82] : memref<2x16x7x14x128xi32, #tpu.memory_space<hbm>> -> memref<1x1x1x14x128xi32, #tpu.memory_space<hbm>>
        %dma_start3A_84 = tpu.memref_squeeze %dma_start3A_83 : memref<1x1x1x14x128xi32, #tpu.memory_space<hbm>> -> memref<14x128xi32, #tpu.memory_space<hbm>>
        %dma_start3A_85 = arith.constant 0 : i32
        %dma_start3A_86 = arith.constant 0 : i32
        %dma_start3A_87 = tpu.memref_slice %arg14[%dma_start3A_85, %dma_start3A_86] : memref<14x128xi32, #tpu.memory_space<vmem>> -> memref<14x128xi32, #tpu.memory_space<vmem>>
        %dma_start3A_88 = arith.constant 0 : i32
        %dma_start3A_89 = arith.constant 0 : i32
        %dma_start3A_90 = tpu.memref_slice %arg6[%arg0, %arg1, %add3A_58, %dma_start3A_88, %dma_start3A_89] : memref<2x16x7x14x128xi32, #tpu.memory_space<hbm>> -> memref<1x1x1x14x128xi32, #tpu.memory_space<hbm>>
        %dma_start3A_91 = tpu.memref_squeeze %dma_start3A_90 : memref<1x1x1x14x128xi32, #tpu.memory_space<hbm>> -> memref<14x128xi32, #tpu.memory_space<hbm>>
        tpu.enqueue_dma source(%dma_start3A_91 : memref<14x128xi32, #tpu.memory_space<hbm>>) target(%dma_start3A_87 : memref<14x128xi32, #tpu.memory_space<vmem>>) target_semaphore(%run_scoped3A : memref<!tpu.dma_semaphore, #tpu.memory_space<semaphore_mem>>)
        %dma_wait3A = arith.constant 0 : i32
        %dma_wait3A_92 = arith.constant 0 : i32
        %dma_wait3A_93 = tpu.memref_slice %arg14[%dma_wait3A, %dma_wait3A_92] : memref<14x128xi32, #tpu.memory_space<vmem>> -> memref<14x128xi32, #tpu.memory_space<vmem>>
        %dma_wait3A_94 = arith.constant 0 : i32
        %dma_wait3A_95 = arith.constant 0 : i32
        %dma_wait3A_96 = tpu.memref_slice %arg6[%arg0, %arg1, %add3A_58, %dma_wait3A_94, %dma_wait3A_95] : memref<2x16x7x14x128xi32, #tpu.memory_space<hbm>> -> memref<1x1x1x14x128xi32, #tpu.memory_space<hbm>>
        %dma_wait3A_97 = tpu.memref_squeeze %dma_wait3A_96 : memref<1x1x1x14x128xi32, #tpu.memory_space<hbm>> -> memref<14x128xi32, #tpu.memory_space<hbm>>
        %dma_wait3A_98 = arith.constant 0 : i32
        %dma_wait3A_99 = arith.constant 0 : i32
        %dma_wait3A_100 = tpu.memref_slice %arg14[%dma_wait3A_98, %dma_wait3A_99] : memref<14x128xi32, #tpu.memory_space<vmem>> -> memref<14x128xi32, #tpu.memory_space<vmem>>
        %dma_wait3A_101 = arith.constant 0 : i32
        %dma_wait3A_102 = arith.constant 0 : i32
        %dma_wait3A_103 = tpu.memref_slice %arg6[%arg0, %arg1, %add3A_58, %dma_wait3A_101, %dma_wait3A_102] : memref<2x16x7x14x128xi32, #tpu.memory_space<hbm>> -> memref<1x1x1x14x128xi32, #tpu.memory_space<hbm>>
        %dma_wait3A_104 = tpu.memref_squeeze %dma_wait3A_103 : memref<1x1x1x14x128xi32, #tpu.memory_space<hbm>> -> memref<14x128xi32, #tpu.memory_space<hbm>>
        tpu.wait_dma2 semaphore(%run_scoped3A : memref<!tpu.dma_semaphore, #tpu.memory_space<semaphore_mem>>) src(%dma_wait3A_104 : memref<14x128xi32, #tpu.memory_space<hbm>>) dst(%dma_wait3A_100 : memref<14x128xi32, #tpu.memory_space<vmem>>)
        tpu.yield
      }) : () -> ()
      %dma_start3A_59 = arith.constant 0 : i32
      %dma_start3A_60 = arith.constant 0 : i32
      %dma_start3A_61 = tpu.memref_slice %arg13[%dma_start3A_59, %dma_start3A_60] : memref<14x128xi32, #tpu.memory_space<vmem>> -> memref<1x128xi32, #tpu.memory_space<vmem>>
      %dma_start3A_62 = tpu.memref_squeeze %dma_start3A_61 : memref<1x128xi32, #tpu.memory_space<vmem>> -> memref<128xi32, #tpu.memory_space<vmem>>
      %dma_start3A_63 = arith.constant 0 : i32
      %dma_start3A_64 = arith.constant 0 : i32
      %dma_start3A_65 = tpu.memref_slice %arg2[%dma_start3A_63, %dma_start3A_64] : memref<100000x64xf32, #tpu.memory_space<hbm>> -> memref<100000x64xf32, #tpu.memory_space<hbm>>
      tpu.enqueue_indirect_dma source(%dma_start3A_65 : memref<100000x64xf32, #tpu.memory_space<hbm>>) target(%arg15 : memref<128x64xf32, #tpu.memory_space<vmem>>) offsets(%dma_start3A_62 : memref<128xi32, #tpu.memory_space<vmem>>) semaphore(%arg17 : memref<!tpu.dma_semaphore, #tpu.memory_space<semaphore_mem>>)
      %dma_start3A_66 = arith.constant 1 : i32
      %dma_start3A_67 = arith.constant 0 : i32
      %dma_start3A_68 = tpu.memref_slice %arg13[%dma_start3A_66, %dma_start3A_67] : memref<14x128xi32, #tpu.memory_space<vmem>> -> memref<1x128xi32, #tpu.memory_space<vmem>>
      %dma_start3A_69 = tpu.memref_squeeze %dma_start3A_68 : memref<1x128xi32, #tpu.memory_space<vmem>> -> memref<128xi32, #tpu.memory_space<vmem>>
      %dma_start3A_70 = arith.constant 0 : i32
      %dma_start3A_71 = arith.constant 0 : i32
      %dma_start3A_72 = tpu.memref_slice %arg2[%dma_start3A_70, %dma_start3A_71] : memref<100000x64xf32, #tpu.memory_space<hbm>> -> memref<100000x64xf32, #tpu.memory_space<hbm>>
      tpu.enqueue_indirect_dma source(%dma_start3A_72 : memref<100000x64xf32, #tpu.memory_space<hbm>>) target(%arg16 : memref<128x64xf32, #tpu.memory_space<vmem>>) offsets(%dma_start3A_69 : memref<128xi32, #tpu.memory_space<vmem>>) semaphore(%arg18 : memref<!tpu.dma_semaphore, #tpu.memory_space<semaphore_mem>>)
      %scan3A_73 = arith.constant 0 : i32
      %scan3A_74 = arith.constant 7 : i32
      %scan3A_75 = arith.addi %scan3A_73, %scan3A_74 : i32
      %scan3A_76 = arith.constant 1 : i32
      scf.for %scan3A_78 = %scan3A_73 to %scan3A_75 step %scan3A_76  : i32 {
        %mul3A_79 = arith.constant 1 : i32
        %mul3A_80 = arith.muli %scan3A_78, %mul3A_79 : i32
        %add3A_81 = arith.constant 0 : i32
        %add3A_82 = arith.addi %add3A_81, %mul3A_80 : i32
        %mul3A_83 = arith.constant 2 : i32
        %mul3A_84 = arith.muli %mul3A_83, %add3A_82 : i32
        %add3A_85 = arith.constant 1 : i32
        %add3A_86 = arith.addi %mul3A_84, %add3A_85 : i32
        %dma_wait3A = arith.constant 0 : i32
        %dma_wait3A_87 = tpu.memref_slice %arg13[%mul3A_84, %dma_wait3A] : memref<14x128xi32, #tpu.memory_space<vmem>> -> memref<1x128xi32, #tpu.memory_space<vmem>>
        %dma_wait3A_88 = tpu.memref_squeeze %dma_wait3A_87 : memref<1x128xi32, #tpu.memory_space<vmem>> -> memref<128xi32, #tpu.memory_space<vmem>>
        %dma_wait3A_89 = arith.constant 0 : i32
        %dma_wait3A_90 = arith.constant 0 : i32
        %dma_wait3A_91 = tpu.memref_slice %arg2[%dma_wait3A_89, %dma_wait3A_90] : memref<100000x64xf32, #tpu.memory_space<hbm>> -> memref<100000x64xf32, #tpu.memory_space<hbm>>
        tpu.wait_indirect_dma semaphore(%arg17 : memref<!tpu.dma_semaphore, #tpu.memory_space<semaphore_mem>>) src(%dma_wait3A_91 : memref<100000x64xf32, #tpu.memory_space<hbm>>) dst(%arg15 : memref<128x64xf32, #tpu.memory_space<vmem>>)
        "tpu.region"() ({
          %run_scoped3A = tpu.sem_alloc : memref<!tpu.dma_semaphore, #tpu.memory_space<semaphore_mem>>
          %dma_start3A_105 = arith.constant 0 : i32
          %dma_start3A_106 = tpu.memref_slice %arg14[%mul3A_84, %dma_start3A_105] : memref<14x128xi32, #tpu.memory_space<vmem>> -> memref<1x128xi32, #tpu.memory_space<vmem>>
          %dma_start3A_107 = tpu.memref_squeeze %dma_start3A_106 : memref<1x128xi32, #tpu.memory_space<vmem>> -> memref<128xi32, #tpu.memory_space<vmem>>
          %dma_start3A_108 = arith.constant 0 : i32
          %dma_start3A_109 = arith.constant 0 : i32
          %dma_start3A_110 = tpu.memref_slice %arg12[%dma_start3A_108, %dma_start3A_109] : memref<25216x64xf32, #tpu.memory_space<vmem_shared>> -> memref<25216x64xf32, #tpu.memory_space<vmem_shared>>
          tpu.enqueue_indirect_dma source(%arg15 : memref<128x64xf32, #tpu.memory_space<vmem>>) target(%dma_start3A_110 : memref<25216x64xf32, #tpu.memory_space<vmem_shared>>) offsets(%dma_start3A_107 : memref<128xi32, #tpu.memory_space<vmem>>) semaphore(%run_scoped3A : memref<!tpu.dma_semaphore, #tpu.memory_space<semaphore_mem>>) {add = true}
          %dma_wait3A_111 = arith.constant 0 : i32
          %dma_wait3A_112 = tpu.memref_slice %arg14[%mul3A_84, %dma_wait3A_111] : memref<14x128xi32, #tpu.memory_space<vmem>> -> memref<1x128xi32, #tpu.memory_space<vmem>>
          %dma_wait3A_113 = tpu.memref_squeeze %dma_wait3A_112 : memref<1x128xi32, #tpu.memory_space<vmem>> -> memref<128xi32, #tpu.memory_space<vmem>>
          %dma_wait3A_114 = arith.constant 0 : i32
          %dma_wait3A_115 = arith.constant 0 : i32
          %dma_wait3A_116 = tpu.memref_slice %arg12[%dma_wait3A_114, %dma_wait3A_115] : memref<25216x64xf32, #tpu.memory_space<vmem_shared>> -> memref<25216x64xf32, #tpu.memory_space<vmem_shared>>
          tpu.wait_indirect_dma semaphore(%run_scoped3A : memref<!tpu.dma_semaphore, #tpu.memory_space<semaphore_mem>>) src(%arg15 : memref<128x64xf32, #tpu.memory_space<vmem>>) dst(%dma_wait3A_116 : memref<25216x64xf32, #tpu.memory_space<vmem_shared>>)
          tpu.yield
        }) : () -> ()
        %lt3A = arith.constant 6 : i32
        %lt3A_92 = arith.cmpi slt, %add3A_82, %lt3A : i32
        %convert_element_type3A = arith.extui %lt3A_92 : i1 to i32
        %cond3A = arith.constant 0 : i32
        %cond3A_93 = arith.cmpi ne, %convert_element_type3A, %cond3A : i32
        scf.if %cond3A_93 {
          %add3A_105 = arith.constant 2 : i32
          %add3A_106 = arith.addi %mul3A_84, %add3A_105 : i32
          %dma_start3A_107 = arith.constant 0 : i32
          %dma_start3A_108 = tpu.memref_slice %arg13[%add3A_106, %dma_start3A_107] : memref<14x128xi32, #tpu.memory_space<vmem>> -> memref<1x128xi32, #tpu.memory_space<vmem>>
          %dma_start3A_109 = tpu.memref_squeeze %dma_start3A_108 : memref<1x128xi32, #tpu.memory_space<vmem>> -> memref<128xi32, #tpu.memory_space<vmem>>
          %dma_start3A_110 = arith.constant 0 : i32
          %dma_start3A_111 = arith.constant 0 : i32
          %dma_start3A_112 = tpu.memref_slice %arg2[%dma_start3A_110, %dma_start3A_111] : memref<100000x64xf32, #tpu.memory_space<hbm>> -> memref<100000x64xf32, #tpu.memory_space<hbm>>
          tpu.enqueue_indirect_dma source(%dma_start3A_112 : memref<100000x64xf32, #tpu.memory_space<hbm>>) target(%arg15 : memref<128x64xf32, #tpu.memory_space<vmem>>) offsets(%dma_start3A_109 : memref<128xi32, #tpu.memory_space<vmem>>) semaphore(%arg17 : memref<!tpu.dma_semaphore, #tpu.memory_space<semaphore_mem>>)
        } else {
        }
        %dma_wait3A_94 = arith.constant 0 : i32
        %dma_wait3A_95 = tpu.memref_slice %arg13[%add3A_86, %dma_wait3A_94] : memref<14x128xi32, #tpu.memory_space<vmem>> -> memref<1x128xi32, #tpu.memory_space<vmem>>
        %dma_wait3A_96 = tpu.memref_squeeze %dma_wait3A_95 : memref<1x128xi32, #tpu.memory_space<vmem>> -> memref<128xi32, #tpu.memory_space<vmem>>
        %dma_wait3A_97 = arith.constant 0 : i32
        %dma_wait3A_98 = arith.constant 0 : i32
        %dma_wait3A_99 = tpu.memref_slice %arg2[%dma_wait3A_97, %dma_wait3A_98] : memref<100000x64xf32, #tpu.memory_space<hbm>> -> memref<100000x64xf32, #tpu.memory_space<hbm>>
        tpu.wait_indirect_dma semaphore(%arg18 : memref<!tpu.dma_semaphore, #tpu.memory_space<semaphore_mem>>) src(%dma_wait3A_99 : memref<100000x64xf32, #tpu.memory_space<hbm>>) dst(%arg16 : memref<128x64xf32, #tpu.memory_space<vmem>>)
        "tpu.region"() ({
          %run_scoped3A = tpu.sem_alloc : memref<!tpu.dma_semaphore, #tpu.memory_space<semaphore_mem>>
          %dma_start3A_105 = arith.constant 0 : i32
          %dma_start3A_106 = tpu.memref_slice %arg14[%add3A_86, %dma_start3A_105] : memref<14x128xi32, #tpu.memory_space<vmem>> -> memref<1x128xi32, #tpu.memory_space<vmem>>
          %dma_start3A_107 = tpu.memref_squeeze %dma_start3A_106 : memref<1x128xi32, #tpu.memory_space<vmem>> -> memref<128xi32, #tpu.memory_space<vmem>>
          %dma_start3A_108 = arith.constant 0 : i32
          %dma_start3A_109 = arith.constant 0 : i32
          %dma_start3A_110 = tpu.memref_slice %arg12[%dma_start3A_108, %dma_start3A_109] : memref<25216x64xf32, #tpu.memory_space<vmem_shared>> -> memref<25216x64xf32, #tpu.memory_space<vmem_shared>>
          tpu.enqueue_indirect_dma source(%arg16 : memref<128x64xf32, #tpu.memory_space<vmem>>) target(%dma_start3A_110 : memref<25216x64xf32, #tpu.memory_space<vmem_shared>>) offsets(%dma_start3A_107 : memref<128xi32, #tpu.memory_space<vmem>>) semaphore(%run_scoped3A : memref<!tpu.dma_semaphore, #tpu.memory_space<semaphore_mem>>) {add = true}
          %dma_wait3A_111 = arith.constant 0 : i32
          %dma_wait3A_112 = tpu.memref_slice %arg14[%add3A_86, %dma_wait3A_111] : memref<14x128xi32, #tpu.memory_space<vmem>> -> memref<1x128xi32, #tpu.memory_space<vmem>>
          %dma_wait3A_113 = tpu.memref_squeeze %dma_wait3A_112 : memref<1x128xi32, #tpu.memory_space<vmem>> -> memref<128xi32, #tpu.memory_space<vmem>>
          %dma_wait3A_114 = arith.constant 0 : i32
          %dma_wait3A_115 = arith.constant 0 : i32
          %dma_wait3A_116 = tpu.memref_slice %arg12[%dma_wait3A_114, %dma_wait3A_115] : memref<25216x64xf32, #tpu.memory_space<vmem_shared>> -> memref<25216x64xf32, #tpu.memory_space<vmem_shared>>
          tpu.wait_indirect_dma semaphore(%run_scoped3A : memref<!tpu.dma_semaphore, #tpu.memory_space<semaphore_mem>>) src(%arg16 : memref<128x64xf32, #tpu.memory_space<vmem>>) dst(%dma_wait3A_116 : memref<25216x64xf32, #tpu.memory_space<vmem_shared>>)
          tpu.yield
        }) : () -> ()
        %lt3A_100 = arith.constant 6 : i32
        %lt3A_101 = arith.cmpi slt, %add3A_82, %lt3A_100 : i32
        %convert_element_type3A_102 = arith.extui %lt3A_101 : i1 to i32
        %cond3A_103 = arith.constant 0 : i32
        %cond3A_104 = arith.cmpi ne, %convert_element_type3A_102, %cond3A_103 : i32
        scf.if %cond3A_104 {
          %add3A_105 = arith.constant 2 : i32
          %add3A_106 = arith.addi %add3A_86, %add3A_105 : i32
          %dma_start3A_107 = arith.constant 0 : i32
          %dma_start3A_108 = tpu.memref_slice %arg13[%add3A_106, %dma_start3A_107] : memref<14x128xi32, #tpu.memory_space<vmem>> -> memref<1x128xi32, #tpu.memory_space<vmem>>
          %dma_start3A_109 = tpu.memref_squeeze %dma_start3A_108 : memref<1x128xi32, #tpu.memory_space<vmem>> -> memref<128xi32, #tpu.memory_space<vmem>>
          %dma_start3A_110 = arith.constant 0 : i32
          %dma_start3A_111 = arith.constant 0 : i32
          %dma_start3A_112 = tpu.memref_slice %arg2[%dma_start3A_110, %dma_start3A_111] : memref<100000x64xf32, #tpu.memory_space<hbm>> -> memref<100000x64xf32, #tpu.memory_space<hbm>>
          tpu.enqueue_indirect_dma source(%dma_start3A_112 : memref<100000x64xf32, #tpu.memory_space<hbm>>) target(%arg16 : memref<128x64xf32, #tpu.memory_space<vmem>>) offsets(%dma_start3A_109 : memref<128xi32, #tpu.memory_space<vmem>>) semaphore(%arg18 : memref<!tpu.dma_semaphore, #tpu.memory_space<semaphore_mem>>)
        } else {
        }
      }
      %scan3A_77 = arith.constant 7 : i32
    }
    %scan3A_18 = arith.constant 7 : i32
    %scan3A_19 = arith.constant 0 : i32
    %mul3A_20 = arith.constant 1 : i32
    %mul3A_21 = arith.muli %scan3A_19, %mul3A_20 : i32
    %add3A_22 = arith.constant 0 : i32
    %add3A_23 = arith.addi %add3A_22, %mul3A_21 : i32
    "tpu.region"() ({
      %run_scoped3A = tpu.sem_alloc : memref<!tpu.dma_semaphore, #tpu.memory_space<semaphore_mem>>
      %dma_start3A_54 = arith.constant 0 : i32
      %dma_start3A_55 = arith.constant 0 : i32
      %dma_start3A_56 = tpu.memref_slice %arg13[%dma_start3A_54, %dma_start3A_55] : memref<14x128xi32, #tpu.memory_space<vmem>> -> memref<10x128xi32, #tpu.memory_space<vmem>>
      %dma_start3A_57 = arith.constant 0 : i32
      %dma_start3A_58 = arith.constant 0 : i32
      %dma_start3A_59 = tpu.memref_slice %arg7[%arg1, %add3A_23, %dma_start3A_57, %dma_start3A_58] : memref<16x1x10x128xi32, #tpu.memory_space<hbm>> -> memref<1x1x10x128xi32, #tpu.memory_space<hbm>>
      %dma_start3A_60 = tpu.memref_squeeze %dma_start3A_59 : memref<1x1x10x128xi32, #tpu.memory_space<hbm>> -> memref<10x128xi32, #tpu.memory_space<hbm>>
      %dma_start3A_61 = arith.constant 0 : i32
      %dma_start3A_62 = arith.constant 0 : i32
      %dma_start3A_63 = tpu.memref_slice %arg13[%dma_start3A_61, %dma_start3A_62] : memref<14x128xi32, #tpu.memory_space<vmem>> -> memref<10x128xi32, #tpu.memory_space<vmem>>
      %dma_start3A_64 = arith.constant 0 : i32
      %dma_start3A_65 = arith.constant 0 : i32
      %dma_start3A_66 = tpu.memref_slice %arg7[%arg1, %add3A_23, %dma_start3A_64, %dma_start3A_65] : memref<16x1x10x128xi32, #tpu.memory_space<hbm>> -> memref<1x1x10x128xi32, #tpu.memory_space<hbm>>
      %dma_start3A_67 = tpu.memref_squeeze %dma_start3A_66 : memref<1x1x10x128xi32, #tpu.memory_space<hbm>> -> memref<10x128xi32, #tpu.memory_space<hbm>>
      tpu.enqueue_dma source(%dma_start3A_67 : memref<10x128xi32, #tpu.memory_space<hbm>>) target(%dma_start3A_63 : memref<10x128xi32, #tpu.memory_space<vmem>>) target_semaphore(%run_scoped3A : memref<!tpu.dma_semaphore, #tpu.memory_space<semaphore_mem>>)
      %dma_wait3A = arith.constant 0 : i32
      %dma_wait3A_68 = arith.constant 0 : i32
      %dma_wait3A_69 = tpu.memref_slice %arg13[%dma_wait3A, %dma_wait3A_68] : memref<14x128xi32, #tpu.memory_space<vmem>> -> memref<10x128xi32, #tpu.memory_space<vmem>>
      %dma_wait3A_70 = arith.constant 0 : i32
      %dma_wait3A_71 = arith.constant 0 : i32
      %dma_wait3A_72 = tpu.memref_slice %arg7[%arg1, %add3A_23, %dma_wait3A_70, %dma_wait3A_71] : memref<16x1x10x128xi32, #tpu.memory_space<hbm>> -> memref<1x1x10x128xi32, #tpu.memory_space<hbm>>
      %dma_wait3A_73 = tpu.memref_squeeze %dma_wait3A_72 : memref<1x1x10x128xi32, #tpu.memory_space<hbm>> -> memref<10x128xi32, #tpu.memory_space<hbm>>
      %dma_wait3A_74 = arith.constant 0 : i32
      %dma_wait3A_75 = arith.constant 0 : i32
      %dma_wait3A_76 = tpu.memref_slice %arg13[%dma_wait3A_74, %dma_wait3A_75] : memref<14x128xi32, #tpu.memory_space<vmem>> -> memref<10x128xi32, #tpu.memory_space<vmem>>
      %dma_wait3A_77 = arith.constant 0 : i32
      %dma_wait3A_78 = arith.constant 0 : i32
      %dma_wait3A_79 = tpu.memref_slice %arg7[%arg1, %add3A_23, %dma_wait3A_77, %dma_wait3A_78] : memref<16x1x10x128xi32, #tpu.memory_space<hbm>> -> memref<1x1x10x128xi32, #tpu.memory_space<hbm>>
      %dma_wait3A_80 = tpu.memref_squeeze %dma_wait3A_79 : memref<1x1x10x128xi32, #tpu.memory_space<hbm>> -> memref<10x128xi32, #tpu.memory_space<hbm>>
      tpu.wait_dma2 semaphore(%run_scoped3A : memref<!tpu.dma_semaphore, #tpu.memory_space<semaphore_mem>>) src(%dma_wait3A_80 : memref<10x128xi32, #tpu.memory_space<hbm>>) dst(%dma_wait3A_76 : memref<10x128xi32, #tpu.memory_space<vmem>>)
      tpu.yield
    }) : () -> ()
    "tpu.region"() ({
      %run_scoped3A = tpu.sem_alloc : memref<!tpu.dma_semaphore, #tpu.memory_space<semaphore_mem>>
      %dma_start3A_54 = arith.constant 0 : i32
      %dma_start3A_55 = arith.constant 0 : i32
      %dma_start3A_56 = tpu.memref_slice %arg14[%dma_start3A_54, %dma_start3A_55] : memref<14x128xi32, #tpu.memory_space<vmem>> -> memref<10x128xi32, #tpu.memory_space<vmem>>
      %dma_start3A_57 = arith.constant 0 : i32
      %dma_start3A_58 = arith.constant 0 : i32
      %dma_start3A_59 = tpu.memref_slice %arg8[%arg0, %arg1, %add3A_23, %dma_start3A_57, %dma_start3A_58] : memref<2x16x1x10x128xi32, #tpu.memory_space<hbm>> -> memref<1x1x1x10x128xi32, #tpu.memory_space<hbm>>
      %dma_start3A_60 = tpu.memref_squeeze %dma_start3A_59 : memref<1x1x1x10x128xi32, #tpu.memory_space<hbm>> -> memref<10x128xi32, #tpu.memory_space<hbm>>
      %dma_start3A_61 = arith.constant 0 : i32
      %dma_start3A_62 = arith.constant 0 : i32
      %dma_start3A_63 = tpu.memref_slice %arg14[%dma_start3A_61, %dma_start3A_62] : memref<14x128xi32, #tpu.memory_space<vmem>> -> memref<10x128xi32, #tpu.memory_space<vmem>>
      %dma_start3A_64 = arith.constant 0 : i32
      %dma_start3A_65 = arith.constant 0 : i32
      %dma_start3A_66 = tpu.memref_slice %arg8[%arg0, %arg1, %add3A_23, %dma_start3A_64, %dma_start3A_65] : memref<2x16x1x10x128xi32, #tpu.memory_space<hbm>> -> memref<1x1x1x10x128xi32, #tpu.memory_space<hbm>>
      %dma_start3A_67 = tpu.memref_squeeze %dma_start3A_66 : memref<1x1x1x10x128xi32, #tpu.memory_space<hbm>> -> memref<10x128xi32, #tpu.memory_space<hbm>>
      tpu.enqueue_dma source(%dma_start3A_67 : memref<10x128xi32, #tpu.memory_space<hbm>>) target(%dma_start3A_63 : memref<10x128xi32, #tpu.memory_space<vmem>>) target_semaphore(%run_scoped3A : memref<!tpu.dma_semaphore, #tpu.memory_space<semaphore_mem>>)
      %dma_wait3A = arith.constant 0 : i32
      %dma_wait3A_68 = arith.constant 0 : i32
      %dma_wait3A_69 = tpu.memref_slice %arg14[%dma_wait3A, %dma_wait3A_68] : memref<14x128xi32, #tpu.memory_space<vmem>> -> memref<10x128xi32, #tpu.memory_space<vmem>>
      %dma_wait3A_70 = arith.constant 0 : i32
      %dma_wait3A_71 = arith.constant 0 : i32
      %dma_wait3A_72 = tpu.memref_slice %arg8[%arg0, %arg1, %add3A_23, %dma_wait3A_70, %dma_wait3A_71] : memref<2x16x1x10x128xi32, #tpu.memory_space<hbm>> -> memref<1x1x1x10x128xi32, #tpu.memory_space<hbm>>
      %dma_wait3A_73 = tpu.memref_squeeze %dma_wait3A_72 : memref<1x1x1x10x128xi32, #tpu.memory_space<hbm>> -> memref<10x128xi32, #tpu.memory_space<hbm>>
      %dma_wait3A_74 = arith.constant 0 : i32
      %dma_wait3A_75 = arith.constant 0 : i32
      %dma_wait3A_76 = tpu.memref_slice %arg14[%dma_wait3A_74, %dma_wait3A_75] : memref<14x128xi32, #tpu.memory_space<vmem>> -> memref<10x128xi32, #tpu.memory_space<vmem>>
      %dma_wait3A_77 = arith.constant 0 : i32
      %dma_wait3A_78 = arith.constant 0 : i32
      %dma_wait3A_79 = tpu.memref_slice %arg8[%arg0, %arg1, %add3A_23, %dma_wait3A_77, %dma_wait3A_78] : memref<2x16x1x10x128xi32, #tpu.memory_space<hbm>> -> memref<1x1x1x10x128xi32, #tpu.memory_space<hbm>>
      %dma_wait3A_80 = tpu.memref_squeeze %dma_wait3A_79 : memref<1x1x1x10x128xi32, #tpu.memory_space<hbm>> -> memref<10x128xi32, #tpu.memory_space<hbm>>
      tpu.wait_dma2 semaphore(%run_scoped3A : memref<!tpu.dma_semaphore, #tpu.memory_space<semaphore_mem>>) src(%dma_wait3A_80 : memref<10x128xi32, #tpu.memory_space<hbm>>) dst(%dma_wait3A_76 : memref<10x128xi32, #tpu.memory_space<vmem>>)
      tpu.yield
    }) : () -> ()
    %dma_start3A = arith.constant 0 : i32
    %dma_start3A_24 = arith.constant 0 : i32
    %dma_start3A_25 = tpu.memref_slice %arg13[%dma_start3A, %dma_start3A_24] : memref<14x128xi32, #tpu.memory_space<vmem>> -> memref<1x128xi32, #tpu.memory_space<vmem>>
    %dma_start3A_26 = tpu.memref_squeeze %dma_start3A_25 : memref<1x128xi32, #tpu.memory_space<vmem>> -> memref<128xi32, #tpu.memory_space<vmem>>
    %dma_start3A_27 = arith.constant 0 : i32
    %dma_start3A_28 = arith.constant 0 : i32
    %dma_start3A_29 = tpu.memref_slice %arg3[%dma_start3A_27, %dma_start3A_28] : memref<10000x64xf32, #tpu.memory_space<hbm>> -> memref<10000x64xf32, #tpu.memory_space<hbm>>
    tpu.enqueue_indirect_dma source(%dma_start3A_29 : memref<10000x64xf32, #tpu.memory_space<hbm>>) target(%arg15 : memref<128x64xf32, #tpu.memory_space<vmem>>) offsets(%dma_start3A_26 : memref<128xi32, #tpu.memory_space<vmem>>) semaphore(%arg17 : memref<!tpu.dma_semaphore, #tpu.memory_space<semaphore_mem>>)
    %dma_start3A_30 = arith.constant 1 : i32
    %dma_start3A_31 = arith.constant 0 : i32
    %dma_start3A_32 = tpu.memref_slice %arg13[%dma_start3A_30, %dma_start3A_31] : memref<14x128xi32, #tpu.memory_space<vmem>> -> memref<1x128xi32, #tpu.memory_space<vmem>>
    %dma_start3A_33 = tpu.memref_squeeze %dma_start3A_32 : memref<1x128xi32, #tpu.memory_space<vmem>> -> memref<128xi32, #tpu.memory_space<vmem>>
    %dma_start3A_34 = arith.constant 0 : i32
    %dma_start3A_35 = arith.constant 0 : i32
    %dma_start3A_36 = tpu.memref_slice %arg3[%dma_start3A_34, %dma_start3A_35] : memref<10000x64xf32, #tpu.memory_space<hbm>> -> memref<10000x64xf32, #tpu.memory_space<hbm>>
    tpu.enqueue_indirect_dma source(%dma_start3A_36 : memref<10000x64xf32, #tpu.memory_space<hbm>>) target(%arg16 : memref<128x64xf32, #tpu.memory_space<vmem>>) offsets(%dma_start3A_33 : memref<128xi32, #tpu.memory_space<vmem>>) semaphore(%arg18 : memref<!tpu.dma_semaphore, #tpu.memory_space<semaphore_mem>>)
    %scan3A_37 = arith.constant 0 : i32
    %scan3A_38 = arith.constant 5 : i32
    %scan3A_39 = arith.addi %scan3A_37, %scan3A_38 : i32
    %scan3A_40 = arith.constant 1 : i32
    scf.for %scan3A_54 = %scan3A_37 to %scan3A_39 step %scan3A_40  : i32 {
      %mul3A_55 = arith.constant 1 : i32
      %mul3A_56 = arith.muli %scan3A_54, %mul3A_55 : i32
      %add3A_57 = arith.constant 0 : i32
      %add3A_58 = arith.addi %add3A_57, %mul3A_56 : i32
      %mul3A_59 = arith.constant 2 : i32
      %mul3A_60 = arith.muli %mul3A_59, %add3A_58 : i32
      %add3A_61 = arith.constant 1 : i32
      %add3A_62 = arith.addi %mul3A_60, %add3A_61 : i32
      %dma_wait3A = arith.constant 0 : i32
      %dma_wait3A_63 = tpu.memref_slice %arg13[%mul3A_60, %dma_wait3A] : memref<14x128xi32, #tpu.memory_space<vmem>> -> memref<1x128xi32, #tpu.memory_space<vmem>>
      %dma_wait3A_64 = tpu.memref_squeeze %dma_wait3A_63 : memref<1x128xi32, #tpu.memory_space<vmem>> -> memref<128xi32, #tpu.memory_space<vmem>>
      %dma_wait3A_65 = arith.constant 0 : i32
      %dma_wait3A_66 = arith.constant 0 : i32
      %dma_wait3A_67 = tpu.memref_slice %arg3[%dma_wait3A_65, %dma_wait3A_66] : memref<10000x64xf32, #tpu.memory_space<hbm>> -> memref<10000x64xf32, #tpu.memory_space<hbm>>
      tpu.wait_indirect_dma semaphore(%arg17 : memref<!tpu.dma_semaphore, #tpu.memory_space<semaphore_mem>>) src(%dma_wait3A_67 : memref<10000x64xf32, #tpu.memory_space<hbm>>) dst(%arg15 : memref<128x64xf32, #tpu.memory_space<vmem>>)
      "tpu.region"() ({
        %run_scoped3A = tpu.sem_alloc : memref<!tpu.dma_semaphore, #tpu.memory_space<semaphore_mem>>
        %dma_start3A_81 = arith.constant 0 : i32
        %dma_start3A_82 = tpu.memref_slice %arg14[%mul3A_60, %dma_start3A_81] : memref<14x128xi32, #tpu.memory_space<vmem>> -> memref<1x128xi32, #tpu.memory_space<vmem>>
        %dma_start3A_83 = tpu.memref_squeeze %dma_start3A_82 : memref<1x128xi32, #tpu.memory_space<vmem>> -> memref<128xi32, #tpu.memory_space<vmem>>
        %dma_start3A_84 = arith.constant 0 : i32
        %dma_start3A_85 = arith.constant 0 : i32
        %dma_start3A_86 = tpu.memref_slice %arg12[%dma_start3A_84, %dma_start3A_85] : memref<25216x64xf32, #tpu.memory_space<vmem_shared>> -> memref<25216x64xf32, #tpu.memory_space<vmem_shared>>
        tpu.enqueue_indirect_dma source(%arg15 : memref<128x64xf32, #tpu.memory_space<vmem>>) target(%dma_start3A_86 : memref<25216x64xf32, #tpu.memory_space<vmem_shared>>) offsets(%dma_start3A_83 : memref<128xi32, #tpu.memory_space<vmem>>) semaphore(%run_scoped3A : memref<!tpu.dma_semaphore, #tpu.memory_space<semaphore_mem>>) {add = true}
        %dma_wait3A_87 = arith.constant 0 : i32
        %dma_wait3A_88 = tpu.memref_slice %arg14[%mul3A_60, %dma_wait3A_87] : memref<14x128xi32, #tpu.memory_space<vmem>> -> memref<1x128xi32, #tpu.memory_space<vmem>>
        %dma_wait3A_89 = tpu.memref_squeeze %dma_wait3A_88 : memref<1x128xi32, #tpu.memory_space<vmem>> -> memref<128xi32, #tpu.memory_space<vmem>>
        %dma_wait3A_90 = arith.constant 0 : i32
        %dma_wait3A_91 = arith.constant 0 : i32
        %dma_wait3A_92 = tpu.memref_slice %arg12[%dma_wait3A_90, %dma_wait3A_91] : memref<25216x64xf32, #tpu.memory_space<vmem_shared>> -> memref<25216x64xf32, #tpu.memory_space<vmem_shared>>
        tpu.wait_indirect_dma semaphore(%run_scoped3A : memref<!tpu.dma_semaphore, #tpu.memory_space<semaphore_mem>>) src(%arg15 : memref<128x64xf32, #tpu.memory_space<vmem>>) dst(%dma_wait3A_92 : memref<25216x64xf32, #tpu.memory_space<vmem_shared>>)
        tpu.yield
      }) : () -> ()
      %lt3A = arith.constant 4 : i32
      %lt3A_68 = arith.cmpi slt, %add3A_58, %lt3A : i32
      %convert_element_type3A = arith.extui %lt3A_68 : i1 to i32
      %cond3A = arith.constant 0 : i32
      %cond3A_69 = arith.cmpi ne, %convert_element_type3A, %cond3A : i32
      scf.if %cond3A_69 {
        %add3A_81 = arith.constant 2 : i32
        %add3A_82 = arith.addi %mul3A_60, %add3A_81 : i32
        %dma_start3A_83 = arith.constant 0 : i32
        %dma_start3A_84 = tpu.memref_slice %arg13[%add3A_82, %dma_start3A_83] : memref<14x128xi32, #tpu.memory_space<vmem>> -> memref<1x128xi32, #tpu.memory_space<vmem>>
        %dma_start3A_85 = tpu.memref_squeeze %dma_start3A_84 : memref<1x128xi32, #tpu.memory_space<vmem>> -> memref<128xi32, #tpu.memory_space<vmem>>
        %dma_start3A_86 = arith.constant 0 : i32
        %dma_start3A_87 = arith.constant 0 : i32
        %dma_start3A_88 = tpu.memref_slice %arg3[%dma_start3A_86, %dma_start3A_87] : memref<10000x64xf32, #tpu.memory_space<hbm>> -> memref<10000x64xf32, #tpu.memory_space<hbm>>
        tpu.enqueue_indirect_dma source(%dma_start3A_88 : memref<10000x64xf32, #tpu.memory_space<hbm>>) target(%arg15 : memref<128x64xf32, #tpu.memory_space<vmem>>) offsets(%dma_start3A_85 : memref<128xi32, #tpu.memory_space<vmem>>) semaphore(%arg17 : memref<!tpu.dma_semaphore, #tpu.memory_space<semaphore_mem>>)
      } else {
      }
      %dma_wait3A_70 = arith.constant 0 : i32
      %dma_wait3A_71 = tpu.memref_slice %arg13[%add3A_62, %dma_wait3A_70] : memref<14x128xi32, #tpu.memory_space<vmem>> -> memref<1x128xi32, #tpu.memory_space<vmem>>
      %dma_wait3A_72 = tpu.memref_squeeze %dma_wait3A_71 : memref<1x128xi32, #tpu.memory_space<vmem>> -> memref<128xi32, #tpu.memory_space<vmem>>
      %dma_wait3A_73 = arith.constant 0 : i32
      %dma_wait3A_74 = arith.constant 0 : i32
      %dma_wait3A_75 = tpu.memref_slice %arg3[%dma_wait3A_73, %dma_wait3A_74] : memref<10000x64xf32, #tpu.memory_space<hbm>> -> memref<10000x64xf32, #tpu.memory_space<hbm>>
      tpu.wait_indirect_dma semaphore(%arg18 : memref<!tpu.dma_semaphore, #tpu.memory_space<semaphore_mem>>) src(%dma_wait3A_75 : memref<10000x64xf32, #tpu.memory_space<hbm>>) dst(%arg16 : memref<128x64xf32, #tpu.memory_space<vmem>>)
      "tpu.region"() ({
        %run_scoped3A = tpu.sem_alloc : memref<!tpu.dma_semaphore, #tpu.memory_space<semaphore_mem>>
        %dma_start3A_81 = arith.constant 0 : i32
        %dma_start3A_82 = tpu.memref_slice %arg14[%add3A_62, %dma_start3A_81] : memref<14x128xi32, #tpu.memory_space<vmem>> -> memref<1x128xi32, #tpu.memory_space<vmem>>
        %dma_start3A_83 = tpu.memref_squeeze %dma_start3A_82 : memref<1x128xi32, #tpu.memory_space<vmem>> -> memref<128xi32, #tpu.memory_space<vmem>>
        %dma_start3A_84 = arith.constant 0 : i32
        %dma_start3A_85 = arith.constant 0 : i32
        %dma_start3A_86 = tpu.memref_slice %arg12[%dma_start3A_84, %dma_start3A_85] : memref<25216x64xf32, #tpu.memory_space<vmem_shared>> -> memref<25216x64xf32, #tpu.memory_space<vmem_shared>>
        tpu.enqueue_indirect_dma source(%arg16 : memref<128x64xf32, #tpu.memory_space<vmem>>) target(%dma_start3A_86 : memref<25216x64xf32, #tpu.memory_space<vmem_shared>>) offsets(%dma_start3A_83 : memref<128xi32, #tpu.memory_space<vmem>>) semaphore(%run_scoped3A : memref<!tpu.dma_semaphore, #tpu.memory_space<semaphore_mem>>) {add = true}
        %dma_wait3A_87 = arith.constant 0 : i32
        %dma_wait3A_88 = tpu.memref_slice %arg14[%add3A_62, %dma_wait3A_87] : memref<14x128xi32, #tpu.memory_space<vmem>> -> memref<1x128xi32, #tpu.memory_space<vmem>>
        %dma_wait3A_89 = tpu.memref_squeeze %dma_wait3A_88 : memref<1x128xi32, #tpu.memory_space<vmem>> -> memref<128xi32, #tpu.memory_space<vmem>>
        %dma_wait3A_90 = arith.constant 0 : i32
        %dma_wait3A_91 = arith.constant 0 : i32
        %dma_wait3A_92 = tpu.memref_slice %arg12[%dma_wait3A_90, %dma_wait3A_91] : memref<25216x64xf32, #tpu.memory_space<vmem_shared>> -> memref<25216x64xf32, #tpu.memory_space<vmem_shared>>
        tpu.wait_indirect_dma semaphore(%run_scoped3A : memref<!tpu.dma_semaphore, #tpu.memory_space<semaphore_mem>>) src(%arg16 : memref<128x64xf32, #tpu.memory_space<vmem>>) dst(%dma_wait3A_92 : memref<25216x64xf32, #tpu.memory_space<vmem_shared>>)
        tpu.yield
      }) : () -> ()
      %lt3A_76 = arith.constant 4 : i32
      %lt3A_77 = arith.cmpi slt, %add3A_58, %lt3A_76 : i32
      %convert_element_type3A_78 = arith.extui %lt3A_77 : i1 to i32
      %cond3A_79 = arith.constant 0 : i32
      %cond3A_80 = arith.cmpi ne, %convert_element_type3A_78, %cond3A_79 : i32
      scf.if %cond3A_80 {
        %add3A_81 = arith.constant 2 : i32
        %add3A_82 = arith.addi %add3A_62, %add3A_81 : i32
        %dma_start3A_83 = arith.constant 0 : i32
        %dma_start3A_84 = tpu.memref_slice %arg13[%add3A_82, %dma_start3A_83] : memref<14x128xi32, #tpu.memory_space<vmem>> -> memref<1x128xi32, #tpu.memory_space<vmem>>
        %dma_start3A_85 = tpu.memref_squeeze %dma_start3A_84 : memref<1x128xi32, #tpu.memory_space<vmem>> -> memref<128xi32, #tpu.memory_space<vmem>>
        %dma_start3A_86 = arith.constant 0 : i32
        %dma_start3A_87 = arith.constant 0 : i32
        %dma_start3A_88 = tpu.memref_slice %arg3[%dma_start3A_86, %dma_start3A_87] : memref<10000x64xf32, #tpu.memory_space<hbm>> -> memref<10000x64xf32, #tpu.memory_space<hbm>>
        tpu.enqueue_indirect_dma source(%dma_start3A_88 : memref<10000x64xf32, #tpu.memory_space<hbm>>) target(%arg16 : memref<128x64xf32, #tpu.memory_space<vmem>>) offsets(%dma_start3A_85 : memref<128xi32, #tpu.memory_space<vmem>>) semaphore(%arg18 : memref<!tpu.dma_semaphore, #tpu.memory_space<semaphore_mem>>)
      } else {
      }
    }
    %scan3A_41 = arith.constant 5 : i32
    %scan3A_42 = arith.constant 1 : i32
    %scan3A_43 = arith.constant 0 : i32
    %scan3A_44 = arith.constant 28 : i32
    %scan3A_45 = arith.addi %scan3A_43, %scan3A_44 : i32
    %scan3A_46 = arith.constant 1 : i32
    scf.for %scan3A_54 = %scan3A_43 to %scan3A_45 step %scan3A_46  : i32 {
      %mul3A_55 = arith.constant 1 : i32
      %mul3A_56 = arith.muli %scan3A_54, %mul3A_55 : i32
      %add3A_57 = arith.constant 0 : i32
      %add3A_58 = arith.addi %add3A_57, %mul3A_56 : i32
      "tpu.region"() ({
        %run_scoped3A = tpu.sem_alloc : memref<!tpu.dma_semaphore, #tpu.memory_space<semaphore_mem>>
        %dma_start3A_78 = arith.constant 0 : i32
        %dma_start3A_79 = arith.constant 0 : i32
        %dma_start3A_80 = tpu.memref_slice %arg13[%dma_start3A_78, %dma_start3A_79] : memref<14x128xi32, #tpu.memory_space<vmem>> -> memref<14x128xi32, #tpu.memory_space<vmem>>
        %dma_start3A_81 = arith.constant 0 : i32
        %dma_start3A_82 = arith.constant 0 : i32
        %dma_start3A_83 = tpu.memref_slice %arg9[%arg1, %add3A_58, %dma_start3A_81, %dma_start3A_82] : memref<16x28x14x128xi32, #tpu.memory_space<hbm>> -> memref<1x1x14x128xi32, #tpu.memory_space<hbm>>
        %dma_start3A_84 = tpu.memref_squeeze %dma_start3A_83 : memref<1x1x14x128xi32, #tpu.memory_space<hbm>> -> memref<14x128xi32, #tpu.memory_space<hbm>>
        %dma_start3A_85 = arith.constant 0 : i32
        %dma_start3A_86 = arith.constant 0 : i32
        %dma_start3A_87 = tpu.memref_slice %arg13[%dma_start3A_85, %dma_start3A_86] : memref<14x128xi32, #tpu.memory_space<vmem>> -> memref<14x128xi32, #tpu.memory_space<vmem>>
        %dma_start3A_88 = arith.constant 0 : i32
        %dma_start3A_89 = arith.constant 0 : i32
        %dma_start3A_90 = tpu.memref_slice %arg9[%arg1, %add3A_58, %dma_start3A_88, %dma_start3A_89] : memref<16x28x14x128xi32, #tpu.memory_space<hbm>> -> memref<1x1x14x128xi32, #tpu.memory_space<hbm>>
        %dma_start3A_91 = tpu.memref_squeeze %dma_start3A_90 : memref<1x1x14x128xi32, #tpu.memory_space<hbm>> -> memref<14x128xi32, #tpu.memory_space<hbm>>
        tpu.enqueue_dma source(%dma_start3A_91 : memref<14x128xi32, #tpu.memory_space<hbm>>) target(%dma_start3A_87 : memref<14x128xi32, #tpu.memory_space<vmem>>) target_semaphore(%run_scoped3A : memref<!tpu.dma_semaphore, #tpu.memory_space<semaphore_mem>>)
        %dma_wait3A = arith.constant 0 : i32
        %dma_wait3A_92 = arith.constant 0 : i32
        %dma_wait3A_93 = tpu.memref_slice %arg13[%dma_wait3A, %dma_wait3A_92] : memref<14x128xi32, #tpu.memory_space<vmem>> -> memref<14x128xi32, #tpu.memory_space<vmem>>
        %dma_wait3A_94 = arith.constant 0 : i32
        %dma_wait3A_95 = arith.constant 0 : i32
        %dma_wait3A_96 = tpu.memref_slice %arg9[%arg1, %add3A_58, %dma_wait3A_94, %dma_wait3A_95] : memref<16x28x14x128xi32, #tpu.memory_space<hbm>> -> memref<1x1x14x128xi32, #tpu.memory_space<hbm>>
        %dma_wait3A_97 = tpu.memref_squeeze %dma_wait3A_96 : memref<1x1x14x128xi32, #tpu.memory_space<hbm>> -> memref<14x128xi32, #tpu.memory_space<hbm>>
        %dma_wait3A_98 = arith.constant 0 : i32
        %dma_wait3A_99 = arith.constant 0 : i32
        %dma_wait3A_100 = tpu.memref_slice %arg13[%dma_wait3A_98, %dma_wait3A_99] : memref<14x128xi32, #tpu.memory_space<vmem>> -> memref<14x128xi32, #tpu.memory_space<vmem>>
        %dma_wait3A_101 = arith.constant 0 : i32
        %dma_wait3A_102 = arith.constant 0 : i32
        %dma_wait3A_103 = tpu.memref_slice %arg9[%arg1, %add3A_58, %dma_wait3A_101, %dma_wait3A_102] : memref<16x28x14x128xi32, #tpu.memory_space<hbm>> -> memref<1x1x14x128xi32, #tpu.memory_space<hbm>>
        %dma_wait3A_104 = tpu.memref_squeeze %dma_wait3A_103 : memref<1x1x14x128xi32, #tpu.memory_space<hbm>> -> memref<14x128xi32, #tpu.memory_space<hbm>>
        tpu.wait_dma2 semaphore(%run_scoped3A : memref<!tpu.dma_semaphore, #tpu.memory_space<semaphore_mem>>) src(%dma_wait3A_104 : memref<14x128xi32, #tpu.memory_space<hbm>>) dst(%dma_wait3A_100 : memref<14x128xi32, #tpu.memory_space<vmem>>)
        tpu.yield
      }) : () -> ()
      "tpu.region"() ({
        %run_scoped3A = tpu.sem_alloc : memref<!tpu.dma_semaphore, #tpu.memory_space<semaphore_mem>>
        %dma_start3A_78 = arith.constant 0 : i32
        %dma_start3A_79 = arith.constant 0 : i32
        %dma_start3A_80 = tpu.memref_slice %arg14[%dma_start3A_78, %dma_start3A_79] : memref<14x128xi32, #tpu.memory_space<vmem>> -> memref<14x128xi32, #tpu.memory_space<vmem>>
        %dma_start3A_81 = arith.constant 0 : i32
        %dma_start3A_82 = arith.constant 0 : i32
        %dma_start3A_83 = tpu.memref_slice %arg10[%arg0, %arg1, %add3A_58, %dma_start3A_81, %dma_start3A_82] : memref<2x16x28x14x128xi32, #tpu.memory_space<hbm>> -> memref<1x1x1x14x128xi32, #tpu.memory_space<hbm>>
        %dma_start3A_84 = tpu.memref_squeeze %dma_start3A_83 : memref<1x1x1x14x128xi32, #tpu.memory_space<hbm>> -> memref<14x128xi32, #tpu.memory_space<hbm>>
        %dma_start3A_85 = arith.constant 0 : i32
        %dma_start3A_86 = arith.constant 0 : i32
        %dma_start3A_87 = tpu.memref_slice %arg14[%dma_start3A_85, %dma_start3A_86] : memref<14x128xi32, #tpu.memory_space<vmem>> -> memref<14x128xi32, #tpu.memory_space<vmem>>
        %dma_start3A_88 = arith.constant 0 : i32
        %dma_start3A_89 = arith.constant 0 : i32
        %dma_start3A_90 = tpu.memref_slice %arg10[%arg0, %arg1, %add3A_58, %dma_start3A_88, %dma_start3A_89] : memref<2x16x28x14x128xi32, #tpu.memory_space<hbm>> -> memref<1x1x1x14x128xi32, #tpu.memory_space<hbm>>
        %dma_start3A_91 = tpu.memref_squeeze %dma_start3A_90 : memref<1x1x1x14x128xi32, #tpu.memory_space<hbm>> -> memref<14x128xi32, #tpu.memory_space<hbm>>
        tpu.enqueue_dma source(%dma_start3A_91 : memref<14x128xi32, #tpu.memory_space<hbm>>) target(%dma_start3A_87 : memref<14x128xi32, #tpu.memory_space<vmem>>) target_semaphore(%run_scoped3A : memref<!tpu.dma_semaphore, #tpu.memory_space<semaphore_mem>>)
        %dma_wait3A = arith.constant 0 : i32
        %dma_wait3A_92 = arith.constant 0 : i32
        %dma_wait3A_93 = tpu.memref_slice %arg14[%dma_wait3A, %dma_wait3A_92] : memref<14x128xi32, #tpu.memory_space<vmem>> -> memref<14x128xi32, #tpu.memory_space<vmem>>
        %dma_wait3A_94 = arith.constant 0 : i32
        %dma_wait3A_95 = arith.constant 0 : i32
        %dma_wait3A_96 = tpu.memref_slice %arg10[%arg0, %arg1, %add3A_58, %dma_wait3A_94, %dma_wait3A_95] : memref<2x16x28x14x128xi32, #tpu.memory_space<hbm>> -> memref<1x1x1x14x128xi32, #tpu.memory_space<hbm>>
        %dma_wait3A_97 = tpu.memref_squeeze %dma_wait3A_96 : memref<1x1x1x14x128xi32, #tpu.memory_space<hbm>> -> memref<14x128xi32, #tpu.memory_space<hbm>>
        %dma_wait3A_98 = arith.constant 0 : i32
        %dma_wait3A_99 = arith.constant 0 : i32
        %dma_wait3A_100 = tpu.memref_slice %arg14[%dma_wait3A_98, %dma_wait3A_99] : memref<14x128xi32, #tpu.memory_space<vmem>> -> memref<14x128xi32, #tpu.memory_space<vmem>>
        %dma_wait3A_101 = arith.constant 0 : i32
        %dma_wait3A_102 = arith.constant 0 : i32
        %dma_wait3A_103 = tpu.memref_slice %arg10[%arg0, %arg1, %add3A_58, %dma_wait3A_101, %dma_wait3A_102] : memref<2x16x28x14x128xi32, #tpu.memory_space<hbm>> -> memref<1x1x1x14x128xi32, #tpu.memory_space<hbm>>
        %dma_wait3A_104 = tpu.memref_squeeze %dma_wait3A_103 : memref<1x1x1x14x128xi32, #tpu.memory_space<hbm>> -> memref<14x128xi32, #tpu.memory_space<hbm>>
        tpu.wait_dma2 semaphore(%run_scoped3A : memref<!tpu.dma_semaphore, #tpu.memory_space<semaphore_mem>>) src(%dma_wait3A_104 : memref<14x128xi32, #tpu.memory_space<hbm>>) dst(%dma_wait3A_100 : memref<14x128xi32, #tpu.memory_space<vmem>>)
        tpu.yield
      }) : () -> ()
      %dma_start3A_59 = arith.constant 0 : i32
      %dma_start3A_60 = arith.constant 0 : i32
      %dma_start3A_61 = tpu.memref_slice %arg13[%dma_start3A_59, %dma_start3A_60] : memref<14x128xi32, #tpu.memory_space<vmem>> -> memref<1x128xi32, #tpu.memory_space<vmem>>
      %dma_start3A_62 = tpu.memref_squeeze %dma_start3A_61 : memref<1x128xi32, #tpu.memory_space<vmem>> -> memref<128xi32, #tpu.memory_space<vmem>>
      %dma_start3A_63 = arith.constant 0 : i32
      %dma_start3A_64 = arith.constant 0 : i32
      %dma_start3A_65 = tpu.memref_slice %arg4[%dma_start3A_63, %dma_start3A_64] : memref<400000x64xf32, #tpu.memory_space<hbm>> -> memref<400000x64xf32, #tpu.memory_space<hbm>>
      tpu.enqueue_indirect_dma source(%dma_start3A_65 : memref<400000x64xf32, #tpu.memory_space<hbm>>) target(%arg15 : memref<128x64xf32, #tpu.memory_space<vmem>>) offsets(%dma_start3A_62 : memref<128xi32, #tpu.memory_space<vmem>>) semaphore(%arg17 : memref<!tpu.dma_semaphore, #tpu.memory_space<semaphore_mem>>)
      %dma_start3A_66 = arith.constant 1 : i32
      %dma_start3A_67 = arith.constant 0 : i32
      %dma_start3A_68 = tpu.memref_slice %arg13[%dma_start3A_66, %dma_start3A_67] : memref<14x128xi32, #tpu.memory_space<vmem>> -> memref<1x128xi32, #tpu.memory_space<vmem>>
      %dma_start3A_69 = tpu.memref_squeeze %dma_start3A_68 : memref<1x128xi32, #tpu.memory_space<vmem>> -> memref<128xi32, #tpu.memory_space<vmem>>
      %dma_start3A_70 = arith.constant 0 : i32
      %dma_start3A_71 = arith.constant 0 : i32
      %dma_start3A_72 = tpu.memref_slice %arg4[%dma_start3A_70, %dma_start3A_71] : memref<400000x64xf32, #tpu.memory_space<hbm>> -> memref<400000x64xf32, #tpu.memory_space<hbm>>
      tpu.enqueue_indirect_dma source(%dma_start3A_72 : memref<400000x64xf32, #tpu.memory_space<hbm>>) target(%arg16 : memref<128x64xf32, #tpu.memory_space<vmem>>) offsets(%dma_start3A_69 : memref<128xi32, #tpu.memory_space<vmem>>) semaphore(%arg18 : memref<!tpu.dma_semaphore, #tpu.memory_space<semaphore_mem>>)
      %scan3A_73 = arith.constant 0 : i32
      %scan3A_74 = arith.constant 7 : i32
      %scan3A_75 = arith.addi %scan3A_73, %scan3A_74 : i32
      %scan3A_76 = arith.constant 1 : i32
      scf.for %scan3A_78 = %scan3A_73 to %scan3A_75 step %scan3A_76  : i32 {
        %mul3A_79 = arith.constant 1 : i32
        %mul3A_80 = arith.muli %scan3A_78, %mul3A_79 : i32
        %add3A_81 = arith.constant 0 : i32
        %add3A_82 = arith.addi %add3A_81, %mul3A_80 : i32
        %mul3A_83 = arith.constant 2 : i32
        %mul3A_84 = arith.muli %mul3A_83, %add3A_82 : i32
        %add3A_85 = arith.constant 1 : i32
        %add3A_86 = arith.addi %mul3A_84, %add3A_85 : i32
        %dma_wait3A = arith.constant 0 : i32
        %dma_wait3A_87 = tpu.memref_slice %arg13[%mul3A_84, %dma_wait3A] : memref<14x128xi32, #tpu.memory_space<vmem>> -> memref<1x128xi32, #tpu.memory_space<vmem>>
        %dma_wait3A_88 = tpu.memref_squeeze %dma_wait3A_87 : memref<1x128xi32, #tpu.memory_space<vmem>> -> memref<128xi32, #tpu.memory_space<vmem>>
        %dma_wait3A_89 = arith.constant 0 : i32
        %dma_wait3A_90 = arith.constant 0 : i32
        %dma_wait3A_91 = tpu.memref_slice %arg4[%dma_wait3A_89, %dma_wait3A_90] : memref<400000x64xf32, #tpu.memory_space<hbm>> -> memref<400000x64xf32, #tpu.memory_space<hbm>>
        tpu.wait_indirect_dma semaphore(%arg17 : memref<!tpu.dma_semaphore, #tpu.memory_space<semaphore_mem>>) src(%dma_wait3A_91 : memref<400000x64xf32, #tpu.memory_space<hbm>>) dst(%arg15 : memref<128x64xf32, #tpu.memory_space<vmem>>)
        "tpu.region"() ({
          %run_scoped3A = tpu.sem_alloc : memref<!tpu.dma_semaphore, #tpu.memory_space<semaphore_mem>>
          %dma_start3A_105 = arith.constant 0 : i32
          %dma_start3A_106 = tpu.memref_slice %arg14[%mul3A_84, %dma_start3A_105] : memref<14x128xi32, #tpu.memory_space<vmem>> -> memref<1x128xi32, #tpu.memory_space<vmem>>
          %dma_start3A_107 = tpu.memref_squeeze %dma_start3A_106 : memref<1x128xi32, #tpu.memory_space<vmem>> -> memref<128xi32, #tpu.memory_space<vmem>>
          %dma_start3A_108 = arith.constant 0 : i32
          %dma_start3A_109 = arith.constant 0 : i32
          %dma_start3A_110 = tpu.memref_slice %arg12[%dma_start3A_108, %dma_start3A_109] : memref<25216x64xf32, #tpu.memory_space<vmem_shared>> -> memref<25216x64xf32, #tpu.memory_space<vmem_shared>>
          tpu.enqueue_indirect_dma source(%arg15 : memref<128x64xf32, #tpu.memory_space<vmem>>) target(%dma_start3A_110 : memref<25216x64xf32, #tpu.memory_space<vmem_shared>>) offsets(%dma_start3A_107 : memref<128xi32, #tpu.memory_space<vmem>>) semaphore(%run_scoped3A : memref<!tpu.dma_semaphore, #tpu.memory_space<semaphore_mem>>) {add = true}
          %dma_wait3A_111 = arith.constant 0 : i32
          %dma_wait3A_112 = tpu.memref_slice %arg14[%mul3A_84, %dma_wait3A_111] : memref<14x128xi32, #tpu.memory_space<vmem>> -> memref<1x128xi32, #tpu.memory_space<vmem>>
          %dma_wait3A_113 = tpu.memref_squeeze %dma_wait3A_112 : memref<1x128xi32, #tpu.memory_space<vmem>> -> memref<128xi32, #tpu.memory_space<vmem>>
          %dma_wait3A_114 = arith.constant 0 : i32
          %dma_wait3A_115 = arith.constant 0 : i32
          %dma_wait3A_116 = tpu.memref_slice %arg12[%dma_wait3A_114, %dma_wait3A_115] : memref<25216x64xf32, #tpu.memory_space<vmem_shared>> -> memref<25216x64xf32, #tpu.memory_space<vmem_shared>>
          tpu.wait_indirect_dma semaphore(%run_scoped3A : memref<!tpu.dma_semaphore, #tpu.memory_space<semaphore_mem>>) src(%arg15 : memref<128x64xf32, #tpu.memory_space<vmem>>) dst(%dma_wait3A_116 : memref<25216x64xf32, #tpu.memory_space<vmem_shared>>)
          tpu.yield
        }) : () -> ()
        %lt3A = arith.constant 6 : i32
        %lt3A_92 = arith.cmpi slt, %add3A_82, %lt3A : i32
        %convert_element_type3A = arith.extui %lt3A_92 : i1 to i32
        %cond3A = arith.constant 0 : i32
        %cond3A_93 = arith.cmpi ne, %convert_element_type3A, %cond3A : i32
        scf.if %cond3A_93 {
          %add3A_105 = arith.constant 2 : i32
          %add3A_106 = arith.addi %mul3A_84, %add3A_105 : i32
          %dma_start3A_107 = arith.constant 0 : i32
          %dma_start3A_108 = tpu.memref_slice %arg13[%add3A_106, %dma_start3A_107] : memref<14x128xi32, #tpu.memory_space<vmem>> -> memref<1x128xi32, #tpu.memory_space<vmem>>
          %dma_start3A_109 = tpu.memref_squeeze %dma_start3A_108 : memref<1x128xi32, #tpu.memory_space<vmem>> -> memref<128xi32, #tpu.memory_space<vmem>>
          %dma_start3A_110 = arith.constant 0 : i32
          %dma_start3A_111 = arith.constant 0 : i32
          %dma_start3A_112 = tpu.memref_slice %arg4[%dma_start3A_110, %dma_start3A_111] : memref<400000x64xf32, #tpu.memory_space<hbm>> -> memref<400000x64xf32, #tpu.memory_space<hbm>>
          tpu.enqueue_indirect_dma source(%dma_start3A_112 : memref<400000x64xf32, #tpu.memory_space<hbm>>) target(%arg15 : memref<128x64xf32, #tpu.memory_space<vmem>>) offsets(%dma_start3A_109 : memref<128xi32, #tpu.memory_space<vmem>>) semaphore(%arg17 : memref<!tpu.dma_semaphore, #tpu.memory_space<semaphore_mem>>)
        } else {
        }
        %dma_wait3A_94 = arith.constant 0 : i32
        %dma_wait3A_95 = tpu.memref_slice %arg13[%add3A_86, %dma_wait3A_94] : memref<14x128xi32, #tpu.memory_space<vmem>> -> memref<1x128xi32, #tpu.memory_space<vmem>>
        %dma_wait3A_96 = tpu.memref_squeeze %dma_wait3A_95 : memref<1x128xi32, #tpu.memory_space<vmem>> -> memref<128xi32, #tpu.memory_space<vmem>>
        %dma_wait3A_97 = arith.constant 0 : i32
        %dma_wait3A_98 = arith.constant 0 : i32
        %dma_wait3A_99 = tpu.memref_slice %arg4[%dma_wait3A_97, %dma_wait3A_98] : memref<400000x64xf32, #tpu.memory_space<hbm>> -> memref<400000x64xf32, #tpu.memory_space<hbm>>
        tpu.wait_indirect_dma semaphore(%arg18 : memref<!tpu.dma_semaphore, #tpu.memory_space<semaphore_mem>>) src(%dma_wait3A_99 : memref<400000x64xf32, #tpu.memory_space<hbm>>) dst(%arg16 : memref<128x64xf32, #tpu.memory_space<vmem>>)
        "tpu.region"() ({
          %run_scoped3A = tpu.sem_alloc : memref<!tpu.dma_semaphore, #tpu.memory_space<semaphore_mem>>
          %dma_start3A_105 = arith.constant 0 : i32
          %dma_start3A_106 = tpu.memref_slice %arg14[%add3A_86, %dma_start3A_105] : memref<14x128xi32, #tpu.memory_space<vmem>> -> memref<1x128xi32, #tpu.memory_space<vmem>>
          %dma_start3A_107 = tpu.memref_squeeze %dma_start3A_106 : memref<1x128xi32, #tpu.memory_space<vmem>> -> memref<128xi32, #tpu.memory_space<vmem>>
          %dma_start3A_108 = arith.constant 0 : i32
          %dma_start3A_109 = arith.constant 0 : i32
          %dma_start3A_110 = tpu.memref_slice %arg12[%dma_start3A_108, %dma_start3A_109] : memref<25216x64xf32, #tpu.memory_space<vmem_shared>> -> memref<25216x64xf32, #tpu.memory_space<vmem_shared>>
          tpu.enqueue_indirect_dma source(%arg16 : memref<128x64xf32, #tpu.memory_space<vmem>>) target(%dma_start3A_110 : memref<25216x64xf32, #tpu.memory_space<vmem_shared>>) offsets(%dma_start3A_107 : memref<128xi32, #tpu.memory_space<vmem>>) semaphore(%run_scoped3A : memref<!tpu.dma_semaphore, #tpu.memory_space<semaphore_mem>>) {add = true}
          %dma_wait3A_111 = arith.constant 0 : i32
          %dma_wait3A_112 = tpu.memref_slice %arg14[%add3A_86, %dma_wait3A_111] : memref<14x128xi32, #tpu.memory_space<vmem>> -> memref<1x128xi32, #tpu.memory_space<vmem>>
          %dma_wait3A_113 = tpu.memref_squeeze %dma_wait3A_112 : memref<1x128xi32, #tpu.memory_space<vmem>> -> memref<128xi32, #tpu.memory_space<vmem>>
          %dma_wait3A_114 = arith.constant 0 : i32
          %dma_wait3A_115 = arith.constant 0 : i32
          %dma_wait3A_116 = tpu.memref_slice %arg12[%dma_wait3A_114, %dma_wait3A_115] : memref<25216x64xf32, #tpu.memory_space<vmem_shared>> -> memref<25216x64xf32, #tpu.memory_space<vmem_shared>>
          tpu.wait_indirect_dma semaphore(%run_scoped3A : memref<!tpu.dma_semaphore, #tpu.memory_space<semaphore_mem>>) src(%arg16 : memref<128x64xf32, #tpu.memory_space<vmem>>) dst(%dma_wait3A_116 : memref<25216x64xf32, #tpu.memory_space<vmem_shared>>)
          tpu.yield
        }) : () -> ()
        %lt3A_100 = arith.constant 6 : i32
        %lt3A_101 = arith.cmpi slt, %add3A_82, %lt3A_100 : i32
        %convert_element_type3A_102 = arith.extui %lt3A_101 : i1 to i32
        %cond3A_103 = arith.constant 0 : i32
        %cond3A_104 = arith.cmpi ne, %convert_element_type3A_102, %cond3A_103 : i32
        scf.if %cond3A_104 {
          %add3A_105 = arith.constant 2 : i32
          %add3A_106 = arith.addi %add3A_86, %add3A_105 : i32
          %dma_start3A_107 = arith.constant 0 : i32
          %dma_start3A_108 = tpu.memref_slice %arg13[%add3A_106, %dma_start3A_107] : memref<14x128xi32, #tpu.memory_space<vmem>> -> memref<1x128xi32, #tpu.memory_space<vmem>>
          %dma_start3A_109 = tpu.memref_squeeze %dma_start3A_108 : memref<1x128xi32, #tpu.memory_space<vmem>> -> memref<128xi32, #tpu.memory_space<vmem>>
          %dma_start3A_110 = arith.constant 0 : i32
          %dma_start3A_111 = arith.constant 0 : i32
          %dma_start3A_112 = tpu.memref_slice %arg4[%dma_start3A_110, %dma_start3A_111] : memref<400000x64xf32, #tpu.memory_space<hbm>> -> memref<400000x64xf32, #tpu.memory_space<hbm>>
          tpu.enqueue_indirect_dma source(%dma_start3A_112 : memref<400000x64xf32, #tpu.memory_space<hbm>>) target(%arg16 : memref<128x64xf32, #tpu.memory_space<vmem>>) offsets(%dma_start3A_109 : memref<128xi32, #tpu.memory_space<vmem>>) semaphore(%arg18 : memref<!tpu.dma_semaphore, #tpu.memory_space<semaphore_mem>>)
        } else {
        }
      }
      %scan3A_77 = arith.constant 7 : i32
    }
    %scan3A_47 = arith.constant 28 : i32
    %barrier3A_48 = arith.constant 0 : index
    tpu.barrier barrier_id(%barrier3A_48)
    %mul3A_49 = arith.constant 1568 : i32
    %mul3A_50 = arith.muli %arg1, %mul3A_49 : i32
    %mul3A_51 = arith.constant 1568 : i32
    %mul3A_52 = arith.muli %arg1, %mul3A_51 : i32
    %add3A_53 = arith.addi %mul3A_0, %mul3A_52 : i32
    "tpu.region"() ({
      %run_scoped3A = tpu.sem_alloc : memref<!tpu.dma_semaphore, #tpu.memory_space<semaphore_mem>>
      %dma_start3A_54 = arith.constant 0 : i32
      %dma_start3A_55 = tpu.memref_slice %arg11[%add3A_53, %dma_start3A_54] : memref<50176x64xf32, #tpu.memory_space<hbm>> -> memref<1568x64xf32, #tpu.memory_space<hbm>>
      %dma_start3A_56 = arith.constant 0 : i32
      %dma_start3A_57 = tpu.memref_slice %arg12[%mul3A_50, %dma_start3A_56] : memref<25216x64xf32, #tpu.memory_space<vmem_shared>> -> memref<1568x64xf32, #tpu.memory_space<vmem_shared>>
      tpu.enqueue_dma source(%dma_start3A_57 : memref<1568x64xf32, #tpu.memory_space<vmem_shared>>) target(%dma_start3A_55 : memref<1568x64xf32, #tpu.memory_space<hbm>>) target_semaphore(%run_scoped3A : memref<!tpu.dma_semaphore, #tpu.memory_space<semaphore_mem>>)
      %dma_wait3A = arith.constant 0 : i32
      %dma_wait3A_58 = tpu.memref_slice %arg11[%add3A_53, %dma_wait3A] : memref<50176x64xf32, #tpu.memory_space<hbm>> -> memref<1568x64xf32, #tpu.memory_space<hbm>>
      %dma_wait3A_59 = arith.constant 0 : i32
      %dma_wait3A_60 = tpu.memref_slice %arg12[%mul3A_50, %dma_wait3A_59] : memref<25216x64xf32, #tpu.memory_space<vmem_shared>> -> memref<1568x64xf32, #tpu.memory_space<vmem_shared>>
      tpu.wait_dma2 semaphore(%run_scoped3A : memref<!tpu.dma_semaphore, #tpu.memory_space<semaphore_mem>>) src(%dma_wait3A_60 : memref<1568x64xf32, #tpu.memory_space<vmem_shared>>) dst(%dma_wait3A_58 : memref<1568x64xf32, #tpu.memory_space<hbm>>)
      tpu.yield
    }) : () -> ()
    return
  }
}

module attributes {stable_mosaic.version = 14 : i64} {
  func.func @body(%arg0: i32, %arg1: memref<10000x14xf32, #tpu.memory_space<vmem>>, %arg2: memref<10000x1xi32, #tpu.memory_space<vmem>>, %arg3: memref<10000x10xf32, #tpu.memory_space<vmem>>, %arg4: memref<14x64xf32, #tpu.memory_space<vmem>>, %arg5: memref<1x64xf32, #tpu.memory_space<vmem>>, %arg6: memref<64x64xf32, #tpu.memory_space<vmem>>, %arg7: memref<1x64xf32, #tpu.memory_space<vmem>>, %arg8: memref<64x80xf32, #tpu.memory_space<vmem>>, %arg9: memref<1x80xf32, #tpu.memory_space<vmem>>, %arg10: memref<5x80xf32, #tpu.memory_space<vmem>>, %arg11: memref<10x80xf32, #tpu.memory_space<vmem>>, %arg12: memref<10000x64xf32, #tpu.memory_space<vmem>>, %arg13: memref<10000x16xf32, #tpu.memory_space<vmem>>) attributes {dimension_semantics = [#tpu.dimension_semantics<arbitrary>], iteration_bounds = array<i64: 1>, scalar_prefetch = 0 : i64, scratch_operands = 0 : i64, tpu.core_type = #tpu.core_type<tc>, window_params = [{transform_indices = @transform_0, window_bounds = array<i64: 10000, 14>}, {transform_indices = @transform_1, window_bounds = array<i64: 10000, 1>}, {transform_indices = @transform_2, window_bounds = array<i64: 10000, 10>}, {pipeline_mode = #tpu.pipeline_mode<synchronous>, transform_indices = @transform_3, window_bounds = array<i64: 14, 64>}, {pipeline_mode = #tpu.pipeline_mode<synchronous>, transform_indices = @transform_4, window_bounds = array<i64: 1, 64>}, {pipeline_mode = #tpu.pipeline_mode<synchronous>, transform_indices = @transform_5, window_bounds = array<i64: 64, 64>}, {pipeline_mode = #tpu.pipeline_mode<synchronous>, transform_indices = @transform_6, window_bounds = array<i64: 1, 64>}, {pipeline_mode = #tpu.pipeline_mode<synchronous>, transform_indices = @transform_7, window_bounds = array<i64: 64, 80>}, {pipeline_mode = #tpu.pipeline_mode<synchronous>, transform_indices = @transform_8, window_bounds = array<i64: 1, 80>}, {pipeline_mode = #tpu.pipeline_mode<synchronous>, transform_indices = @transform_9, window_bounds = array<i64: 5, 80>}, {pipeline_mode = #tpu.pipeline_mode<synchronous>, transform_indices = @transform_10, window_bounds = array<i64: 10, 80>}, {transform_indices = @transform_11, window_bounds = array<i64: 10000, 64>}, {transform_indices = @transform_12, window_bounds = array<i64: 10000, 16>}]} {
    %get3A = arith.constant 0 : index
    %get3A_0 = arith.constant 0 : index
    %get3A_1 = vector.load %arg1[%get3A, %get3A_0] : memref<10000x14xf32, #tpu.memory_space<vmem>>, vector<10000x14xf32>
    %get3A_2 = arith.constant 0 : index
    %get3A_3 = arith.constant 0 : index
    %get3A_4 = vector.load %arg4[%get3A_2, %get3A_3] : memref<14x64xf32, #tpu.memory_space<vmem>>, vector<14x64xf32>
    %dot_general3A = arith.constant dense<0.000000e+00> : vector<10000x64xf32>
    %dot_general3A_5 = tpu.matmul %get3A_1, %get3A_4, %dot_general3A {dimension_numbers = #tpu.dot_dimension_numbers<[1], [0], [0], [1], [0, 0, 1, 1], [], []>, transpose_lhs_hint = false} : vector<10000x14xf32>, vector<14x64xf32>, vector<10000x64xf32> -> vector<10000x64xf32>
    %get3A_6 = arith.constant 0 : index
    %get3A_7 = arith.constant 0 : index
    %get3A_8 = vector.load %arg5[%get3A_6, %get3A_7] : memref<1x64xf32, #tpu.memory_space<vmem>>, vector<1x64xf32>
    %add3A = vector.broadcast %get3A_8 : vector<1x64xf32> to vector<10000x64xf32>
    %add3A_9 = arith.addf %dot_general3A_5, %add3A : vector<10000x64xf32>
    %max3A = arith.constant 0.000000e+00 : f32
    %max3A_10 = vector.broadcast %max3A : f32 to vector<10000x64xf32>
    %max3A_11 = arith.maximumf %add3A_9, %max3A_10 : vector<10000x64xf32>
    %get3A_12 = arith.constant 0 : index
    %get3A_13 = arith.constant 0 : index
    %get3A_14 = vector.load %arg6[%get3A_12, %get3A_13] : memref<64x64xf32, #tpu.memory_space<vmem>>, vector<64x64xf32>
    %dot_general3A_15 = arith.constant dense<0.000000e+00> : vector<10000x64xf32>
    %dot_general3A_16 = tpu.matmul %max3A_11, %get3A_14, %dot_general3A_15 {dimension_numbers = #tpu.dot_dimension_numbers<[1], [0], [0], [1], [0, 0, 1, 1], [], []>, transpose_lhs_hint = false} : vector<10000x64xf32>, vector<64x64xf32>, vector<10000x64xf32> -> vector<10000x64xf32>
    %get3A_17 = arith.constant 0 : index
    %get3A_18 = arith.constant 0 : index
    %get3A_19 = vector.load %arg7[%get3A_17, %get3A_18] : memref<1x64xf32, #tpu.memory_space<vmem>>, vector<1x64xf32>
    %add3A_20 = vector.broadcast %get3A_19 : vector<1x64xf32> to vector<10000x64xf32>
    %add3A_21 = arith.addf %dot_general3A_16, %add3A_20 : vector<10000x64xf32>
    %max3A_22 = arith.constant 0.000000e+00 : f32
    %max3A_23 = vector.broadcast %max3A_22 : f32 to vector<10000x64xf32>
    %max3A_24 = arith.maximumf %add3A_21, %max3A_23 : vector<10000x64xf32>
    %get3A_25 = arith.constant 0 : index
    %get3A_26 = arith.constant 0 : index
    %get3A_27 = vector.load %arg8[%get3A_25, %get3A_26] : memref<64x80xf32, #tpu.memory_space<vmem>>, vector<64x80xf32>
    %dot_general3A_28 = arith.constant dense<0.000000e+00> : vector<10000x80xf32>
    %dot_general3A_29 = tpu.matmul %max3A_24, %get3A_27, %dot_general3A_28 {dimension_numbers = #tpu.dot_dimension_numbers<[1], [0], [0], [1], [0, 0, 1, 1], [], []>, transpose_lhs_hint = false} : vector<10000x64xf32>, vector<64x80xf32>, vector<10000x80xf32> -> vector<10000x80xf32>
    %get3A_30 = arith.constant 0 : index
    %get3A_31 = arith.constant 0 : index
    %get3A_32 = vector.load %arg9[%get3A_30, %get3A_31] : memref<1x80xf32, #tpu.memory_space<vmem>>, vector<1x80xf32>
    %add3A_33 = vector.broadcast %get3A_32 : vector<1x80xf32> to vector<10000x80xf32>
    %add3A_34 = arith.addf %dot_general3A_29, %add3A_33 : vector<10000x80xf32>
    %get3A_35 = arith.constant 0 : index
    %get3A_36 = arith.constant 0 : index
    %get3A_37 = vector.load %arg2[%get3A_35, %get3A_36] : memref<10000x1xi32, #tpu.memory_space<vmem>>, vector<10000x1xi32>
    %iota3A = tpu.iota {dimensions = array<i32: 1>} : vector<10000x5xi32>
    %eq3A = vector.broadcast %get3A_37 : vector<10000x1xi32> to vector<10000x5xi32>
    %eq3A_38 = arith.cmpi eq, %eq3A, %iota3A : vector<10000x5xi32>
    %convert_element_type3A = arith.extui %eq3A_38 : vector<10000x5xi1> to vector<10000x5xi32>
    %convert_element_type3A_39 = arith.sitofp %convert_element_type3A : vector<10000x5xi32> to vector<10000x5xf32>
    %get3A_40 = arith.constant 0 : index
    %get3A_41 = arith.constant 0 : index
    %get3A_42 = vector.load %arg10[%get3A_40, %get3A_41] : memref<5x80xf32, #tpu.memory_space<vmem>>, vector<5x80xf32>
    %dot_general3A_43 = arith.constant dense<0.000000e+00> : vector<10000x80xf32>
    %dot_general3A_44 = tpu.matmul %convert_element_type3A_39, %get3A_42, %dot_general3A_43 {dimension_numbers = #tpu.dot_dimension_numbers<[1], [0], [0], [1], [0, 0, 1, 1], [], []>, transpose_lhs_hint = false} : vector<10000x5xf32>, vector<5x80xf32>, vector<10000x80xf32> -> vector<10000x80xf32>
    %add3A_45 = arith.addf %add3A_34, %dot_general3A_44 : vector<10000x80xf32>
    %get3A_46 = arith.constant 0 : index
    %get3A_47 = arith.constant 0 : index
    %get3A_48 = vector.load %arg3[%get3A_46, %get3A_47] : memref<10000x10xf32, #tpu.memory_space<vmem>>, vector<10000x10xf32>
    %get3A_49 = arith.constant 0 : index
    %get3A_50 = arith.constant 0 : index
    %get3A_51 = vector.load %arg11[%get3A_49, %get3A_50] : memref<10x80xf32, #tpu.memory_space<vmem>>, vector<10x80xf32>
    %dot_general3A_52 = arith.constant dense<0.000000e+00> : vector<10000x80xf32>
    %dot_general3A_53 = tpu.matmul %get3A_48, %get3A_51, %dot_general3A_52 {dimension_numbers = #tpu.dot_dimension_numbers<[1], [0], [0], [1], [0, 0, 1, 1], [], []>, transpose_lhs_hint = false} : vector<10000x10xf32>, vector<10x80xf32>, vector<10000x80xf32> -> vector<10000x80xf32>
    %add3A_54 = arith.addf %add3A_45, %dot_general3A_53 : vector<10000x80xf32>
    %slice3A = vector.extract_strided_slice %add3A_54 {offsets = [0, 0], sizes = [10000, 64], strides = [1, 1]} : vector<10000x80xf32> to vector<10000x64xf32>
    %swap3A = arith.constant 0 : index
    %swap3A_55 = arith.constant 0 : index
    %swap3A_56 = vector.load %arg12[%swap3A, %swap3A_55] : memref<10000x64xf32, #tpu.memory_space<vmem>>, vector<10000x64xf32>
    tpu.vector_store %arg12[%swap3A, %swap3A_55], %slice3A {strides = array<i32>} : memref<10000x64xf32, #tpu.memory_space<vmem>>, vector<10000x64xf32>,
    %slice3A_57 = vector.extract_strided_slice %add3A_54 {offsets = [0, 64], sizes = [10000, 16], strides = [1, 1]} : vector<10000x80xf32> to vector<10000x16xf32>
    %swap3A_58 = arith.constant 0 : index
    %swap3A_59 = arith.constant 0 : index
    %swap3A_60 = vector.load %arg13[%swap3A_58, %swap3A_59] : memref<10000x16xf32, #tpu.memory_space<vmem>>, vector<10000x16xf32>
    tpu.vector_store %arg13[%swap3A_58, %swap3A_59], %slice3A_57 {strides = array<i32>} : memref<10000x16xf32, #tpu.memory_space<vmem>>, vector<10000x16xf32>,
    return
  }
  func.func @transform_0(%arg0: i32) -> (i32, i32) {
    %c0_i32 = arith.constant 0 : i32
    %c0_i32_0 = arith.constant 0 : i32
    return %arg0, %c0_i32 : i32, i32
  }
  func.func @transform_1(%arg0: i32) -> (i32, i32) {
    %c0_i32 = arith.constant 0 : i32
    %c0_i32_0 = arith.constant 0 : i32
    return %arg0, %c0_i32 : i32, i32
  }
  func.func @transform_2(%arg0: i32) -> (i32, i32) {
    %c0_i32 = arith.constant 0 : i32
    %c0_i32_0 = arith.constant 0 : i32
    return %arg0, %c0_i32 : i32, i32
  }
  func.func @transform_3(%arg0: i32) -> (i32, i32) {
    %c0_i32 = arith.constant 0 : i32
    %c0_i32_0 = arith.constant 0 : i32
    %c0_i32_1 = arith.constant 0 : i32
    return %c0_i32, %c0_i32_0 : i32, i32
  }
  func.func @transform_4(%arg0: i32) -> (i32, i32) {
    %c0_i32 = arith.constant 0 : i32
    %c0_i32_0 = arith.constant 0 : i32
    %c0_i32_1 = arith.constant 0 : i32
    return %c0_i32, %c0_i32_0 : i32, i32
  }
  func.func @transform_5(%arg0: i32) -> (i32, i32) {
    %c0_i32 = arith.constant 0 : i32
    %c0_i32_0 = arith.constant 0 : i32
    %c0_i32_1 = arith.constant 0 : i32
    return %c0_i32, %c0_i32_0 : i32, i32
  }
  func.func @transform_6(%arg0: i32) -> (i32, i32) {
    %c0_i32 = arith.constant 0 : i32
    %c0_i32_0 = arith.constant 0 : i32
    %c0_i32_1 = arith.constant 0 : i32
    return %c0_i32, %c0_i32_0 : i32, i32
  }
  func.func @transform_7(%arg0: i32) -> (i32, i32) {
    %c0_i32 = arith.constant 0 : i32
    %c0_i32_0 = arith.constant 0 : i32
    %c0_i32_1 = arith.constant 0 : i32
    return %c0_i32, %c0_i32_0 : i32, i32
  }
  func.func @transform_8(%arg0: i32) -> (i32, i32) {
    %c0_i32 = arith.constant 0 : i32
    %c0_i32_0 = arith.constant 0 : i32
    %c0_i32_1 = arith.constant 0 : i32
    return %c0_i32, %c0_i32_0 : i32, i32
  }
  func.func @transform_9(%arg0: i32) -> (i32, i32) {
    %c0_i32 = arith.constant 0 : i32
    %c0_i32_0 = arith.constant 0 : i32
    %c0_i32_1 = arith.constant 0 : i32
    return %c0_i32, %c0_i32_0 : i32, i32
  }
  func.func @transform_10(%arg0: i32) -> (i32, i32) {
    %c0_i32 = arith.constant 0 : i32
    %c0_i32_0 = arith.constant 0 : i32
    %c0_i32_1 = arith.constant 0 : i32
    return %c0_i32, %c0_i32_0 : i32, i32
  }
  func.func @transform_11(%arg0: i32) -> (i32, i32) {
    %c0_i32 = arith.constant 0 : i32
    %c0_i32_0 = arith.constant 0 : i32
    return %arg0, %c0_i32 : i32, i32
  }
  func.func @transform_12(%arg0: i32) -> (i32, i32) {
    %c0_i32 = arith.constant 0 : i32
    %c0_i32_0 = arith.constant 0 : i32
    return %arg0, %c0_i32 : i32, i32
  }
}

module attributes {stable_mosaic.version = 14 : i64} {
  func.func @body(%arg0: i32, %arg1: memref<4000x21xf32, #tpu.memory_space<vmem>>, %arg2: memref<4000x1xi32, #tpu.memory_space<vmem>>, %arg3: memref<4000x10xf32, #tpu.memory_space<vmem>>, %arg4: memref<21x64xf32, #tpu.memory_space<vmem>>, %arg5: memref<1x64xf32, #tpu.memory_space<vmem>>, %arg6: memref<64x64xf32, #tpu.memory_space<vmem>>, %arg7: memref<1x64xf32, #tpu.memory_space<vmem>>, %arg8: memref<64x80xf32, #tpu.memory_space<vmem>>, %arg9: memref<1x80xf32, #tpu.memory_space<vmem>>, %arg10: memref<5x80xf32, #tpu.memory_space<vmem>>, %arg11: memref<10x80xf32, #tpu.memory_space<vmem>>, %arg12: memref<4000x64xf32, #tpu.memory_space<vmem>>, %arg13: memref<4000x16xf32, #tpu.memory_space<vmem>>) attributes {dimension_semantics = [#tpu.dimension_semantics<arbitrary>], iteration_bounds = array<i64: 25>, scalar_prefetch = 0 : i64, scratch_operands = 0 : i64, tpu.core_type = #tpu.core_type<tc>, window_params = [{transform_indices = @transform_0, window_bounds = array<i64: 4000, 21>}, {transform_indices = @transform_1, window_bounds = array<i64: 4000, 1>}, {transform_indices = @transform_2, window_bounds = array<i64: 4000, 10>}, {pipeline_mode = #tpu.pipeline_mode<synchronous>, transform_indices = @transform_3, window_bounds = array<i64: 21, 64>}, {pipeline_mode = #tpu.pipeline_mode<synchronous>, transform_indices = @transform_4, window_bounds = array<i64: 1, 64>}, {pipeline_mode = #tpu.pipeline_mode<synchronous>, transform_indices = @transform_5, window_bounds = array<i64: 64, 64>}, {pipeline_mode = #tpu.pipeline_mode<synchronous>, transform_indices = @transform_6, window_bounds = array<i64: 1, 64>}, {pipeline_mode = #tpu.pipeline_mode<synchronous>, transform_indices = @transform_7, window_bounds = array<i64: 64, 80>}, {pipeline_mode = #tpu.pipeline_mode<synchronous>, transform_indices = @transform_8, window_bounds = array<i64: 1, 80>}, {pipeline_mode = #tpu.pipeline_mode<synchronous>, transform_indices = @transform_9, window_bounds = array<i64: 5, 80>}, {pipeline_mode = #tpu.pipeline_mode<synchronous>, transform_indices = @transform_10, window_bounds = array<i64: 10, 80>}, {transform_indices = @transform_11, window_bounds = array<i64: 4000, 64>}, {transform_indices = @transform_12, window_bounds = array<i64: 4000, 16>}]} {
    %get3A = arith.constant 0 : index
    %get3A_0 = arith.constant 0 : index
    %get3A_1 = vector.load %arg1[%get3A, %get3A_0] : memref<4000x21xf32, #tpu.memory_space<vmem>>, vector<4000x21xf32>
    %get3A_2 = arith.constant 0 : index
    %get3A_3 = arith.constant 0 : index
    %get3A_4 = vector.load %arg4[%get3A_2, %get3A_3] : memref<21x64xf32, #tpu.memory_space<vmem>>, vector<21x64xf32>
    %dot_general3A = arith.constant dense<0.000000e+00> : vector<4000x64xf32>
    %dot_general3A_5 = tpu.matmul %get3A_1, %get3A_4, %dot_general3A {dimension_numbers = #tpu.dot_dimension_numbers<[1], [0], [0], [1], [0, 0, 1, 1], [], []>, transpose_lhs_hint = false} : vector<4000x21xf32>, vector<21x64xf32>, vector<4000x64xf32> -> vector<4000x64xf32>
    %get3A_6 = arith.constant 0 : index
    %get3A_7 = arith.constant 0 : index
    %get3A_8 = vector.load %arg5[%get3A_6, %get3A_7] : memref<1x64xf32, #tpu.memory_space<vmem>>, vector<1x64xf32>
    %add3A = vector.broadcast %get3A_8 : vector<1x64xf32> to vector<4000x64xf32>
    %add3A_9 = arith.addf %dot_general3A_5, %add3A : vector<4000x64xf32>
    %max3A = arith.constant 0.000000e+00 : f32
    %max3A_10 = vector.broadcast %max3A : f32 to vector<4000x64xf32>
    %max3A_11 = arith.maximumf %add3A_9, %max3A_10 : vector<4000x64xf32>
    %get3A_12 = arith.constant 0 : index
    %get3A_13 = arith.constant 0 : index
    %get3A_14 = vector.load %arg6[%get3A_12, %get3A_13] : memref<64x64xf32, #tpu.memory_space<vmem>>, vector<64x64xf32>
    %dot_general3A_15 = arith.constant dense<0.000000e+00> : vector<4000x64xf32>
    %dot_general3A_16 = tpu.matmul %max3A_11, %get3A_14, %dot_general3A_15 {dimension_numbers = #tpu.dot_dimension_numbers<[1], [0], [0], [1], [0, 0, 1, 1], [], []>, transpose_lhs_hint = false} : vector<4000x64xf32>, vector<64x64xf32>, vector<4000x64xf32> -> vector<4000x64xf32>
    %get3A_17 = arith.constant 0 : index
    %get3A_18 = arith.constant 0 : index
    %get3A_19 = vector.load %arg7[%get3A_17, %get3A_18] : memref<1x64xf32, #tpu.memory_space<vmem>>, vector<1x64xf32>
    %add3A_20 = vector.broadcast %get3A_19 : vector<1x64xf32> to vector<4000x64xf32>
    %add3A_21 = arith.addf %dot_general3A_16, %add3A_20 : vector<4000x64xf32>
    %max3A_22 = arith.constant 0.000000e+00 : f32
    %max3A_23 = vector.broadcast %max3A_22 : f32 to vector<4000x64xf32>
    %max3A_24 = arith.maximumf %add3A_21, %max3A_23 : vector<4000x64xf32>
    %get3A_25 = arith.constant 0 : index
    %get3A_26 = arith.constant 0 : index
    %get3A_27 = vector.load %arg8[%get3A_25, %get3A_26] : memref<64x80xf32, #tpu.memory_space<vmem>>, vector<64x80xf32>
    %dot_general3A_28 = arith.constant dense<0.000000e+00> : vector<4000x80xf32>
    %dot_general3A_29 = tpu.matmul %max3A_24, %get3A_27, %dot_general3A_28 {dimension_numbers = #tpu.dot_dimension_numbers<[1], [0], [0], [1], [0, 0, 1, 1], [], []>, transpose_lhs_hint = false} : vector<4000x64xf32>, vector<64x80xf32>, vector<4000x80xf32> -> vector<4000x80xf32>
    %get3A_30 = arith.constant 0 : index
    %get3A_31 = arith.constant 0 : index
    %get3A_32 = vector.load %arg9[%get3A_30, %get3A_31] : memref<1x80xf32, #tpu.memory_space<vmem>>, vector<1x80xf32>
    %add3A_33 = vector.broadcast %get3A_32 : vector<1x80xf32> to vector<4000x80xf32>
    %add3A_34 = arith.addf %dot_general3A_29, %add3A_33 : vector<4000x80xf32>
    %get3A_35 = arith.constant 0 : index
    %get3A_36 = arith.constant 0 : index
    %get3A_37 = vector.load %arg2[%get3A_35, %get3A_36] : memref<4000x1xi32, #tpu.memory_space<vmem>>, vector<4000x1xi32>
    %iota3A = tpu.iota {dimensions = array<i32: 1>} : vector<4000x5xi32>
    %eq3A = vector.broadcast %get3A_37 : vector<4000x1xi32> to vector<4000x5xi32>
    %eq3A_38 = arith.cmpi eq, %eq3A, %iota3A : vector<4000x5xi32>
    %convert_element_type3A = arith.extui %eq3A_38 : vector<4000x5xi1> to vector<4000x5xi32>
    %convert_element_type3A_39 = arith.sitofp %convert_element_type3A : vector<4000x5xi32> to vector<4000x5xf32>
    %get3A_40 = arith.constant 0 : index
    %get3A_41 = arith.constant 0 : index
    %get3A_42 = vector.load %arg10[%get3A_40, %get3A_41] : memref<5x80xf32, #tpu.memory_space<vmem>>, vector<5x80xf32>
    %dot_general3A_43 = arith.constant dense<0.000000e+00> : vector<4000x80xf32>
    %dot_general3A_44 = tpu.matmul %convert_element_type3A_39, %get3A_42, %dot_general3A_43 {dimension_numbers = #tpu.dot_dimension_numbers<[1], [0], [0], [1], [0, 0, 1, 1], [], []>, transpose_lhs_hint = false} : vector<4000x5xf32>, vector<5x80xf32>, vector<4000x80xf32> -> vector<4000x80xf32>
    %add3A_45 = arith.addf %add3A_34, %dot_general3A_44 : vector<4000x80xf32>
    %get3A_46 = arith.constant 0 : index
    %get3A_47 = arith.constant 0 : index
    %get3A_48 = vector.load %arg3[%get3A_46, %get3A_47] : memref<4000x10xf32, #tpu.memory_space<vmem>>, vector<4000x10xf32>
    %get3A_49 = arith.constant 0 : index
    %get3A_50 = arith.constant 0 : index
    %get3A_51 = vector.load %arg11[%get3A_49, %get3A_50] : memref<10x80xf32, #tpu.memory_space<vmem>>, vector<10x80xf32>
    %dot_general3A_52 = arith.constant dense<0.000000e+00> : vector<4000x80xf32>
    %dot_general3A_53 = tpu.matmul %get3A_48, %get3A_51, %dot_general3A_52 {dimension_numbers = #tpu.dot_dimension_numbers<[1], [0], [0], [1], [0, 0, 1, 1], [], []>, transpose_lhs_hint = false} : vector<4000x10xf32>, vector<10x80xf32>, vector<4000x80xf32> -> vector<4000x80xf32>
    %add3A_54 = arith.addf %add3A_45, %dot_general3A_53 : vector<4000x80xf32>
    %slice3A = vector.extract_strided_slice %add3A_54 {offsets = [0, 0], sizes = [4000, 64], strides = [1, 1]} : vector<4000x80xf32> to vector<4000x64xf32>
    %swap3A = arith.constant 0 : index
    %swap3A_55 = arith.constant 0 : index
    %swap3A_56 = vector.load %arg12[%swap3A, %swap3A_55] : memref<4000x64xf32, #tpu.memory_space<vmem>>, vector<4000x64xf32>
    tpu.vector_store %arg12[%swap3A, %swap3A_55], %slice3A {strides = array<i32>} : memref<4000x64xf32, #tpu.memory_space<vmem>>, vector<4000x64xf32>,
    %slice3A_57 = vector.extract_strided_slice %add3A_54 {offsets = [0, 64], sizes = [4000, 16], strides = [1, 1]} : vector<4000x80xf32> to vector<4000x16xf32>
    %swap3A_58 = arith.constant 0 : index
    %swap3A_59 = arith.constant 0 : index
    %swap3A_60 = vector.load %arg13[%swap3A_58, %swap3A_59] : memref<4000x16xf32, #tpu.memory_space<vmem>>, vector<4000x16xf32>
    tpu.vector_store %arg13[%swap3A_58, %swap3A_59], %slice3A_57 {strides = array<i32>} : memref<4000x16xf32, #tpu.memory_space<vmem>>, vector<4000x16xf32>,
    return
  }
  func.func @transform_0(%arg0: i32) -> (i32, i32) {
    %c0_i32 = arith.constant 0 : i32
    %c0_i32_0 = arith.constant 0 : i32
    return %arg0, %c0_i32 : i32, i32
  }
  func.func @transform_1(%arg0: i32) -> (i32, i32) {
    %c0_i32 = arith.constant 0 : i32
    %c0_i32_0 = arith.constant 0 : i32
    return %arg0, %c0_i32 : i32, i32
  }
  func.func @transform_2(%arg0: i32) -> (i32, i32) {
    %c0_i32 = arith.constant 0 : i32
    %c0_i32_0 = arith.constant 0 : i32
    return %arg0, %c0_i32 : i32, i32
  }
  func.func @transform_3(%arg0: i32) -> (i32, i32) {
    %c0_i32 = arith.constant 0 : i32
    %c0_i32_0 = arith.constant 0 : i32
    %c0_i32_1 = arith.constant 0 : i32
    return %c0_i32, %c0_i32_0 : i32, i32
  }
  func.func @transform_4(%arg0: i32) -> (i32, i32) {
    %c0_i32 = arith.constant 0 : i32
    %c0_i32_0 = arith.constant 0 : i32
    %c0_i32_1 = arith.constant 0 : i32
    return %c0_i32, %c0_i32_0 : i32, i32
  }
  func.func @transform_5(%arg0: i32) -> (i32, i32) {
    %c0_i32 = arith.constant 0 : i32
    %c0_i32_0 = arith.constant 0 : i32
    %c0_i32_1 = arith.constant 0 : i32
    return %c0_i32, %c0_i32_0 : i32, i32
  }
  func.func @transform_6(%arg0: i32) -> (i32, i32) {
    %c0_i32 = arith.constant 0 : i32
    %c0_i32_0 = arith.constant 0 : i32
    %c0_i32_1 = arith.constant 0 : i32
    return %c0_i32, %c0_i32_0 : i32, i32
  }
  func.func @transform_7(%arg0: i32) -> (i32, i32) {
    %c0_i32 = arith.constant 0 : i32
    %c0_i32_0 = arith.constant 0 : i32
    %c0_i32_1 = arith.constant 0 : i32
    return %c0_i32, %c0_i32_0 : i32, i32
  }
  func.func @transform_8(%arg0: i32) -> (i32, i32) {
    %c0_i32 = arith.constant 0 : i32
    %c0_i32_0 = arith.constant 0 : i32
    %c0_i32_1 = arith.constant 0 : i32
    return %c0_i32, %c0_i32_0 : i32, i32
  }
  func.func @transform_9(%arg0: i32) -> (i32, i32) {
    %c0_i32 = arith.constant 0 : i32
    %c0_i32_0 = arith.constant 0 : i32
    %c0_i32_1 = arith.constant 0 : i32
    return %c0_i32, %c0_i32_0 : i32, i32
  }
  func.func @transform_10(%arg0: i32) -> (i32, i32) {
    %c0_i32 = arith.constant 0 : i32
    %c0_i32_0 = arith.constant 0 : i32
    %c0_i32_1 = arith.constant 0 : i32
    return %c0_i32, %c0_i32_0 : i32, i32
  }
  func.func @transform_11(%arg0: i32) -> (i32, i32) {
    %c0_i32 = arith.constant 0 : i32
    %c0_i32_0 = arith.constant 0 : i32
    return %arg0, %c0_i32 : i32, i32
  }
  func.func @transform_12(%arg0: i32) -> (i32, i32) {
    %c0_i32 = arith.constant 0 : i32
    %c0_i32_0 = arith.constant 0 : i32
    return %arg0, %c0_i32 : i32, i32
  }
}

module attributes {stable_mosaic.version = 14 : i64} {
  func.func @body(%arg0: i32, %arg1: memref<4000x8xf32, #tpu.memory_space<vmem>>, %arg2: memref<4000x1xi32, #tpu.memory_space<vmem>>, %arg3: memref<8x64xf32, #tpu.memory_space<vmem>>, %arg4: memref<1x64xf32, #tpu.memory_space<vmem>>, %arg5: memref<64x64xf32, #tpu.memory_space<vmem>>, %arg6: memref<1x64xf32, #tpu.memory_space<vmem>>, %arg7: memref<64x80xf32, #tpu.memory_space<vmem>>, %arg8: memref<1x80xf32, #tpu.memory_space<vmem>>, %arg9: memref<5x80xf32, #tpu.memory_space<vmem>>, %arg10: memref<4000x64xf32, #tpu.memory_space<vmem>>, %arg11: memref<4000x16xf32, #tpu.memory_space<vmem>>) attributes {dimension_semantics = [#tpu.dimension_semantics<arbitrary>], iteration_bounds = array<i64: 100>, scalar_prefetch = 0 : i64, scratch_operands = 0 : i64, tpu.core_type = #tpu.core_type<tc>, window_params = [{transform_indices = @transform_0, window_bounds = array<i64: 4000, 8>}, {transform_indices = @transform_1, window_bounds = array<i64: 4000, 1>}, {pipeline_mode = #tpu.pipeline_mode<synchronous>, transform_indices = @transform_2, window_bounds = array<i64: 8, 64>}, {pipeline_mode = #tpu.pipeline_mode<synchronous>, transform_indices = @transform_3, window_bounds = array<i64: 1, 64>}, {pipeline_mode = #tpu.pipeline_mode<synchronous>, transform_indices = @transform_4, window_bounds = array<i64: 64, 64>}, {pipeline_mode = #tpu.pipeline_mode<synchronous>, transform_indices = @transform_5, window_bounds = array<i64: 1, 64>}, {pipeline_mode = #tpu.pipeline_mode<synchronous>, transform_indices = @transform_6, window_bounds = array<i64: 64, 80>}, {pipeline_mode = #tpu.pipeline_mode<synchronous>, transform_indices = @transform_7, window_bounds = array<i64: 1, 80>}, {pipeline_mode = #tpu.pipeline_mode<synchronous>, transform_indices = @transform_8, window_bounds = array<i64: 5, 80>}, {transform_indices = @transform_9, window_bounds = array<i64: 4000, 64>}, {transform_indices = @transform_10, window_bounds = array<i64: 4000, 16>}]} {
    %get3A = arith.constant 0 : index
    %get3A_0 = arith.constant 0 : index
    %get3A_1 = vector.load %arg1[%get3A, %get3A_0] : memref<4000x8xf32, #tpu.memory_space<vmem>>, vector<4000x8xf32>
    %get3A_2 = arith.constant 0 : index
    %get3A_3 = arith.constant 0 : index
    %get3A_4 = vector.load %arg3[%get3A_2, %get3A_3] : memref<8x64xf32, #tpu.memory_space<vmem>>, vector<8x64xf32>
    %dot_general3A = arith.constant dense<0.000000e+00> : vector<4000x64xf32>
    %dot_general3A_5 = tpu.matmul %get3A_1, %get3A_4, %dot_general3A {dimension_numbers = #tpu.dot_dimension_numbers<[1], [0], [0], [1], [0, 0, 1, 1], [], []>, transpose_lhs_hint = false} : vector<4000x8xf32>, vector<8x64xf32>, vector<4000x64xf32> -> vector<4000x64xf32>
    %get3A_6 = arith.constant 0 : index
    %get3A_7 = arith.constant 0 : index
    %get3A_8 = vector.load %arg4[%get3A_6, %get3A_7] : memref<1x64xf32, #tpu.memory_space<vmem>>, vector<1x64xf32>
    %add3A = vector.broadcast %get3A_8 : vector<1x64xf32> to vector<4000x64xf32>
    %add3A_9 = arith.addf %dot_general3A_5, %add3A : vector<4000x64xf32>
    %max3A = arith.constant 0.000000e+00 : f32
    %max3A_10 = vector.broadcast %max3A : f32 to vector<4000x64xf32>
    %max3A_11 = arith.maximumf %add3A_9, %max3A_10 : vector<4000x64xf32>
    %get3A_12 = arith.constant 0 : index
    %get3A_13 = arith.constant 0 : index
    %get3A_14 = vector.load %arg5[%get3A_12, %get3A_13] : memref<64x64xf32, #tpu.memory_space<vmem>>, vector<64x64xf32>
    %dot_general3A_15 = arith.constant dense<0.000000e+00> : vector<4000x64xf32>
    %dot_general3A_16 = tpu.matmul %max3A_11, %get3A_14, %dot_general3A_15 {dimension_numbers = #tpu.dot_dimension_numbers<[1], [0], [0], [1], [0, 0, 1, 1], [], []>, transpose_lhs_hint = false} : vector<4000x64xf32>, vector<64x64xf32>, vector<4000x64xf32> -> vector<4000x64xf32>
    %get3A_17 = arith.constant 0 : index
    %get3A_18 = arith.constant 0 : index
    %get3A_19 = vector.load %arg6[%get3A_17, %get3A_18] : memref<1x64xf32, #tpu.memory_space<vmem>>, vector<1x64xf32>
    %add3A_20 = vector.broadcast %get3A_19 : vector<1x64xf32> to vector<4000x64xf32>
    %add3A_21 = arith.addf %dot_general3A_16, %add3A_20 : vector<4000x64xf32>
    %max3A_22 = arith.constant 0.000000e+00 : f32
    %max3A_23 = vector.broadcast %max3A_22 : f32 to vector<4000x64xf32>
    %max3A_24 = arith.maximumf %add3A_21, %max3A_23 : vector<4000x64xf32>
    %get3A_25 = arith.constant 0 : index
    %get3A_26 = arith.constant 0 : index
    %get3A_27 = vector.load %arg7[%get3A_25, %get3A_26] : memref<64x80xf32, #tpu.memory_space<vmem>>, vector<64x80xf32>
    %dot_general3A_28 = arith.constant dense<0.000000e+00> : vector<4000x80xf32>
    %dot_general3A_29 = tpu.matmul %max3A_24, %get3A_27, %dot_general3A_28 {dimension_numbers = #tpu.dot_dimension_numbers<[1], [0], [0], [1], [0, 0, 1, 1], [], []>, transpose_lhs_hint = false} : vector<4000x64xf32>, vector<64x80xf32>, vector<4000x80xf32> -> vector<4000x80xf32>
    %get3A_30 = arith.constant 0 : index
    %get3A_31 = arith.constant 0 : index
    %get3A_32 = vector.load %arg8[%get3A_30, %get3A_31] : memref<1x80xf32, #tpu.memory_space<vmem>>, vector<1x80xf32>
    %add3A_33 = vector.broadcast %get3A_32 : vector<1x80xf32> to vector<4000x80xf32>
    %add3A_34 = arith.addf %dot_general3A_29, %add3A_33 : vector<4000x80xf32>
    %get3A_35 = arith.constant 0 : index
    %get3A_36 = arith.constant 0 : index
    %get3A_37 = vector.load %arg2[%get3A_35, %get3A_36] : memref<4000x1xi32, #tpu.memory_space<vmem>>, vector<4000x1xi32>
    %iota3A = tpu.iota {dimensions = array<i32: 1>} : vector<4000x5xi32>
    %eq3A = vector.broadcast %get3A_37 : vector<4000x1xi32> to vector<4000x5xi32>
    %eq3A_38 = arith.cmpi eq, %eq3A, %iota3A : vector<4000x5xi32>
    %convert_element_type3A = arith.extui %eq3A_38 : vector<4000x5xi1> to vector<4000x5xi32>
    %convert_element_type3A_39 = arith.sitofp %convert_element_type3A : vector<4000x5xi32> to vector<4000x5xf32>
    %get3A_40 = arith.constant 0 : index
    %get3A_41 = arith.constant 0 : index
    %get3A_42 = vector.load %arg9[%get3A_40, %get3A_41] : memref<5x80xf32, #tpu.memory_space<vmem>>, vector<5x80xf32>
    %dot_general3A_43 = arith.constant dense<0.000000e+00> : vector<4000x80xf32>
    %dot_general3A_44 = tpu.matmul %convert_element_type3A_39, %get3A_42, %dot_general3A_43 {dimension_numbers = #tpu.dot_dimension_numbers<[1], [0], [0], [1], [0, 0, 1, 1], [], []>, transpose_lhs_hint = false} : vector<4000x5xf32>, vector<5x80xf32>, vector<4000x80xf32> -> vector<4000x80xf32>
    %add3A_45 = arith.addf %add3A_34, %dot_general3A_44 : vector<4000x80xf32>
    %slice3A = vector.extract_strided_slice %add3A_45 {offsets = [0, 0], sizes = [4000, 64], strides = [1, 1]} : vector<4000x80xf32> to vector<4000x64xf32>
    %swap3A = arith.constant 0 : index
    %swap3A_46 = arith.constant 0 : index
    %swap3A_47 = vector.load %arg10[%swap3A, %swap3A_46] : memref<4000x64xf32, #tpu.memory_space<vmem>>, vector<4000x64xf32>
    tpu.vector_store %arg10[%swap3A, %swap3A_46], %slice3A {strides = array<i32>} : memref<4000x64xf32, #tpu.memory_space<vmem>>, vector<4000x64xf32>,
    %slice3A_48 = vector.extract_strided_slice %add3A_45 {offsets = [0, 64], sizes = [4000, 16], strides = [1, 1]} : vector<4000x80xf32> to vector<4000x16xf32>
    %swap3A_49 = arith.constant 0 : index
    %swap3A_50 = arith.constant 0 : index
    %swap3A_51 = vector.load %arg11[%swap3A_49, %swap3A_50] : memref<4000x16xf32, #tpu.memory_space<vmem>>, vector<4000x16xf32>
    tpu.vector_store %arg11[%swap3A_49, %swap3A_50], %slice3A_48 {strides = array<i32>} : memref<4000x16xf32, #tpu.memory_space<vmem>>, vector<4000x16xf32>,
    return
  }
  func.func @transform_0(%arg0: i32) -> (i32, i32) {
    %c0_i32 = arith.constant 0 : i32
    %c0_i32_0 = arith.constant 0 : i32
    return %arg0, %c0_i32 : i32, i32
  }
  func.func @transform_1(%arg0: i32) -> (i32, i32) {
    %c0_i32 = arith.constant 0 : i32
    %c0_i32_0 = arith.constant 0 : i32
    return %arg0, %c0_i32 : i32, i32
  }
  func.func @transform_2(%arg0: i32) -> (i32, i32) {
    %c0_i32 = arith.constant 0 : i32
    %c0_i32_0 = arith.constant 0 : i32
    %c0_i32_1 = arith.constant 0 : i32
    return %c0_i32, %c0_i32_0 : i32, i32
  }
  func.func @transform_3(%arg0: i32) -> (i32, i32) {
    %c0_i32 = arith.constant 0 : i32
    %c0_i32_0 = arith.constant 0 : i32
    %c0_i32_1 = arith.constant 0 : i32
    return %c0_i32, %c0_i32_0 : i32, i32
  }
  func.func @transform_4(%arg0: i32) -> (i32, i32) {
    %c0_i32 = arith.constant 0 : i32
    %c0_i32_0 = arith.constant 0 : i32
    %c0_i32_1 = arith.constant 0 : i32
    return %c0_i32, %c0_i32_0 : i32, i32
  }
  func.func @transform_5(%arg0: i32) -> (i32, i32) {
    %c0_i32 = arith.constant 0 : i32
    %c0_i32_0 = arith.constant 0 : i32
    %c0_i32_1 = arith.constant 0 : i32
    return %c0_i32, %c0_i32_0 : i32, i32
  }
  func.func @transform_6(%arg0: i32) -> (i32, i32) {
    %c0_i32 = arith.constant 0 : i32
    %c0_i32_0 = arith.constant 0 : i32
    %c0_i32_1 = arith.constant 0 : i32
    return %c0_i32, %c0_i32_0 : i32, i32
  }
  func.func @transform_7(%arg0: i32) -> (i32, i32) {
    %c0_i32 = arith.constant 0 : i32
    %c0_i32_0 = arith.constant 0 : i32
    %c0_i32_1 = arith.constant 0 : i32
    return %c0_i32, %c0_i32_0 : i32, i32
  }
  func.func @transform_8(%arg0: i32) -> (i32, i32) {
    %c0_i32 = arith.constant 0 : i32
    %c0_i32_0 = arith.constant 0 : i32
    %c0_i32_1 = arith.constant 0 : i32
    return %c0_i32, %c0_i32_0 : i32, i32
  }
  func.func @transform_9(%arg0: i32) -> (i32, i32) {
    %c0_i32 = arith.constant 0 : i32
    %c0_i32_0 = arith.constant 0 : i32
    return %arg0, %c0_i32 : i32, i32
  }
  func.func @transform_10(%arg0: i32) -> (i32, i32) {
    %c0_i32 = arith.constant 0 : i32
    %c0_i32_0 = arith.constant 0 : i32
    return %arg0, %c0_i32 : i32, i32
  }
}

</mosaic_0001>

<sc_bundles>
// kernel: kernel.10.cloned.1.call-start
scs
__scs_entry_jumppad:
0x0: {  	(pc) =	sbr.rel $0x88, $3  }
0x1: {  	(tag) =	ssettag $0x0;
	lr =	simm.s32 $0x1  }
0x2: {  	[smem:$0x3F80] =	sst lr;
	_ =	strace $0xD0000000  }
0x3: {  	_ = 	snop  }
0x4: {  	_ = 	snop  }
0x5: {  	_ = 	snop  }
0x6: {  	_ = 	snop  }
0x7: {  	_ = 	snop  }
__scs_overlays_trampoline_lowered:
0x8: {  	[smem:$0x3F8F] =	sst s0  }
0x9: {  	[smem:$0x3F90] =	sst s1  }
0xa: {  	[smem:$0x3F91] =	sst s2  }
0xb: {  	[smem:$0x3F92] =	sst s3  }
0xc: {  	[smem:$0x3F93] =	sst s4  }
0xd: {  	[smem:$0x3F94] =	sst s5  }
0xe: {  	[smem:$0x3F95] =	sst s6  }
0xf: {  	[smem:$0x3F96] =	sst s7  }
0x10: {  	[smem:$0x3F97] =	sst s8  }
0x11: {  	[smem:$0x3F98] =	sst s9;
	s0 =	simm.s32 @!p0 $0x0  }
0x12: {  	s1 =	sld [smem:$0x3F7E];
	s0 =	simm.s32 @p0 $0x1  }
0x13: {  	[smem:$0x3F99] =	sst s0;
	s0 =	simm.s32 @!p1 $0x0  }
0x14: {  	s2 =	sld [smem:$0x3F7D];
	s0 =	simm.s32 @p1 $0x1  }
0x15: {  	[smem:$0x3F9A] =	sst s0;
	s0 =	simm.s32 @!p2 $0x0  }
0x16: {  	s3 =	sld [smem:$0x3FDB];
	s0 =	simm.s32 @p2 $0x1  }
0x17: {  	s4 =	simm.s32 $0x1BF5;
	[smem:$0x3F9C] =	sst s0  }
0x18: {  	s0 =	sld [smem:$0x3F7F];
	_ =	swait.ge [sflag:s4], $0x0  }
0x19: {  	s7 =	sld [smem:$0x3F80]  }
0x1a: {  	s8 =	sadd.s32 $0xFFFFE003, lr  }
0x1b: {  	s9 =	sadd.s32 $0xFFFFFEF7, lr;
	s5 =	simm.s32 $0xFFFFFFFF;
	p2 =	slt.u32 s8, $0xFFFFF086  }
0x1c: {  	p1 =	slt.u32 s9, $0xF7A;
	s5 =	simm.s32 @!p2 $0x0  }
0x1d: {  	s5 =	simm.s32 @p1 $0x1;
	p0 =	seq.s32 s7, s2  }
0x1e: {  	s7 =	smul.u32 @!p0 $0xF7A, s2;
	p2 =	seq.s32 @!p0 s5, $0x0  }
0x1f: {  	s9 =	smul.u32 $0xF7A, s1;
	s8 =	simm.s32 @!p0 $0x1BF5;
	p2 =	por !p2, p0  }
0x20: {  	[sflag:s8] =	ssyncset.s32 @!p0 $0xFFFFF086;
	s6 =	sadd.s32 @!p0 s3, s7;
	s7 =	simm.s32 @!p0 $0x108  }
0x21: {  	s3 =	sadd.s32 s3, s9;
	s6 =	sadd.s32 @!p0 $0x88, s6;
	s7 =	simm.s32 @p2 $0x1082  }
0x22: {  	[simem:s7], [sflag:s8] =	dma.local @!p0 [hbm:s6], $0xF7A  }
0x23: {  	s9 =	sor.u32 $0xD0000000, s2;
	s6 =	simm.s32 $0x108;
	_ =	swait.ge @!p0 [sflag:s8], $0x0  }
0x24: {  	s3 =	sadd.s32 $0x88, s3;
	s6 =	simm.s32 @!p1 $0x1082;
	[sflag:s4] =	ssyncset.s32 $0xFFFFF086  }
0x25: {  	[simem:s6], [sflag:s4] =	dma.local [hbm:s3], $0xF7A  }
0x26: {  	[smem:$0x3F80] =	sst s1;
	(tag) =	ssettag s2;
	_ =	strace s9  }
0x27: {  	s1 =	sld [smem:$0x3F90]  }
0x28: {  	s2 =	sld [smem:$0x3F91]  }
0x29: {  	s4 =	sld [smem:$0x3F93]  }
0x2a: {  	p0 =	seq.s32 s5, $0x0;
	s5 =	sld [smem:$0x3F94]  }
0x2b: {  	s6 =	sld [smem:$0x3F95]  }
0x2c: {  	s7 =	sld [smem:$0x3F96]  }
0x2d: {  	s3 =	simm.s32 $0x108;
	s8 =	sld [smem:$0x3F97]  }
0x2e: {  	s3 =	simm.s32 @!p0 $0x1082;
	s9 =	sld [smem:$0x3F98]  }
0x2f: {  	lr =	sadd.s32 s0, s3;
	s0 =	sld [smem:$0x3F8F]  }
0x30: {  	s3 =	sld [smem:$0x3F92]  }
0x31: {  	[smem:$0x3F9B] =	sst s10  }
0x32: {  	s10 =	sld [smem:$0x3F99];
	_ =	sdelay $0x3  }
0x33: {  	p0 =	seq.s32 s10, $0x1;
	s10 =	sld [smem:$0x3F9B];
	_ =	sdelay $0x3  }
0x34: {  	[smem:$0x3F9B] =	sst s10  }
0x35: {  	s10 =	sld [smem:$0x3F9A];
	_ =	sdelay $0x3  }
0x36: {  	p1 =	seq.s32 s10, $0x1;
	s10 =	sld [smem:$0x3F9B];
	_ =	sdelay $0x3  }
0x37: {  	[smem:$0x3F9B] =	sst s10  }
0x38: {  	s10 =	sld [smem:$0x3F9C]  }
0x39: {  	_ = 	snop;
	(pc) =	sbr.ind lr, $3  }
0x3a: {  	_ = 	snop  }
0x3b: {  	_ = 	snop  }
0x3c: {  	p2 =	seq.s32 s10, $0x1;
	s10 =	sld [smem:$0x3F9B]  }
0x3d: {  	_ =	shalt  }
0x3e: {  	_ =	shalt  }
0x3f: {  	_ =	shalt  }
0x40: {  	_ =	shalt  }
0x41: {  	_ =	shalt  }
0x42: {  	_ =	shalt  }
0x43: {  	_ =	shalt  }
0x44: {  	_ =	shalt  }
0x45: {  	_ =	shalt  }
0x46: {  	_ =	shalt  }
0x47: {  	_ =	shalt  }
0x48: {  	_ =	shalt  }
0x49: {  	_ =	shalt  }
0x4a: {  	_ =	shalt  }
0x4b: {  	_ =	shalt  }
0x4c: {  	_ =	shalt  }
0x4d: {  	_ =	shalt  }
0x4e: {  	_ =	shalt  }
0x4f: {  	_ =	shalt  }
0x50: {  	_ =	shalt  }
0x51: {  	_ =	shalt  }
0x52: {  	_ =	shalt  }
0x53: {  	_ =	shalt  }
0x54: {  	_ =	shalt  }
0x55: {  	_ =	shalt  }
0x56: {  	_ =	shalt  }
0x57: {  	_ =	shalt  }
0x58: {  	_ =	shalt  }
0x59: {  	_ =	shalt  }
0x5a: {  	_ =	shalt  }
0x5b: {  	_ =	shalt  }
0x5c: {  	_ =	shalt  }
0x5d: {  	_ =	shalt  }
0x5e: {  	_ =	shalt  }
0x5f: {  	_ =	shalt  }
0x60: {  	_ =	shalt  }
0x61: {  	_ =	shalt  }
0x62: {  	_ =	shalt  }
0x63: {  	_ =	shalt  }
0x64: {  	_ =	shalt  }
0x65: {  	_ =	shalt  }
0x66: {  	_ =	shalt  }
0x67: {  	_ =	shalt  }
0x68: {  	_ =	shalt  }
0x69: {  	_ =	shalt  }
0x6a: {  	_ =	shalt  }
0x6b: {  	_ =	shalt  }
0x6c: {  	_ =	shalt  }
0x6d: {  	_ =	shalt  }
0x6e: {  	_ =	shalt  }
0x6f: {  	_ =	shalt  }
0x70: {  	_ =	shalt  }
0x71: {  	_ =	shalt  }
0x72: {  	_ =	shalt  }
0x73: {  	_ =	shalt  }
0x74: {  	_ =	shalt  }
0x75: {  	_ =	shalt  }
0x76: {  	_ =	shalt  }
0x77: {  	_ =	shalt  }
0x78: {  	_ =	shalt  }
0x79: {  	_ =	shalt  }
0x7a: {  	_ =	shalt  }
0x7b: {  	_ =	shalt  }
0x7c: {  	_ =	shalt  }
0x7d: {  	_ =	shalt  }
0x7e: {  	_ =	shalt  }
0x7f: {  	_ =	shalt  }
0x80: {  	_ =	shalt  }
0x81: {  	_ =	shalt  }
0x82: {  	_ =	shalt  }
0x83: {  	_ =	shalt  }
0x84: {  	_ =	shalt  }
0x85: {  	_ =	shalt  }
0x86: {  	_ =	shalt  }
0x87: {  	_ =	shalt  }
.Lfunc_end0:
.L_simem_size_0:
called_computation.1_lowered:
.L_overlay_start_0:
0x88: {  	s2 =	sld [smem:$0x3FD9]  }
0x89: {  	s3 =	sld [smem:$0x3FFE];
	_ =	sdelay $0x1  }
0x8a: {  	s1 =	srdreg.scid  }
0x8b: {  	s0 =	sand.u32 $0x1, s1  }
0x8c: {  	s17 =	sshll.u32 s0, $0xA;
	s2 =	sadd.s32 s3, s2  }
0x8d: {  	s2 =	sadd.s32 s2, s17  }
0x8e: {  	[smem:$0x3FA7] =	sst s2  }
0x8f: {  	_ = 	snop  }
0x90: {  	(tm) =	ssettm $0x1  }
0x91: {  	s18 =	sld [smem:$0x3FFB];
	_ =	sdelay $0x3  }
0x92: {  	_ =	strace s18  }
0x93: {  	s2 =	sld [smem:$0x3FFC];
	_ =	sdelay $0x3  }
0x94: {  	_ =	strace s2  }
0x95: {  	s2 =	sld [smem:$0x3FFD];
	_ =	sdelay $0x3  }
0x96: {  	_ =	strace s2  }
0x97: {  	_ =	strace $0x8FFFFFFF  }
0x98: {  	s19 =	sld [smem:$0x3FDB];
	_ =	sdelay $0x1  }
0x99: {  	s20 =	simm.s32 $_scs_section_size  }
0x9a: {  	s4 =	simm.s32 $_size__tile_overlayer_lowered;
	s5 =	simm.s32 $_tile_overlayer_lowered  }
0x9b: {  	s6 =	simm.s32 $0x1BFF;
	s21 =	sshll.u32 s5, $0x1;
	s3 =	sadd.s32 s20, s19  }
0x9c: {  	s22 =	simm.s32 $0x0;
	s4 =	sshll.u32 s4, $0x1;
	s5 =	sadd.s32 s21, s3  }
0x9d: {  	[timem:s22], [sflag:s6] =	dma.local [hbm:s5], s4  }
0x9e: {  	_ =	swait.ge [sflag:s6], s4  }
0x9f: {  	s4 =	ssub.s32 $0x0, s4;
	[sflag:s6] =	ssyncset.done $0x0  }
0xa0: {  	[sflag:s6] =	ssyncadd.s32 s4;
	_ =	sdelay $0x1  }
0xa1: {  	s23 =	simm.s32 $0x1B8B  }
0xa2: {  	_ =	swait.ge [sflag:s23], $0x1  }
0xa3: {  	[sflag:s23] =	ssyncset.done $0x0  }
0xa4: {  	[sflag:s23] =	ssyncadd.s32 $0xFFFFFFFF  }
0xa5: {  	s4 =	sld [smem:$0x0]  }
0xa6: {  	s5 =	sand.u32 $0xFFFFFFFE, s1  }
0xa7: {  	p0 =	sne.s32 s1, s5  }
0xa8: {  	s5 =	sshll.u32 @p0 s5, $0xE  }
0xa9: {  	s5 =	sadd.s32 @p0 $0x11B8D, s5;
	s6 =	sshll.u32 @p0 s4, $0x11  }
0xaa: {  	s5 =	sor.u32 @p0 s6, s5  }
0xab: {  	[sflag:s5] =	ssyncadd.remote.s32 @p0 $0x1;
	_ =	sdelay $0x1  }
0xac: {  	s5 =	simm.s32 @p0 $0x1B8D  }
0xad: {  	_ =	swait.eq @p0 [sflag:s5], $0x1  }
0xae: {  	[sflag:s5] =	ssyncadd.s32 @p0 $0xFFFFFFFF  }
0xaf: {  	s6 =	sshll.u32 @!p0 s1, $0xE  }
0xb0: {  	s6 =	sor.u32 @!p0 $0x4000, s6;
	s5 =	simm.s32 @!p0 $0x1B8D  }
0xb1: {  	s4 =	sshll.u32 @!p0 s4, $0x11;
	s6 =	sadd.s32 @!p0 $0x11B8D, s6;
	_ =	swait.eq @!p0 [sflag:s5], $0x1  }
0xb2: {  	s4 =	sor.u32 @!p0 s4, s6;
	[sflag:s5] =	ssyncadd.s32 @!p0 $0xFFFFFFFF  }
0xb3: {  	s25 =	simm.s32 $0x1B8E;
	s24 =	sld [smem:$0x3FFE];
	[sflag:s4] =	ssyncadd.remote.s32 @!p0 $0x1  }
0xb4: {  	s26 =	simm.s32 $execute0_lowered;
	[smem:$0x3FD2] =	sst s25  }
0xb5: {  	s5 =	sshll.u32 s26, $0x1;
	_ =	strace $0x80000049;
	[dreg:$0x1] =	wrdreg $0xFFFFFFFF  }
0xb6: {  	s28 =	simm.s32 $_size_execute0_lowered;
	s3 =	sadd.s32 s3, s5;
	[dreg:$0x0] =	wrdreg $0x0  }
0xb7: {  	s5 =	sshll.u32 s28, $0x1;
	[dreg:$0x2] =	wrdreg s3  }
0xb8: {  	[dreg:$0x3] =	wrdreg s5  }
0xb9: {  	[dreg:$0x4] =	wrdreg $0xC0  }
0xba: {  	_ =	task [dreg:s22], $0x5FFFF  }
0xbb: {  	[dreg:$0x1] =	wrdreg $0xFFFFFFFF  }
0xbc: {  	[dreg:$0x0] =	wrdreg $0x60  }
0xbd: {  	[dreg:$0x2] =	wrdreg s24  }
0xbe: {  	[dreg:$0x3] =	wrdreg $0x0  }
0xbf: {  	[dreg:$0x4] =	wrdreg $0xA  }
0xc0: {  	_ =	task.clear_ibuf [dreg:s22], $0x5FFFF;
	_ =	strace $0x90000049  }
0xc1: {  	s29 =	simm.s32 $0xA;
	_ =	strace $0x8000004B  }
0xc2: {  	_ =	swait.ge [sflag:s29], $0x1  }
0xc3: {  	[sflag:s29] =	ssyncadd.s32 $0xFFFFFFFF  }
0xc4: {  	_ =	strace $0x9000004B  }
0xc5: {  	_ =	sfence  }
0xc6: {  	s30 =	sld [smem:$0x0];
	_ =	sdelay $0x2  }
0xc7: {  	s31 =	sshll.u32 s1, $0xD;
	s1 =	sshrl.u32 s1, $0x2  }
0xc8: {  	s4 =	sand.u32 $0x4000, s31;
	s1 =	sadd.s32 s1, s30  }
0xc9: {  	s0 =	sor.u32 s4, s0;
	s1 =	sshll.u32 s1, $0x11  }
0xca: {  	s0 =	sor.u32 s1, s0  }
0xcb: {  	s0 =	sadd.s32 $0x8F2B, s0  }
0xcc: {  	[sflag:s0] =	ssyncadd.remote.s32 $0x1  }
0xcd: {  	_ =	sfence.sel $0xFFFF  }
0xce: {  	[dreg:$0x0] =	wrdreg $0xFFFFFFFF;
	(pc) =	sbr.abs _section_cstart, $3  }
0xcf: {  	[dreg:$0x1] =	wrdreg $0xFFFFFFFF  }
0xd0: {  	_ =	task.clear_ibuf [dreg:s22], $0x2FFFF;
	_ =	strace $0x9FFFFFFF  }
0xd1: {  	(tm) =	ssettm $0x7FFFFFFF  }
tec
execute0_lowered:
.L_overlay_start_1:
0x0: {  	(tag) =	ssettag $0x1  }
0x1: {  	s12 =	stileid.u32  }
0x2: {  	s0 =	srdreg.scid;
	s7 =	smul.u32 $0x1900, s12  }
0x3: {  	s1 =	rddreg [dreg:$0x0];
	s9 =	smul.u32 $0x300, s12  }
0x4: {  	s2 =	rddreg [dreg:$0x1];
	s3 =	simm.s32 $0x0;
	s11 =	smul.u32 $0x6200, s12  }
0x5: {  	s17 =	simm.s32 $0xC980;
	s19 =	simm.s32 $0xCA00;
	s21 =	smul.u32 $0xC480, s12  }
0x6: {  	s0 =	sand.u32 $0x1, s0;
	[smem:$0x7FF] =	sst s3;
	s22 =	smul.u32 $0x31200, s12  }
0x7: {  	s4 =	sadd.s32 $0x491400, s1;
	s6 =	sadd.s32 $0x34400, s1;
	s5 =	smul.u32 $0x19000, s0  }
0x8: {  	s8 =	smul.u32 $0x3000, s0;
	_ =	strace $0x8000004A;
	[dreg:$0xf] =	wrdreg s6  }
0x9: {  	s10 =	smul.u32 $0x62000, s0;
	s6 =	sadd.s32 $0x4C2200, s1;
	[dreg:$0x7] =	wrdreg s17  }
0xa: {  	s20 =	smul.u32 $0xC4800, s0;
	s0 =	ssub.s32 $0x2, s0;
	[dreg:$0x8] =	wrdreg s19  }
0xb: {  	s23 =	sshrl.u32 s0, $0x1;
	s5 =	sadd.s32 s7, s5;
	s8 =	sadd.s32 s9, s8  }
0xc: {  	s10 =	sadd.s32 s11, s10;
	s0 =	ssub.s32 s0, s23;
	s23 =	simm.s32 $0xCA80  }
0xd: {  	s11 =	sshrl.u32 s22, $0x2;
	s0 =	smax.u32 s0, $0x1;
	[dreg:$0xa] =	wrdreg s23  }
0xe: {  	s7 =	sadd.s32 s21, s20;
	s11 =	sadd.s32 s11, s2;
	[dreg:$0x15] =	wrdreg s0  }
0xf: {  	s5 =	sshrl.u32 s5, $0x3;
	s24 =	sadd.s32 $0xC000, s11;
	[dreg:$0x10] =	wrdreg s11  }
0x10: {  	s8 =	sshrl.u32 s8, $0x3;
	s12 =	sadd.s32 $0x800, s11;
	[dreg:$0x11] =	wrdreg s24  }
0x11: {  	s10 =	sshrl.u32 s10, $0x3;
	s14 =	sadd.s32 $0x1000, s11;
	[dreg:$0x16] =	wrdreg s12  }
0x12: {  	s7 =	sshrl.u32 s7, $0x3;
	s16 =	sadd.s32 $0x1800, s11;
	[dreg:$0x17] =	wrdreg s14  }
0x13: {  	s5 =	sadd.s32 s5, s1;
	s18 =	sadd.s32 $0x2000, s11;
	[dreg:$0x18] =	wrdreg s16  }
0x14: {  	s8 =	sadd.s32 s8, s1;
	s20 =	sadd.s32 $0x2800, s11;
	[dreg:$0x19] =	wrdreg s18  }
0x15: {  	s10 =	sadd.s32 s10, s1;
	s22 =	sadd.s32 $0x3000, s11;
	[dreg:$0x1a] =	wrdreg s20  }
0x16: {  	s1 =	sadd.s32 s7, s1;
	s7 =	simm.s32 $0xCB00;
	[dreg:$0x1b] =	wrdreg s22  }
0x17: {  	s17 =	sadd.s32 $0x7000, s11;
	[dreg:$0xc] =	wrdreg s7  }
0x18: {  	s19 =	sadd.s32 $0x8000, s11;
	[smem:$0x7F4] =	sst s17  }
0x19: {  	s23 =	sadd.s32 $0xA000, s11;
	[smem:$0x7F6] =	sst s19  }
0x1a: {  	s25 =	sadd.s32 $0x490800, s8;
	[smem:$0x7FA] =	sst s23  }
0x1b: {  	s26 =	sadd.s32 $0x48FC00, s8;
	[dreg:$0x12] =	wrdreg s25  }
0x1c: {  	s1 =	sadd.s32 $0x585800, s1;
	[dreg:$0x13] =	wrdreg s26  }
0x1d: {  	s8 =	sadd.s32 $0x39400, s5;
	[dreg:$0x14] =	wrdreg s1  }
0x1e: {  	s28 =	simm.s32 $0xCD00;
	s9 =	sadd.s32 $0x489800, s5;
	[dreg:$0x3] =	wrdreg s8  }
0x1f: {  	s29 =	simm.s32 $0xC700;
	s13 =	sadd.s32 $0x6F600, s10;
	[dreg:$0x4] =	wrdreg s9  }
0x20: {  	s30 =	simm.s32 $0xCD80;
	s15 =	sadd.s32 $0x1BC00, s10;
	[dreg:$0x5] =	wrdreg s13  }
0x21: {  	s31 =	simm.s32 $0xC780;
	s24 =	sadd.s32 $0x3800, s11;
	[dreg:$0x6] =	wrdreg s15  }
0x22: {  	s0 =	simm.s32 $0xC800;
	s10 =	sadd.s32 $0x5000, s11;
	[dreg:$0x1c] =	wrdreg s24  }
0x23: {  	s12 =	simm.s32 $0xD200;
	s14 =	sadd.s32 $0x6000, s11;
	[dreg:$0x1f] =	wrdreg s10  }
0x24: {  	s16 =	sadd.s32 $0x6800, s11;
	s18 =	sadd.s32 $0x7800, s11;
	[dreg:$0xe] =	wrdreg s12  }
0x25: {  	s20 =	sadd.s32 $0x8800, s11;
	s22 =	sadd.s32 $0x9800, s11;
	[smem:$0x7F1] =	sst s14  }
0x26: {  	s19 =	simm.s32 $0x1;
	s23 =	simm.s32 $0xCC00;
	[smem:$0x7F3] =	sst s16  }
0x27: {  	s7 =	simm.s32 $0xCF80;
	s17 =	simm.s32 $0x0;
	[smem:$0x7F5] =	sst s18  }
0x28: {  	s1 =	sadd.s32 s21, s2;
	s21 =	simm.s32 $0xD080;
	[smem:$0x7F7] =	sst s20  }
0x29: {  	s25 =	simm.s32 $0xD100;
	s26 =	sadd.s32 $0x4000, s11;
	[smem:$0x7F9] =	sst s22  }
0x2a: {  	s8 =	sadd.s32 $0x4800, s11;
	s9 =	simm.s32 $0xD180;
	[dreg:$0x9] =	wrdreg s21  }
0x2b: {  	s13 =	sadd.s32 $0x5800, s11;
	s24 =	sadd.s32 $0xA800, s11;
	[dreg:$0x1d] =	wrdreg s26  }
0x2c: {  	s12 =	simm.s32 $0xD280;
	s14 =	simm.s32 $0xC480;
	[dreg:$0xb] =	wrdreg s25  }
0x2d: {  	s16 =	simm.s32 $0x80;
	s20 =	simm.s32 $0xC500;
	[dreg:$0x1e] =	wrdreg s8  }
0x2e: {  	s18 =	simm.s32 $0xDA80;
	s22 =	simm.s32 $0xC580;
	[dreg:$0xd] =	wrdreg s9  }
0x2f: {  	s10 =	simm.s32 $0xCF00;
	[smem:$0x7F0] =	sst s13;
	s15 =	sshrl.u32 s1, $0x3  }
0x30: {  	s21 =	sadd.s32 $0x9000, s11;
	[smem:$0x7FB] =	sst s24;
	s25 =	sadd.s32 $0xB000, s11  }
0x31: {  	s26 =	sadd.s32 $0xB800, s11;
	s13 =	simm.s32 $0x3;
	[smem:$0x7F2] =	sst s15  }
0x32: {  	s24 =	simm.s32 $0xC600;
	s1 =	simm.s32 $0xCE00;
	[smem:$0x7F8] =	sst s21  }
0x33: {  	s8 =	simm.s32 $0xCE80;
	s9 =	simm.s32 $0xC880;
	[smem:$0x7FC] =	sst s25  }
0x34: {  	s11 =	simm.s32 $0xC900;
	[smem:$0x7FD] =	sst s26;
	s15 =	simm.s32 $0xCB80  }
0x35: {  	v0 =	vimm.f32 $0.0e+00;
	s21 =	simm.s32 $0x2;
	s25 =	simm.s32 $0xCC80;
	s26 =	simm.s32 $0xC680  }
.LBB2_1:
0x36: {  	[smem:$0x7EF] =	sst s17;
	s5 =	simm.s32 $0x40;
	s17 =	simm.s32 $0x0  }
.LBB2_2:
0x37: {  	p0 =	sne.s32 s5, $0x1FC0;
	[tilespmem:s17+$0xD280] =	vst v0;
	s17 =	smov.u32 s5;
	s5 =	sadd.s32 $0x40, s5  }
.Ltmp0:
0x38: {  	(pc) =	sbr.rel @p0 .LBB2_2-.Ltmp0, $2  }
0x39: {  	_ =	sdelay $0x2  }
0x3a: {  	s17 =	sshra.s32 s17, $0x2  }
0x3b: {  	[tilespmem:s17+$0xD280] =	vst v0;
	s5 =	rddreg [dreg:$0x10]  }
0x3c: {  	[spmem:s5] =	stream.linear.scatter [tilespmem:s12], [sflag:$0x3], $0x800, $0x38;
	[tilespmem:$0xE280] =	vst v63  }
0x3d: {  	_ =	swait.ge [sflag:s13], $0x800  }
0x3e: {  	[sflag:s13] =	ssyncset.done $0x0  }
0x3f: {  	s17 =	rddreg [dreg:$0x16];
	[sflag:s13] =	ssyncadd.s32 $0xFFFFF800  }
0x40: {  	[spmem:s17] =	stream.linear.scatter [tilespmem:s12], [sflag:$0x3], $0x800, $0x38;
	[tilespmem:$0xE280] =	vst v63  }
0x41: {  	_ =	swait.ge [sflag:s13], $0x800  }
0x42: {  	[sflag:s13] =	ssyncset.done $0x0  }
0x43: {  	s17 =	rddreg [dreg:$0x17];
	[sflag:s13] =	ssyncadd.s32 $0xFFFFF800  }
0x44: {  	[spmem:s17] =	stream.linear.scatter [tilespmem:s12], [sflag:$0x3], $0x800, $0x38;
	[tilespmem:$0xE280] =	vst v63  }
0x45: {  	_ =	swait.ge [sflag:s13], $0x800  }
0x46: {  	[sflag:s13] =	ssyncset.done $0x0  }
0x47: {  	s17 =	rddreg [dreg:$0x18];
	[sflag:s13] =	ssyncadd.s32 $0xFFFFF800  }
0x48: {  	[spmem:s17] =	stream.linear.scatter [tilespmem:s12], [sflag:$0x3], $0x800, $0x38;
	[tilespmem:$0xE280] =	vst v63  }
0x49: {  	_ =	swait.ge [sflag:s13], $0x800  }
0x4a: {  	[sflag:s13] =	ssyncset.done $0x0  }
0x4b: {  	s17 =	rddreg [dreg:$0x19];
	[sflag:s13] =	ssyncadd.s32 $0xFFFFF800  }
0x4c: {  	[spmem:s17] =	stream.linear.scatter [tilespmem:s12], [sflag:$0x3], $0x800, $0x38;
	[tilespmem:$0xE280] =	vst v63  }
0x4d: {  	_ =	swait.ge [sflag:s13], $0x800  }
0x4e: {  	[sflag:s13] =	ssyncset.done $0x0  }
0x4f: {  	s17 =	rddreg [dreg:$0x1a];
	[sflag:s13] =	ssyncadd.s32 $0xFFFFF800  }
0x50: {  	[spmem:s17] =	stream.linear.scatter [tilespmem:s12], [sflag:$0x3], $0x800, $0x38;
	[tilespmem:$0xE280] =	vst v63  }
0x51: {  	_ =	swait.ge [sflag:s13], $0x800  }
0x52: {  	[sflag:s13] =	ssyncset.done $0x0  }
0x53: {  	s17 =	rddreg [dreg:$0x1b];
	[sflag:s13] =	ssyncadd.s32 $0xFFFFF800  }
0x54: {  	[spmem:s17] =	stream.linear.scatter [tilespmem:s12], [sflag:$0x3], $0x800, $0x38;
	[tilespmem:$0xE280] =	vst v63  }
0x55: {  	_ =	swait.ge [sflag:s13], $0x800  }
0x56: {  	[sflag:s13] =	ssyncset.done $0x0  }
0x57: {  	s17 =	rddreg [dreg:$0x1c];
	[sflag:s13] =	ssyncadd.s32 $0xFFFFF800  }
0x58: {  	[spmem:s17] =	stream.linear.scatter [tilespmem:s12], [sflag:$0x3], $0x800, $0x38;
	[tilespmem:$0xE280] =	vst v63  }
0x59: {  	_ =	swait.ge [sflag:s13], $0x800  }
0x5a: {  	[sflag:s13] =	ssyncset.done $0x0  }
0x5b: {  	s17 =	rddreg [dreg:$0x1d];
	[sflag:s13] =	ssyncadd.s32 $0xFFFFF800  }
0x5c: {  	[spmem:s17] =	stream.linear.scatter [tilespmem:s12], [sflag:$0x3], $0x800, $0x38;
	[tilespmem:$0xE280] =	vst v63  }
0x5d: {  	_ =	swait.ge [sflag:s13], $0x800  }
0x5e: {  	[sflag:s13] =	ssyncset.done $0x0  }
0x5f: {  	s17 =	rddreg [dreg:$0x1e];
	[sflag:s13] =	ssyncadd.s32 $0xFFFFF800  }
0x60: {  	[spmem:s17] =	stream.linear.scatter [tilespmem:s12], [sflag:$0x3], $0x800, $0x38;
	[tilespmem:$0xE280] =	vst v63  }
0x61: {  	_ =	swait.ge [sflag:s13], $0x800  }
0x62: {  	[sflag:s13] =	ssyncset.done $0x0  }
0x63: {  	s17 =	rddreg [dreg:$0x1f];
	[sflag:s13] =	ssyncadd.s32 $0xFFFFF800  }
0x64: {  	[spmem:s17] =	stream.linear.scatter [tilespmem:s12], [sflag:$0x3], $0x800, $0x38;
	[tilespmem:$0xE280] =	vst v63  }
0x65: {  	_ =	swait.ge [sflag:s13], $0x800  }
0x66: {  	s17 =	sld [smem:$0x7F0]  }
0x67: {  	[sflag:s13] =	ssyncset.done $0x0  }
0x68: {  	[sflag:s13] =	ssyncadd.s32 $0xFFFFF800  }
0x69: {  	[spmem:s17] =	stream.linear.scatter [tilespmem:s12], [sflag:$0x3], $0x800, $0x38;
	[tilespmem:$0xE280] =	vst v63  }
0x6a: {  	_ =	swait.ge [sflag:s13], $0x800  }
0x6b: {  	s17 =	sld [smem:$0x7F1]  }
0x6c: {  	[sflag:s13] =	ssyncset.done $0x0  }
0x6d: {  	[sflag:s13] =	ssyncadd.s32 $0xFFFFF800  }
0x6e: {  	[spmem:s17] =	stream.linear.scatter [tilespmem:s12], [sflag:$0x3], $0x800, $0x38;
	[tilespmem:$0xE280] =	vst v63  }
0x6f: {  	_ =	swait.ge [sflag:s13], $0x800  }
0x70: {  	s17 =	sld [smem:$0x7F3]  }
0x71: {  	[sflag:s13] =	ssyncset.done $0x0  }
0x72: {  	[sflag:s13] =	ssyncadd.s32 $0xFFFFF800  }
0x73: {  	[spmem:s17] =	stream.linear.scatter [tilespmem:s12], [sflag:$0x3], $0x800, $0x38;
	[tilespmem:$0xE280] =	vst v63  }
0x74: {  	_ =	swait.ge [sflag:s13], $0x800  }
0x75: {  	s17 =	sld [smem:$0x7F4]  }
0x76: {  	[sflag:s13] =	ssyncset.done $0x0  }
0x77: {  	[sflag:s13] =	ssyncadd.s32 $0xFFFFF800  }
0x78: {  	[spmem:s17] =	stream.linear.scatter [tilespmem:s12], [sflag:$0x3], $0x800, $0x38;
	[tilespmem:$0xE280] =	vst v63  }
0x79: {  	_ =	swait.ge [sflag:s13], $0x800  }
0x7a: {  	s17 =	sld [smem:$0x7F5]  }
0x7b: {  	[sflag:s13] =	ssyncset.done $0x0  }
0x7c: {  	[sflag:s13] =	ssyncadd.s32 $0xFFFFF800  }
0x7d: {  	[spmem:s17] =	stream.linear.scatter [tilespmem:s12], [sflag:$0x3], $0x800, $0x38;
	[tilespmem:$0xE280] =	vst v63  }
0x7e: {  	_ =	swait.ge [sflag:s13], $0x800  }
0x7f: {  	s17 =	sld [smem:$0x7F6]  }
0x80: {  	[sflag:s13] =	ssyncset.done $0x0  }
0x81: {  	[sflag:s13] =	ssyncadd.s32 $0xFFFFF800  }
0x82: {  	[spmem:s17] =	stream.linear.scatter [tilespmem:s12], [sflag:$0x3], $0x800, $0x38;
	[tilespmem:$0xE280] =	vst v63  }
0x83: {  	_ =	swait.ge [sflag:s13], $0x800  }
0x84: {  	s17 =	sld [smem:$0x7F7]  }
0x85: {  	[sflag:s13] =	ssyncset.done $0x0  }
0x86: {  	[sflag:s13] =	ssyncadd.s32 $0xFFFFF800  }
0x87: {  	[spmem:s17] =	stream.linear.scatter [tilespmem:s12], [sflag:$0x3], $0x800, $0x38;
	[tilespmem:$0xE280] =	vst v63  }
0x88: {  	_ =	swait.ge [sflag:s13], $0x800  }
0x89: {  	s17 =	sld [smem:$0x7F8]  }
0x8a: {  	[sflag:s13] =	ssyncset.done $0x0  }
0x8b: {  	[sflag:s13] =	ssyncadd.s32 $0xFFFFF800  }
0x8c: {  	[spmem:s17] =	stream.linear.scatter [tilespmem:s12], [sflag:$0x3], $0x800, $0x38;
	[tilespmem:$0xE280] =	vst v63  }
0x8d: {  	_ =	swait.ge [sflag:s13], $0x800  }
0x8e: {  	s17 =	sld [smem:$0x7F9]  }
0x8f: {  	[sflag:s13] =	ssyncset.done $0x0  }
0x90: {  	[sflag:s13] =	ssyncadd.s32 $0xFFFFF800  }
0x91: {  	[spmem:s17] =	stream.linear.scatter [tilespmem:s12], [sflag:$0x3], $0x800, $0x38;
	[tilespmem:$0xE280] =	vst v63  }
0x92: {  	_ =	swait.ge [sflag:s13], $0x800  }
0x93: {  	s17 =	sld [smem:$0x7FA]  }
0x94: {  	[sflag:s13] =	ssyncset.done $0x0  }
0x95: {  	[sflag:s13] =	ssyncadd.s32 $0xFFFFF800  }
0x96: {  	[spmem:s17] =	stream.linear.scatter [tilespmem:s12], [sflag:$0x3], $0x800, $0x38;
	[tilespmem:$0xE280] =	vst v63  }
0x97: {  	_ =	swait.ge [sflag:s13], $0x800  }
0x98: {  	s17 =	sld [smem:$0x7FB]  }
0x99: {  	[sflag:s13] =	ssyncset.done $0x0  }
0x9a: {  	[sflag:s13] =	ssyncadd.s32 $0xFFFFF800  }
0x9b: {  	[spmem:s17] =	stream.linear.scatter [tilespmem:s12], [sflag:$0x3], $0x800, $0x38;
	[tilespmem:$0xE280] =	vst v63  }
0x9c: {  	_ =	swait.ge [sflag:s13], $0x800  }
0x9d: {  	s17 =	sld [smem:$0x7FC]  }
0x9e: {  	[sflag:s13] =	ssyncset.done $0x0  }
0x9f: {  	[sflag:s13] =	ssyncadd.s32 $0xFFFFF800  }
0xa0: {  	[spmem:s17] =	stream.linear.scatter [tilespmem:s12], [sflag:$0x3], $0x800, $0x38;
	[tilespmem:$0xE280] =	vst v63  }
0xa1: {  	_ =	swait.ge [sflag:s13], $0x800  }
0xa2: {  	s17 =	sld [smem:$0x7FD]  }
0xa3: {  	[sflag:s13] =	ssyncset.done $0x0  }
0xa4: {  	[sflag:s13] =	ssyncadd.s32 $0xFFFFF800  }
0xa5: {  	[spmem:s17] =	stream.linear.scatter [tilespmem:s12], [sflag:$0x3], $0x800, $0x38;
	[tilespmem:$0xE280] =	vst v63  }
0xa6: {  	_ =	swait.ge [sflag:s13], $0x800  }
0xa7: {  	[sflag:s13] =	ssyncset.done $0x0  }
0xa8: {  	s17 =	rddreg [dreg:$0x11];
	[sflag:s13] =	ssyncadd.s32 $0xFFFFF800  }
0xa9: {  	[spmem:s17] =	stream.linear.scatter [tilespmem:s12], [sflag:$0x3], $0x480, $0x38;
	[tilespmem:$0xE280] =	vst v63  }
0xaa: {  	_ =	swait.ge [sflag:s13], $0x480  }
0xab: {  	[sflag:s13] =	ssyncset.done $0x0  }
0xac: {  	[sflag:s13] =	ssyncadd.s32 $0xFFFFFB80  }
0xad: {  	[bflag:$0x0] =	sbarrier.arrive $0xFFFF  }
0xae: {  	s17 =	rddreg [dreg:$0x4]  }
0xaf: {  	s5 =	sadd.s32 $0x0, s17  }
0xb0: {  	[tilespmem:s14], [sflag:$0x3] =	stream.linear.gather [hbm4b:s5+s3], $0x500, $0x38;
	[tilespmem:$0xE280] =	vst v63  }
0xb1: {  	_ =	swait.ge [sflag:s13], $0x500  }
0xb2: {  	s17 =	rddreg [dreg:$0x3];
	[sflag:s13] =	ssyncset.done $0x0  }
0xb3: {  	[sflag:s13] =	ssyncadd.s32 $0xFFFFFB00;
	s5 =	sadd.s32 $0x0, s17  }
0xb4: {  	[tilespmem:s15], [sflag:$0x3] =	stream.linear.gather [hbm4b:s5+s3], $0x500, $0x38;
	[tilespmem:$0xE280] =	vst v63  }
0xb5: {  	_ =	swait.ge [sflag:s13], $0x500  }
0xb6: {  	[sflag:s13] =	ssyncset.done $0x0  }
0xb7: {  	[sflag:s13] =	ssyncadd.s32 $0xFFFFFB00  }
0xb8: {  	[tilespmem:s12], [sflag:$0x1] =	stream.indirect.gather [hbm4b:s4+s16], $0x10, s14, s16, $0xb8;
	[tilespmem:$0xE280] =	vst v63  }
0xb9: {  	_ = 	snop  }
0xba: {  	[tilespmem:s18], [sflag:$0x2] =	stream.indirect.gather [hbm4b:s4+s16], $0x10, s20, s16, $0xb8;
	[tilespmem:$0xE280] =	vst v63  }
0xbb: {  	_ =	swait.ge [sflag:s19], $0x800  }
0xbc: {  	[sflag:s19] =	ssyncset.done $0x0  }
0xbd: {  	[sflag:s19] =	ssyncadd.s32 $0xFFFFF800  }
0xbe: {  	[spmem:s2] =	stream.indirect.scatter.add.f32 [tilespmem:s12], [sflag:$0x3], $0x10, s15, s16, $0xb8;
	[tilespmem:$0xE280] =	vst v63  }
0xbf: {  	_ =	swait.ge [sflag:s13], $0x800  }
0xc0: {  	[sflag:s13] =	ssyncset.done $0x0  }
0xc1: {  	[sflag:s13] =	ssyncadd.s32 $0xFFFFF800  }
0xc2: {  	[tilespmem:s12], [sflag:$0x1] =	stream.indirect.gather [hbm4b:s4+s16], $0x10, s22, s16, $0xb8;
	[tilespmem:$0xE280] =	vst v63  }
0xc3: {  	_ =	swait.ge [sflag:s21], $0x800  }
0xc4: {  	[sflag:s21] =	ssyncset.done $0x0  }
0xc5: {  	[sflag:s21] =	ssyncadd.s32 $0xFFFFF800  }
0xc6: {  	[spmem:s2] =	stream.indirect.scatter.add.f32 [tilespmem:s18], [sflag:$0x3], $0x10, s23, s16, $0xb8;
	[tilespmem:$0xE280] =	vst v63  }
0xc7: {  	_ =	swait.ge [sflag:s13], $0x800  }
0xc8: {  	[sflag:s13] =	ssyncset.done $0x0  }
0xc9: {  	[sflag:s13] =	ssyncadd.s32 $0xFFFFF800  }
0xca: {  	[tilespmem:s18], [sflag:$0x2] =	stream.indirect.gather [hbm4b:s4+s16], $0x10, s24, s16, $0xb8;
	[tilespmem:$0xE280] =	vst v63  }
0xcb: {  	_ =	swait.ge [sflag:s19], $0x800  }
0xcc: {  	[sflag:s19] =	ssyncset.done $0x0  }
0xcd: {  	[sflag:s19] =	ssyncadd.s32 $0xFFFFF800  }
0xce: {  	[spmem:s2] =	stream.indirect.scatter.add.f32 [tilespmem:s12], [sflag:$0x3], $0x10, s25, s16, $0xb8;
	[tilespmem:$0xE280] =	vst v63  }
0xcf: {  	_ =	swait.ge [sflag:s13], $0x800  }
0xd0: {  	[sflag:s13] =	ssyncset.done $0x0  }
0xd1: {  	[sflag:s13] =	ssyncadd.s32 $0xFFFFF800  }
0xd2: {  	[tilespmem:s12], [sflag:$0x1] =	stream.indirect.gather [hbm4b:s4+s16], $0x10, s26, s16, $0xb8;
	[tilespmem:$0xE280] =	vst v63  }
0xd3: {  	_ =	swait.ge [sflag:s21], $0x800  }
0xd4: {  	[sflag:s21] =	ssyncset.done $0x0  }
0xd5: {  	[sflag:s21] =	ssyncadd.s32 $0xFFFFF800  }
0xd6: {  	[spmem:s2] =	stream.indirect.scatter.add.f32 [tilespmem:s18], [sflag:$0x3], $0x10, s28, s16, $0xb8;
	[tilespmem:$0xE280] =	vst v63  }
0xd7: {  	_ =	swait.ge [sflag:s13], $0x800  }
0xd8: {  	[sflag:s13] =	ssyncset.done $0x0  }
0xd9: {  	[sflag:s13] =	ssyncadd.s32 $0xFFFFF800  }
0xda: {  	[tilespmem:s18], [sflag:$0x2] =	stream.indirect.gather [hbm4b:s4+s16], $0x10, s29, s16, $0xb8;
	[tilespmem:$0xE280] =	vst v63  }
0xdb: {  	_ =	swait.ge [sflag:s19], $0x800  }
0xdc: {  	[sflag:s19] =	ssyncset.done $0x0  }
0xdd: {  	[sflag:s19] =	ssyncadd.s32 $0xFFFFF800  }
0xde: {  	[spmem:s2] =	stream.indirect.scatter.add.f32 [tilespmem:s12], [sflag:$0x3], $0x10, s30, s16, $0xb8;
	[tilespmem:$0xE280] =	vst v63  }
0xdf: {  	_ =	swait.ge [sflag:s13], $0x800  }
0xe0: {  	[sflag:s13] =	ssyncset.done $0x0  }
0xe1: {  	[sflag:s13] =	ssyncadd.s32 $0xFFFFF800  }
0xe2: {  	[tilespmem:s12], [sflag:$0x1] =	stream.indirect.gather [hbm4b:s4+s16], $0x10, s31, s16, $0xb8;
	[tilespmem:$0xE280] =	vst v63  }
0xe3: {  	_ =	swait.ge [sflag:s21], $0x800  }
0xe4: {  	[sflag:s21] =	ssyncset.done $0x0  }
0xe5: {  	[sflag:s21] =	ssyncadd.s32 $0xFFFFF800  }
0xe6: {  	[spmem:s2] =	stream.indirect.scatter.add.f32 [tilespmem:s18], [sflag:$0x3], $0x10, s1, s16, $0xb8;
	[tilespmem:$0xE280] =	vst v63  }
0xe7: {  	_ =	swait.ge [sflag:s13], $0x800  }
0xe8: {  	[sflag:s13] =	ssyncset.done $0x0  }
0xe9: {  	[sflag:s13] =	ssyncadd.s32 $0xFFFFF800  }
0xea: {  	[tilespmem:s18], [sflag:$0x2] =	stream.indirect.gather [hbm4b:s4+s16], $0x10, s0, s16, $0xb8;
	[tilespmem:$0xE280] =	vst v63  }
0xeb: {  	_ =	swait.ge [sflag:s19], $0x800  }
0xec: {  	[sflag:s19] =	ssyncset.done $0x0  }
0xed: {  	[sflag:s19] =	ssyncadd.s32 $0xFFFFF800  }
0xee: {  	[spmem:s2] =	stream.indirect.scatter.add.f32 [tilespmem:s12], [sflag:$0x3], $0x10, s8, s16, $0xb8;
	[tilespmem:$0xE280] =	vst v63  }
0xef: {  	_ =	swait.ge [sflag:s13], $0x800  }
0xf0: {  	[sflag:s13] =	ssyncset.done $0x0  }
0xf1: {  	[sflag:s13] =	ssyncadd.s32 $0xFFFFF800  }
0xf2: {  	[tilespmem:s12], [sflag:$0x1] =	stream.indirect.gather [hbm4b:s4+s16], $0x10, s9, s16, $0xb8;
	[tilespmem:$0xE280] =	vst v63  }
0xf3: {  	_ =	swait.ge [sflag:s21], $0x800  }
0xf4: {  	[sflag:s21] =	ssyncset.done $0x0  }
0xf5: {  	[sflag:s21] =	ssyncadd.s32 $0xFFFFF800  }
0xf6: {  	[spmem:s2] =	stream.indirect.scatter.add.f32 [tilespmem:s18], [sflag:$0x3], $0x10, s10, s16, $0xb8;
	[tilespmem:$0xE280] =	vst v63  }
0xf7: {  	_ =	swait.ge [sflag:s13], $0x800  }
0xf8: {  	[sflag:s13] =	ssyncset.done $0x0  }
0xf9: {  	[sflag:s13] =	ssyncadd.s32 $0xFFFFF800  }
0xfa: {  	[tilespmem:s18], [sflag:$0x2] =	stream.indirect.gather [hbm4b:s4+s16], $0x10, s11, s16, $0xb8;
	[tilespmem:$0xE280] =	vst v63  }
0xfb: {  	_ =	swait.ge [sflag:s19], $0x800  }
0xfc: {  	[sflag:s19] =	ssyncset.done $0x0  }
0xfd: {  	[sflag:s19] =	ssyncadd.s32 $0xFFFFF800  }
0xfe: {  	[spmem:s2] =	stream.indirect.scatter.add.f32 [tilespmem:s12], [sflag:$0x3], $0x10, s7, s16, $0xb8;
	[tilespmem:$0xE280] =	vst v63  }
0xff: {  	_ =	swait.ge [sflag:s13], $0x800  }
0x100: {  	[sflag:s13] =	ssyncset.done $0x0  }
0x101: {  	[sflag:s13] =	ssyncadd.s32 $0xFFFFF800  }
0x102: {  	_ =	swait.ge [sflag:s21], $0x800  }
0x103: {  	[sflag:s21] =	ssyncset.done $0x0  }
0x104: {  	s20 =	simm.s32 $0xD000;
	[sflag:s21] =	ssyncadd.s32 $0xFFFFF800  }
0x105: {  	[spmem:s2] =	stream.indirect.scatter.add.f32 [tilespmem:s18], [sflag:$0x3], $0x10, s20, s16, $0xb8;
	[tilespmem:$0xE280] =	vst v63  }
0x106: {  	s5 =	simm.s32 $0xA0;
	_ =	swait.ge [sflag:s13], $0x800  }
.LBB2_4:
0x107: {  	s17 =	rddreg [dreg:$0x4];
	s20 =	smov.u32 s5;
	[sflag:s13] =	ssyncset.done $0x0  }
0x108: {  	s17 =	sadd.s32 s20, s17;
	[sflag:s13] =	ssyncadd.s32 $0xFFFFF800  }
0x109: {  	[tilespmem:s14], [sflag:$0x3] =	stream.linear.gather [hbm4b:s17+s3], $0x500, $0x38;
	[tilespmem:$0xE280] =	vst v63  }
0x10a: {  	_ =	swait.ge [sflag:s13], $0x500  }
0x10b: {  	s17 =	rddreg [dreg:$0x3];
	[sflag:s13] =	ssyncset.done $0x0  }
0x10c: {  	[sflag:s13] =	ssyncadd.s32 $0xFFFFFB00;
	s17 =	sadd.s32 s20, s17  }
0x10d: {  	[tilespmem:s15], [sflag:$0x3] =	stream.linear.gather [hbm4b:s17+s3], $0x500, $0x38;
	[tilespmem:$0xE280] =	vst v63  }
0x10e: {  	_ =	swait.ge [sflag:s13], $0x500  }
0x10f: {  	[sflag:s13] =	ssyncset.done $0x0  }
0x110: {  	[sflag:s13] =	ssyncadd.s32 $0xFFFFFB00  }
0x111: {  	[tilespmem:s12], [sflag:$0x1] =	stream.indirect.gather [hbm4b:s4+s16], $0x10, s14, s16, $0xb8;
	[tilespmem:$0xE280] =	vst v63  }
0x112: {  	s20 =	simm.s32 $0xC500  }
0x113: {  	[tilespmem:s18], [sflag:$0x2] =	stream.indirect.gather [hbm4b:s4+s16], $0x10, s20, s16, $0xb8;
	[tilespmem:$0xE280] =	vst v63  }
0x114: {  	_ =	swait.ge [sflag:s19], $0x800  }
0x115: {  	[sflag:s19] =	ssyncset.done $0x0  }
0x116: {  	[sflag:s19] =	ssyncadd.s32 $0xFFFFF800  }
0x117: {  	[spmem:s2] =	stream.indirect.scatter.add.f32 [tilespmem:s12], [sflag:$0x3], $0x10, s15, s16, $0xb8;
	[tilespmem:$0xE280] =	vst v63  }
0x118: {  	_ =	swait.ge [sflag:s13], $0x800  }
0x119: {  	[sflag:s13] =	ssyncset.done $0x0  }
0x11a: {  	[sflag:s13] =	ssyncadd.s32 $0xFFFFF800  }
0x11b: {  	[tilespmem:s12], [sflag:$0x1] =	stream.indirect.gather [hbm4b:s4+s16], $0x10, s22, s16, $0xb8;
	[tilespmem:$0xE280] =	vst v63  }
0x11c: {  	_ =	swait.ge [sflag:s21], $0x800  }
0x11d: {  	[sflag:s21] =	ssyncset.done $0x0  }
0x11e: {  	[sflag:s21] =	ssyncadd.s32 $0xFFFFF800  }
0x11f: {  	[spmem:s2] =	stream.indirect.scatter.add.f32 [tilespmem:s18], [sflag:$0x3], $0x10, s23, s16, $0xb8;
	[tilespmem:$0xE280] =	vst v63  }
0x120: {  	_ =	swait.ge [sflag:s13], $0x800  }
0x121: {  	[sflag:s13] =	ssyncset.done $0x0  }
0x122: {  	[sflag:s13] =	ssyncadd.s32 $0xFFFFF800  }
0x123: {  	[tilespmem:s18], [sflag:$0x2] =	stream.indirect.gather [hbm4b:s4+s16], $0x10, s24, s16, $0xb8;
	[tilespmem:$0xE280] =	vst v63  }
0x124: {  	_ =	swait.ge [sflag:s19], $0x800  }
0x125: {  	[sflag:s19] =	ssyncset.done $0x0  }
0x126: {  	[sflag:s19] =	ssyncadd.s32 $0xFFFFF800  }
0x127: {  	[spmem:s2] =	stream.indirect.scatter.add.f32 [tilespmem:s12], [sflag:$0x3], $0x10, s25, s16, $0xb8;
	[tilespmem:$0xE280] =	vst v63  }
0x128: {  	_ =	swait.ge [sflag:s13], $0x800  }
0x129: {  	[sflag:s13] =	ssyncset.done $0x0  }
0x12a: {  	[sflag:s13] =	ssyncadd.s32 $0xFFFFF800  }
0x12b: {  	[tilespmem:s12], [sflag:$0x1] =	stream.indirect.gather [hbm4b:s4+s16], $0x10, s26, s16, $0xb8;
	[tilespmem:$0xE280] =	vst v63  }
0x12c: {  	_ =	swait.ge [sflag:s21], $0x800  }
0x12d: {  	[sflag:s21] =	ssyncset.done $0x0  }
0x12e: {  	[sflag:s21] =	ssyncadd.s32 $0xFFFFF800  }
0x12f: {  	[spmem:s2] =	stream.indirect.scatter.add.f32 [tilespmem:s18], [sflag:$0x3], $0x10, s28, s16, $0xb8;
	[tilespmem:$0xE280] =	vst v63  }
0x130: {  	_ =	swait.ge [sflag:s13], $0x800  }
0x131: {  	[sflag:s13] =	ssyncset.done $0x0  }
0x132: {  	[sflag:s13] =	ssyncadd.s32 $0xFFFFF800  }
0x133: {  	[tilespmem:s18], [sflag:$0x2] =	stream.indirect.gather [hbm4b:s4+s16], $0x10, s29, s16, $0xb8;
	[tilespmem:$0xE280] =	vst v63  }
0x134: {  	_ =	swait.ge [sflag:s19], $0x800  }
0x135: {  	[sflag:s19] =	ssyncset.done $0x0  }
0x136: {  	[sflag:s19] =	ssyncadd.s32 $0xFFFFF800  }
0x137: {  	[spmem:s2] =	stream.indirect.scatter.add.f32 [tilespmem:s12], [sflag:$0x3], $0x10, s30, s16, $0xb8;
	[tilespmem:$0xE280] =	vst v63  }
0x138: {  	_ =	swait.ge [sflag:s13], $0x800  }
0x139: {  	[sflag:s13] =	ssyncset.done $0x0  }
0x13a: {  	[sflag:s13] =	ssyncadd.s32 $0xFFFFF800  }
0x13b: {  	[tilespmem:s12], [sflag:$0x1] =	stream.indirect.gather [hbm4b:s4+s16], $0x10, s31, s16, $0xb8;
	[tilespmem:$0xE280] =	vst v63  }
0x13c: {  	_ =	swait.ge [sflag:s21], $0x800  }
0x13d: {  	[sflag:s21] =	ssyncset.done $0x0  }
0x13e: {  	[sflag:s21] =	ssyncadd.s32 $0xFFFFF800  }
0x13f: {  	[spmem:s2] =	stream.indirect.scatter.add.f32 [tilespmem:s18], [sflag:$0x3], $0x10, s1, s16, $0xb8;
	[tilespmem:$0xE280] =	vst v63  }
0x140: {  	_ =	swait.ge [sflag:s13], $0x800  }
0x141: {  	[sflag:s13] =	ssyncset.done $0x0  }
0x142: {  	[sflag:s13] =	ssyncadd.s32 $0xFFFFF800  }
0x143: {  	[tilespmem:s18], [sflag:$0x2] =	stream.indirect.gather [hbm4b:s4+s16], $0x10, s0, s16, $0xb8;
	[tilespmem:$0xE280] =	vst v63  }
0x144: {  	_ =	swait.ge [sflag:s19], $0x800  }
0x145: {  	[sflag:s19] =	ssyncset.done $0x0  }
0x146: {  	[sflag:s19] =	ssyncadd.s32 $0xFFFFF800  }
0x147: {  	[spmem:s2] =	stream.indirect.scatter.add.f32 [tilespmem:s12], [sflag:$0x3], $0x10, s8, s16, $0xb8;
	[tilespmem:$0xE280] =	vst v63  }
0x148: {  	_ =	swait.ge [sflag:s13], $0x800  }
0x149: {  	[sflag:s13] =	ssyncset.done $0x0  }
0x14a: {  	[sflag:s13] =	ssyncadd.s32 $0xFFFFF800  }
0x14b: {  	[tilespmem:s12], [sflag:$0x1] =	stream.indirect.gather [hbm4b:s4+s16], $0x10, s9, s16, $0xb8;
	[tilespmem:$0xE280] =	vst v63  }
0x14c: {  	_ =	swait.ge [sflag:s21], $0x800  }
0x14d: {  	[sflag:s21] =	ssyncset.done $0x0  }
0x14e: {  	[sflag:s21] =	ssyncadd.s32 $0xFFFFF800  }
0x14f: {  	[spmem:s2] =	stream.indirect.scatter.add.f32 [tilespmem:s18], [sflag:$0x3], $0x10, s10, s16, $0xb8;
	[tilespmem:$0xE280] =	vst v63  }
0x150: {  	_ =	swait.ge [sflag:s13], $0x800  }
0x151: {  	[sflag:s13] =	ssyncset.done $0x0  }
0x152: {  	[sflag:s13] =	ssyncadd.s32 $0xFFFFF800  }
0x153: {  	[tilespmem:s18], [sflag:$0x2] =	stream.indirect.gather [hbm4b:s4+s16], $0x10, s11, s16, $0xb8;
	[tilespmem:$0xE280] =	vst v63  }
0x154: {  	_ =	swait.ge [sflag:s19], $0x800  }
0x155: {  	[sflag:s19] =	ssyncset.done $0x0  }
0x156: {  	[sflag:s19] =	ssyncadd.s32 $0xFFFFF800  }
0x157: {  	[spmem:s2] =	stream.indirect.scatter.add.f32 [tilespmem:s12], [sflag:$0x3], $0x10, s7, s16, $0xb8;
	[tilespmem:$0xE280] =	vst v63  }
0x158: {  	_ =	swait.ge [sflag:s13], $0x800  }
0x159: {  	[sflag:s13] =	ssyncset.done $0x0  }
0x15a: {  	p0 =	sne.s32 s5, $0x280;
	[sflag:s13] =	ssyncadd.s32 $0xFFFFF800  }
.Ltmp1:
0x15b: {  	_ =	swait.ge [sflag:s21], $0x800;
	(pc) =	sbr.rel @p0 .LBB2_4-.Ltmp1, $4  }
0x15c: {  	[sflag:s21] =	ssyncset.done $0x0  }
0x15d: {  	s17 =	simm.s32 $0xD000;
	[sflag:s21] =	ssyncadd.s32 $0xFFFFF800  }
0x15e: {  	[spmem:s2] =	stream.indirect.scatter.add.f32 [tilespmem:s18], [sflag:$0x3], $0x10, s17, s16, $0xb8;
	[tilespmem:$0xE280] =	vst v63  }
0x15f: {  	s5 =	sadd.s32 $0xA0, s5;
	_ =	swait.ge [sflag:s13], $0x800  }
0x160: {  	[sflag:s13] =	ssyncset.done $0x0  }
0x161: {  	s5 =	simm.s32 $0x0;
	s17 =	rddreg [dreg:$0x12];
	[sflag:s13] =	ssyncadd.s32 $0xFFFFF800  }
0x162: {  	[tilespmem:s14], [sflag:$0x3] =	stream.linear.gather [hbm4b:s17+s5], $0x300, $0x38;
	[tilespmem:$0xE280] =	vst v63  }
0x163: {  	_ =	swait.ge [sflag:s13], $0x300  }
0x164: {  	[sflag:s13] =	ssyncset.done $0x0  }
0x165: {  	s17 =	rddreg [dreg:$0x13];
	[sflag:s13] =	ssyncadd.s32 $0xFFFFFD00  }
0x166: {  	[tilespmem:s15], [sflag:$0x3] =	stream.linear.gather [hbm4b:s17+s5], $0x300, $0x38;
	[tilespmem:$0xE280] =	vst v63  }
0x167: {  	_ =	swait.ge [sflag:s13], $0x300  }
0x168: {  	[sflag:s13] =	ssyncset.done $0x0  }
0x169: {  	s17 =	rddreg [dreg:$0xf];
	[sflag:s13] =	ssyncadd.s32 $0xFFFFFD00  }
0x16a: {  	[tilespmem:s12], [sflag:$0x1] =	stream.indirect.gather [hbm4b:s17+s16], $0x10, s14, s16, $0xb8;
	[tilespmem:$0xE280] =	vst v63  }
0x16b: {  	_ = 	snop  }
0x16c: {  	[tilespmem:s18], [sflag:$0x2] =	stream.indirect.gather [hbm4b:s17+s16], $0x10, s20, s16, $0xb8;
	[tilespmem:$0xE280] =	vst v63  }
0x16d: {  	_ =	swait.ge [sflag:s19], $0x800  }
0x16e: {  	[sflag:s19] =	ssyncset.done $0x0  }
0x16f: {  	[sflag:s19] =	ssyncadd.s32 $0xFFFFF800  }
0x170: {  	[spmem:s2] =	stream.indirect.scatter.add.f32 [tilespmem:s12], [sflag:$0x3], $0x10, s15, s16, $0xb8;
	[tilespmem:$0xE280] =	vst v63  }
0x171: {  	_ =	swait.ge [sflag:s13], $0x800  }
0x172: {  	[sflag:s13] =	ssyncset.done $0x0  }
0x173: {  	[sflag:s13] =	ssyncadd.s32 $0xFFFFF800  }
0x174: {  	[tilespmem:s12], [sflag:$0x1] =	stream.indirect.gather [hbm4b:s17+s16], $0x10, s22, s16, $0xb8;
	[tilespmem:$0xE280] =	vst v63  }
0x175: {  	_ =	swait.ge [sflag:s21], $0x800  }
0x176: {  	[sflag:s21] =	ssyncset.done $0x0  }
0x177: {  	[sflag:s21] =	ssyncadd.s32 $0xFFFFF800  }
0x178: {  	[spmem:s2] =	stream.indirect.scatter.add.f32 [tilespmem:s18], [sflag:$0x3], $0x10, s23, s16, $0xb8;
	[tilespmem:$0xE280] =	vst v63  }
0x179: {  	_ =	swait.ge [sflag:s13], $0x800  }
0x17a: {  	[sflag:s13] =	ssyncset.done $0x0  }
0x17b: {  	[sflag:s13] =	ssyncadd.s32 $0xFFFFF800  }
0x17c: {  	[tilespmem:s18], [sflag:$0x2] =	stream.indirect.gather [hbm4b:s17+s16], $0x10, s24, s16, $0xb8;
	[tilespmem:$0xE280] =	vst v63  }
0x17d: {  	_ =	swait.ge [sflag:s19], $0x800  }
0x17e: {  	[sflag:s19] =	ssyncset.done $0x0  }
0x17f: {  	[sflag:s19] =	ssyncadd.s32 $0xFFFFF800  }
0x180: {  	[spmem:s2] =	stream.indirect.scatter.add.f32 [tilespmem:s12], [sflag:$0x3], $0x10, s25, s16, $0xb8;
	[tilespmem:$0xE280] =	vst v63  }
0x181: {  	_ =	swait.ge [sflag:s13], $0x800  }
0x182: {  	[sflag:s13] =	ssyncset.done $0x0  }
0x183: {  	[sflag:s13] =	ssyncadd.s32 $0xFFFFF800  }
0x184: {  	[tilespmem:s12], [sflag:$0x1] =	stream.indirect.gather [hbm4b:s17+s16], $0x10, s26, s16, $0xb8;
	[tilespmem:$0xE280] =	vst v63  }
0x185: {  	_ =	swait.ge [sflag:s21], $0x800  }
0x186: {  	[sflag:s21] =	ssyncset.done $0x0  }
0x187: {  	[sflag:s21] =	ssyncadd.s32 $0xFFFFF800  }
0x188: {  	[spmem:s2] =	stream.indirect.scatter.add.f32 [tilespmem:s18], [sflag:$0x3], $0x10, s28, s16, $0xb8;
	[tilespmem:$0xE280] =	vst v63  }
0x189: {  	_ =	swait.ge [sflag:s13], $0x800  }
0x18a: {  	[sflag:s13] =	ssyncset.done $0x0  }
0x18b: {  	[sflag:s13] =	ssyncadd.s32 $0xFFFFF800  }
0x18c: {  	[tilespmem:s18], [sflag:$0x2] =	stream.indirect.gather [hbm4b:s17+s16], $0x10, s29, s16, $0xb8;
	[tilespmem:$0xE280] =	vst v63  }
0x18d: {  	_ =	swait.ge [sflag:s19], $0x800  }
0x18e: {  	[sflag:s19] =	ssyncset.done $0x0  }
0x18f: {  	[sflag:s19] =	ssyncadd.s32 $0xFFFFF800  }
0x190: {  	[spmem:s2] =	stream.indirect.scatter.add.f32 [tilespmem:s12], [sflag:$0x3], $0x10, s30, s16, $0xb8;
	[tilespmem:$0xE280] =	vst v63  }
0x191: {  	_ =	swait.ge [sflag:s13], $0x800  }
0x192: {  	[sflag:s13] =	ssyncset.done $0x0  }
0x193: {  	[sflag:s13] =	ssyncadd.s32 $0xFFFFF800  }
0x194: {  	_ =	swait.ge [sflag:s21], $0x800  }
0x195: {  	[sflag:s21] =	ssyncset.done $0x0  }
0x196: {  	[sflag:s21] =	ssyncadd.s32 $0xFFFFF800  }
0x197: {  	[spmem:s2] =	stream.indirect.scatter.add.f32 [tilespmem:s18], [sflag:$0x3], $0x10, s1, s16, $0xb8;
	[tilespmem:$0xE280] =	vst v63  }
0x198: {  	_ =	swait.ge [sflag:s13], $0x800  }
0x199: {  	s17 =	rddreg [dreg:$0x6];
	[sflag:s13] =	ssyncset.done $0x0  }
0x19a: {  	[sflag:s13] =	ssyncadd.s32 $0xFFFFF800;
	s5 =	sadd.s32 $0x0, s17  }
0x19b: {  	[tilespmem:s14], [sflag:$0x3] =	stream.linear.gather [hbm4b:s5+s3], $0x700, $0x38;
	[tilespmem:$0xE280] =	vst v63  }
0x19c: {  	_ =	swait.ge [sflag:s13], $0x700  }
0x19d: {  	s17 =	rddreg [dreg:$0x5];
	[sflag:s13] =	ssyncset.done $0x0  }
0x19e: {  	[sflag:s13] =	ssyncadd.s32 $0xFFFFF900;
	s5 =	sadd.s32 $0x0, s17  }
0x19f: {  	[tilespmem:s15], [sflag:$0x3] =	stream.linear.gather [hbm4b:s5+s3], $0x700, $0x38;
	[tilespmem:$0xE280] =	vst v63  }
0x1a0: {  	_ =	swait.ge [sflag:s13], $0x700  }
0x1a1: {  	[sflag:s13] =	ssyncset.done $0x0  }
0x1a2: {  	[sflag:s13] =	ssyncadd.s32 $0xFFFFF900  }
0x1a3: {  	[tilespmem:s12], [sflag:$0x1] =	stream.indirect.gather [hbm4b:s6+s16], $0x10, s14, s16, $0xb8;
	[tilespmem:$0xE280] =	vst v63  }
0x1a4: {  	_ = 	snop  }
0x1a5: {  	[tilespmem:s18], [sflag:$0x2] =	stream.indirect.gather [hbm4b:s6+s16], $0x10, s20, s16, $0xb8;
	[tilespmem:$0xE280] =	vst v63  }
0x1a6: {  	_ =	swait.ge [sflag:s19], $0x800  }
0x1a7: {  	[sflag:s19] =	ssyncset.done $0x0  }
0x1a8: {  	[sflag:s19] =	ssyncadd.s32 $0xFFFFF800  }
0x1a9: {  	[spmem:s2] =	stream.indirect.scatter.add.f32 [tilespmem:s12], [sflag:$0x3], $0x10, s15, s16, $0xb8;
	[tilespmem:$0xE280] =	vst v63  }
0x1aa: {  	_ =	swait.ge [sflag:s13], $0x800  }
0x1ab: {  	[sflag:s13] =	ssyncset.done $0x0  }
0x1ac: {  	[sflag:s13] =	ssyncadd.s32 $0xFFFFF800  }
0x1ad: {  	[tilespmem:s12], [sflag:$0x1] =	stream.indirect.gather [hbm4b:s6+s16], $0x10, s22, s16, $0xb8;
	[tilespmem:$0xE280] =	vst v63  }
0x1ae: {  	_ =	swait.ge [sflag:s21], $0x800  }
0x1af: {  	[sflag:s21] =	ssyncset.done $0x0  }
0x1b0: {  	[sflag:s21] =	ssyncadd.s32 $0xFFFFF800  }
0x1b1: {  	[spmem:s2] =	stream.indirect.scatter.add.f32 [tilespmem:s18], [sflag:$0x3], $0x10, s23, s16, $0xb8;
	[tilespmem:$0xE280] =	vst v63  }
0x1b2: {  	_ =	swait.ge [sflag:s13], $0x800  }
0x1b3: {  	[sflag:s13] =	ssyncset.done $0x0  }
0x1b4: {  	[sflag:s13] =	ssyncadd.s32 $0xFFFFF800  }
0x1b5: {  	[tilespmem:s18], [sflag:$0x2] =	stream.indirect.gather [hbm4b:s6+s16], $0x10, s24, s16, $0xb8;
	[tilespmem:$0xE280] =	vst v63  }
0x1b6: {  	_ =	swait.ge [sflag:s19], $0x800  }
0x1b7: {  	[sflag:s19] =	ssyncset.done $0x0  }
0x1b8: {  	[sflag:s19] =	ssyncadd.s32 $0xFFFFF800  }
0x1b9: {  	[spmem:s2] =	stream.indirect.scatter.add.f32 [tilespmem:s12], [sflag:$0x3], $0x10, s25, s16, $0xb8;
	[tilespmem:$0xE280] =	vst v63  }
0x1ba: {  	_ =	swait.ge [sflag:s13], $0x800  }
0x1bb: {  	[sflag:s13] =	ssyncset.done $0x0  }
0x1bc: {  	[sflag:s13] =	ssyncadd.s32 $0xFFFFF800  }
0x1bd: {  	[tilespmem:s12], [sflag:$0x1] =	stream.indirect.gather [hbm4b:s6+s16], $0x10, s26, s16, $0xb8;
	[tilespmem:$0xE280] =	vst v63  }
0x1be: {  	_ =	swait.ge [sflag:s21], $0x800  }
0x1bf: {  	[sflag:s21] =	ssyncset.done $0x0  }
0x1c0: {  	[sflag:s21] =	ssyncadd.s32 $0xFFFFF800  }
0x1c1: {  	[spmem:s2] =	stream.indirect.scatter.add.f32 [tilespmem:s18], [sflag:$0x3], $0x10, s28, s16, $0xb8;
	[tilespmem:$0xE280] =	vst v63  }
0x1c2: {  	_ =	swait.ge [sflag:s13], $0x800  }
0x1c3: {  	[sflag:s13] =	ssyncset.done $0x0  }
0x1c4: {  	[sflag:s13] =	ssyncadd.s32 $0xFFFFF800  }
0x1c5: {  	[tilespmem:s18], [sflag:$0x2] =	stream.indirect.gather [hbm4b:s6+s16], $0x10, s29, s16, $0xb8;
	[tilespmem:$0xE280] =	vst v63  }
0x1c6: {  	_ =	swait.ge [sflag:s19], $0x800  }
0x1c7: {  	[sflag:s19] =	ssyncset.done $0x0  }
0x1c8: {  	[sflag:s19] =	ssyncadd.s32 $0xFFFFF800  }
0x1c9: {  	[spmem:s2] =	stream.indirect.scatter.add.f32 [tilespmem:s12], [sflag:$0x3], $0x10, s30, s16, $0xb8;
	[tilespmem:$0xE280] =	vst v63  }
0x1ca: {  	_ =	swait.ge [sflag:s13], $0x800  }
0x1cb: {  	[sflag:s13] =	ssyncset.done $0x0  }
0x1cc: {  	[sflag:s13] =	ssyncadd.s32 $0xFFFFF800  }
0x1cd: {  	[tilespmem:s12], [sflag:$0x1] =	stream.indirect.gather [hbm4b:s6+s16], $0x10, s31, s16, $0xb8;
	[tilespmem:$0xE280] =	vst v63  }
0x1ce: {  	_ =	swait.ge [sflag:s21], $0x800  }
0x1cf: {  	[sflag:s21] =	ssyncset.done $0x0  }
0x1d0: {  	[sflag:s21] =	ssyncadd.s32 $0xFFFFF800  }
0x1d1: {  	[spmem:s2] =	stream.indirect.scatter.add.f32 [tilespmem:s18], [sflag:$0x3], $0x10, s1, s16, $0xb8;
	[tilespmem:$0xE280] =	vst v63  }
0x1d2: {  	_ =	swait.ge [sflag:s13], $0x800  }
0x1d3: {  	[sflag:s13] =	ssyncset.done $0x0  }
0x1d4: {  	[sflag:s13] =	ssyncadd.s32 $0xFFFFF800  }
0x1d5: {  	[tilespmem:s18], [sflag:$0x2] =	stream.indirect.gather [hbm4b:s6+s16], $0x10, s0, s16, $0xb8;
	[tilespmem:$0xE280] =	vst v63  }
0x1d6: {  	_ =	swait.ge [sflag:s19], $0x800  }
0x1d7: {  	[sflag:s19] =	ssyncset.done $0x0  }
0x1d8: {  	[sflag:s19] =	ssyncadd.s32 $0xFFFFF800  }
0x1d9: {  	[spmem:s2] =	stream.indirect.scatter.add.f32 [tilespmem:s12], [sflag:$0x3], $0x10, s8, s16, $0xb8;
	[tilespmem:$0xE280] =	vst v63  }
0x1da: {  	_ =	swait.ge [sflag:s13], $0x800  }
0x1db: {  	[sflag:s13] =	ssyncset.done $0x0  }
0x1dc: {  	[sflag:s13] =	ssyncadd.s32 $0xFFFFF800  }
0x1dd: {  	[tilespmem:s12], [sflag:$0x1] =	stream.indirect.gather [hbm4b:s6+s16], $0x10, s9, s16, $0xb8;
	[tilespmem:$0xE280] =	vst v63  }
0x1de: {  	_ =	swait.ge [sflag:s21], $0x800  }
0x1df: {  	[sflag:s21] =	ssyncset.done $0x0  }
0x1e0: {  	[sflag:s21] =	ssyncadd.s32 $0xFFFFF800  }
0x1e1: {  	[spmem:s2] =	stream.indirect.scatter.add.f32 [tilespmem:s18], [sflag:$0x3], $0x10, s10, s16, $0xb8;
	[tilespmem:$0xE280] =	vst v63  }
0x1e2: {  	_ =	swait.ge [sflag:s13], $0x800  }
0x1e3: {  	[sflag:s13] =	ssyncset.done $0x0  }
0x1e4: {  	[sflag:s13] =	ssyncadd.s32 $0xFFFFF800  }
0x1e5: {  	[tilespmem:s18], [sflag:$0x2] =	stream.indirect.gather [hbm4b:s6+s16], $0x10, s11, s16, $0xb8;
	[tilespmem:$0xE280] =	vst v63  }
0x1e6: {  	_ =	swait.ge [sflag:s19], $0x800  }
0x1e7: {  	[sflag:s19] =	ssyncset.done $0x0  }
0x1e8: {  	[sflag:s19] =	ssyncadd.s32 $0xFFFFF800  }
0x1e9: {  	[spmem:s2] =	stream.indirect.scatter.add.f32 [tilespmem:s12], [sflag:$0x3], $0x10, s7, s16, $0xb8;
	[tilespmem:$0xE280] =	vst v63  }
0x1ea: {  	_ =	swait.ge [sflag:s13], $0x800  }
0x1eb: {  	[sflag:s13] =	ssyncset.done $0x0  }
0x1ec: {  	s10 =	rddreg [dreg:$0x7];
	[sflag:s13] =	ssyncadd.s32 $0xFFFFF800  }
0x1ed: {  	[tilespmem:s12], [sflag:$0x1] =	stream.indirect.gather [hbm4b:s6+s16], $0x10, s10, s16, $0xb8;
	[tilespmem:$0xE280] =	vst v63  }
0x1ee: {  	_ =	swait.ge [sflag:s21], $0x800  }
0x1ef: {  	[sflag:s21] =	ssyncset.done $0x0  }
0x1f0: {  	s11 =	simm.s32 $0xD000;
	[sflag:s21] =	ssyncadd.s32 $0xFFFFF800  }
0x1f1: {  	[spmem:s2] =	stream.indirect.scatter.add.f32 [tilespmem:s18], [sflag:$0x3], $0x10, s11, s16, $0xb8;
	[tilespmem:$0xE280] =	vst v63  }
0x1f2: {  	_ =	swait.ge [sflag:s13], $0x800  }
0x1f3: {  	[sflag:s13] =	ssyncset.done $0x0  }
0x1f4: {  	s17 =	rddreg [dreg:$0x8];
	[sflag:s13] =	ssyncadd.s32 $0xFFFFF800  }
0x1f5: {  	[tilespmem:s18], [sflag:$0x2] =	stream.indirect.gather [hbm4b:s6+s16], $0x10, s17, s16, $0xb8;
	[tilespmem:$0xE280] =	vst v63  }
0x1f6: {  	_ =	swait.ge [sflag:s19], $0x800  }
0x1f7: {  	[sflag:s19] =	ssyncset.done $0x0  }
0x1f8: {  	s20 =	rddreg [dreg:$0x9];
	[sflag:s19] =	ssyncadd.s32 $0xFFFFF800  }
0x1f9: {  	[spmem:s2] =	stream.indirect.scatter.add.f32 [tilespmem:s12], [sflag:$0x3], $0x10, s20, s16, $0xb8;
	[tilespmem:$0xE280] =	vst v63  }
0x1fa: {  	_ =	swait.ge [sflag:s13], $0x800  }
0x1fb: {  	[sflag:s13] =	ssyncset.done $0x0  }
0x1fc: {  	s22 =	rddreg [dreg:$0xa];
	[sflag:s13] =	ssyncadd.s32 $0xFFFFF800  }
0x1fd: {  	[tilespmem:s12], [sflag:$0x1] =	stream.indirect.gather [hbm4b:s6+s16], $0x10, s22, s16, $0xb8;
	[tilespmem:$0xE280] =	vst v63  }
0x1fe: {  	_ =	swait.ge [sflag:s21], $0x800  }
0x1ff: {  	[sflag:s21] =	ssyncset.done $0x0  }
0x200: {  	s23 =	rddreg [dreg:$0xb];
	[sflag:s21] =	ssyncadd.s32 $0xFFFFF800  }
0x201: {  	[spmem:s2] =	stream.indirect.scatter.add.f32 [tilespmem:s18], [sflag:$0x3], $0x10, s23, s16, $0xb8;
	[tilespmem:$0xE280] =	vst v63  }
0x202: {  	_ =	swait.ge [sflag:s13], $0x800  }
0x203: {  	[sflag:s13] =	ssyncset.done $0x0  }
0x204: {  	s24 =	rddreg [dreg:$0xc];
	[sflag:s13] =	ssyncadd.s32 $0xFFFFF800  }
0x205: {  	[tilespmem:s18], [sflag:$0x2] =	stream.indirect.gather [hbm4b:s6+s16], $0x10, s24, s16, $0xb8;
	[tilespmem:$0xE280] =	vst v63  }
0x206: {  	s5 =	simm.s32 $0xE0;
	_ =	swait.ge [sflag:s19], $0x800  }
0x207: {  	s28 =	simm.s32 $0xC680;
	s29 =	simm.s32 $0xCD00;
	[sflag:s19] =	ssyncset.done $0x0  }
0x208: {  	s30 =	simm.s32 $0xC700;
	s25 =	rddreg [dreg:$0xd];
	[sflag:s19] =	ssyncadd.s32 $0xFFFFF800  }
0x209: {  	[spmem:s2] =	stream.indirect.scatter.add.f32 [tilespmem:s12], [sflag:$0x3], $0x10, s25, s16, $0xb8;
	[tilespmem:$0xE280] =	vst v63  }
0x20a: {  	s31 =	simm.s32 $0xCD80;
	s1 =	simm.s32 $0xCF80;
	_ =	swait.ge [sflag:s13], $0x800  }
0x20b: {  	s0 =	simm.s32 $0xCE00;
	s8 =	simm.s32 $0xC800;
	[sflag:s13] =	ssyncset.done $0x0  }
0x20c: {  	s9 =	simm.s32 $0xCE80;
	s7 =	simm.s32 $0xC900;
	[sflag:s13] =	ssyncadd.s32 $0xFFFFF800  }
0x20d: {  	s10 =	simm.s32 $0xC880;
	s11 =	simm.s32 $0xCF00;
	_ =	swait.ge [sflag:s21], $0x800  }
0x20e: {  	s22 =	simm.s32 $0xC500;
	s23 =	simm.s32 $0xC580;
	[sflag:s21] =	ssyncset.done $0x0  }
0x20f: {  	s24 =	simm.s32 $0xCC00;
	s26 =	rddreg [dreg:$0xe];
	[sflag:s21] =	ssyncadd.s32 $0xFFFFF800  }
0x210: {  	[spmem:s2] =	stream.indirect.scatter.add.f32 [tilespmem:s18], [sflag:$0x3], $0x10, s26, s16, $0xb8;
	[tilespmem:$0xE280] =	vst v63  }
0x211: {  	s25 =	simm.s32 $0xC600;
	s26 =	simm.s32 $0xCC80;
	_ =	swait.ge [sflag:s13], $0x800  }
.LBB2_6:
0x212: {  	s17 =	rddreg [dreg:$0x6];
	s20 =	smov.u32 s5;
	[sflag:s13] =	ssyncset.done $0x0  }
0x213: {  	s17 =	sadd.s32 s20, s17;
	[sflag:s13] =	ssyncadd.s32 $0xFFFFF800  }
0x214: {  	[tilespmem:s14], [sflag:$0x3] =	stream.linear.gather [hbm4b:s17+s3], $0x700, $0x38;
	[tilespmem:$0xE280] =	vst v63  }
0x215: {  	_ =	swait.ge [sflag:s13], $0x700  }
0x216: {  	s17 =	rddreg [dreg:$0x5];
	[sflag:s13] =	ssyncset.done $0x0  }
0x217: {  	[sflag:s13] =	ssyncadd.s32 $0xFFFFF900;
	s17 =	sadd.s32 s20, s17  }
0x218: {  	[tilespmem:s15], [sflag:$0x3] =	stream.linear.gather [hbm4b:s17+s3], $0x700, $0x38;
	[tilespmem:$0xE280] =	vst v63  }
0x219: {  	_ =	swait.ge [sflag:s13], $0x700  }
0x21a: {  	[sflag:s13] =	ssyncset.done $0x0  }
0x21b: {  	[sflag:s13] =	ssyncadd.s32 $0xFFFFF900  }
0x21c: {  	[tilespmem:s12], [sflag:$0x1] =	stream.indirect.gather [hbm4b:s6+s16], $0x10, s14, s16, $0xb8;
	[tilespmem:$0xE280] =	vst v63  }
0x21d: {  	_ = 	snop  }
0x21e: {  	[tilespmem:s18], [sflag:$0x2] =	stream.indirect.gather [hbm4b:s6+s16], $0x10, s22, s16, $0xb8;
	[tilespmem:$0xE280] =	vst v63  }
0x21f: {  	_ =	swait.ge [sflag:s19], $0x800  }
0x220: {  	[sflag:s19] =	ssyncset.done $0x0  }
0x221: {  	[sflag:s19] =	ssyncadd.s32 $0xFFFFF800  }
0x222: {  	[spmem:s2] =	stream.indirect.scatter.add.f32 [tilespmem:s12], [sflag:$0x3], $0x10, s15, s16, $0xb8;
	[tilespmem:$0xE280] =	vst v63  }
0x223: {  	_ =	swait.ge [sflag:s13], $0x800  }
0x224: {  	[sflag:s13] =	ssyncset.done $0x0  }
0x225: {  	[sflag:s13] =	ssyncadd.s32 $0xFFFFF800  }
0x226: {  	[tilespmem:s12], [sflag:$0x1] =	stream.indirect.gather [hbm4b:s6+s16], $0x10, s23, s16, $0xb8;
	[tilespmem:$0xE280] =	vst v63  }
0x227: {  	_ =	swait.ge [sflag:s21], $0x800  }
0x228: {  	[sflag:s21] =	ssyncset.done $0x0  }
0x229: {  	[sflag:s21] =	ssyncadd.s32 $0xFFFFF800  }
0x22a: {  	[spmem:s2] =	stream.indirect.scatter.add.f32 [tilespmem:s18], [sflag:$0x3], $0x10, s24, s16, $0xb8;
	[tilespmem:$0xE280] =	vst v63  }
0x22b: {  	_ =	swait.ge [sflag:s13], $0x800  }
0x22c: {  	[sflag:s13] =	ssyncset.done $0x0  }
0x22d: {  	[sflag:s13] =	ssyncadd.s32 $0xFFFFF800  }
0x22e: {  	[tilespmem:s18], [sflag:$0x2] =	stream.indirect.gather [hbm4b:s6+s16], $0x10, s25, s16, $0xb8;
	[tilespmem:$0xE280] =	vst v63  }
0x22f: {  	_ =	swait.ge [sflag:s19], $0x800  }
0x230: {  	[sflag:s19] =	ssyncset.done $0x0  }
0x231: {  	[sflag:s19] =	ssyncadd.s32 $0xFFFFF800  }
0x232: {  	[spmem:s2] =	stream.indirect.scatter.add.f32 [tilespmem:s12], [sflag:$0x3], $0x10, s26, s16, $0xb8;
	[tilespmem:$0xE280] =	vst v63  }
0x233: {  	_ =	swait.ge [sflag:s13], $0x800  }
0x234: {  	[sflag:s13] =	ssyncset.done $0x0  }
0x235: {  	[sflag:s13] =	ssyncadd.s32 $0xFFFFF800  }
0x236: {  	[tilespmem:s12], [sflag:$0x1] =	stream.indirect.gather [hbm4b:s6+s16], $0x10, s28, s16, $0xb8;
	[tilespmem:$0xE280] =	vst v63  }
0x237: {  	_ =	swait.ge [sflag:s21], $0x800  }
0x238: {  	[sflag:s21] =	ssyncset.done $0x0  }
0x239: {  	[sflag:s21] =	ssyncadd.s32 $0xFFFFF800  }
0x23a: {  	[spmem:s2] =	stream.indirect.scatter.add.f32 [tilespmem:s18], [sflag:$0x3], $0x10, s29, s16, $0xb8;
	[tilespmem:$0xE280] =	vst v63  }
0x23b: {  	_ =	swait.ge [sflag:s13], $0x800  }
0x23c: {  	[sflag:s13] =	ssyncset.done $0x0  }
0x23d: {  	[sflag:s13] =	ssyncadd.s32 $0xFFFFF800  }
0x23e: {  	[tilespmem:s18], [sflag:$0x2] =	stream.indirect.gather [hbm4b:s6+s16], $0x10, s30, s16, $0xb8;
	[tilespmem:$0xE280] =	vst v63  }
0x23f: {  	_ =	swait.ge [sflag:s19], $0x800  }
0x240: {  	[sflag:s19] =	ssyncset.done $0x0  }
0x241: {  	[sflag:s19] =	ssyncadd.s32 $0xFFFFF800  }
0x242: {  	[spmem:s2] =	stream.indirect.scatter.add.f32 [tilespmem:s12], [sflag:$0x3], $0x10, s31, s16, $0xb8;
	[tilespmem:$0xE280] =	vst v63  }
0x243: {  	_ =	swait.ge [sflag:s13], $0x800  }
0x244: {  	[sflag:s13] =	ssyncset.done $0x0  }
0x245: {  	s20 =	simm.s32 $0xC780;
	[sflag:s13] =	ssyncadd.s32 $0xFFFFF800  }
0x246: {  	[tilespmem:s12], [sflag:$0x1] =	stream.indirect.gather [hbm4b:s6+s16], $0x10, s20, s16, $0xb8;
	[tilespmem:$0xE280] =	vst v63  }
0x247: {  	_ =	swait.ge [sflag:s21], $0x800  }
0x248: {  	[sflag:s21] =	ssyncset.done $0x0  }
0x249: {  	[sflag:s21] =	ssyncadd.s32 $0xFFFFF800  }
0x24a: {  	[spmem:s2] =	stream.indirect.scatter.add.f32 [tilespmem:s18], [sflag:$0x3], $0x10, s0, s16, $0xb8;
	[tilespmem:$0xE280] =	vst v63  }
0x24b: {  	_ =	swait.ge [sflag:s13], $0x800  }
0x24c: {  	[sflag:s13] =	ssyncset.done $0x0  }
0x24d: {  	[sflag:s13] =	ssyncadd.s32 $0xFFFFF800  }
0x24e: {  	[tilespmem:s18], [sflag:$0x2] =	stream.indirect.gather [hbm4b:s6+s16], $0x10, s8, s16, $0xb8;
	[tilespmem:$0xE280] =	vst v63  }
0x24f: {  	_ =	swait.ge [sflag:s19], $0x800  }
0x250: {  	[sflag:s19] =	ssyncset.done $0x0  }
0x251: {  	[sflag:s19] =	ssyncadd.s32 $0xFFFFF800  }
0x252: {  	[spmem:s2] =	stream.indirect.scatter.add.f32 [tilespmem:s12], [sflag:$0x3], $0x10, s9, s16, $0xb8;
	[tilespmem:$0xE280] =	vst v63  }
0x253: {  	_ =	swait.ge [sflag:s13], $0x800  }
0x254: {  	[sflag:s13] =	ssyncset.done $0x0  }
0x255: {  	[sflag:s13] =	ssyncadd.s32 $0xFFFFF800  }
0x256: {  	[tilespmem:s12], [sflag:$0x1] =	stream.indirect.gather [hbm4b:s6+s16], $0x10, s10, s16, $0xb8;
	[tilespmem:$0xE280] =	vst v63  }
0x257: {  	_ =	swait.ge [sflag:s21], $0x800  }
0x258: {  	[sflag:s21] =	ssyncset.done $0x0  }
0x259: {  	[sflag:s21] =	ssyncadd.s32 $0xFFFFF800  }
0x25a: {  	[spmem:s2] =	stream.indirect.scatter.add.f32 [tilespmem:s18], [sflag:$0x3], $0x10, s11, s16, $0xb8;
	[tilespmem:$0xE280] =	vst v63  }
0x25b: {  	_ =	swait.ge [sflag:s13], $0x800  }
0x25c: {  	[sflag:s13] =	ssyncset.done $0x0  }
0x25d: {  	[sflag:s13] =	ssyncadd.s32 $0xFFFFF800  }
0x25e: {  	[tilespmem:s18], [sflag:$0x2] =	stream.indirect.gather [hbm4b:s6+s16], $0x10, s7, s16, $0xb8;
	[tilespmem:$0xE280] =	vst v63  }
0x25f: {  	_ =	swait.ge [sflag:s19], $0x800  }
0x260: {  	[sflag:s19] =	ssyncset.done $0x0  }
0x261: {  	[sflag:s19] =	ssyncadd.s32 $0xFFFFF800  }
0x262: {  	[spmem:s2] =	stream.indirect.scatter.add.f32 [tilespmem:s12], [sflag:$0x3], $0x10, s1, s16, $0xb8;
	[tilespmem:$0xE280] =	vst v63  }
0x263: {  	_ =	swait.ge [sflag:s13], $0x800  }
0x264: {  	[sflag:s13] =	ssyncset.done $0x0  }
0x265: {  	s20 =	rddreg [dreg:$0x7];
	[sflag:s13] =	ssyncadd.s32 $0xFFFFF800  }
0x266: {  	[tilespmem:s12], [sflag:$0x1] =	stream.indirect.gather [hbm4b:s6+s16], $0x10, s20, s16, $0xb8;
	[tilespmem:$0xE280] =	vst v63  }
0x267: {  	_ =	swait.ge [sflag:s21], $0x800  }
0x268: {  	[sflag:s21] =	ssyncset.done $0x0  }
0x269: {  	s20 =	simm.s32 $0xD000;
	[sflag:s21] =	ssyncadd.s32 $0xFFFFF800  }
0x26a: {  	[spmem:s2] =	stream.indirect.scatter.add.f32 [tilespmem:s18], [sflag:$0x3], $0x10, s20, s16, $0xb8;
	[tilespmem:$0xE280] =	vst v63  }
0x26b: {  	_ =	swait.ge [sflag:s13], $0x800  }
0x26c: {  	[sflag:s13] =	ssyncset.done $0x0  }
0x26d: {  	s20 =	rddreg [dreg:$0x8];
	[sflag:s13] =	ssyncadd.s32 $0xFFFFF800  }
0x26e: {  	[tilespmem:s18], [sflag:$0x2] =	stream.indirect.gather [hbm4b:s6+s16], $0x10, s20, s16, $0xb8;
	[tilespmem:$0xE280] =	vst v63  }
0x26f: {  	_ =	swait.ge [sflag:s19], $0x800  }
0x270: {  	[sflag:s19] =	ssyncset.done $0x0  }
0x271: {  	s20 =	rddreg [dreg:$0x9];
	[sflag:s19] =	ssyncadd.s32 $0xFFFFF800  }
0x272: {  	[spmem:s2] =	stream.indirect.scatter.add.f32 [tilespmem:s12], [sflag:$0x3], $0x10, s20, s16, $0xb8;
	[tilespmem:$0xE280] =	vst v63  }
0x273: {  	_ =	swait.ge [sflag:s13], $0x800  }
0x274: {  	[sflag:s13] =	ssyncset.done $0x0  }
0x275: {  	s20 =	rddreg [dreg:$0xa];
	[sflag:s13] =	ssyncadd.s32 $0xFFFFF800  }
0x276: {  	[tilespmem:s12], [sflag:$0x1] =	stream.indirect.gather [hbm4b:s6+s16], $0x10, s20, s16, $0xb8;
	[tilespmem:$0xE280] =	vst v63  }
0x277: {  	_ =	swait.ge [sflag:s21], $0x800  }
0x278: {  	[sflag:s21] =	ssyncset.done $0x0  }
0x279: {  	s20 =	rddreg [dreg:$0xb];
	[sflag:s21] =	ssyncadd.s32 $0xFFFFF800  }
0x27a: {  	[spmem:s2] =	stream.indirect.scatter.add.f32 [tilespmem:s18], [sflag:$0x3], $0x10, s20, s16, $0xb8;
	[tilespmem:$0xE280] =	vst v63  }
0x27b: {  	_ =	swait.ge [sflag:s13], $0x800  }
0x27c: {  	[sflag:s13] =	ssyncset.done $0x0  }
0x27d: {  	s20 =	rddreg [dreg:$0xc];
	[sflag:s13] =	ssyncadd.s32 $0xFFFFF800  }
0x27e: {  	[tilespmem:s18], [sflag:$0x2] =	stream.indirect.gather [hbm4b:s6+s16], $0x10, s20, s16, $0xb8;
	[tilespmem:$0xE280] =	vst v63  }
0x27f: {  	_ =	swait.ge [sflag:s19], $0x800  }
0x280: {  	[sflag:s19] =	ssyncset.done $0x0  }
0x281: {  	s20 =	rddreg [dreg:$0xd];
	[sflag:s19] =	ssyncadd.s32 $0xFFFFF800  }
0x282: {  	[spmem:s2] =	stream.indirect.scatter.add.f32 [tilespmem:s12], [sflag:$0x3], $0x10, s20, s16, $0xb8;
	[tilespmem:$0xE280] =	vst v63  }
0x283: {  	_ =	swait.ge [sflag:s13], $0x800  }
0x284: {  	[sflag:s13] =	ssyncset.done $0x0  }
0x285: {  	p0 =	sne.s32 s5, $0xB60;
	[sflag:s13] =	ssyncadd.s32 $0xFFFFF800  }
.Ltmp2:
0x286: {  	_ =	swait.ge [sflag:s21], $0x800;
	(pc) =	sbr.rel @p0 .LBB2_6-.Ltmp2, $4  }
0x287: {  	[sflag:s21] =	ssyncset.done $0x0  }
0x288: {  	s20 =	rddreg [dreg:$0xe];
	[sflag:s21] =	ssyncadd.s32 $0xFFFFF800  }
0x289: {  	[spmem:s2] =	stream.indirect.scatter.add.f32 [tilespmem:s18], [sflag:$0x3], $0x10, s20, s16, $0xb8;
	[tilespmem:$0xE280] =	vst v63  }
0x28a: {  	s5 =	sadd.s32 $0xE0, s5;
	_ =	swait.ge [sflag:s13], $0x800  }
0x28b: {  	[sflag:s13] =	ssyncset.done $0x0  }
0x28c: {  	[sflag:s13] =	ssyncadd.s32 $0xFFFFF800  }
0x28d: {  	[bflag:$0x0] =	sbarrier.arrive $0xFFFF  }
0x28e: {  	s5 =	stileid.u32;
	s20 =	sld [smem:$0x7F2]  }
0x28f: {  	s5 =	sshll.u32 s5, $0x6  }
0x290: {  	s5 =	sor.u32 $0x1C03, s5;
	s17 =	rddreg [dreg:$0x14]  }
0x291: {  	[hbm:s17], [sflag:s5] =	dma.local [spmem:s20], $0x1890  }
0x292: {  	_ =	swait.ge [sflag:s13], $0x1890  }
0x293: {  	s25 =	sld [smem:$0x7EF];
	_ =	sdelay $0x1  }
0x294: {  	s22 =	simm.s32 $0xC580;
	s23 =	simm.s32 $0xCC00  }
0x295: {  	s24 =	simm.s32 $0xC600;
	s26 =	rddreg [dreg:$0x15];
	s17 =	sadd.s32 $0x1, s25  }
0x296: {  	s28 =	simm.s32 $0xCD00;
	s29 =	simm.s32 $0xC700;
	p0 =	sne.s32 s17, s26  }
.Ltmp3:
0x297: {  	s30 =	simm.s32 $0xCD80;
	s31 =	simm.s32 $0xC780;
	(pc) =	sbr.rel @p0 .LBB2_1-.Ltmp3, $4  }
0x298: {  	s1 =	simm.s32 $0xCE00;
	s0 =	simm.s32 $0xC800;
	s8 =	simm.s32 $0xCE80  }
0x299: {  	s9 =	simm.s32 $0xC880;
	s10 =	simm.s32 $0xCF00;
	s11 =	simm.s32 $0xC900  }
0x29a: {  	s7 =	simm.s32 $0xCF80;
	s20 =	simm.s32 $0xC500;
	[sflag:s13] =	ssyncset.done $0x0  }
0x29b: {  	[sflag:s13] =	ssyncadd.s32 $0xFFFFE770;
	s25 =	simm.s32 $0xCC80;
	s26 =	simm.s32 $0xC680  }
0x29c: {  	_ =	sfence.sel $0x180000  }
0x29d: {  	[bflag:$0x0] =	sbarrier.arrive $0xFFFF  }
0x29e: {  	_ =	strace $0x9000004A  }
0x29f: {  	s0 =	stileid.u32;
	[bflag:$0x2] =	sbarrier.arrive $0xFFFF  }
0x2a0: {  	p0 =	sne.s32 s0, $0x0;
	s0 =	rddreg [dreg:$0x2]  }
0x2a1: {  	s0 =	sadd.s32 @!p0 $0x100000, s0  }
0x2a2: {  	[sflag:s0] =	ssyncadd.tile.s32 @!p0 $0x1;
	_ =	shalt  }
.Lfunc_end2:
_tile_overlayer_lowered:
.L_overlay_start_2:
0x2a3: {  	(tag) =	ssettag $0x2  }
0x2a4: {  	s0 =	rddreg [dreg:$0x0];
	s2 =	stileid.u32  }
0x2a5: {  	s1 =	rddreg [dreg:$0x1];
	p0 =	sne.s32 s2, $0x0  }
0x2a6: {  	s3 =	rddreg [dreg:$0x2];
	[bflag:$0x3] =	sbarrier.arrive $0xFFFF;
	s2 =	simm.s32 @!p0 $0x1C03  }
0x2a7: {  	[timem:s3], [sflag:s2] =	dma.local @!p0 [hbm:s0], s1  }
0x2a8: {  	s0 =	simm.s32 @!p0 $0x3  }
0x2a9: {  	_ =	swait.ge @!p0 [sflag:s0], s1  }
0x2aa: {  	s1 =	ssub.s32 @!p0 $0x0, s1;
	[sflag:s0] =	ssyncset.done @!p0 $0x0  }
0x2ab: {  	[sflag:s0] =	ssyncadd.s32 @!p0 s1  }
0x2ac: {  	[bflag:$0x3] =	sbarrier.arrive $0xFFFF  }
0x2ad: {  	_ =	shalt  }

// kernel: kernel.7.cloned.1.call-start
scs
__scs_entry_jumppad:
0x0: {  	(pc) =	sbr.rel $0x88, $3  }
0x1: {  	(tag) =	ssettag $0x0;
	lr =	simm.s32 $0x1  }
0x2: {  	[smem:$0x3F80] =	sst lr;
	_ =	strace $0xD0000000  }
0x3: {  	_ = 	snop  }
0x4: {  	_ = 	snop  }
0x5: {  	_ = 	snop  }
0x6: {  	_ = 	snop  }
0x7: {  	_ = 	snop  }
__scs_overlays_trampoline_lowered:
0x8: {  	[smem:$0x3F8F] =	sst s0  }
0x9: {  	[smem:$0x3F90] =	sst s1  }
0xa: {  	[smem:$0x3F91] =	sst s2  }
0xb: {  	[smem:$0x3F92] =	sst s3  }
0xc: {  	[smem:$0x3F93] =	sst s4  }
0xd: {  	[smem:$0x3F94] =	sst s5  }
0xe: {  	[smem:$0x3F95] =	sst s6  }
0xf: {  	[smem:$0x3F96] =	sst s7  }
0x10: {  	[smem:$0x3F97] =	sst s8  }
0x11: {  	[smem:$0x3F98] =	sst s9;
	s0 =	simm.s32 @!p0 $0x0  }
0x12: {  	s1 =	sld [smem:$0x3F7E];
	s0 =	simm.s32 @p0 $0x1  }
0x13: {  	[smem:$0x3F99] =	sst s0;
	s0 =	simm.s32 @!p1 $0x0  }
0x14: {  	s2 =	sld [smem:$0x3F7D];
	s0 =	simm.s32 @p1 $0x1  }
0x15: {  	[smem:$0x3F9A] =	sst s0;
	s0 =	simm.s32 @!p2 $0x0  }
0x16: {  	s3 =	sld [smem:$0x3FDB];
	s0 =	simm.s32 @p2 $0x1  }
0x17: {  	s4 =	simm.s32 $0x1BF5;
	[smem:$0x3F9C] =	sst s0  }
0x18: {  	s0 =	sld [smem:$0x3F7F];
	_ =	swait.ge [sflag:s4], $0x0  }
0x19: {  	s7 =	sld [smem:$0x3F80]  }
0x1a: {  	s8 =	sadd.s32 $0xFFFFE003, lr  }
0x1b: {  	s9 =	sadd.s32 $0xFFFFFEF7, lr;
	s5 =	simm.s32 $0xFFFFFFFF;
	p2 =	slt.u32 s8, $0xFFFFF086  }
0x1c: {  	p1 =	slt.u32 s9, $0xF7A;
	s5 =	simm.s32 @!p2 $0x0  }
0x1d: {  	s5 =	simm.s32 @p1 $0x1;
	p0 =	seq.s32 s7, s2  }
0x1e: {  	s7 =	smul.u32 @!p0 $0xF7A, s2;
	p2 =	seq.s32 @!p0 s5, $0x0  }
0x1f: {  	s9 =	smul.u32 $0xF7A, s1;
	s8 =	simm.s32 @!p0 $0x1BF5;
	p2 =	por !p2, p0  }
0x20: {  	[sflag:s8] =	ssyncset.s32 @!p0 $0xFFFFF086;
	s6 =	sadd.s32 @!p0 s3, s7;
	s7 =	simm.s32 @!p0 $0x108  }
0x21: {  	s3 =	sadd.s32 s3, s9;
	s6 =	sadd.s32 @!p0 $0x88, s6;
	s7 =	simm.s32 @p2 $0x1082  }
0x22: {  	[simem:s7], [sflag:s8] =	dma.local @!p0 [hbm:s6], $0xF7A  }
0x23: {  	s9 =	sor.u32 $0xD0000000, s2;
	s6 =	simm.s32 $0x108;
	_ =	swait.ge @!p0 [sflag:s8], $0x0  }
0x24: {  	s3 =	sadd.s32 $0x88, s3;
	s6 =	simm.s32 @!p1 $0x1082;
	[sflag:s4] =	ssyncset.s32 $0xFFFFF086  }
0x25: {  	[simem:s6], [sflag:s4] =	dma.local [hbm:s3], $0xF7A  }
0x26: {  	[smem:$0x3F80] =	sst s1;
	(tag) =	ssettag s2;
	_ =	strace s9  }
0x27: {  	s1 =	sld [smem:$0x3F90]  }
0x28: {  	s2 =	sld [smem:$0x3F91]  }
0x29: {  	s4 =	sld [smem:$0x3F93]  }
0x2a: {  	p0 =	seq.s32 s5, $0x0;
	s5 =	sld [smem:$0x3F94]  }
0x2b: {  	s6 =	sld [smem:$0x3F95]  }
0x2c: {  	s7 =	sld [smem:$0x3F96]  }
0x2d: {  	s3 =	simm.s32 $0x108;
	s8 =	sld [smem:$0x3F97]  }
0x2e: {  	s3 =	simm.s32 @!p0 $0x1082;
	s9 =	sld [smem:$0x3F98]  }
0x2f: {  	lr =	sadd.s32 s0, s3;
	s0 =	sld [smem:$0x3F8F]  }
0x30: {  	s3 =	sld [smem:$0x3F92]  }
0x31: {  	[smem:$0x3F9B] =	sst s10  }
0x32: {  	s10 =	sld [smem:$0x3F99];
	_ =	sdelay $0x3  }
0x33: {  	p0 =	seq.s32 s10, $0x1;
	s10 =	sld [smem:$0x3F9B];
	_ =	sdelay $0x3  }
0x34: {  	[smem:$0x3F9B] =	sst s10  }
0x35: {  	s10 =	sld [smem:$0x3F9A];
	_ =	sdelay $0x3  }
0x36: {  	p1 =	seq.s32 s10, $0x1;
	s10 =	sld [smem:$0x3F9B];
	_ =	sdelay $0x3  }
0x37: {  	[smem:$0x3F9B] =	sst s10  }
0x38: {  	s10 =	sld [smem:$0x3F9C]  }
0x39: {  	_ = 	snop;
	(pc) =	sbr.ind lr, $3  }
0x3a: {  	_ = 	snop  }
0x3b: {  	_ = 	snop  }
0x3c: {  	p2 =	seq.s32 s10, $0x1;
	s10 =	sld [smem:$0x3F9B]  }
0x3d: {  	_ =	shalt  }
0x3e: {  	_ =	shalt  }
0x3f: {  	_ =	shalt  }
0x40: {  	_ =	shalt  }
0x41: {  	_ =	shalt  }
0x42: {  	_ =	shalt  }
0x43: {  	_ =	shalt  }
0x44: {  	_ =	shalt  }
0x45: {  	_ =	shalt  }
0x46: {  	_ =	shalt  }
0x47: {  	_ =	shalt  }
0x48: {  	_ =	shalt  }
0x49: {  	_ =	shalt  }
0x4a: {  	_ =	shalt  }
0x4b: {  	_ =	shalt  }
0x4c: {  	_ =	shalt  }
0x4d: {  	_ =	shalt  }
0x4e: {  	_ =	shalt  }
0x4f: {  	_ =	shalt  }
0x50: {  	_ =	shalt  }
0x51: {  	_ =	shalt  }
0x52: {  	_ =	shalt  }
0x53: {  	_ =	shalt  }
0x54: {  	_ =	shalt  }
0x55: {  	_ =	shalt  }
0x56: {  	_ =	shalt  }
0x57: {  	_ =	shalt  }
0x58: {  	_ =	shalt  }
0x59: {  	_ =	shalt  }
0x5a: {  	_ =	shalt  }
0x5b: {  	_ =	shalt  }
0x5c: {  	_ =	shalt  }
0x5d: {  	_ =	shalt  }
0x5e: {  	_ =	shalt  }
0x5f: {  	_ =	shalt  }
0x60: {  	_ =	shalt  }
0x61: {  	_ =	shalt  }
0x62: {  	_ =	shalt  }
0x63: {  	_ =	shalt  }
0x64: {  	_ =	shalt  }
0x65: {  	_ =	shalt  }
0x66: {  	_ =	shalt  }
0x67: {  	_ =	shalt  }
0x68: {  	_ =	shalt  }
0x69: {  	_ =	shalt  }
0x6a: {  	_ =	shalt  }
0x6b: {  	_ =	shalt  }
0x6c: {  	_ =	shalt  }
0x6d: {  	_ =	shalt  }
0x6e: {  	_ =	shalt  }
0x6f: {  	_ =	shalt  }
0x70: {  	_ =	shalt  }
0x71: {  	_ =	shalt  }
0x72: {  	_ =	shalt  }
0x73: {  	_ =	shalt  }
0x74: {  	_ =	shalt  }
0x75: {  	_ =	shalt  }
0x76: {  	_ =	shalt  }
0x77: {  	_ =	shalt  }
0x78: {  	_ =	shalt  }
0x79: {  	_ =	shalt  }
0x7a: {  	_ =	shalt  }
0x7b: {  	_ =	shalt  }
0x7c: {  	_ =	shalt  }
0x7d: {  	_ =	shalt  }
0x7e: {  	_ =	shalt  }
0x7f: {  	_ =	shalt  }
0x80: {  	_ =	shalt  }
0x81: {  	_ =	shalt  }
0x82: {  	_ =	shalt  }
0x83: {  	_ =	shalt  }
0x84: {  	_ =	shalt  }
0x85: {  	_ =	shalt  }
0x86: {  	_ =	shalt  }
0x87: {  	_ =	shalt  }
.Lfunc_end0:
.L_simem_size_0:
called_computation_lowered:
.L_overlay_start_0:
0x88: {  	s2 =	sld [smem:$0x3FD9]  }
0x89: {  	s3 =	sld [smem:$0x3FFE];
	_ =	sdelay $0x1  }
0x8a: {  	s1 =	srdreg.scid  }
0x8b: {  	s0 =	sand.u32 $0x1, s1  }
0x8c: {  	s17 =	sshll.u32 s0, $0xA;
	s2 =	sadd.s32 s3, s2  }
0x8d: {  	s2 =	sadd.s32 s2, s17  }
0x8e: {  	[smem:$0x3FA7] =	sst s2  }
0x8f: {  	_ = 	snop  }
0x90: {  	s2 =	sld [smem:$0x3FD0];
	(tm) =	ssettm $0x1  }
0x91: {  	s18 =	sld [smem:$0x3FFB];
	_ =	sdelay $0x3  }
0x92: {  	_ =	strace s18  }
0x93: {  	s3 =	sld [smem:$0x3FFC];
	_ =	sdelay $0x3  }
0x94: {  	_ =	strace s3  }
0x95: {  	s3 =	sld [smem:$0x3FFD];
	_ =	sdelay $0x3  }
0x96: {  	_ =	strace s3  }
0x97: {  	_ =	strace $0x8FFFFFFF  }
0x98: {  	s19 =	sld [smem:$0x3FDB];
	_ =	sdelay $0x1  }
0x99: {  	s4 =	simm.s32 $_scs_section_size  }
0x9a: {  	s5 =	simm.s32 $_size__tile_overlayer_lowered;
	s6 =	simm.s32 $_tile_overlayer_lowered  }
0x9b: {  	s22 =	simm.s32 $0x1BFF;
	s21 =	sshll.u32 s6, $0x1;
	s3 =	sadd.s32 s4, s19  }
0x9c: {  	s7 =	simm.s32 $0x0;
	s20 =	sshll.u32 s5, $0x1;
	s5 =	sadd.s32 s21, s3  }
0x9d: {  	[timem:s7], [sflag:s22] =	dma.local [hbm:s5], s20  }
0x9e: {  	_ =	swait.ge [sflag:s22], s20  }
0x9f: {  	s4 =	ssub.s32 $0x0, s20;
	[sflag:s22] =	ssyncset.done $0x0  }
0xa0: {  	[sflag:s22] =	ssyncadd.s32 s4;
	_ =	sdelay $0x1  }
0xa1: {  	s23 =	simm.s32 $0x1B8B  }
0xa2: {  	_ =	swait.ge [sflag:s23], $0x1  }
0xa3: {  	[sflag:s23] =	ssyncset.done $0x0  }
0xa4: {  	s25 =	simm.s32 $0x1B8E;
	s24 =	sld [smem:$0x3FFE];
	[sflag:s23] =	ssyncadd.s32 $0xFFFFFFFF  }
0xa5: {  	s26 =	simm.s32 $execute0_lowered;
	[smem:$0x3FD2] =	sst s25  }
0xa6: {  	s5 =	sshll.u32 s26, $0x1;
	_ =	strace $0x80000046;
	[dreg:$0x1] =	wrdreg $0xFFFFFFFF  }
0xa7: {  	s28 =	simm.s32 $_size_execute0_lowered;
	s3 =	sadd.s32 s3, s5;
	[dreg:$0x0] =	wrdreg $0x0  }
0xa8: {  	s5 =	sshll.u32 s28, $0x1;
	[dreg:$0x2] =	wrdreg s3  }
0xa9: {  	[dreg:$0x3] =	wrdreg s5  }
0xaa: {  	[dreg:$0x4] =	wrdreg $0xC0  }
0xab: {  	_ =	task [dreg:s7], $0x5FFFF  }
0xac: {  	[dreg:$0x1] =	wrdreg $0xFFFFFFFF  }
0xad: {  	[dreg:$0x0] =	wrdreg $0x60  }
0xae: {  	[dreg:$0x2] =	wrdreg s24  }
0xaf: {  	[dreg:$0x3] =	wrdreg s2  }
0xb0: {  	[dreg:$0x4] =	wrdreg $0x0  }
0xb1: {  	[dreg:$0x5] =	wrdreg $0x9  }
0xb2: {  	_ =	task.clear_ibuf [dreg:s7], $0x6FFFF;
	_ =	strace $0x90000046  }
0xb3: {  	s29 =	simm.s32 $0x9;
	_ =	strace $0x80000048  }
0xb4: {  	_ =	swait.ge [sflag:s29], $0x1  }
0xb5: {  	[sflag:s29] =	ssyncadd.s32 $0xFFFFFFFF  }
0xb6: {  	_ =	strace $0x90000048  }
0xb7: {  	_ =	sfence  }
0xb8: {  	s30 =	sld [smem:$0x0];
	_ =	sdelay $0x2  }
0xb9: {  	s31 =	sshll.u32 s1, $0xD;
	s1 =	sshrl.u32 s1, $0x2  }
0xba: {  	s3 =	sand.u32 $0x4000, s31;
	s1 =	sadd.s32 s1, s30  }
0xbb: {  	s0 =	sor.u32 s3, s0;
	s1 =	sshll.u32 s1, $0x11  }
0xbc: {  	s0 =	sor.u32 s1, s0  }
0xbd: {  	s0 =	sadd.s32 $0x8F2B, s0  }
0xbe: {  	[sflag:s0] =	ssyncadd.remote.s32 $0x1  }
0xbf: {  	_ =	sfence.sel $0xFFFF  }
0xc0: {  	[dreg:$0x0] =	wrdreg $0xFFFFFFFF;
	(pc) =	sbr.abs _section_cstart, $3  }
0xc1: {  	[dreg:$0x1] =	wrdreg $0xFFFFFFFF  }
0xc2: {  	_ =	task.clear_ibuf [dreg:s7], $0x2FFFF;
	_ =	strace $0x9FFFFFFF  }
0xc3: {  	(tm) =	ssettm $0x7FFFFFFF  }
tec
execute0_lowered:
.L_overlay_start_1:
0x0: {  	(tag) =	ssettag $0x1  }
0x1: {  	s15 =	stileid.u32  }
0x2: {  	s0 =	rddreg [dreg:$0x0];
	s5 =	smul.u32 $0x620, s15  }
0x3: {  	s1 =	rddreg [dreg:$0x1];
	s9 =	smul.u32 $0x3100, s15  }
0x4: {  	s2 =	rddreg [dreg:$0x2];
	s10 =	smul.u32 $0x500, s15  }
0x5: {  	s4 =	srdreg.scid;
	s12 =	smul.u32 $0xC400, s15  }
0x6: {  	s3 =	simm.s32 $0x0;
	s28 =	simm.s32 $0x18A00;
	s21 =	smul.u32 $0x1880, s15  }
0x7: {  	s29 =	simm.s32 $0x19100;
	s30 =	simm.s32 $0x80;
	s22 =	smul.u32 $0x62800, s15  }
0x8: {  	s31 =	simm.s32 $0x19380;
	s7 =	sand.u32 $0x1, s4;
	s25 =	smul.u32 $0x62000, s15  }
0x9: {  	[smem:$0x7FF] =	sst s3;
	s4 =	sadd.s32 $0xB8E00, s0;
	s8 =	smul.u32 $0x31000, s7  }
0xa: {  	s6 =	sadd.s32 $0x5BC00, s0;
	_ =	strace $0x80000047;
	s20 =	smul.u32 $0x5000, s7  }
0xb: {  	[dreg:$0x8] =	wrdreg s6;
	s6 =	sadd.s32 $0x17C400, s0;
	s14 =	smul.u32 $0xC4000, s7  }
0xc: {  	s7 =	ssub.s32 $0x2, s7;
	s5 =	sadd.s32 s5, s0;
	s13 =	sshrl.u32 s10, $0x3  }
0xd: {  	s23 =	sshrl.u32 s22, $0x2;
	s24 =	sshrl.u32 s7, $0x1;
	s8 =	sadd.s32 s8, s9  }
0xe: {  	s13 =	sadd.s32 s13, s0;
	s9 =	sadd.s32 s10, s20;
	s5 =	sadd.s32 $0x9600, s5  }
0xf: {  	s12 =	sadd.s32 s14, s12;
	s16 =	sadd.s32 s23, s2;
	[dreg:$0x5] =	wrdreg s5  }
0x10: {  	s10 =	sadd.s32 s21, s0;
	s26 =	sadd.s32 $0x18000, s16;
	[dreg:$0x9] =	wrdreg s16  }
0x11: {  	s7 =	ssub.s32 s7, s24;
	s13 =	sadd.s32 $0x7800, s13;
	[dreg:$0xa] =	wrdreg s26  }
0x12: {  	s11 =	sshrl.u32 s8, $0x3;
	s1 =	sadd.s32 s1, s8;
	[dreg:$0xb] =	wrdreg s13  }
0x13: {  	s9 =	sshrl.u32 s9, $0x3;
	s7 =	smax.u32 s7, $0x1;
	[dreg:$0xd] =	wrdreg s1  }
0x14: {  	s12 =	sshrl.u32 s12, $0x3;
	s14 =	sadd.s32 $0x6000, s16;
	[dreg:$0xe] =	wrdreg s7  }
0x15: {  	s15 =	sadd.s32 $0x8000, s16;
	s17 =	sadd.s32 $0xA000, s16;
	[dreg:$0x11] =	wrdreg s14  }
0x16: {  	s18 =	sadd.s32 $0xC000, s16;
	s20 =	sadd.s32 $0xE000, s16;
	[dreg:$0x12] =	wrdreg s15  }
0x17: {  	s21 =	sadd.s32 $0x10000, s16;
	s22 =	sadd.s32 $0x12000, s16;
	[dreg:$0x13] =	wrdreg s17  }
0x18: {  	s23 =	sadd.s32 $0x1BC00, s10;
	s24 =	sadd.s32 $0x14000, s16;
	[dreg:$0x14] =	wrdreg s18  }
0x19: {  	s5 =	simm.s32 $0x18D00;
	s8 =	simm.s32 $0x18D80;
	[dreg:$0x15] =	wrdreg s20  }
0x1a: {  	s10 =	simm.s32 $0x19400;
	s11 =	sadd.s32 s11, s0;
	[dreg:$0x16] =	wrdreg s21  }
0x1b: {  	s9 =	sadd.s32 s9, s0;
	s0 =	sadd.s32 s12, s0;
	[dreg:$0x17] =	wrdreg s22  }
0x1c: {  	s12 =	sadd.s32 $0x2000, s16;
	s13 =	sadd.s32 $0x4000, s16;
	[dreg:$0x18] =	wrdreg s24  }
0x1d: {  	[dreg:$0x7] =	wrdreg s23;
	s24 =	simm.s32 $0x19800;
	s18 =	simm.s32 $0x18B00  }
0x1e: {  	s20 =	simm.s32 $0x18B80;
	s21 =	simm.s32 $0x19200;
	s22 =	simm.s32 $0x18C00  }
0x1f: {  	s23 =	simm.s32 $0x19280;
	s7 =	simm.s32 $0x19300;
	[dreg:$0xf] =	wrdreg s12  }
0x20: {  	s14 =	simm.s32 $0x19500;
	s9 =	sadd.s32 $0x8200, s9;
	[dreg:$0x10] =	wrdreg s13  }
0x21: {  	s19 =	sadd.s32 $0xF800, s11;
	s0 =	sadd.s32 $0x87E00, s0;
	[dreg:$0xc] =	wrdreg s9  }
0x22: {  	s11 =	simm.s32 $0x18E00;
	s12 =	simm.s32 $0x19480;
	[dreg:$0x4] =	wrdreg s19  }
0x23: {  	s13 =	simm.s32 $0x18E80;
	s9 =	sshrl.u32 s25, $0x2;
	[dreg:$0x6] =	wrdreg s0  }
0x24: {  	s25 =	sadd.s32 $0x16000, s16;
	s0 =	simm.s32 $0x1B800;
	s19 =	simm.s32 $0x19180  }
0x25: {  	s16 =	simm.s32 $0x0;
	s1 =	sadd.s32 s9, s2;
	[dreg:$0x19] =	wrdreg s25  }
0x26: {  	s9 =	simm.s32 $0x2;
	s25 =	simm.s32 $0x18C80;
	s26 =	sshrl.u32 s1, $0x3  }
0x27: {  	v0 =	vimm.f32 $0.0e+00;
	s1 =	simm.s32 $0x1;
	[dreg:$0x1a] =	wrdreg s26;
	s26 =	simm.s32 $0x3  }
.LBB2_1:
0x28: {  	[dreg:$0x1b] =	wrdreg s16;
	s16 =	simm.s32 $0x100;
	s15 =	simm.s32 $0x0  }
.LBB2_2:
0x29: {  	p0 =	sne.s32 s16, $0x7F00;
	[tilespmem:s15+$0x19830] =	vst v0;
	s17 =	smov.u32 s16;
	s16 =	sadd.s32 $0x100, s16  }
.Ltmp0:
0x2a: {  	[tilespmem:s15+$0x19820] =	vst v0;
	(pc) =	sbr.rel @p0 .LBB2_2-.Ltmp0, $3  }
0x2b: {  	[tilespmem:s15+$0x19800] =	vst v0  }
0x2c: {  	[tilespmem:s15+$0x19810] =	vst v0;
	_ =	sdelay $0x1  }
0x2d: {  	s15 =	sshra.s32 s17, $0x2  }
0x2e: {  	[tilespmem:s15+$0x19830] =	vst v0  }
0x2f: {  	[tilespmem:s15+$0x19820] =	vst v0  }
0x30: {  	[tilespmem:s15+$0x19800] =	vst v0  }
0x31: {  	[tilespmem:s15+$0x19810] =	vst v0;
	s16 =	rddreg [dreg:$0x9]  }
0x32: {  	[spmem:s16] =	stream.linear.scatter [tilespmem:s24], [sflag:$0x3], $0x2000, $0x38;
	[tilespmem:$0x1D800] =	vst v63  }
0x33: {  	_ =	swait.ge [sflag:s26], $0x2000  }
0x34: {  	[sflag:s26] =	ssyncset.done $0x0  }
0x35: {  	s17 =	rddreg [dreg:$0xf];
	[sflag:s26] =	ssyncadd.s32 $0xFFFFE000  }
0x36: {  	[spmem:s17] =	stream.linear.scatter [tilespmem:s24], [sflag:$0x3], $0x2000, $0x38;
	[tilespmem:$0x1D800] =	vst v63  }
0x37: {  	_ =	swait.ge [sflag:s26], $0x2000  }
0x38: {  	[sflag:s26] =	ssyncset.done $0x0  }
0x39: {  	s16 =	rddreg [dreg:$0x10];
	[sflag:s26] =	ssyncadd.s32 $0xFFFFE000  }
0x3a: {  	[spmem:s16] =	stream.linear.scatter [tilespmem:s24], [sflag:$0x3], $0x2000, $0x38;
	[tilespmem:$0x1D800] =	vst v63  }
0x3b: {  	_ =	swait.ge [sflag:s26], $0x2000  }
0x3c: {  	[sflag:s26] =	ssyncset.done $0x0  }
0x3d: {  	s17 =	rddreg [dreg:$0x11];
	[sflag:s26] =	ssyncadd.s32 $0xFFFFE000  }
0x3e: {  	[spmem:s17] =	stream.linear.scatter [tilespmem:s24], [sflag:$0x3], $0x2000, $0x38;
	[tilespmem:$0x1D800] =	vst v63  }
0x3f: {  	_ =	swait.ge [sflag:s26], $0x2000  }
0x40: {  	[sflag:s26] =	ssyncset.done $0x0  }
0x41: {  	s16 =	rddreg [dreg:$0x12];
	[sflag:s26] =	ssyncadd.s32 $0xFFFFE000  }
0x42: {  	[spmem:s16] =	stream.linear.scatter [tilespmem:s24], [sflag:$0x3], $0x2000, $0x38;
	[tilespmem:$0x1D800] =	vst v63  }
0x43: {  	_ =	swait.ge [sflag:s26], $0x2000  }
0x44: {  	[sflag:s26] =	ssyncset.done $0x0  }
0x45: {  	s17 =	rddreg [dreg:$0x13];
	[sflag:s26] =	ssyncadd.s32 $0xFFFFE000  }
0x46: {  	[spmem:s17] =	stream.linear.scatter [tilespmem:s24], [sflag:$0x3], $0x2000, $0x38;
	[tilespmem:$0x1D800] =	vst v63  }
0x47: {  	_ =	swait.ge [sflag:s26], $0x2000  }
0x48: {  	[sflag:s26] =	ssyncset.done $0x0  }
0x49: {  	s16 =	rddreg [dreg:$0x14];
	[sflag:s26] =	ssyncadd.s32 $0xFFFFE000  }
0x4a: {  	[spmem:s16] =	stream.linear.scatter [tilespmem:s24], [sflag:$0x3], $0x2000, $0x38;
	[tilespmem:$0x1D800] =	vst v63  }
0x4b: {  	_ =	swait.ge [sflag:s26], $0x2000  }
0x4c: {  	[sflag:s26] =	ssyncset.done $0x0  }
0x4d: {  	s17 =	rddreg [dreg:$0x15];
	[sflag:s26] =	ssyncadd.s32 $0xFFFFE000  }
0x4e: {  	[spmem:s17] =	stream.linear.scatter [tilespmem:s24], [sflag:$0x3], $0x2000, $0x38;
	[tilespmem:$0x1D800] =	vst v63  }
0x4f: {  	_ =	swait.ge [sflag:s26], $0x2000  }
0x50: {  	[sflag:s26] =	ssyncset.done $0x0  }
0x51: {  	s16 =	rddreg [dreg:$0x16];
	[sflag:s26] =	ssyncadd.s32 $0xFFFFE000  }
0x52: {  	[spmem:s16] =	stream.linear.scatter [tilespmem:s24], [sflag:$0x3], $0x2000, $0x38;
	[tilespmem:$0x1D800] =	vst v63  }
0x53: {  	_ =	swait.ge [sflag:s26], $0x2000  }
0x54: {  	[sflag:s26] =	ssyncset.done $0x0  }
0x55: {  	s17 =	rddreg [dreg:$0x17];
	[sflag:s26] =	ssyncadd.s32 $0xFFFFE000  }
0x56: {  	[spmem:s17] =	stream.linear.scatter [tilespmem:s24], [sflag:$0x3], $0x2000, $0x38;
	[tilespmem:$0x1D800] =	vst v63  }
0x57: {  	_ =	swait.ge [sflag:s26], $0x2000  }
0x58: {  	[sflag:s26] =	ssyncset.done $0x0  }
0x59: {  	s16 =	rddreg [dreg:$0x18];
	[sflag:s26] =	ssyncadd.s32 $0xFFFFE000  }
0x5a: {  	[spmem:s16] =	stream.linear.scatter [tilespmem:s24], [sflag:$0x3], $0x2000, $0x38;
	[tilespmem:$0x1D800] =	vst v63  }
0x5b: {  	_ =	swait.ge [sflag:s26], $0x2000  }
0x5c: {  	[sflag:s26] =	ssyncset.done $0x0  }
0x5d: {  	s17 =	rddreg [dreg:$0x19];
	[sflag:s26] =	ssyncadd.s32 $0xFFFFE000  }
0x5e: {  	[spmem:s17] =	stream.linear.scatter [tilespmem:s24], [sflag:$0x3], $0x2000, $0x38;
	[tilespmem:$0x1D800] =	vst v63  }
0x5f: {  	_ =	swait.ge [sflag:s26], $0x2000  }
0x60: {  	[sflag:s26] =	ssyncset.done $0x0  }
0x61: {  	s16 =	rddreg [dreg:$0xa];
	[sflag:s26] =	ssyncadd.s32 $0xFFFFE000  }
0x62: {  	[spmem:s16] =	stream.linear.scatter [tilespmem:s24], [sflag:$0x3], $0xA00, $0x38;
	[tilespmem:$0x1D800] =	vst v63  }
0x63: {  	_ =	swait.ge [sflag:s26], $0xA00  }
0x64: {  	[sflag:s26] =	ssyncset.done $0x0  }
0x65: {  	[sflag:s26] =	ssyncadd.s32 $0xFFFFF600  }
0x66: {  	[bflag:$0x0] =	sbarrier.arrive $0xFFFF  }
0x67: {  	s17 =	rddreg [dreg:$0x5]  }
0x68: {  	s15 =	sadd.s32 $0x0, s17  }
0x69: {  	[tilespmem:s28], [sflag:$0x3] =	stream.linear.gather [hbm4b:s15+s3], $0x700, $0x38;
	[tilespmem:$0x1D800] =	vst v63  }
0x6a: {  	_ =	swait.ge [sflag:s26], $0x700  }
0x6b: {  	s16 =	rddreg [dreg:$0x4];
	[sflag:s26] =	ssyncset.done $0x0  }
0x6c: {  	[sflag:s26] =	ssyncadd.s32 $0xFFFFF900;
	s15 =	sadd.s32 $0x0, s16  }
0x6d: {  	[tilespmem:s29], [sflag:$0x3] =	stream.linear.gather [hbm4b:s15+s3], $0x700, $0x38;
	[tilespmem:$0x1D800] =	vst v63  }
0x6e: {  	_ =	swait.ge [sflag:s26], $0x700  }
0x6f: {  	[sflag:s26] =	ssyncset.done $0x0  }
0x70: {  	[sflag:s26] =	ssyncadd.s32 $0xFFFFF900  }
0x71: {  	[tilespmem:s24], [sflag:$0x1] =	stream.indirect.gather [hbm4b:s4+s30], $0x40, s28, s30, $0xb8;
	[tilespmem:$0x1D800] =	vst v63  }
0x72: {  	s17 =	simm.s32 $0x18A80  }
0x73: {  	[tilespmem:s0], [sflag:$0x2] =	stream.indirect.gather [hbm4b:s4+s30], $0x40, s17, s30, $0xb8;
	[tilespmem:$0x1D800] =	vst v63  }
0x74: {  	_ =	swait.ge [sflag:s1], $0x2000  }
0x75: {  	[sflag:s1] =	ssyncset.done $0x0  }
0x76: {  	[sflag:s1] =	ssyncadd.s32 $0xFFFFE000  }
0x77: {  	[spmem:s2] =	stream.indirect.scatter.add.f32 [tilespmem:s24], [sflag:$0x3], $0x40, s29, s30, $0xb8;
	[tilespmem:$0x1D800] =	vst v63  }
0x78: {  	_ =	swait.ge [sflag:s26], $0x2000  }
0x79: {  	[sflag:s26] =	ssyncset.done $0x0  }
0x7a: {  	[sflag:s26] =	ssyncadd.s32 $0xFFFFE000  }
0x7b: {  	[tilespmem:s24], [sflag:$0x1] =	stream.indirect.gather [hbm4b:s4+s30], $0x40, s18, s30, $0xb8;
	[tilespmem:$0x1D800] =	vst v63  }
0x7c: {  	_ =	swait.ge [sflag:s9], $0x2000  }
0x7d: {  	[sflag:s9] =	ssyncset.done $0x0  }
0x7e: {  	[sflag:s9] =	ssyncadd.s32 $0xFFFFE000  }
0x7f: {  	[spmem:s2] =	stream.indirect.scatter.add.f32 [tilespmem:s0], [sflag:$0x3], $0x40, s19, s30, $0xb8;
	[tilespmem:$0x1D800] =	vst v63  }
0x80: {  	_ =	swait.ge [sflag:s26], $0x2000  }
0x81: {  	[sflag:s26] =	ssyncset.done $0x0  }
0x82: {  	[sflag:s26] =	ssyncadd.s32 $0xFFFFE000  }
0x83: {  	[tilespmem:s0], [sflag:$0x2] =	stream.indirect.gather [hbm4b:s4+s30], $0x40, s20, s30, $0xb8;
	[tilespmem:$0x1D800] =	vst v63  }
0x84: {  	_ =	swait.ge [sflag:s1], $0x2000  }
0x85: {  	[sflag:s1] =	ssyncset.done $0x0  }
0x86: {  	[sflag:s1] =	ssyncadd.s32 $0xFFFFE000  }
0x87: {  	[spmem:s2] =	stream.indirect.scatter.add.f32 [tilespmem:s24], [sflag:$0x3], $0x40, s21, s30, $0xb8;
	[tilespmem:$0x1D800] =	vst v63  }
0x88: {  	_ =	swait.ge [sflag:s26], $0x2000  }
0x89: {  	[sflag:s26] =	ssyncset.done $0x0  }
0x8a: {  	[sflag:s26] =	ssyncadd.s32 $0xFFFFE000  }
0x8b: {  	[tilespmem:s24], [sflag:$0x1] =	stream.indirect.gather [hbm4b:s4+s30], $0x40, s22, s30, $0xb8;
	[tilespmem:$0x1D800] =	vst v63  }
0x8c: {  	_ =	swait.ge [sflag:s9], $0x2000  }
0x8d: {  	[sflag:s9] =	ssyncset.done $0x0  }
0x8e: {  	[sflag:s9] =	ssyncadd.s32 $0xFFFFE000  }
0x8f: {  	[spmem:s2] =	stream.indirect.scatter.add.f32 [tilespmem:s0], [sflag:$0x3], $0x40, s23, s30, $0xb8;
	[tilespmem:$0x1D800] =	vst v63  }
0x90: {  	_ =	swait.ge [sflag:s26], $0x2000  }
0x91: {  	[sflag:s26] =	ssyncset.done $0x0  }
0x92: {  	[sflag:s26] =	ssyncadd.s32 $0xFFFFE000  }
0x93: {  	[tilespmem:s0], [sflag:$0x2] =	stream.indirect.gather [hbm4b:s4+s30], $0x40, s25, s30, $0xb8;
	[tilespmem:$0x1D800] =	vst v63  }
0x94: {  	_ =	swait.ge [sflag:s1], $0x2000  }
0x95: {  	[sflag:s1] =	ssyncset.done $0x0  }
0x96: {  	[sflag:s1] =	ssyncadd.s32 $0xFFFFE000  }
0x97: {  	[spmem:s2] =	stream.indirect.scatter.add.f32 [tilespmem:s24], [sflag:$0x3], $0x40, s7, s30, $0xb8;
	[tilespmem:$0x1D800] =	vst v63  }
0x98: {  	_ =	swait.ge [sflag:s26], $0x2000  }
0x99: {  	[sflag:s26] =	ssyncset.done $0x0  }
0x9a: {  	[sflag:s26] =	ssyncadd.s32 $0xFFFFE000  }
0x9b: {  	[tilespmem:s24], [sflag:$0x1] =	stream.indirect.gather [hbm4b:s4+s30], $0x40, s5, s30, $0xb8;
	[tilespmem:$0x1D800] =	vst v63  }
0x9c: {  	_ =	swait.ge [sflag:s9], $0x2000  }
0x9d: {  	[sflag:s9] =	ssyncset.done $0x0  }
0x9e: {  	[sflag:s9] =	ssyncadd.s32 $0xFFFFE000  }
0x9f: {  	[spmem:s2] =	stream.indirect.scatter.add.f32 [tilespmem:s0], [sflag:$0x3], $0x40, s31, s30, $0xb8;
	[tilespmem:$0x1D800] =	vst v63  }
0xa0: {  	_ =	swait.ge [sflag:s26], $0x2000  }
0xa1: {  	[sflag:s26] =	ssyncset.done $0x0  }
0xa2: {  	[sflag:s26] =	ssyncadd.s32 $0xFFFFE000  }
0xa3: {  	[tilespmem:s0], [sflag:$0x2] =	stream.indirect.gather [hbm4b:s4+s30], $0x40, s8, s30, $0xb8;
	[tilespmem:$0x1D800] =	vst v63  }
0xa4: {  	_ =	swait.ge [sflag:s1], $0x2000  }
0xa5: {  	[sflag:s1] =	ssyncset.done $0x0  }
0xa6: {  	[sflag:s1] =	ssyncadd.s32 $0xFFFFE000  }
0xa7: {  	[spmem:s2] =	stream.indirect.scatter.add.f32 [tilespmem:s24], [sflag:$0x3], $0x40, s10, s30, $0xb8;
	[tilespmem:$0x1D800] =	vst v63  }
0xa8: {  	_ =	swait.ge [sflag:s26], $0x2000  }
0xa9: {  	[sflag:s26] =	ssyncset.done $0x0  }
0xaa: {  	[sflag:s26] =	ssyncadd.s32 $0xFFFFE000  }
0xab: {  	[tilespmem:s24], [sflag:$0x1] =	stream.indirect.gather [hbm4b:s4+s30], $0x40, s11, s30, $0xb8;
	[tilespmem:$0x1D800] =	vst v63  }
0xac: {  	_ =	swait.ge [sflag:s9], $0x2000  }
0xad: {  	[sflag:s9] =	ssyncset.done $0x0  }
0xae: {  	[sflag:s9] =	ssyncadd.s32 $0xFFFFE000  }
0xaf: {  	[spmem:s2] =	stream.indirect.scatter.add.f32 [tilespmem:s0], [sflag:$0x3], $0x40, s12, s30, $0xb8;
	[tilespmem:$0x1D800] =	vst v63  }
0xb0: {  	_ =	swait.ge [sflag:s26], $0x2000  }
0xb1: {  	[sflag:s26] =	ssyncset.done $0x0  }
0xb2: {  	[sflag:s26] =	ssyncadd.s32 $0xFFFFE000  }
0xb3: {  	[tilespmem:s0], [sflag:$0x2] =	stream.indirect.gather [hbm4b:s4+s30], $0x40, s13, s30, $0xb8;
	[tilespmem:$0x1D800] =	vst v63  }
0xb4: {  	_ =	swait.ge [sflag:s1], $0x2000  }
0xb5: {  	[sflag:s1] =	ssyncset.done $0x0  }
0xb6: {  	[sflag:s1] =	ssyncadd.s32 $0xFFFFE000  }
0xb7: {  	[spmem:s2] =	stream.indirect.scatter.add.f32 [tilespmem:s24], [sflag:$0x3], $0x40, s14, s30, $0xb8;
	[tilespmem:$0x1D800] =	vst v63  }
0xb8: {  	_ =	swait.ge [sflag:s26], $0x2000  }
0xb9: {  	[sflag:s26] =	ssyncset.done $0x0  }
0xba: {  	s14 =	simm.s32 $0x18F00;
	[sflag:s26] =	ssyncadd.s32 $0xFFFFE000  }
0xbb: {  	[tilespmem:s24], [sflag:$0x1] =	stream.indirect.gather [hbm4b:s4+s30], $0x40, s14, s30, $0xb8;
	[tilespmem:$0x1D800] =	vst v63  }
0xbc: {  	_ =	swait.ge [sflag:s9], $0x2000  }
0xbd: {  	[sflag:s9] =	ssyncset.done $0x0  }
0xbe: {  	s16 =	simm.s32 $0x19580;
	[sflag:s9] =	ssyncadd.s32 $0xFFFFE000  }
0xbf: {  	[spmem:s2] =	stream.indirect.scatter.add.f32 [tilespmem:s0], [sflag:$0x3], $0x40, s16, s30, $0xb8;
	[tilespmem:$0x1D800] =	vst v63  }
0xc0: {  	_ =	swait.ge [sflag:s26], $0x2000  }
0xc1: {  	[sflag:s26] =	ssyncset.done $0x0  }
0xc2: {  	s17 =	simm.s32 $0x18F80;
	[sflag:s26] =	ssyncadd.s32 $0xFFFFE000  }
0xc3: {  	[tilespmem:s0], [sflag:$0x2] =	stream.indirect.gather [hbm4b:s4+s30], $0x40, s17, s30, $0xb8;
	[tilespmem:$0x1D800] =	vst v63  }
0xc4: {  	_ =	swait.ge [sflag:s1], $0x2000  }
0xc5: {  	[sflag:s1] =	ssyncset.done $0x0  }
0xc6: {  	s16 =	simm.s32 $0x19600;
	[sflag:s1] =	ssyncadd.s32 $0xFFFFE000  }
0xc7: {  	[spmem:s2] =	stream.indirect.scatter.add.f32 [tilespmem:s24], [sflag:$0x3], $0x40, s16, s30, $0xb8;
	[tilespmem:$0x1D800] =	vst v63  }
0xc8: {  	_ =	swait.ge [sflag:s26], $0x2000  }
0xc9: {  	[sflag:s26] =	ssyncset.done $0x0  }
0xca: {  	s17 =	simm.s32 $0x19000;
	[sflag:s26] =	ssyncadd.s32 $0xFFFFE000  }
0xcb: {  	[tilespmem:s24], [sflag:$0x1] =	stream.indirect.gather [hbm4b:s4+s30], $0x40, s17, s30, $0xb8;
	[tilespmem:$0x1D800] =	vst v63  }
0xcc: {  	_ =	swait.ge [sflag:s9], $0x2000  }
0xcd: {  	[sflag:s9] =	ssyncset.done $0x0  }
0xce: {  	s16 =	simm.s32 $0x19680;
	[sflag:s9] =	ssyncadd.s32 $0xFFFFE000  }
0xcf: {  	[spmem:s2] =	stream.indirect.scatter.add.f32 [tilespmem:s0], [sflag:$0x3], $0x40, s16, s30, $0xb8;
	[tilespmem:$0x1D800] =	vst v63  }
0xd0: {  	_ =	swait.ge [sflag:s26], $0x2000  }
0xd1: {  	[sflag:s26] =	ssyncset.done $0x0  }
0xd2: {  	s17 =	simm.s32 $0x19080;
	[sflag:s26] =	ssyncadd.s32 $0xFFFFE000  }
0xd3: {  	[tilespmem:s0], [sflag:$0x2] =	stream.indirect.gather [hbm4b:s4+s30], $0x40, s17, s30, $0xb8;
	[tilespmem:$0x1D800] =	vst v63  }
0xd4: {  	_ =	swait.ge [sflag:s1], $0x2000  }
0xd5: {  	[sflag:s1] =	ssyncset.done $0x0  }
0xd6: {  	s16 =	simm.s32 $0x19700;
	[sflag:s1] =	ssyncadd.s32 $0xFFFFE000  }
0xd7: {  	[spmem:s2] =	stream.indirect.scatter.add.f32 [tilespmem:s24], [sflag:$0x3], $0x40, s16, s30, $0xb8;
	[tilespmem:$0x1D800] =	vst v63  }
0xd8: {  	s15 =	simm.s32 $0xE0;
	s22 =	simm.s32 $0x19280;
	_ =	swait.ge [sflag:s26], $0x2000  }
0xd9: {  	s23 =	simm.s32 $0x18C80;
	s25 =	simm.s32 $0x19300;
	[sflag:s26] =	ssyncset.done $0x0  }
0xda: {  	s7 =	simm.s32 $0x18D00;
	s5 =	simm.s32 $0x19380;
	[sflag:s26] =	ssyncadd.s32 $0xFFFFE000  }
0xdb: {  	s31 =	simm.s32 $0x18D80;
	s8 =	simm.s32 $0x19400;
	_ =	swait.ge [sflag:s9], $0x2000  }
0xdc: {  	s10 =	simm.s32 $0x18E00;
	s11 =	simm.s32 $0x19480;
	[sflag:s9] =	ssyncset.done $0x0  }
0xdd: {  	s12 =	simm.s32 $0x18E80;
	s17 =	simm.s32 $0x19780;
	[sflag:s9] =	ssyncadd.s32 $0xFFFFE000  }
0xde: {  	[spmem:s2] =	stream.indirect.scatter.add.f32 [tilespmem:s0], [sflag:$0x3], $0x40, s17, s30, $0xb8;
	[tilespmem:$0x1D800] =	vst v63  }
0xdf: {  	s13 =	simm.s32 $0x19500;
	s14 =	simm.s32 $0x19580;
	_ =	swait.ge [sflag:s26], $0x2000  }
.LBB2_4:
0xe0: {  	s16 =	rddreg [dreg:$0x5];
	s17 =	smov.u32 s15;
	[sflag:s26] =	ssyncset.done $0x0  }
0xe1: {  	s16 =	sadd.s32 s17, s16;
	[sflag:s26] =	ssyncadd.s32 $0xFFFFE000  }
0xe2: {  	[tilespmem:s28], [sflag:$0x3] =	stream.linear.gather [hbm4b:s16+s3], $0x700, $0x38;
	[tilespmem:$0x1D800] =	vst v63  }
0xe3: {  	_ =	swait.ge [sflag:s26], $0x700  }
0xe4: {  	s16 =	rddreg [dreg:$0x4];
	[sflag:s26] =	ssyncset.done $0x0  }
0xe5: {  	[sflag:s26] =	ssyncadd.s32 $0xFFFFF900;
	s16 =	sadd.s32 s17, s16  }
0xe6: {  	[tilespmem:s29], [sflag:$0x3] =	stream.linear.gather [hbm4b:s16+s3], $0x700, $0x38;
	[tilespmem:$0x1D800] =	vst v63  }
0xe7: {  	_ =	swait.ge [sflag:s26], $0x700  }
0xe8: {  	[sflag:s26] =	ssyncset.done $0x0  }
0xe9: {  	[sflag:s26] =	ssyncadd.s32 $0xFFFFF900  }
0xea: {  	[tilespmem:s24], [sflag:$0x1] =	stream.indirect.gather [hbm4b:s4+s30], $0x40, s28, s30, $0xb8;
	[tilespmem:$0x1D800] =	vst v63  }
0xeb: {  	s17 =	simm.s32 $0x18A80  }
0xec: {  	[tilespmem:s0], [sflag:$0x2] =	stream.indirect.gather [hbm4b:s4+s30], $0x40, s17, s30, $0xb8;
	[tilespmem:$0x1D800] =	vst v63  }
0xed: {  	_ =	swait.ge [sflag:s1], $0x2000  }
0xee: {  	[sflag:s1] =	ssyncset.done $0x0  }
0xef: {  	[sflag:s1] =	ssyncadd.s32 $0xFFFFE000  }
0xf0: {  	[spmem:s2] =	stream.indirect.scatter.add.f32 [tilespmem:s24], [sflag:$0x3], $0x40, s29, s30, $0xb8;
	[tilespmem:$0x1D800] =	vst v63  }
0xf1: {  	_ =	swait.ge [sflag:s26], $0x2000  }
0xf2: {  	[sflag:s26] =	ssyncset.done $0x0  }
0xf3: {  	[sflag:s26] =	ssyncadd.s32 $0xFFFFE000  }
0xf4: {  	[tilespmem:s24], [sflag:$0x1] =	stream.indirect.gather [hbm4b:s4+s30], $0x40, s18, s30, $0xb8;
	[tilespmem:$0x1D800] =	vst v63  }
0xf5: {  	_ =	swait.ge [sflag:s9], $0x2000  }
0xf6: {  	[sflag:s9] =	ssyncset.done $0x0  }
0xf7: {  	[sflag:s9] =	ssyncadd.s32 $0xFFFFE000  }
0xf8: {  	[spmem:s2] =	stream.indirect.scatter.add.f32 [tilespmem:s0], [sflag:$0x3], $0x40, s19, s30, $0xb8;
	[tilespmem:$0x1D800] =	vst v63  }
0xf9: {  	_ =	swait.ge [sflag:s26], $0x2000  }
0xfa: {  	[sflag:s26] =	ssyncset.done $0x0  }
0xfb: {  	[sflag:s26] =	ssyncadd.s32 $0xFFFFE000  }
0xfc: {  	[tilespmem:s0], [sflag:$0x2] =	stream.indirect.gather [hbm4b:s4+s30], $0x40, s20, s30, $0xb8;
	[tilespmem:$0x1D800] =	vst v63  }
0xfd: {  	_ =	swait.ge [sflag:s1], $0x2000  }
0xfe: {  	[sflag:s1] =	ssyncset.done $0x0  }
0xff: {  	[sflag:s1] =	ssyncadd.s32 $0xFFFFE000  }
0x100: {  	[spmem:s2] =	stream.indirect.scatter.add.f32 [tilespmem:s24], [sflag:$0x3], $0x40, s21, s30, $0xb8;
	[tilespmem:$0x1D800] =	vst v63  }
0x101: {  	_ =	swait.ge [sflag:s26], $0x2000  }
0x102: {  	[sflag:s26] =	ssyncset.done $0x0  }
0x103: {  	s16 =	simm.s32 $0x18C00;
	[sflag:s26] =	ssyncadd.s32 $0xFFFFE000  }
0x104: {  	[tilespmem:s24], [sflag:$0x1] =	stream.indirect.gather [hbm4b:s4+s30], $0x40, s16, s30, $0xb8;
	[tilespmem:$0x1D800] =	vst v63  }
0x105: {  	_ =	swait.ge [sflag:s9], $0x2000  }
0x106: {  	[sflag:s9] =	ssyncset.done $0x0  }
0x107: {  	[sflag:s9] =	ssyncadd.s32 $0xFFFFE000  }
0x108: {  	[spmem:s2] =	stream.indirect.scatter.add.f32 [tilespmem:s0], [sflag:$0x3], $0x40, s22, s30, $0xb8;
	[tilespmem:$0x1D800] =	vst v63  }
0x109: {  	_ =	swait.ge [sflag:s26], $0x2000  }
0x10a: {  	[sflag:s26] =	ssyncset.done $0x0  }
0x10b: {  	[sflag:s26] =	ssyncadd.s32 $0xFFFFE000  }
0x10c: {  	[tilespmem:s0], [sflag:$0x2] =	stream.indirect.gather [hbm4b:s4+s30], $0x40, s23, s30, $0xb8;
	[tilespmem:$0x1D800] =	vst v63  }
0x10d: {  	_ =	swait.ge [sflag:s1], $0x2000  }
0x10e: {  	[sflag:s1] =	ssyncset.done $0x0  }
0x10f: {  	[sflag:s1] =	ssyncadd.s32 $0xFFFFE000  }
0x110: {  	[spmem:s2] =	stream.indirect.scatter.add.f32 [tilespmem:s24], [sflag:$0x3], $0x40, s25, s30, $0xb8;
	[tilespmem:$0x1D800] =	vst v63  }
0x111: {  	_ =	swait.ge [sflag:s26], $0x2000  }
0x112: {  	[sflag:s26] =	ssyncset.done $0x0  }
0x113: {  	[sflag:s26] =	ssyncadd.s32 $0xFFFFE000  }
0x114: {  	[tilespmem:s24], [sflag:$0x1] =	stream.indirect.gather [hbm4b:s4+s30], $0x40, s7, s30, $0xb8;
	[tilespmem:$0x1D800] =	vst v63  }
0x115: {  	_ =	swait.ge [sflag:s9], $0x2000  }
0x116: {  	[sflag:s9] =	ssyncset.done $0x0  }
0x117: {  	[sflag:s9] =	ssyncadd.s32 $0xFFFFE000  }
0x118: {  	[spmem:s2] =	stream.indirect.scatter.add.f32 [tilespmem:s0], [sflag:$0x3], $0x40, s5, s30, $0xb8;
	[tilespmem:$0x1D800] =	vst v63  }
0x119: {  	_ =	swait.ge [sflag:s26], $0x2000  }
0x11a: {  	[sflag:s26] =	ssyncset.done $0x0  }
0x11b: {  	[sflag:s26] =	ssyncadd.s32 $0xFFFFE000  }
0x11c: {  	[tilespmem:s0], [sflag:$0x2] =	stream.indirect.gather [hbm4b:s4+s30], $0x40, s31, s30, $0xb8;
	[tilespmem:$0x1D800] =	vst v63  }
0x11d: {  	_ =	swait.ge [sflag:s1], $0x2000  }
0x11e: {  	[sflag:s1] =	ssyncset.done $0x0  }
0x11f: {  	[sflag:s1] =	ssyncadd.s32 $0xFFFFE000  }
0x120: {  	[spmem:s2] =	stream.indirect.scatter.add.f32 [tilespmem:s24], [sflag:$0x3], $0x40, s8, s30, $0xb8;
	[tilespmem:$0x1D800] =	vst v63  }
0x121: {  	_ =	swait.ge [sflag:s26], $0x2000  }
0x122: {  	[sflag:s26] =	ssyncset.done $0x0  }
0x123: {  	[sflag:s26] =	ssyncadd.s32 $0xFFFFE000  }
0x124: {  	[tilespmem:s24], [sflag:$0x1] =	stream.indirect.gather [hbm4b:s4+s30], $0x40, s10, s30, $0xb8;
	[tilespmem:$0x1D800] =	vst v63  }
0x125: {  	_ =	swait.ge [sflag:s9], $0x2000  }
0x126: {  	[sflag:s9] =	ssyncset.done $0x0  }
0x127: {  	[sflag:s9] =	ssyncadd.s32 $0xFFFFE000  }
0x128: {  	[spmem:s2] =	stream.indirect.scatter.add.f32 [tilespmem:s0], [sflag:$0x3], $0x40, s11, s30, $0xb8;
	[tilespmem:$0x1D800] =	vst v63  }
0x129: {  	_ =	swait.ge [sflag:s26], $0x2000  }
0x12a: {  	[sflag:s26] =	ssyncset.done $0x0  }
0x12b: {  	[sflag:s26] =	ssyncadd.s32 $0xFFFFE000  }
0x12c: {  	[tilespmem:s0], [sflag:$0x2] =	stream.indirect.gather [hbm4b:s4+s30], $0x40, s12, s30, $0xb8;
	[tilespmem:$0x1D800] =	vst v63  }
0x12d: {  	_ =	swait.ge [sflag:s1], $0x2000  }
0x12e: {  	[sflag:s1] =	ssyncset.done $0x0  }
0x12f: {  	[sflag:s1] =	ssyncadd.s32 $0xFFFFE000  }
0x130: {  	[spmem:s2] =	stream.indirect.scatter.add.f32 [tilespmem:s24], [sflag:$0x3], $0x40, s13, s30, $0xb8;
	[tilespmem:$0x1D800] =	vst v63  }
0x131: {  	_ =	swait.ge [sflag:s26], $0x2000  }
0x132: {  	[sflag:s26] =	ssyncset.done $0x0  }
0x133: {  	s16 =	simm.s32 $0x18F00;
	[sflag:s26] =	ssyncadd.s32 $0xFFFFE000  }
0x134: {  	[tilespmem:s24], [sflag:$0x1] =	stream.indirect.gather [hbm4b:s4+s30], $0x40, s16, s30, $0xb8;
	[tilespmem:$0x1D800] =	vst v63  }
0x135: {  	_ =	swait.ge [sflag:s9], $0x2000  }
0x136: {  	[sflag:s9] =	ssyncset.done $0x0  }
0x137: {  	[sflag:s9] =	ssyncadd.s32 $0xFFFFE000  }
0x138: {  	[spmem:s2] =	stream.indirect.scatter.add.f32 [tilespmem:s0], [sflag:$0x3], $0x40, s14, s30, $0xb8;
	[tilespmem:$0x1D800] =	vst v63  }
0x139: {  	_ =	swait.ge [sflag:s26], $0x2000  }
0x13a: {  	[sflag:s26] =	ssyncset.done $0x0  }
0x13b: {  	s16 =	simm.s32 $0x18F80;
	[sflag:s26] =	ssyncadd.s32 $0xFFFFE000  }
0x13c: {  	[tilespmem:s0], [sflag:$0x2] =	stream.indirect.gather [hbm4b:s4+s30], $0x40, s16, s30, $0xb8;
	[tilespmem:$0x1D800] =	vst v63  }
0x13d: {  	_ =	swait.ge [sflag:s1], $0x2000  }
0x13e: {  	[sflag:s1] =	ssyncset.done $0x0  }
0x13f: {  	s16 =	simm.s32 $0x19600;
	[sflag:s1] =	ssyncadd.s32 $0xFFFFE000  }
0x140: {  	[spmem:s2] =	stream.indirect.scatter.add.f32 [tilespmem:s24], [sflag:$0x3], $0x40, s16, s30, $0xb8;
	[tilespmem:$0x1D800] =	vst v63  }
0x141: {  	_ =	swait.ge [sflag:s26], $0x2000  }
0x142: {  	[sflag:s26] =	ssyncset.done $0x0  }
0x143: {  	s16 =	simm.s32 $0x19000;
	[sflag:s26] =	ssyncadd.s32 $0xFFFFE000  }
0x144: {  	[tilespmem:s24], [sflag:$0x1] =	stream.indirect.gather [hbm4b:s4+s30], $0x40, s16, s30, $0xb8;
	[tilespmem:$0x1D800] =	vst v63  }
0x145: {  	_ =	swait.ge [sflag:s9], $0x2000  }
0x146: {  	[sflag:s9] =	ssyncset.done $0x0  }
0x147: {  	s16 =	simm.s32 $0x19680;
	[sflag:s9] =	ssyncadd.s32 $0xFFFFE000  }
0x148: {  	[spmem:s2] =	stream.indirect.scatter.add.f32 [tilespmem:s0], [sflag:$0x3], $0x40, s16, s30, $0xb8;
	[tilespmem:$0x1D800] =	vst v63  }
0x149: {  	_ =	swait.ge [sflag:s26], $0x2000  }
0x14a: {  	[sflag:s26] =	ssyncset.done $0x0  }
0x14b: {  	s16 =	simm.s32 $0x19080;
	[sflag:s26] =	ssyncadd.s32 $0xFFFFE000  }
0x14c: {  	[tilespmem:s0], [sflag:$0x2] =	stream.indirect.gather [hbm4b:s4+s30], $0x40, s16, s30, $0xb8;
	[tilespmem:$0x1D800] =	vst v63  }
0x14d: {  	_ =	swait.ge [sflag:s1], $0x2000  }
0x14e: {  	[sflag:s1] =	ssyncset.done $0x0  }
0x14f: {  	s16 =	simm.s32 $0x19700;
	[sflag:s1] =	ssyncadd.s32 $0xFFFFE000  }
0x150: {  	[spmem:s2] =	stream.indirect.scatter.add.f32 [tilespmem:s24], [sflag:$0x3], $0x40, s16, s30, $0xb8;
	[tilespmem:$0x1D800] =	vst v63  }
0x151: {  	_ =	swait.ge [sflag:s26], $0x2000  }
0x152: {  	[sflag:s26] =	ssyncset.done $0x0  }
0x153: {  	p0 =	sne.s32 s15, $0x540;
	[sflag:s26] =	ssyncadd.s32 $0xFFFFE000  }
.Ltmp1:
0x154: {  	_ =	swait.ge [sflag:s9], $0x2000;
	(pc) =	sbr.rel @p0 .LBB2_4-.Ltmp1, $4  }
0x155: {  	[sflag:s9] =	ssyncset.done $0x0  }
0x156: {  	s16 =	simm.s32 $0x19780;
	[sflag:s9] =	ssyncadd.s32 $0xFFFFE000  }
0x157: {  	[spmem:s2] =	stream.indirect.scatter.add.f32 [tilespmem:s0], [sflag:$0x3], $0x40, s16, s30, $0xb8;
	[tilespmem:$0x1D800] =	vst v63  }
0x158: {  	s15 =	sadd.s32 $0xE0, s15;
	_ =	swait.ge [sflag:s26], $0x2000  }
0x159: {  	[sflag:s26] =	ssyncset.done $0x0  }
0x15a: {  	s15 =	simm.s32 $0x0;
	s16 =	rddreg [dreg:$0xb];
	[sflag:s26] =	ssyncadd.s32 $0xFFFFE000  }
0x15b: {  	[tilespmem:s28], [sflag:$0x3] =	stream.linear.gather [hbm4b:s16+s15], $0x500, $0x38;
	[tilespmem:$0x1D800] =	vst v63  }
0x15c: {  	_ =	swait.ge [sflag:s26], $0x500  }
0x15d: {  	[sflag:s26] =	ssyncset.done $0x0  }
0x15e: {  	s13 =	rddreg [dreg:$0xc];
	[sflag:s26] =	ssyncadd.s32 $0xFFFFFB00  }
0x15f: {  	[tilespmem:s29], [sflag:$0x3] =	stream.linear.gather [hbm4b:s13+s15], $0x500, $0x38;
	[tilespmem:$0x1D800] =	vst v63  }
0x160: {  	_ =	swait.ge [sflag:s26], $0x500  }
0x161: {  	[sflag:s26] =	ssyncset.done $0x0  }
0x162: {  	s14 =	rddreg [dreg:$0x8];
	[sflag:s26] =	ssyncadd.s32 $0xFFFFFB00  }
0x163: {  	[tilespmem:s24], [sflag:$0x1] =	stream.indirect.gather [hbm4b:s14+s30], $0x40, s28, s30, $0xb8;
	[tilespmem:$0x1D800] =	vst v63  }
0x164: {  	_ = 	snop  }
0x165: {  	[tilespmem:s0], [sflag:$0x2] =	stream.indirect.gather [hbm4b:s14+s30], $0x40, s17, s30, $0xb8;
	[tilespmem:$0x1D800] =	vst v63  }
0x166: {  	_ =	swait.ge [sflag:s1], $0x2000  }
0x167: {  	[sflag:s1] =	ssyncset.done $0x0  }
0x168: {  	[sflag:s1] =	ssyncadd.s32 $0xFFFFE000  }
0x169: {  	[spmem:s2] =	stream.indirect.scatter.add.f32 [tilespmem:s24], [sflag:$0x3], $0x40, s29, s30, $0xb8;
	[tilespmem:$0x1D800] =	vst v63  }
0x16a: {  	_ =	swait.ge [sflag:s26], $0x2000  }
0x16b: {  	[sflag:s26] =	ssyncset.done $0x0  }
0x16c: {  	[sflag:s26] =	ssyncadd.s32 $0xFFFFE000  }
0x16d: {  	[tilespmem:s24], [sflag:$0x1] =	stream.indirect.gather [hbm4b:s14+s30], $0x40, s18, s30, $0xb8;
	[tilespmem:$0x1D800] =	vst v63  }
0x16e: {  	_ =	swait.ge [sflag:s9], $0x2000  }
0x16f: {  	[sflag:s9] =	ssyncset.done $0x0  }
0x170: {  	[sflag:s9] =	ssyncadd.s32 $0xFFFFE000  }
0x171: {  	[spmem:s2] =	stream.indirect.scatter.add.f32 [tilespmem:s0], [sflag:$0x3], $0x40, s19, s30, $0xb8;
	[tilespmem:$0x1D800] =	vst v63  }
0x172: {  	_ =	swait.ge [sflag:s26], $0x2000  }
0x173: {  	[sflag:s26] =	ssyncset.done $0x0  }
0x174: {  	[sflag:s26] =	ssyncadd.s32 $0xFFFFE000  }
0x175: {  	[tilespmem:s0], [sflag:$0x2] =	stream.indirect.gather [hbm4b:s14+s30], $0x40, s20, s30, $0xb8;
	[tilespmem:$0x1D800] =	vst v63  }
0x176: {  	_ =	swait.ge [sflag:s1], $0x2000  }
0x177: {  	[sflag:s1] =	ssyncset.done $0x0  }
0x178: {  	[sflag:s1] =	ssyncadd.s32 $0xFFFFE000  }
0x179: {  	[spmem:s2] =	stream.indirect.scatter.add.f32 [tilespmem:s24], [sflag:$0x3], $0x40, s21, s30, $0xb8;
	[tilespmem:$0x1D800] =	vst v63  }
0x17a: {  	_ =	swait.ge [sflag:s26], $0x2000  }
0x17b: {  	[sflag:s26] =	ssyncset.done $0x0  }
0x17c: {  	s31 =	simm.s32 $0x18C00;
	[sflag:s26] =	ssyncadd.s32 $0xFFFFE000  }
0x17d: {  	[tilespmem:s24], [sflag:$0x1] =	stream.indirect.gather [hbm4b:s14+s30], $0x40, s31, s30, $0xb8;
	[tilespmem:$0x1D800] =	vst v63  }
0x17e: {  	_ =	swait.ge [sflag:s9], $0x2000  }
0x17f: {  	[sflag:s9] =	ssyncset.done $0x0  }
0x180: {  	s22 =	simm.s32 $0x19280;
	[sflag:s9] =	ssyncadd.s32 $0xFFFFE000  }
0x181: {  	[spmem:s2] =	stream.indirect.scatter.add.f32 [tilespmem:s0], [sflag:$0x3], $0x40, s22, s30, $0xb8;
	[tilespmem:$0x1D800] =	vst v63  }
0x182: {  	_ =	swait.ge [sflag:s26], $0x2000  }
0x183: {  	[sflag:s26] =	ssyncset.done $0x0  }
0x184: {  	s23 =	simm.s32 $0x18C80;
	[sflag:s26] =	ssyncadd.s32 $0xFFFFE000  }
0x185: {  	[tilespmem:s0], [sflag:$0x2] =	stream.indirect.gather [hbm4b:s14+s30], $0x40, s23, s30, $0xb8;
	[tilespmem:$0x1D800] =	vst v63  }
0x186: {  	_ =	swait.ge [sflag:s1], $0x2000  }
0x187: {  	[sflag:s1] =	ssyncset.done $0x0  }
0x188: {  	s25 =	simm.s32 $0x19300;
	[sflag:s1] =	ssyncadd.s32 $0xFFFFE000  }
0x189: {  	[spmem:s2] =	stream.indirect.scatter.add.f32 [tilespmem:s24], [sflag:$0x3], $0x40, s25, s30, $0xb8;
	[tilespmem:$0x1D800] =	vst v63  }
0x18a: {  	_ =	swait.ge [sflag:s26], $0x2000  }
0x18b: {  	[sflag:s26] =	ssyncset.done $0x0  }
0x18c: {  	s7 =	simm.s32 $0x18D00;
	[sflag:s26] =	ssyncadd.s32 $0xFFFFE000  }
0x18d: {  	[tilespmem:s24], [sflag:$0x1] =	stream.indirect.gather [hbm4b:s14+s30], $0x40, s7, s30, $0xb8;
	[tilespmem:$0x1D800] =	vst v63  }
0x18e: {  	_ =	swait.ge [sflag:s9], $0x2000  }
0x18f: {  	[sflag:s9] =	ssyncset.done $0x0  }
0x190: {  	s5 =	simm.s32 $0x19380;
	[sflag:s9] =	ssyncadd.s32 $0xFFFFE000  }
0x191: {  	[spmem:s2] =	stream.indirect.scatter.add.f32 [tilespmem:s0], [sflag:$0x3], $0x40, s5, s30, $0xb8;
	[tilespmem:$0x1D800] =	vst v63  }
0x192: {  	_ =	swait.ge [sflag:s26], $0x2000  }
0x193: {  	[sflag:s26] =	ssyncset.done $0x0  }
0x194: {  	s16 =	simm.s32 $0x18D80;
	[sflag:s26] =	ssyncadd.s32 $0xFFFFE000  }
0x195: {  	[tilespmem:s0], [sflag:$0x2] =	stream.indirect.gather [hbm4b:s14+s30], $0x40, s16, s30, $0xb8;
	[tilespmem:$0x1D800] =	vst v63  }
0x196: {  	_ =	swait.ge [sflag:s1], $0x2000  }
0x197: {  	[sflag:s1] =	ssyncset.done $0x0  }
0x198: {  	s8 =	simm.s32 $0x19400;
	[sflag:s1] =	ssyncadd.s32 $0xFFFFE000  }
0x199: {  	[spmem:s2] =	stream.indirect.scatter.add.f32 [tilespmem:s24], [sflag:$0x3], $0x40, s8, s30, $0xb8;
	[tilespmem:$0x1D800] =	vst v63  }
0x19a: {  	_ =	swait.ge [sflag:s26], $0x2000  }
0x19b: {  	[sflag:s26] =	ssyncset.done $0x0  }
0x19c: {  	s10 =	simm.s32 $0x18E00;
	[sflag:s26] =	ssyncadd.s32 $0xFFFFE000  }
0x19d: {  	[tilespmem:s24], [sflag:$0x1] =	stream.indirect.gather [hbm4b:s14+s30], $0x40, s10, s30, $0xb8;
	[tilespmem:$0x1D800] =	vst v63  }
0x19e: {  	_ =	swait.ge [sflag:s9], $0x2000  }
0x19f: {  	[sflag:s9] =	ssyncset.done $0x0  }
0x1a0: {  	s11 =	simm.s32 $0x19480;
	[sflag:s9] =	ssyncadd.s32 $0xFFFFE000  }
0x1a1: {  	[spmem:s2] =	stream.indirect.scatter.add.f32 [tilespmem:s0], [sflag:$0x3], $0x40, s11, s30, $0xb8;
	[tilespmem:$0x1D800] =	vst v63  }
0x1a2: {  	_ =	swait.ge [sflag:s26], $0x2000  }
0x1a3: {  	[sflag:s26] =	ssyncset.done $0x0  }
0x1a4: {  	s12 =	simm.s32 $0x18E80;
	[sflag:s26] =	ssyncadd.s32 $0xFFFFE000  }
0x1a5: {  	[tilespmem:s0], [sflag:$0x2] =	stream.indirect.gather [hbm4b:s14+s30], $0x40, s12, s30, $0xb8;
	[tilespmem:$0x1D800] =	vst v63  }
0x1a6: {  	_ =	swait.ge [sflag:s1], $0x2000  }
0x1a7: {  	[sflag:s1] =	ssyncset.done $0x0  }
0x1a8: {  	s13 =	simm.s32 $0x19500;
	[sflag:s1] =	ssyncadd.s32 $0xFFFFE000  }
0x1a9: {  	[spmem:s2] =	stream.indirect.scatter.add.f32 [tilespmem:s24], [sflag:$0x3], $0x40, s13, s30, $0xb8;
	[tilespmem:$0x1D800] =	vst v63  }
0x1aa: {  	_ =	swait.ge [sflag:s26], $0x2000  }
0x1ab: {  	[sflag:s26] =	ssyncset.done $0x0  }
0x1ac: {  	[sflag:s26] =	ssyncadd.s32 $0xFFFFE000  }
0x1ad: {  	_ =	swait.ge [sflag:s9], $0x2000  }
0x1ae: {  	[sflag:s9] =	ssyncset.done $0x0  }
0x1af: {  	s14 =	simm.s32 $0x19580;
	[sflag:s9] =	ssyncadd.s32 $0xFFFFE000  }
0x1b0: {  	[spmem:s2] =	stream.indirect.scatter.add.f32 [tilespmem:s0], [sflag:$0x3], $0x40, s14, s30, $0xb8;
	[tilespmem:$0x1D800] =	vst v63  }
0x1b1: {  	_ =	swait.ge [sflag:s26], $0x2000  }
0x1b2: {  	s15 =	rddreg [dreg:$0x7];
	[sflag:s26] =	ssyncset.done $0x0  }
0x1b3: {  	[sflag:s26] =	ssyncadd.s32 $0xFFFFE000;
	s15 =	sadd.s32 $0x0, s15  }
0x1b4: {  	[tilespmem:s28], [sflag:$0x3] =	stream.linear.gather [hbm4b:s15+s3], $0x700, $0x38;
	[tilespmem:$0x1D800] =	vst v63  }
0x1b5: {  	_ =	swait.ge [sflag:s26], $0x700  }
0x1b6: {  	s15 =	rddreg [dreg:$0x6];
	[sflag:s26] =	ssyncset.done $0x0  }
0x1b7: {  	[sflag:s26] =	ssyncadd.s32 $0xFFFFF900;
	s15 =	sadd.s32 $0x0, s15  }
0x1b8: {  	[tilespmem:s29], [sflag:$0x3] =	stream.linear.gather [hbm4b:s15+s3], $0x700, $0x38;
	[tilespmem:$0x1D800] =	vst v63  }
0x1b9: {  	_ =	swait.ge [sflag:s26], $0x700  }
0x1ba: {  	[sflag:s26] =	ssyncset.done $0x0  }
0x1bb: {  	[sflag:s26] =	ssyncadd.s32 $0xFFFFF900  }
0x1bc: {  	[tilespmem:s24], [sflag:$0x1] =	stream.indirect.gather [hbm4b:s6+s30], $0x40, s28, s30, $0xb8;
	[tilespmem:$0x1D800] =	vst v63  }
0x1bd: {  	_ = 	snop  }
0x1be: {  	[tilespmem:s0], [sflag:$0x2] =	stream.indirect.gather [hbm4b:s6+s30], $0x40, s17, s30, $0xb8;
	[tilespmem:$0x1D800] =	vst v63  }
0x1bf: {  	_ =	swait.ge [sflag:s1], $0x2000  }
0x1c0: {  	[sflag:s1] =	ssyncset.done $0x0  }
0x1c1: {  	[sflag:s1] =	ssyncadd.s32 $0xFFFFE000  }
0x1c2: {  	[spmem:s2] =	stream.indirect.scatter.add.f32 [tilespmem:s24], [sflag:$0x3], $0x40, s29, s30, $0xb8;
	[tilespmem:$0x1D800] =	vst v63  }
0x1c3: {  	_ =	swait.ge [sflag:s26], $0x2000  }
0x1c4: {  	[sflag:s26] =	ssyncset.done $0x0  }
0x1c5: {  	[sflag:s26] =	ssyncadd.s32 $0xFFFFE000  }
0x1c6: {  	[tilespmem:s24], [sflag:$0x1] =	stream.indirect.gather [hbm4b:s6+s30], $0x40, s18, s30, $0xb8;
	[tilespmem:$0x1D800] =	vst v63  }
0x1c7: {  	_ =	swait.ge [sflag:s9], $0x2000  }
0x1c8: {  	[sflag:s9] =	ssyncset.done $0x0  }
0x1c9: {  	[sflag:s9] =	ssyncadd.s32 $0xFFFFE000  }
0x1ca: {  	[spmem:s2] =	stream.indirect.scatter.add.f32 [tilespmem:s0], [sflag:$0x3], $0x40, s19, s30, $0xb8;
	[tilespmem:$0x1D800] =	vst v63  }
0x1cb: {  	_ =	swait.ge [sflag:s26], $0x2000  }
0x1cc: {  	[sflag:s26] =	ssyncset.done $0x0  }
0x1cd: {  	[sflag:s26] =	ssyncadd.s32 $0xFFFFE000  }
0x1ce: {  	[tilespmem:s0], [sflag:$0x2] =	stream.indirect.gather [hbm4b:s6+s30], $0x40, s20, s30, $0xb8;
	[tilespmem:$0x1D800] =	vst v63  }
0x1cf: {  	_ =	swait.ge [sflag:s1], $0x2000  }
0x1d0: {  	[sflag:s1] =	ssyncset.done $0x0  }
0x1d1: {  	[sflag:s1] =	ssyncadd.s32 $0xFFFFE000  }
0x1d2: {  	[spmem:s2] =	stream.indirect.scatter.add.f32 [tilespmem:s24], [sflag:$0x3], $0x40, s21, s30, $0xb8;
	[tilespmem:$0x1D800] =	vst v63  }
0x1d3: {  	_ =	swait.ge [sflag:s26], $0x2000  }
0x1d4: {  	[sflag:s26] =	ssyncset.done $0x0  }
0x1d5: {  	[sflag:s26] =	ssyncadd.s32 $0xFFFFE000  }
0x1d6: {  	[tilespmem:s24], [sflag:$0x1] =	stream.indirect.gather [hbm4b:s6+s30], $0x40, s31, s30, $0xb8;
	[tilespmem:$0x1D800] =	vst v63  }
0x1d7: {  	_ =	swait.ge [sflag:s9], $0x2000  }
0x1d8: {  	[sflag:s9] =	ssyncset.done $0x0  }
0x1d9: {  	[sflag:s9] =	ssyncadd.s32 $0xFFFFE000  }
0x1da: {  	[spmem:s2] =	stream.indirect.scatter.add.f32 [tilespmem:s0], [sflag:$0x3], $0x40, s22, s30, $0xb8;
	[tilespmem:$0x1D800] =	vst v63  }
0x1db: {  	_ =	swait.ge [sflag:s26], $0x2000  }
0x1dc: {  	[sflag:s26] =	ssyncset.done $0x0  }
0x1dd: {  	[sflag:s26] =	ssyncadd.s32 $0xFFFFE000  }
0x1de: {  	[tilespmem:s0], [sflag:$0x2] =	stream.indirect.gather [hbm4b:s6+s30], $0x40, s23, s30, $0xb8;
	[tilespmem:$0x1D800] =	vst v63  }
0x1df: {  	_ =	swait.ge [sflag:s1], $0x2000  }
0x1e0: {  	[sflag:s1] =	ssyncset.done $0x0  }
0x1e1: {  	[sflag:s1] =	ssyncadd.s32 $0xFFFFE000  }
0x1e2: {  	[spmem:s2] =	stream.indirect.scatter.add.f32 [tilespmem:s24], [sflag:$0x3], $0x40, s25, s30, $0xb8;
	[tilespmem:$0x1D800] =	vst v63  }
0x1e3: {  	_ =	swait.ge [sflag:s26], $0x2000  }
0x1e4: {  	[sflag:s26] =	ssyncset.done $0x0  }
0x1e5: {  	[sflag:s26] =	ssyncadd.s32 $0xFFFFE000  }
0x1e6: {  	[tilespmem:s24], [sflag:$0x1] =	stream.indirect.gather [hbm4b:s6+s30], $0x40, s7, s30, $0xb8;
	[tilespmem:$0x1D800] =	vst v63  }
0x1e7: {  	_ =	swait.ge [sflag:s9], $0x2000  }
0x1e8: {  	[sflag:s9] =	ssyncset.done $0x0  }
0x1e9: {  	[sflag:s9] =	ssyncadd.s32 $0xFFFFE000  }
0x1ea: {  	[spmem:s2] =	stream.indirect.scatter.add.f32 [tilespmem:s0], [sflag:$0x3], $0x40, s5, s30, $0xb8;
	[tilespmem:$0x1D800] =	vst v63  }
0x1eb: {  	_ =	swait.ge [sflag:s26], $0x2000  }
0x1ec: {  	[sflag:s26] =	ssyncset.done $0x0  }
0x1ed: {  	[sflag:s26] =	ssyncadd.s32 $0xFFFFE000  }
0x1ee: {  	[tilespmem:s0], [sflag:$0x2] =	stream.indirect.gather [hbm4b:s6+s30], $0x40, s16, s30, $0xb8;
	[tilespmem:$0x1D800] =	vst v63  }
0x1ef: {  	_ =	swait.ge [sflag:s1], $0x2000  }
0x1f0: {  	[sflag:s1] =	ssyncset.done $0x0  }
0x1f1: {  	[sflag:s1] =	ssyncadd.s32 $0xFFFFE000  }
0x1f2: {  	[spmem:s2] =	stream.indirect.scatter.add.f32 [tilespmem:s24], [sflag:$0x3], $0x40, s8, s30, $0xb8;
	[tilespmem:$0x1D800] =	vst v63  }
0x1f3: {  	_ =	swait.ge [sflag:s26], $0x2000  }
0x1f4: {  	[sflag:s26] =	ssyncset.done $0x0  }
0x1f5: {  	[sflag:s26] =	ssyncadd.s32 $0xFFFFE000  }
0x1f6: {  	[tilespmem:s24], [sflag:$0x1] =	stream.indirect.gather [hbm4b:s6+s30], $0x40, s10, s30, $0xb8;
	[tilespmem:$0x1D800] =	vst v63  }
0x1f7: {  	_ =	swait.ge [sflag:s9], $0x2000  }
0x1f8: {  	[sflag:s9] =	ssyncset.done $0x0  }
0x1f9: {  	[sflag:s9] =	ssyncadd.s32 $0xFFFFE000  }
0x1fa: {  	[spmem:s2] =	stream.indirect.scatter.add.f32 [tilespmem:s0], [sflag:$0x3], $0x40, s11, s30, $0xb8;
	[tilespmem:$0x1D800] =	vst v63  }
0x1fb: {  	_ =	swait.ge [sflag:s26], $0x2000  }
0x1fc: {  	[sflag:s26] =	ssyncset.done $0x0  }
0x1fd: {  	[sflag:s26] =	ssyncadd.s32 $0xFFFFE000  }
0x1fe: {  	[tilespmem:s0], [sflag:$0x2] =	stream.indirect.gather [hbm4b:s6+s30], $0x40, s12, s30, $0xb8;
	[tilespmem:$0x1D800] =	vst v63  }
0x1ff: {  	_ =	swait.ge [sflag:s1], $0x2000  }
0x200: {  	[sflag:s1] =	ssyncset.done $0x0  }
0x201: {  	[sflag:s1] =	ssyncadd.s32 $0xFFFFE000  }
0x202: {  	[spmem:s2] =	stream.indirect.scatter.add.f32 [tilespmem:s24], [sflag:$0x3], $0x40, s13, s30, $0xb8;
	[tilespmem:$0x1D800] =	vst v63  }
0x203: {  	_ =	swait.ge [sflag:s26], $0x2000  }
0x204: {  	[sflag:s26] =	ssyncset.done $0x0  }
0x205: {  	s17 =	simm.s32 $0x18F00;
	[sflag:s26] =	ssyncadd.s32 $0xFFFFE000  }
0x206: {  	[tilespmem:s24], [sflag:$0x1] =	stream.indirect.gather [hbm4b:s6+s30], $0x40, s17, s30, $0xb8;
	[tilespmem:$0x1D800] =	vst v63  }
0x207: {  	_ =	swait.ge [sflag:s9], $0x2000  }
0x208: {  	[sflag:s9] =	ssyncset.done $0x0  }
0x209: {  	[sflag:s9] =	ssyncadd.s32 $0xFFFFE000  }
0x20a: {  	[spmem:s2] =	stream.indirect.scatter.add.f32 [tilespmem:s0], [sflag:$0x3], $0x40, s14, s30, $0xb8;
	[tilespmem:$0x1D800] =	vst v63  }
0x20b: {  	_ =	swait.ge [sflag:s26], $0x2000  }
0x20c: {  	[sflag:s26] =	ssyncset.done $0x0  }
0x20d: {  	s18 =	simm.s32 $0x18F80;
	[sflag:s26] =	ssyncadd.s32 $0xFFFFE000  }
0x20e: {  	[tilespmem:s0], [sflag:$0x2] =	stream.indirect.gather [hbm4b:s6+s30], $0x40, s18, s30, $0xb8;
	[tilespmem:$0x1D800] =	vst v63  }
0x20f: {  	_ =	swait.ge [sflag:s1], $0x2000  }
0x210: {  	[sflag:s1] =	ssyncset.done $0x0  }
0x211: {  	s19 =	simm.s32 $0x19600;
	[sflag:s1] =	ssyncadd.s32 $0xFFFFE000  }
0x212: {  	[spmem:s2] =	stream.indirect.scatter.add.f32 [tilespmem:s24], [sflag:$0x3], $0x40, s19, s30, $0xb8;
	[tilespmem:$0x1D800] =	vst v63  }
0x213: {  	_ =	swait.ge [sflag:s26], $0x2000  }
0x214: {  	[sflag:s26] =	ssyncset.done $0x0  }
0x215: {  	s20 =	simm.s32 $0x19000;
	[sflag:s26] =	ssyncadd.s32 $0xFFFFE000  }
0x216: {  	[tilespmem:s24], [sflag:$0x1] =	stream.indirect.gather [hbm4b:s6+s30], $0x40, s20, s30, $0xb8;
	[tilespmem:$0x1D800] =	vst v63  }
0x217: {  	_ =	swait.ge [sflag:s9], $0x2000  }
0x218: {  	[sflag:s9] =	ssyncset.done $0x0  }
0x219: {  	s21 =	simm.s32 $0x19680;
	[sflag:s9] =	ssyncadd.s32 $0xFFFFE000  }
0x21a: {  	[spmem:s2] =	stream.indirect.scatter.add.f32 [tilespmem:s0], [sflag:$0x3], $0x40, s21, s30, $0xb8;
	[tilespmem:$0x1D800] =	vst v63  }
0x21b: {  	_ =	swait.ge [sflag:s26], $0x2000  }
0x21c: {  	[sflag:s26] =	ssyncset.done $0x0  }
0x21d: {  	s22 =	simm.s32 $0x19080;
	[sflag:s26] =	ssyncadd.s32 $0xFFFFE000  }
0x21e: {  	[tilespmem:s0], [sflag:$0x2] =	stream.indirect.gather [hbm4b:s6+s30], $0x40, s22, s30, $0xb8;
	[tilespmem:$0x1D800] =	vst v63  }
0x21f: {  	s15 =	simm.s32 $0xE0;
	_ =	swait.ge [sflag:s1], $0x2000  }
0x220: {  	s31 =	simm.s32 $0x18D00;
	s23 =	simm.s32 $0x19700;
	[sflag:s1] =	ssyncset.done $0x0  }
0x221: {  	s25 =	simm.s32 $0x19780;
	s7 =	simm.s32 $0x19500;
	[sflag:s1] =	ssyncadd.s32 $0xFFFFE000  }
0x222: {  	[spmem:s2] =	stream.indirect.scatter.add.f32 [tilespmem:s24], [sflag:$0x3], $0x40, s23, s30, $0xb8;
	[tilespmem:$0x1D800] =	vst v63  }
0x223: {  	s5 =	simm.s32 $0x19300;
	s8 =	simm.s32 $0x19380;
	_ =	swait.ge [sflag:s26], $0x2000  }
0x224: {  	s10 =	simm.s32 $0x18D80;
	s11 =	simm.s32 $0x19400;
	[sflag:s26] =	ssyncset.done $0x0  }
0x225: {  	s12 =	simm.s32 $0x18E00;
	s13 =	simm.s32 $0x19480;
	[sflag:s26] =	ssyncadd.s32 $0xFFFFE000  }
0x226: {  	s14 =	simm.s32 $0x18E80;
	s18 =	simm.s32 $0x18A80;
	_ =	swait.ge [sflag:s9], $0x2000  }
0x227: {  	s19 =	simm.s32 $0x18B00;
	s20 =	simm.s32 $0x19180;
	[sflag:s9] =	ssyncset.done $0x0  }
0x228: {  	s21 =	simm.s32 $0x18B80;
	s22 =	simm.s32 $0x19200;
	[sflag:s9] =	ssyncadd.s32 $0xFFFFE000  }
0x229: {  	[spmem:s2] =	stream.indirect.scatter.add.f32 [tilespmem:s0], [sflag:$0x3], $0x40, s25, s30, $0xb8;
	[tilespmem:$0x1D800] =	vst v63  }
0x22a: {  	s23 =	simm.s32 $0x18C00;
	s25 =	simm.s32 $0x19280;
	_ =	swait.ge [sflag:s26], $0x2000  }
.LBB2_6:
0x22b: {  	s16 =	rddreg [dreg:$0x7];
	s17 =	smov.u32 s15;
	[sflag:s26] =	ssyncset.done $0x0  }
0x22c: {  	s16 =	sadd.s32 s17, s16;
	[sflag:s26] =	ssyncadd.s32 $0xFFFFE000  }
0x22d: {  	[tilespmem:s28], [sflag:$0x3] =	stream.linear.gather [hbm4b:s16+s3], $0x700, $0x38;
	[tilespmem:$0x1D800] =	vst v63  }
0x22e: {  	_ =	swait.ge [sflag:s26], $0x700  }
0x22f: {  	s16 =	rddreg [dreg:$0x6];
	[sflag:s26] =	ssyncset.done $0x0  }
0x230: {  	[sflag:s26] =	ssyncadd.s32 $0xFFFFF900;
	s16 =	sadd.s32 s17, s16  }
0x231: {  	[tilespmem:s29], [sflag:$0x3] =	stream.linear.gather [hbm4b:s16+s3], $0x700, $0x38;
	[tilespmem:$0x1D800] =	vst v63  }
0x232: {  	_ =	swait.ge [sflag:s26], $0x700  }
0x233: {  	[sflag:s26] =	ssyncset.done $0x0  }
0x234: {  	[sflag:s26] =	ssyncadd.s32 $0xFFFFF900  }
0x235: {  	[tilespmem:s24], [sflag:$0x1] =	stream.indirect.gather [hbm4b:s6+s30], $0x40, s28, s30, $0xb8;
	[tilespmem:$0x1D800] =	vst v63  }
0x236: {  	_ = 	snop  }
0x237: {  	[tilespmem:s0], [sflag:$0x2] =	stream.indirect.gather [hbm4b:s6+s30], $0x40, s18, s30, $0xb8;
	[tilespmem:$0x1D800] =	vst v63  }
0x238: {  	_ =	swait.ge [sflag:s1], $0x2000  }
0x239: {  	[sflag:s1] =	ssyncset.done $0x0  }
0x23a: {  	[sflag:s1] =	ssyncadd.s32 $0xFFFFE000  }
0x23b: {  	[spmem:s2] =	stream.indirect.scatter.add.f32 [tilespmem:s24], [sflag:$0x3], $0x40, s29, s30, $0xb8;
	[tilespmem:$0x1D800] =	vst v63  }
0x23c: {  	_ =	swait.ge [sflag:s26], $0x2000  }
0x23d: {  	[sflag:s26] =	ssyncset.done $0x0  }
0x23e: {  	[sflag:s26] =	ssyncadd.s32 $0xFFFFE000  }
0x23f: {  	[tilespmem:s24], [sflag:$0x1] =	stream.indirect.gather [hbm4b:s6+s30], $0x40, s19, s30, $0xb8;
	[tilespmem:$0x1D800] =	vst v63  }
0x240: {  	_ =	swait.ge [sflag:s9], $0x2000  }
0x241: {  	[sflag:s9] =	ssyncset.done $0x0  }
0x242: {  	[sflag:s9] =	ssyncadd.s32 $0xFFFFE000  }
0x243: {  	[spmem:s2] =	stream.indirect.scatter.add.f32 [tilespmem:s0], [sflag:$0x3], $0x40, s20, s30, $0xb8;
	[tilespmem:$0x1D800] =	vst v63  }
0x244: {  	_ =	swait.ge [sflag:s26], $0x2000  }
0x245: {  	[sflag:s26] =	ssyncset.done $0x0  }
0x246: {  	[sflag:s26] =	ssyncadd.s32 $0xFFFFE000  }
0x247: {  	[tilespmem:s0], [sflag:$0x2] =	stream.indirect.gather [hbm4b:s6+s30], $0x40, s21, s30, $0xb8;
	[tilespmem:$0x1D800] =	vst v63  }
0x248: {  	_ =	swait.ge [sflag:s1], $0x2000  }
0x249: {  	[sflag:s1] =	ssyncset.done $0x0  }
0x24a: {  	[sflag:s1] =	ssyncadd.s32 $0xFFFFE000  }
0x24b: {  	[spmem:s2] =	stream.indirect.scatter.add.f32 [tilespmem:s24], [sflag:$0x3], $0x40, s22, s30, $0xb8;
	[tilespmem:$0x1D800] =	vst v63  }
0x24c: {  	_ =	swait.ge [sflag:s26], $0x2000  }
0x24d: {  	[sflag:s26] =	ssyncset.done $0x0  }
0x24e: {  	[sflag:s26] =	ssyncadd.s32 $0xFFFFE000  }
0x24f: {  	[tilespmem:s24], [sflag:$0x1] =	stream.indirect.gather [hbm4b:s6+s30], $0x40, s23, s30, $0xb8;
	[tilespmem:$0x1D800] =	vst v63  }
0x250: {  	_ =	swait.ge [sflag:s9], $0x2000  }
0x251: {  	[sflag:s9] =	ssyncset.done $0x0  }
0x252: {  	[sflag:s9] =	ssyncadd.s32 $0xFFFFE000  }
0x253: {  	[spmem:s2] =	stream.indirect.scatter.add.f32 [tilespmem:s0], [sflag:$0x3], $0x40, s25, s30, $0xb8;
	[tilespmem:$0x1D800] =	vst v63  }
0x254: {  	_ =	swait.ge [sflag:s26], $0x2000  }
0x255: {  	[sflag:s26] =	ssyncset.done $0x0  }
0x256: {  	s17 =	simm.s32 $0x18C80;
	[sflag:s26] =	ssyncadd.s32 $0xFFFFE000  }
0x257: {  	[tilespmem:s0], [sflag:$0x2] =	stream.indirect.gather [hbm4b:s6+s30], $0x40, s17, s30, $0xb8;
	[tilespmem:$0x1D800] =	vst v63  }
0x258: {  	_ =	swait.ge [sflag:s1], $0x2000  }
0x259: {  	[sflag:s1] =	ssyncset.done $0x0  }
0x25a: {  	[sflag:s1] =	ssyncadd.s32 $0xFFFFE000  }
0x25b: {  	[spmem:s2] =	stream.indirect.scatter.add.f32 [tilespmem:s24], [sflag:$0x3], $0x40, s5, s30, $0xb8;
	[tilespmem:$0x1D800] =	vst v63  }
0x25c: {  	_ =	swait.ge [sflag:s26], $0x2000  }
0x25d: {  	[sflag:s26] =	ssyncset.done $0x0  }
0x25e: {  	[sflag:s26] =	ssyncadd.s32 $0xFFFFE000  }
0x25f: {  	[tilespmem:s24], [sflag:$0x1] =	stream.indirect.gather [hbm4b:s6+s30], $0x40, s31, s30, $0xb8;
	[tilespmem:$0x1D800] =	vst v63  }
0x260: {  	_ =	swait.ge [sflag:s9], $0x2000  }
0x261: {  	[sflag:s9] =	ssyncset.done $0x0  }
0x262: {  	[sflag:s9] =	ssyncadd.s32 $0xFFFFE000  }
0x263: {  	[spmem:s2] =	stream.indirect.scatter.add.f32 [tilespmem:s0], [sflag:$0x3], $0x40, s8, s30, $0xb8;
	[tilespmem:$0x1D800] =	vst v63  }
0x264: {  	_ =	swait.ge [sflag:s26], $0x2000  }
0x265: {  	[sflag:s26] =	ssyncset.done $0x0  }
0x266: {  	[sflag:s26] =	ssyncadd.s32 $0xFFFFE000  }
0x267: {  	[tilespmem:s0], [sflag:$0x2] =	stream.indirect.gather [hbm4b:s6+s30], $0x40, s10, s30, $0xb8;
	[tilespmem:$0x1D800] =	vst v63  }
0x268: {  	_ =	swait.ge [sflag:s1], $0x2000  }
0x269: {  	[sflag:s1] =	ssyncset.done $0x0  }
0x26a: {  	[sflag:s1] =	ssyncadd.s32 $0xFFFFE000  }
0x26b: {  	[spmem:s2] =	stream.indirect.scatter.add.f32 [tilespmem:s24], [sflag:$0x3], $0x40, s11, s30, $0xb8;
	[tilespmem:$0x1D800] =	vst v63  }
0x26c: {  	_ =	swait.ge [sflag:s26], $0x2000  }
0x26d: {  	[sflag:s26] =	ssyncset.done $0x0  }
0x26e: {  	[sflag:s26] =	ssyncadd.s32 $0xFFFFE000  }
0x26f: {  	[tilespmem:s24], [sflag:$0x1] =	stream.indirect.gather [hbm4b:s6+s30], $0x40, s12, s30, $0xb8;
	[tilespmem:$0x1D800] =	vst v63  }
0x270: {  	_ =	swait.ge [sflag:s9], $0x2000  }
0x271: {  	[sflag:s9] =	ssyncset.done $0x0  }
0x272: {  	[sflag:s9] =	ssyncadd.s32 $0xFFFFE000  }
0x273: {  	[spmem:s2] =	stream.indirect.scatter.add.f32 [tilespmem:s0], [sflag:$0x3], $0x40, s13, s30, $0xb8;
	[tilespmem:$0x1D800] =	vst v63  }
0x274: {  	_ =	swait.ge [sflag:s26], $0x2000  }
0x275: {  	[sflag:s26] =	ssyncset.done $0x0  }
0x276: {  	[sflag:s26] =	ssyncadd.s32 $0xFFFFE000  }
0x277: {  	[tilespmem:s0], [sflag:$0x2] =	stream.indirect.gather [hbm4b:s6+s30], $0x40, s14, s30, $0xb8;
	[tilespmem:$0x1D800] =	vst v63  }
0x278: {  	_ =	swait.ge [sflag:s1], $0x2000  }
0x279: {  	[sflag:s1] =	ssyncset.done $0x0  }
0x27a: {  	[sflag:s1] =	ssyncadd.s32 $0xFFFFE000  }
0x27b: {  	[spmem:s2] =	stream.indirect.scatter.add.f32 [tilespmem:s24], [sflag:$0x3], $0x40, s7, s30, $0xb8;
	[tilespmem:$0x1D800] =	vst v63  }
0x27c: {  	_ =	swait.ge [sflag:s26], $0x2000  }
0x27d: {  	[sflag:s26] =	ssyncset.done $0x0  }
0x27e: {  	s17 =	simm.s32 $0x18F00;
	[sflag:s26] =	ssyncadd.s32 $0xFFFFE000  }
0x27f: {  	[tilespmem:s24], [sflag:$0x1] =	stream.indirect.gather [hbm4b:s6+s30], $0x40, s17, s30, $0xb8;
	[tilespmem:$0x1D800] =	vst v63  }
0x280: {  	_ =	swait.ge [sflag:s9], $0x2000  }
0x281: {  	[sflag:s9] =	ssyncset.done $0x0  }
0x282: {  	s17 =	simm.s32 $0x19580;
	[sflag:s9] =	ssyncadd.s32 $0xFFFFE000  }
0x283: {  	[spmem:s2] =	stream.indirect.scatter.add.f32 [tilespmem:s0], [sflag:$0x3], $0x40, s17, s30, $0xb8;
	[tilespmem:$0x1D800] =	vst v63  }
0x284: {  	_ =	swait.ge [sflag:s26], $0x2000  }
0x285: {  	[sflag:s26] =	ssyncset.done $0x0  }
0x286: {  	s17 =	simm.s32 $0x18F80;
	[sflag:s26] =	ssyncadd.s32 $0xFFFFE000  }
0x287: {  	[tilespmem:s0], [sflag:$0x2] =	stream.indirect.gather [hbm4b:s6+s30], $0x40, s17, s30, $0xb8;
	[tilespmem:$0x1D800] =	vst v63  }
0x288: {  	_ =	swait.ge [sflag:s1], $0x2000  }
0x289: {  	[sflag:s1] =	ssyncset.done $0x0  }
0x28a: {  	s17 =	simm.s32 $0x19600;
	[sflag:s1] =	ssyncadd.s32 $0xFFFFE000  }
0x28b: {  	[spmem:s2] =	stream.indirect.scatter.add.f32 [tilespmem:s24], [sflag:$0x3], $0x40, s17, s30, $0xb8;
	[tilespmem:$0x1D800] =	vst v63  }
0x28c: {  	_ =	swait.ge [sflag:s26], $0x2000  }
0x28d: {  	[sflag:s26] =	ssyncset.done $0x0  }
0x28e: {  	s17 =	simm.s32 $0x19000;
	[sflag:s26] =	ssyncadd.s32 $0xFFFFE000  }
0x28f: {  	[tilespmem:s24], [sflag:$0x1] =	stream.indirect.gather [hbm4b:s6+s30], $0x40, s17, s30, $0xb8;
	[tilespmem:$0x1D800] =	vst v63  }
0x290: {  	_ =	swait.ge [sflag:s9], $0x2000  }
0x291: {  	[sflag:s9] =	ssyncset.done $0x0  }
0x292: {  	s17 =	simm.s32 $0x19680;
	[sflag:s9] =	ssyncadd.s32 $0xFFFFE000  }
0x293: {  	[spmem:s2] =	stream.indirect.scatter.add.f32 [tilespmem:s0], [sflag:$0x3], $0x40, s17, s30, $0xb8;
	[tilespmem:$0x1D800] =	vst v63  }
0x294: {  	_ =	swait.ge [sflag:s26], $0x2000  }
0x295: {  	[sflag:s26] =	ssyncset.done $0x0  }
0x296: {  	s17 =	simm.s32 $0x19080;
	[sflag:s26] =	ssyncadd.s32 $0xFFFFE000  }
0x297: {  	[tilespmem:s0], [sflag:$0x2] =	stream.indirect.gather [hbm4b:s6+s30], $0x40, s17, s30, $0xb8;
	[tilespmem:$0x1D800] =	vst v63  }
0x298: {  	_ =	swait.ge [sflag:s1], $0x2000  }
0x299: {  	[sflag:s1] =	ssyncset.done $0x0  }
0x29a: {  	s17 =	simm.s32 $0x19700;
	[sflag:s1] =	ssyncadd.s32 $0xFFFFE000  }
0x29b: {  	[spmem:s2] =	stream.indirect.scatter.add.f32 [tilespmem:s24], [sflag:$0x3], $0x40, s17, s30, $0xb8;
	[tilespmem:$0x1D800] =	vst v63  }
0x29c: {  	_ =	swait.ge [sflag:s26], $0x2000  }
0x29d: {  	[sflag:s26] =	ssyncset.done $0x0  }
0x29e: {  	p0 =	sne.s32 s15, $0x17A0;
	[sflag:s26] =	ssyncadd.s32 $0xFFFFE000  }
.Ltmp2:
0x29f: {  	_ =	swait.ge [sflag:s9], $0x2000;
	(pc) =	sbr.rel @p0 .LBB2_6-.Ltmp2, $4  }
0x2a0: {  	[sflag:s9] =	ssyncset.done $0x0  }
0x2a1: {  	s17 =	simm.s32 $0x19780;
	[sflag:s9] =	ssyncadd.s32 $0xFFFFE000  }
0x2a2: {  	[spmem:s2] =	stream.indirect.scatter.add.f32 [tilespmem:s0], [sflag:$0x3], $0x40, s17, s30, $0xb8;
	[tilespmem:$0x1D800] =	vst v63  }
0x2a3: {  	s15 =	sadd.s32 $0xE0, s15;
	_ =	swait.ge [sflag:s26], $0x2000  }
0x2a4: {  	[sflag:s26] =	ssyncset.done $0x0  }
0x2a5: {  	[sflag:s26] =	ssyncadd.s32 $0xFFFFE000  }
0x2a6: {  	s15 =	stileid.u32;
	[bflag:$0x0] =	sbarrier.arrive $0xFFFF  }
0x2a7: {  	s15 =	sshll.u32 s15, $0x6;
	s16 =	rddreg [dreg:$0xd]  }
0x2a8: {  	s15 =	sor.u32 $0x1C03, s15;
	s17 =	rddreg [dreg:$0x1a]  }
0x2a9: {  	[hbm:s16], [sflag:s15] =	dma.local [spmem:s17], $0x3100  }
0x2aa: {  	_ =	swait.ge [sflag:s26], $0x3100  }
0x2ab: {  	s18 =	simm.s32 $0x18B00;
	s23 =	rddreg [dreg:$0x1b]  }
0x2ac: {  	s19 =	simm.s32 $0x19180;
	s25 =	rddreg [dreg:$0xe];
	s16 =	sadd.s32 $0x1, s23  }
0x2ad: {  	s20 =	simm.s32 $0x18B80;
	s21 =	simm.s32 $0x19200;
	p0 =	sne.s32 s16, s25  }
.Ltmp3:
0x2ae: {  	s22 =	simm.s32 $0x18C00;
	s7 =	simm.s32 $0x19300;
	(pc) =	sbr.rel @p0 .LBB2_1-.Ltmp3, $4  }
0x2af: {  	s5 =	simm.s32 $0x18D00;
	s31 =	simm.s32 $0x19380;
	s8 =	simm.s32 $0x18D80  }
0x2b0: {  	s10 =	simm.s32 $0x19400;
	s11 =	simm.s32 $0x18E00;
	s12 =	simm.s32 $0x19480  }
0x2b1: {  	s13 =	simm.s32 $0x18E80;
	s14 =	simm.s32 $0x19500;
	[sflag:s26] =	ssyncset.done $0x0  }
0x2b2: {  	[sflag:s26] =	ssyncadd.s32 $0xFFFFCF00;
	s23 =	simm.s32 $0x19280;
	s25 =	simm.s32 $0x18C80  }
0x2b3: {  	_ =	sfence.sel $0x180000  }
0x2b4: {  	[bflag:$0x0] =	sbarrier.arrive $0xFFFF  }
0x2b5: {  	_ =	strace $0x90000047  }
0x2b6: {  	s0 =	stileid.u32;
	[bflag:$0x2] =	sbarrier.arrive $0xFFFF  }
0x2b7: {  	p0 =	sne.s32 s0, $0x0;
	s0 =	rddreg [dreg:$0x3]  }
0x2b8: {  	s0 =	sadd.s32 @!p0 $0x100000, s0  }
0x2b9: {  	[sflag:s0] =	ssyncadd.tile.s32 @!p0 $0x1;
	_ =	shalt  }
.Lfunc_end2:
_tile_overlayer_lowered:
.L_overlay_start_2:
0x2ba: {  	(tag) =	ssettag $0x2  }
0x2bb: {  	s0 =	rddreg [dreg:$0x0];
	s2 =	stileid.u32  }
0x2bc: {  	s1 =	rddreg [dreg:$0x1];
	p0 =	sne.s32 s2, $0x0  }
0x2bd: {  	s3 =	rddreg [dreg:$0x2];
	[bflag:$0x3] =	sbarrier.arrive $0xFFFF;
	s2 =	simm.s32 @!p0 $0x1C03  }
0x2be: {  	[timem:s3], [sflag:s2] =	dma.local @!p0 [hbm:s0], s1  }
0x2bf: {  	s0 =	simm.s32 @!p0 $0x3  }
0x2c0: {  	_ =	swait.ge @!p0 [sflag:s0], s1  }
0x2c1: {  	s1 =	ssub.s32 @!p0 $0x0, s1;
	[sflag:s0] =	ssyncset.done @!p0 $0x0  }
0x2c2: {  	[sflag:s0] =	ssyncadd.s32 @!p0 s1  }
0x2c3: {  	[bflag:$0x3] =	sbarrier.arrive $0xFFFF  }
0x2c4: {  	_ =	shalt  }

</sc_bundles>
